<compile_context>
chip_gen: v7x
topology: tpu7x:2x2x1
jax: 0.10.2.dev20260603
libtpu: 0.0.44.dev20260713+nightly
codegen_flags: <defaults>
</compile_context>

<pallas_src>
import functools

import jax
import jax.numpy as jnp
from jax import lax
from jax.experimental import pallas as pl
from jax.experimental.pallas import tpu as pltpu
from jax.experimental.pallas import tpu_sc as plsc

SIZE = 1000000
DIM = 64
BATCH = 16384
NEG = 20

NCORE = 2
NSUB = 16
LANES = 16
NWORK = NCORE * NSUB
ROWS_W = BATCH // NWORK
NEG_W = ROWS_W * NEG
CH = 16
NCHUNK = ROWS_W // CH
NEG_CH = CH * NEG
NEG_SLAB = 64
NSLAB = NEG_CH // NEG_SLAB
PDIM = 2 * DIM


def _log_sigmoid(x):
    e = jnp.exp(-jnp.abs(x))
    t = e / (2.0 + e)
    t2 = t * t
    ln = 2.0 * t * (1.0 + t2 * (1.0 / 3.0 + t2 * (0.2 + t2 * (1.0 / 7.0 + t2 * (1.0 / 9.0)))))
    return jnp.minimum(x, 0.0) - ln


def _sc_partial_loss(v_i, v_j, negflat, nodes2, ctx2):
    mesh = plsc.VectorSubcoreMesh(core_axis_name="c", subcore_axis_name="s")
    cp = pltpu.CompilerParams(needs_layout_passes=False)

    @functools.partial(
        pl.kernel,
        mesh=mesh,
        compiler_params=cp,
        out_type=jax.ShapeDtypeStruct((NWORK * LANES,), jnp.float32),
        scratch_types=[
            pltpu.VMEM((ROWS_W,), jnp.int32),
            pltpu.VMEM((ROWS_W,), jnp.int32),
            pltpu.VMEM((NEG_W,), jnp.int32),
            pltpu.VMEM((ROWS_W,), jnp.int32),
            pltpu.VMEM((ROWS_W,), jnp.int32),
            pltpu.VMEM((NEG_W,), jnp.int32),
            pltpu.VMEM((2, CH, PDIM), jnp.float32),
            pltpu.VMEM((2, CH, PDIM), jnp.float32),
            pltpu.VMEM((2, NEG_CH, PDIM), jnp.float32),
            pltpu.VMEM((LANES,), jnp.float32),
            pltpu.SemaphoreType.DMA,
            pltpu.SemaphoreType.DMA,
        ],
    )
    def sc_kernel(vi_hbm, vj_hbm, neg_hbm, nodes_hbm, ctx_hbm, out_hbm,
                  vi_idx, vj_idx, neg_idx, vi_pair, vj_pair, neg_pair,
                  vi_rows, vj_rows, neg_rows, loss_v, sem0, sem1):
        wid = lax.axis_index("s") * NCORE + lax.axis_index("c")
        lane = lax.iota(jnp.int32, LANES)

        pltpu.sync_copy(vi_hbm.at[pl.ds(wid * ROWS_W, ROWS_W)], vi_idx)
        pltpu.sync_copy(vj_hbm.at[pl.ds(wid * ROWS_W, ROWS_W)], vj_idx)
        pltpu.sync_copy(neg_hbm.at[pl.ds(wid * NEG_W, NEG_W)], neg_idx)

        @pl.loop(0, ROWS_W // LANES)
        def _(t):
            sl = pl.ds(t * LANES, LANES)
            vi_pair[sl] = vi_idx[sl] >> 1
            vj_pair[sl] = vj_idx[sl] >> 1

        @pl.loop(0, NEG_W // LANES)
        def _(t):
            sl = pl.ds(t * LANES, LANES)
            neg_pair[sl] = neg_idx[sl] >> 1

        def issue(c, b, sem):
            sl = pl.ds(c * CH, CH)
            pltpu.async_copy(nodes_hbm.at[vi_pair.at[sl]], vi_rows.at[b], sem)
            pltpu.async_copy(ctx_hbm.at[vj_pair.at[sl]], vj_rows.at[b], sem)
            for j in range(NSLAB):
                nsl = pl.ds(c * NEG_CH + j * NEG_SLAB, NEG_SLAB)
                pltpu.async_copy(ctx_hbm.at[neg_pair.at[nsl]],
                                 neg_rows.at[b].at[pl.ds(j * NEG_SLAB, NEG_SLAB)],
                                 sem)

        def drain(b, sem):
            pltpu.make_async_copy(nodes_hbm.at[pl.ds(0, CH)],
                                  vi_rows.at[b], sem).wait()
            pltpu.make_async_copy(nodes_hbm.at[pl.ds(0, CH)],
                                  vj_rows.at[b], sem).wait()
            pltpu.make_async_copy(nodes_hbm.at[pl.ds(0, NEG_CH)],
                                  neg_rows.at[b], sem).wait()

        def compute(c, b, loss):
            grow = c * CH + lane
            nbase = c * NEG_CH + lane * NEG
            vi_off = (plsc.load_gather(vi_idx, [grow]) & 1) * DIM
            vj_off = (plsc.load_gather(vj_idx, [grow]) & 1) * DIM
            ng_off = [(plsc.load_gather(neg_idx, [nbase + k]) & 1) * DIM
                      for k in range(NEG)]
            nrows = [lane * NEG + k for k in range(NEG)]
            vi_b, vj_b, ng_b = vi_rows.at[b], vj_rows.at[b], neg_rows.at[b]

            def dot_body(d, accs):
                vi_d = plsc.load_gather(vi_b, [lane, vi_off + d])
                vj_d = plsc.load_gather(vj_b, [lane, vj_off + d])
                out = [accs[0] + vi_d * vj_d]
                for k in range(NEG):
                    nv = plsc.load_gather(ng_b, [nrows[k], ng_off[k] + d])
                    out.append(accs[k + 1] + vi_d * nv)
                return tuple(out)

            zero = jnp.zeros((LANES,), jnp.float32)
            accs = lax.fori_loop(0, DIM, dot_body, (zero,) * (NEG + 1))
            ls = _log_sigmoid(accs[0])
            for k in range(NEG):
                ls = ls + _log_sigmoid(-accs[k + 1])
            return loss + ls

        issue(0, 0, sem0)
        issue(1, 1, sem1)

        def body(m, loss):
            c0 = 2 * m
            drain(0, sem0)
            loss = compute(c0, 0, loss)
            issue(jnp.minimum(c0 + 2, NCHUNK - 2), 0, sem0)
            drain(1, sem1)
            loss = compute(c0 + 1, 1, loss)
            issue(jnp.minimum(c0 + 3, NCHUNK - 1), 1, sem1)
            return loss

        loss = lax.fori_loop(0, NCHUNK // 2, body,
                             jnp.zeros((LANES,), jnp.float32))
        drain(0, sem0)
        drain(1, sem1)
        loss_v[...] = loss
        pltpu.sync_copy(loss_v, out_hbm.at[pl.ds(wid * LANES, LANES)])

    return sc_kernel(v_i, v_j, negflat, nodes2, ctx2)


def _tc_finish(partials):
    def body(p_ref, o_ref):
        o_ref[0, 0] = -jnp.sum(p_ref[...]) * (1.0 / BATCH)

    return pl.pallas_call(
        body,
        out_shape=jax.ShapeDtypeStruct((1, 1), jnp.float32),
        out_specs=pl.BlockSpec(memory_space=pltpu.SMEM),
    )(partials)


def kernel(v_i, v_j, negsamples, nodes_embeddings, context_nodes_embed):
    negflat = negsamples.reshape(BATCH * NEG)
    nodes2 = nodes_embeddings.reshape(SIZE // 2, PDIM)
    ctx2 = context_nodes_embed.reshape(SIZE // 2, PDIM)
    partials = _sc_partial_loss(v_i.astype(jnp.int32), v_j.astype(jnp.int32),
                                negflat.astype(jnp.int32), nodes2, ctx2)
    return _tc_finish(partials.reshape(NWORK, LANES))[0, 0]

# --- scband reference (transcript-rebuilt; emitter-appended) ---
"""Pipeline reference for scband-line-17016660427464 (READ-ONLY COPY).

The authoritative reference and input builder live on the scoring server;
editing this copy changes nothing except your own understanding.
"""

import jax, jax.numpy as jnp
import numpy as np

SIZE = 1000000
DIM = 64
BATCH = 16384
NEG = 20

def setup_inputs(seed: int = 0) -> dict:
    key = jax.random.key(seed)
    k1, k2, k3, k4, k5 = jax.random.split(key, 5)
    v_i = jax.random.randint(k1, (BATCH,), 0, SIZE, dtype=jnp.int64 if jax.config.jax_enable_x64 else jnp.int32)
    v_j = jax.random.randint(k2, (BATCH,), 0, SIZE, dtype=jnp.int64 if jax.config.jax_enable_x64 else jnp.int32)
    negsamples = jax.random.randint(k3, (BATCH, NEG), 0, SIZE, dtype=jnp.int64 if jax.config.jax_enable_x64 else jnp.int32)
    # learned parameters, initialized as in the torch module: uniform(-0.5, 0.5) / dimension
    nodes_embeddings = jax.random.uniform(k4, (SIZE, DIM), dtype=jnp.float32, minval=-0.5, maxval=0.5) / DIM
    context_nodes_embed = jax.random.uniform(k5, (SIZE, DIM), dtype=jnp.float32, minval=-0.5, maxval=0.5) / DIM
    return {"v_i": v_i, "v_j": v_j, "negsamples": negsamples,
            "nodes_embeddings": nodes_embeddings, "context_nodes_embed": context_nodes_embed}

def reference(v_i, v_j, negsamples, nodes_embeddings, context_nodes_embed):
    # order == 2: positive/negative context lookups use the context table
    vi = jnp.take(nodes_embeddings, v_i, axis=0)              # [B, D]
    vj = jnp.take(context_nodes_embed, v_j, axis=0)           # [B, D]
    negative_nodes = -jnp.take(context_nodes_embed, negsamples, axis=0)  # [B, NEG, D]
    multiply_positive_batch = vi * vj
    positive_batch = jax.nn.log_sigmoid(jnp.sum(multiply_positive_batch, axis=1))  # [B]
    multiply_negative_batch = vi[:, None, :] * negative_nodes                      # [B, NEG, D]
    negative_batch = jnp.sum(jax.nn.log_sigmoid(jnp.sum(multiply_negative_batch, axis=2)), axis=1)  # [B]
    loss = positive_batch + negative_batch
    return -jnp.mean(loss)

if __name__ == "__main__":
    import jax
    _d = setup_inputs()
    print(jax.jit(kernel)(*tuple(_d.values())))

</pallas_src>

<mosaic_0001>
#map = affine_map<(d0, d1) -> (0)>
#map1 = affine_map<(d0, d1) -> (0, 0)>
module attributes {stable_mosaic.version = 14 : i64} {
  func.func @sc_kernel(%arg0: i32, %arg1: i32, %arg2: memref<16384xi32, #tpu.memory_space<hbm>>, %arg3: memref<16384xi32, #tpu.memory_space<hbm>>, %arg4: memref<327680xi32, #tpu.memory_space<hbm>>, %arg5: memref<500000x128xf32, #tpu.memory_space<hbm>>, %arg6: memref<500000x128xf32, #tpu.memory_space<hbm>>, %arg7: memref<512xf32, #tpu.memory_space<hbm>>, %arg8: memref<512xi32, #tpu.memory_space<vmem>>, %arg9: memref<512xi32, #tpu.memory_space<vmem>>, %arg10: memref<10240xi32, #tpu.memory_space<vmem>>, %arg11: memref<512xi32, #tpu.memory_space<vmem>>, %arg12: memref<512xi32, #tpu.memory_space<vmem>>, %arg13: memref<10240xi32, #tpu.memory_space<vmem>>, %arg14: memref<2x16x128xf32, #tpu.memory_space<vmem>>, %arg15: memref<2x16x128xf32, #tpu.memory_space<vmem>>, %arg16: memref<2x320x128xf32, #tpu.memory_space<vmem>>, %arg17: memref<16xf32, #tpu.memory_space<vmem>>, %arg18: memref<!tpu.dma_semaphore, #tpu.memory_space<semaphore_mem>>, %arg19: memref<!tpu.dma_semaphore, #tpu.memory_space<semaphore_mem>>) attributes {dimension_semantics = [#tpu.dimension_semantics<core_parallel>, #tpu.dimension_semantics<subcore_parallel>], iteration_bounds = array<i64: 2, 16>, scalar_prefetch = 0 : i64, scratch_operands = 12 : i64, tpu.core_type = #tpu.core_type<sc_vector_subcore>, window_params = [{transform_indices = #map}, {transform_indices = #map}, {transform_indices = #map}, {transform_indices = #map1}, {transform_indices = #map1}, {transform_indices = #map}]} {
    %mul3A = arith.constant 2 : i32
    %mul3A_0 = arith.muli %arg1, %mul3A : i32
    %add3A = arith.addi %mul3A_0, %arg0 : i32
    %iota3A = tpu.iota {dimensions = array<i32: 0>} : vector<16xi32>
    %mul3A_1 = arith.constant 512 : i32
    %mul3A_2 = arith.muli %add3A, %mul3A_1 : i32
    "tpu.region"() ({
      %run_scoped3A = tpu.sem_alloc : memref<!tpu.dma_semaphore, #tpu.memory_space<semaphore_mem>>
      %dma_start3A_284 = tpu.memref_slice %arg2[%mul3A_2] : memref<16384xi32, #tpu.memory_space<hbm>> -> memref<512xi32, #tpu.memory_space<hbm>>
      %dma_start3A_285 = tpu.memref_slice %arg2[%mul3A_2] : memref<16384xi32, #tpu.memory_space<hbm>> -> memref<512xi32, #tpu.memory_space<hbm>>
      tpu.enqueue_dma source(%dma_start3A_285 : memref<512xi32, #tpu.memory_space<hbm>>) target(%arg8 : memref<512xi32, #tpu.memory_space<vmem>>) target_semaphore(%run_scoped3A : memref<!tpu.dma_semaphore, #tpu.memory_space<semaphore_mem>>)
      %dma_wait3A_286 = tpu.memref_slice %arg2[%mul3A_2] : memref<16384xi32, #tpu.memory_space<hbm>> -> memref<512xi32, #tpu.memory_space<hbm>>
      %dma_wait3A_287 = tpu.memref_slice %arg2[%mul3A_2] : memref<16384xi32, #tpu.memory_space<hbm>> -> memref<512xi32, #tpu.memory_space<hbm>>
      tpu.wait_dma2 semaphore(%run_scoped3A : memref<!tpu.dma_semaphore, #tpu.memory_space<semaphore_mem>>) src(%dma_wait3A_287 : memref<512xi32, #tpu.memory_space<hbm>>) dst(%arg8 : memref<512xi32, #tpu.memory_space<vmem>>)
      tpu.yield
    }) : () -> ()
    %mul3A_3 = arith.constant 512 : i32
    %mul3A_4 = arith.muli %add3A, %mul3A_3 : i32
    "tpu.region"() ({
      %run_scoped3A = tpu.sem_alloc : memref<!tpu.dma_semaphore, #tpu.memory_space<semaphore_mem>>
      %dma_start3A_284 = tpu.memref_slice %arg3[%mul3A_4] : memref<16384xi32, #tpu.memory_space<hbm>> -> memref<512xi32, #tpu.memory_space<hbm>>
      %dma_start3A_285 = tpu.memref_slice %arg3[%mul3A_4] : memref<16384xi32, #tpu.memory_space<hbm>> -> memref<512xi32, #tpu.memory_space<hbm>>
      tpu.enqueue_dma source(%dma_start3A_285 : memref<512xi32, #tpu.memory_space<hbm>>) target(%arg9 : memref<512xi32, #tpu.memory_space<vmem>>) target_semaphore(%run_scoped3A : memref<!tpu.dma_semaphore, #tpu.memory_space<semaphore_mem>>)
      %dma_wait3A_286 = tpu.memref_slice %arg3[%mul3A_4] : memref<16384xi32, #tpu.memory_space<hbm>> -> memref<512xi32, #tpu.memory_space<hbm>>
      %dma_wait3A_287 = tpu.memref_slice %arg3[%mul3A_4] : memref<16384xi32, #tpu.memory_space<hbm>> -> memref<512xi32, #tpu.memory_space<hbm>>
      tpu.wait_dma2 semaphore(%run_scoped3A : memref<!tpu.dma_semaphore, #tpu.memory_space<semaphore_mem>>) src(%dma_wait3A_287 : memref<512xi32, #tpu.memory_space<hbm>>) dst(%arg9 : memref<512xi32, #tpu.memory_space<vmem>>)
      tpu.yield
    }) : () -> ()
    %mul3A_5 = arith.constant 10240 : i32
    %mul3A_6 = arith.muli %add3A, %mul3A_5 : i32
    "tpu.region"() ({
      %run_scoped3A = tpu.sem_alloc : memref<!tpu.dma_semaphore, #tpu.memory_space<semaphore_mem>>
      %dma_start3A_284 = tpu.memref_slice %arg4[%mul3A_6] : memref<327680xi32, #tpu.memory_space<hbm>> -> memref<10240xi32, #tpu.memory_space<hbm>>
      %dma_start3A_285 = tpu.memref_slice %arg4[%mul3A_6] : memref<327680xi32, #tpu.memory_space<hbm>> -> memref<10240xi32, #tpu.memory_space<hbm>>
      tpu.enqueue_dma source(%dma_start3A_285 : memref<10240xi32, #tpu.memory_space<hbm>>) target(%arg10 : memref<10240xi32, #tpu.memory_space<vmem>>) target_semaphore(%run_scoped3A : memref<!tpu.dma_semaphore, #tpu.memory_space<semaphore_mem>>)
      %dma_wait3A_286 = tpu.memref_slice %arg4[%mul3A_6] : memref<327680xi32, #tpu.memory_space<hbm>> -> memref<10240xi32, #tpu.memory_space<hbm>>
      %dma_wait3A_287 = tpu.memref_slice %arg4[%mul3A_6] : memref<327680xi32, #tpu.memory_space<hbm>> -> memref<10240xi32, #tpu.memory_space<hbm>>
      tpu.wait_dma2 semaphore(%run_scoped3A : memref<!tpu.dma_semaphore, #tpu.memory_space<semaphore_mem>>) src(%dma_wait3A_287 : memref<10240xi32, #tpu.memory_space<hbm>>) dst(%arg10 : memref<10240xi32, #tpu.memory_space<vmem>>)
      tpu.yield
    }) : () -> ()
    %scan3A = arith.constant 0 : i32
    %scan3A_7 = arith.constant 32 : i32
    %scan3A_8 = arith.addi %scan3A, %scan3A_7 : i32
    %scan3A_9 = arith.constant 1 : i32
    scf.for %scan3A_284 = %scan3A to %scan3A_8 step %scan3A_9  : i32 {
      %mul3A_285 = arith.constant 1 : i32
      %mul3A_286 = arith.muli %scan3A_284, %mul3A_285 : i32
      %add3A_287 = arith.constant 0 : i32
      %add3A_288 = arith.addi %add3A_287, %mul3A_286 : i32
      %mul3A_289 = arith.constant 16 : i32
      %mul3A_290 = arith.muli %add3A_288, %mul3A_289 : i32
      %get3A = arith.index_cast %mul3A_290 : i32 to index
      %get3A_291 = tpu.vector_load %arg8[%get3A] {strides = array<i32>} : memref<512xi32, #tpu.memory_space<vmem>>, vector<16xi32>,
      %shift_right_arithmetic3A = arith.constant 1 : i32
      %shift_right_arithmetic3A_292 = vector.broadcast %shift_right_arithmetic3A : i32 to vector<16xi32>
      %shift_right_arithmetic3A_293 = arith.shrsi %get3A_291, %shift_right_arithmetic3A_292 : vector<16xi32>
      %swap3A_294 = arith.index_cast %mul3A_290 : i32 to index
      %swap3A_295 = tpu.vector_load %arg11[%swap3A_294] {strides = array<i32>} : memref<512xi32, #tpu.memory_space<vmem>>, vector<16xi32>,
      tpu.vector_store %arg11[%swap3A_294], %shift_right_arithmetic3A_293 {strides = array<i32>} : memref<512xi32, #tpu.memory_space<vmem>>, vector<16xi32>,
      %get3A_296 = arith.index_cast %mul3A_290 : i32 to index
      %get3A_297 = tpu.vector_load %arg9[%get3A_296] {strides = array<i32>} : memref<512xi32, #tpu.memory_space<vmem>>, vector<16xi32>,
      %shift_right_arithmetic3A_298 = arith.constant 1 : i32
      %shift_right_arithmetic3A_299 = vector.broadcast %shift_right_arithmetic3A_298 : i32 to vector<16xi32>
      %shift_right_arithmetic3A_300 = arith.shrsi %get3A_297, %shift_right_arithmetic3A_299 : vector<16xi32>
      %swap3A_301 = arith.index_cast %mul3A_290 : i32 to index
      %swap3A_302 = tpu.vector_load %arg12[%swap3A_301] {strides = array<i32>} : memref<512xi32, #tpu.memory_space<vmem>>, vector<16xi32>,
      tpu.vector_store %arg12[%swap3A_301], %shift_right_arithmetic3A_300 {strides = array<i32>} : memref<512xi32, #tpu.memory_space<vmem>>, vector<16xi32>,
    }
    %scan3A_10 = arith.constant 32 : i32
    %scan3A_11 = arith.constant 0 : i32
    %scan3A_12 = arith.constant 640 : i32
    %scan3A_13 = arith.addi %scan3A_11, %scan3A_12 : i32
    %scan3A_14 = arith.constant 1 : i32
    scf.for %scan3A_284 = %scan3A_11 to %scan3A_13 step %scan3A_14  : i32 {
      %mul3A_285 = arith.constant 1 : i32
      %mul3A_286 = arith.muli %scan3A_284, %mul3A_285 : i32
      %add3A_287 = arith.constant 0 : i32
      %add3A_288 = arith.addi %add3A_287, %mul3A_286 : i32
      %mul3A_289 = arith.constant 16 : i32
      %mul3A_290 = arith.muli %add3A_288, %mul3A_289 : i32
      %get3A = arith.index_cast %mul3A_290 : i32 to index
      %get3A_291 = tpu.vector_load %arg10[%get3A] {strides = array<i32>} : memref<10240xi32, #tpu.memory_space<vmem>>, vector<16xi32>,
      %shift_right_arithmetic3A = arith.constant 1 : i32
      %shift_right_arithmetic3A_292 = vector.broadcast %shift_right_arithmetic3A : i32 to vector<16xi32>
      %shift_right_arithmetic3A_293 = arith.shrsi %get3A_291, %shift_right_arithmetic3A_292 : vector<16xi32>
      %swap3A_294 = arith.index_cast %mul3A_290 : i32 to index
      %swap3A_295 = tpu.vector_load %arg13[%swap3A_294] {strides = array<i32>} : memref<10240xi32, #tpu.memory_space<vmem>>, vector<16xi32>,
      tpu.vector_store %arg13[%swap3A_294], %shift_right_arithmetic3A_293 {strides = array<i32>} : memref<10240xi32, #tpu.memory_space<vmem>>, vector<16xi32>,
    }
    %scan3A_15 = arith.constant 640 : i32
    %dma_start3A = arith.constant 0 : i32
    %dma_start3A_16 = arith.constant 0 : i32
    %dma_start3A_17 = arith.constant 0 : i32
    %dma_start3A_18 = tpu.memref_slice %arg14[%dma_start3A, %dma_start3A_16, %dma_start3A_17] : memref<2x16x128xf32, #tpu.memory_space<vmem>> -> memref<1x16x128xf32, #tpu.memory_space<vmem>>
    %dma_start3A_19 = tpu.memref_squeeze %dma_start3A_18 : memref<1x16x128xf32, #tpu.memory_space<vmem>> -> memref<16x128xf32, #tpu.memory_space<vmem>>
    %dma_start3A_20 = arith.constant 0 : i32
    %dma_start3A_21 = tpu.memref_slice %arg11[%dma_start3A_20] : memref<512xi32, #tpu.memory_space<vmem>> -> memref<16xi32, #tpu.memory_space<vmem>>
    %dma_start3A_22 = arith.constant 0 : i32
    %dma_start3A_23 = arith.constant 0 : i32
    %dma_start3A_24 = tpu.memref_slice %arg5[%dma_start3A_22, %dma_start3A_23] : memref<500000x128xf32, #tpu.memory_space<hbm>> -> memref<500000x128xf32, #tpu.memory_space<hbm>>
    tpu.enqueue_indirect_dma source(%dma_start3A_24 : memref<500000x128xf32, #tpu.memory_space<hbm>>) target(%dma_start3A_19 : memref<16x128xf32, #tpu.memory_space<vmem>>) offsets(%dma_start3A_21 : memref<16xi32, #tpu.memory_space<vmem>>) semaphore(%arg18 : memref<!tpu.dma_semaphore, #tpu.memory_space<semaphore_mem>>)
    %dma_start3A_25 = arith.constant 0 : i32
    %dma_start3A_26 = arith.constant 0 : i32
    %dma_start3A_27 = arith.constant 0 : i32
    %dma_start3A_28 = tpu.memref_slice %arg15[%dma_start3A_25, %dma_start3A_26, %dma_start3A_27] : memref<2x16x128xf32, #tpu.memory_space<vmem>> -> memref<1x16x128xf32, #tpu.memory_space<vmem>>
    %dma_start3A_29 = tpu.memref_squeeze %dma_start3A_28 : memref<1x16x128xf32, #tpu.memory_space<vmem>> -> memref<16x128xf32, #tpu.memory_space<vmem>>
    %dma_start3A_30 = arith.constant 0 : i32
    %dma_start3A_31 = tpu.memref_slice %arg12[%dma_start3A_30] : memref<512xi32, #tpu.memory_space<vmem>> -> memref<16xi32, #tpu.memory_space<vmem>>
    %dma_start3A_32 = arith.constant 0 : i32
    %dma_start3A_33 = arith.constant 0 : i32
    %dma_start3A_34 = tpu.memref_slice %arg6[%dma_start3A_32, %dma_start3A_33] : memref<500000x128xf32, #tpu.memory_space<hbm>> -> memref<500000x128xf32, #tpu.memory_space<hbm>>
    tpu.enqueue_indirect_dma source(%dma_start3A_34 : memref<500000x128xf32, #tpu.memory_space<hbm>>) target(%dma_start3A_29 : memref<16x128xf32, #tpu.memory_space<vmem>>) offsets(%dma_start3A_31 : memref<16xi32, #tpu.memory_space<vmem>>) semaphore(%arg18 : memref<!tpu.dma_semaphore, #tpu.memory_space<semaphore_mem>>)
    %dma_start3A_35 = arith.constant 0 : i32
    %dma_start3A_36 = arith.constant 0 : i32
    %dma_start3A_37 = arith.constant 0 : i32
    %dma_start3A_38 = tpu.memref_slice %arg16[%dma_start3A_35, %dma_start3A_36, %dma_start3A_37] : memref<2x320x128xf32, #tpu.memory_space<vmem>> -> memref<1x320x128xf32, #tpu.memory_space<vmem>>
    %dma_start3A_39 = tpu.memref_squeeze %dma_start3A_38 : memref<1x320x128xf32, #tpu.memory_space<vmem>> -> memref<320x128xf32, #tpu.memory_space<vmem>>
    %dma_start3A_40 = arith.constant 0 : i32
    %dma_start3A_41 = arith.constant 0 : i32
    %dma_start3A_42 = tpu.memref_slice %dma_start3A_39[%dma_start3A_40, %dma_start3A_41] : memref<320x128xf32, #tpu.memory_space<vmem>> -> memref<64x128xf32, #tpu.memory_space<vmem>>
    %dma_start3A_43 = arith.constant 0 : i32
    %dma_start3A_44 = tpu.memref_slice %arg13[%dma_start3A_43] : memref<10240xi32, #tpu.memory_space<vmem>> -> memref<64xi32, #tpu.memory_space<vmem>>
    %dma_start3A_45 = arith.constant 0 : i32
    %dma_start3A_46 = arith.constant 0 : i32
    %dma_start3A_47 = tpu.memref_slice %arg6[%dma_start3A_45, %dma_start3A_46] : memref<500000x128xf32, #tpu.memory_space<hbm>> -> memref<500000x128xf32, #tpu.memory_space<hbm>>
    tpu.enqueue_indirect_dma source(%dma_start3A_47 : memref<500000x128xf32, #tpu.memory_space<hbm>>) target(%dma_start3A_42 : memref<64x128xf32, #tpu.memory_space<vmem>>) offsets(%dma_start3A_44 : memref<64xi32, #tpu.memory_space<vmem>>) semaphore(%arg18 : memref<!tpu.dma_semaphore, #tpu.memory_space<semaphore_mem>>)
    %dma_start3A_48 = arith.constant 0 : i32
    %dma_start3A_49 = arith.constant 0 : i32
    %dma_start3A_50 = arith.constant 0 : i32
    %dma_start3A_51 = tpu.memref_slice %arg16[%dma_start3A_48, %dma_start3A_49, %dma_start3A_50] : memref<2x320x128xf32, #tpu.memory_space<vmem>> -> memref<1x320x128xf32, #tpu.memory_space<vmem>>
    %dma_start3A_52 = tpu.memref_squeeze %dma_start3A_51 : memref<1x320x128xf32, #tpu.memory_space<vmem>> -> memref<320x128xf32, #tpu.memory_space<vmem>>
    %dma_start3A_53 = arith.constant 64 : i32
    %dma_start3A_54 = arith.constant 0 : i32
    %dma_start3A_55 = tpu.memref_slice %dma_start3A_52[%dma_start3A_53, %dma_start3A_54] : memref<320x128xf32, #tpu.memory_space<vmem>> -> memref<64x128xf32, #tpu.memory_space<vmem>>
    %dma_start3A_56 = arith.constant 64 : i32
    %dma_start3A_57 = tpu.memref_slice %arg13[%dma_start3A_56] : memref<10240xi32, #tpu.memory_space<vmem>> -> memref<64xi32, #tpu.memory_space<vmem>>
    %dma_start3A_58 = arith.constant 0 : i32
    %dma_start3A_59 = arith.constant 0 : i32
    %dma_start3A_60 = tpu.memref_slice %arg6[%dma_start3A_58, %dma_start3A_59] : memref<500000x128xf32, #tpu.memory_space<hbm>> -> memref<500000x128xf32, #tpu.memory_space<hbm>>
    tpu.enqueue_indirect_dma source(%dma_start3A_60 : memref<500000x128xf32, #tpu.memory_space<hbm>>) target(%dma_start3A_55 : memref<64x128xf32, #tpu.memory_space<vmem>>) offsets(%dma_start3A_57 : memref<64xi32, #tpu.memory_space<vmem>>) semaphore(%arg18 : memref<!tpu.dma_semaphore, #tpu.memory_space<semaphore_mem>>)
    %dma_start3A_61 = arith.constant 0 : i32
    %dma_start3A_62 = arith.constant 0 : i32
    %dma_start3A_63 = arith.constant 0 : i32
    %dma_start3A_64 = tpu.memref_slice %arg16[%dma_start3A_61, %dma_start3A_62, %dma_start3A_63] : memref<2x320x128xf32, #tpu.memory_space<vmem>> -> memref<1x320x128xf32, #tpu.memory_space<vmem>>
    %dma_start3A_65 = tpu.memref_squeeze %dma_start3A_64 : memref<1x320x128xf32, #tpu.memory_space<vmem>> -> memref<320x128xf32, #tpu.memory_space<vmem>>
    %dma_start3A_66 = arith.constant 128 : i32
    %dma_start3A_67 = arith.constant 0 : i32
    %dma_start3A_68 = tpu.memref_slice %dma_start3A_65[%dma_start3A_66, %dma_start3A_67] : memref<320x128xf32, #tpu.memory_space<vmem>> -> memref<64x128xf32, #tpu.memory_space<vmem>>
    %dma_start3A_69 = arith.constant 128 : i32
    %dma_start3A_70 = tpu.memref_slice %arg13[%dma_start3A_69] : memref<10240xi32, #tpu.memory_space<vmem>> -> memref<64xi32, #tpu.memory_space<vmem>>
    %dma_start3A_71 = arith.constant 0 : i32
    %dma_start3A_72 = arith.constant 0 : i32
    %dma_start3A_73 = tpu.memref_slice %arg6[%dma_start3A_71, %dma_start3A_72] : memref<500000x128xf32, #tpu.memory_space<hbm>> -> memref<500000x128xf32, #tpu.memory_space<hbm>>
    tpu.enqueue_indirect_dma source(%dma_start3A_73 : memref<500000x128xf32, #tpu.memory_space<hbm>>) target(%dma_start3A_68 : memref<64x128xf32, #tpu.memory_space<vmem>>) offsets(%dma_start3A_70 : memref<64xi32, #tpu.memory_space<vmem>>) semaphore(%arg18 : memref<!tpu.dma_semaphore, #tpu.memory_space<semaphore_mem>>)
    %dma_start3A_74 = arith.constant 0 : i32
    %dma_start3A_75 = arith.constant 0 : i32
    %dma_start3A_76 = arith.constant 0 : i32
    %dma_start3A_77 = tpu.memref_slice %arg16[%dma_start3A_74, %dma_start3A_75, %dma_start3A_76] : memref<2x320x128xf32, #tpu.memory_space<vmem>> -> memref<1x320x128xf32, #tpu.memory_space<vmem>>
    %dma_start3A_78 = tpu.memref_squeeze %dma_start3A_77 : memref<1x320x128xf32, #tpu.memory_space<vmem>> -> memref<320x128xf32, #tpu.memory_space<vmem>>
    %dma_start3A_79 = arith.constant 192 : i32
    %dma_start3A_80 = arith.constant 0 : i32
    %dma_start3A_81 = tpu.memref_slice %dma_start3A_78[%dma_start3A_79, %dma_start3A_80] : memref<320x128xf32, #tpu.memory_space<vmem>> -> memref<64x128xf32, #tpu.memory_space<vmem>>
    %dma_start3A_82 = arith.constant 192 : i32
    %dma_start3A_83 = tpu.memref_slice %arg13[%dma_start3A_82] : memref<10240xi32, #tpu.memory_space<vmem>> -> memref<64xi32, #tpu.memory_space<vmem>>
    %dma_start3A_84 = arith.constant 0 : i32
    %dma_start3A_85 = arith.constant 0 : i32
    %dma_start3A_86 = tpu.memref_slice %arg6[%dma_start3A_84, %dma_start3A_85] : memref<500000x128xf32, #tpu.memory_space<hbm>> -> memref<500000x128xf32, #tpu.memory_space<hbm>>
    tpu.enqueue_indirect_dma source(%dma_start3A_86 : memref<500000x128xf32, #tpu.memory_space<hbm>>) target(%dma_start3A_81 : memref<64x128xf32, #tpu.memory_space<vmem>>) offsets(%dma_start3A_83 : memref<64xi32, #tpu.memory_space<vmem>>) semaphore(%arg18 : memref<!tpu.dma_semaphore, #tpu.memory_space<semaphore_mem>>)
    %dma_start3A_87 = arith.constant 0 : i32
    %dma_start3A_88 = arith.constant 0 : i32
    %dma_start3A_89 = arith.constant 0 : i32
    %dma_start3A_90 = tpu.memref_slice %arg16[%dma_start3A_87, %dma_start3A_88, %dma_start3A_89] : memref<2x320x128xf32, #tpu.memory_space<vmem>> -> memref<1x320x128xf32, #tpu.memory_space<vmem>>
    %dma_start3A_91 = tpu.memref_squeeze %dma_start3A_90 : memref<1x320x128xf32, #tpu.memory_space<vmem>> -> memref<320x128xf32, #tpu.memory_space<vmem>>
    %dma_start3A_92 = arith.constant 256 : i32
    %dma_start3A_93 = arith.constant 0 : i32
    %dma_start3A_94 = tpu.memref_slice %dma_start3A_91[%dma_start3A_92, %dma_start3A_93] : memref<320x128xf32, #tpu.memory_space<vmem>> -> memref<64x128xf32, #tpu.memory_space<vmem>>
    %dma_start3A_95 = arith.constant 256 : i32
    %dma_start3A_96 = tpu.memref_slice %arg13[%dma_start3A_95] : memref<10240xi32, #tpu.memory_space<vmem>> -> memref<64xi32, #tpu.memory_space<vmem>>
    %dma_start3A_97 = arith.constant 0 : i32
    %dma_start3A_98 = arith.constant 0 : i32
    %dma_start3A_99 = tpu.memref_slice %arg6[%dma_start3A_97, %dma_start3A_98] : memref<500000x128xf32, #tpu.memory_space<hbm>> -> memref<500000x128xf32, #tpu.memory_space<hbm>>
    tpu.enqueue_indirect_dma source(%dma_start3A_99 : memref<500000x128xf32, #tpu.memory_space<hbm>>) target(%dma_start3A_94 : memref<64x128xf32, #tpu.memory_space<vmem>>) offsets(%dma_start3A_96 : memref<64xi32, #tpu.memory_space<vmem>>) semaphore(%arg18 : memref<!tpu.dma_semaphore, #tpu.memory_space<semaphore_mem>>)
    %dma_start3A_100 = arith.constant 1 : i32
    %dma_start3A_101 = arith.constant 0 : i32
    %dma_start3A_102 = arith.constant 0 : i32
    %dma_start3A_103 = tpu.memref_slice %arg14[%dma_start3A_100, %dma_start3A_101, %dma_start3A_102] : memref<2x16x128xf32, #tpu.memory_space<vmem>> -> memref<1x16x128xf32, #tpu.memory_space<vmem>>
    %dma_start3A_104 = tpu.memref_squeeze %dma_start3A_103 : memref<1x16x128xf32, #tpu.memory_space<vmem>> -> memref<16x128xf32, #tpu.memory_space<vmem>>
    %dma_start3A_105 = arith.constant 16 : i32
    %dma_start3A_106 = tpu.memref_slice %arg11[%dma_start3A_105] : memref<512xi32, #tpu.memory_space<vmem>> -> memref<16xi32, #tpu.memory_space<vmem>>
    %dma_start3A_107 = arith.constant 0 : i32
    %dma_start3A_108 = arith.constant 0 : i32
    %dma_start3A_109 = tpu.memref_slice %arg5[%dma_start3A_107, %dma_start3A_108] : memref<500000x128xf32, #tpu.memory_space<hbm>> -> memref<500000x128xf32, #tpu.memory_space<hbm>>
    tpu.enqueue_indirect_dma source(%dma_start3A_109 : memref<500000x128xf32, #tpu.memory_space<hbm>>) target(%dma_start3A_104 : memref<16x128xf32, #tpu.memory_space<vmem>>) offsets(%dma_start3A_106 : memref<16xi32, #tpu.memory_space<vmem>>) semaphore(%arg19 : memref<!tpu.dma_semaphore, #tpu.memory_space<semaphore_mem>>)
    %dma_start3A_110 = arith.constant 1 : i32
    %dma_start3A_111 = arith.constant 0 : i32
    %dma_start3A_112 = arith.constant 0 : i32
    %dma_start3A_113 = tpu.memref_slice %arg15[%dma_start3A_110, %dma_start3A_111, %dma_start3A_112] : memref<2x16x128xf32, #tpu.memory_space<vmem>> -> memref<1x16x128xf32, #tpu.memory_space<vmem>>
    %dma_start3A_114 = tpu.memref_squeeze %dma_start3A_113 : memref<1x16x128xf32, #tpu.memory_space<vmem>> -> memref<16x128xf32, #tpu.memory_space<vmem>>
    %dma_start3A_115 = arith.constant 16 : i32
    %dma_start3A_116 = tpu.memref_slice %arg12[%dma_start3A_115] : memref<512xi32, #tpu.memory_space<vmem>> -> memref<16xi32, #tpu.memory_space<vmem>>
    %dma_start3A_117 = arith.constant 0 : i32
    %dma_start3A_118 = arith.constant 0 : i32
    %dma_start3A_119 = tpu.memref_slice %arg6[%dma_start3A_117, %dma_start3A_118] : memref<500000x128xf32, #tpu.memory_space<hbm>> -> memref<500000x128xf32, #tpu.memory_space<hbm>>
    tpu.enqueue_indirect_dma source(%dma_start3A_119 : memref<500000x128xf32, #tpu.memory_space<hbm>>) target(%dma_start3A_114 : memref<16x128xf32, #tpu.memory_space<vmem>>) offsets(%dma_start3A_116 : memref<16xi32, #tpu.memory_space<vmem>>) semaphore(%arg19 : memref<!tpu.dma_semaphore, #tpu.memory_space<semaphore_mem>>)
    %dma_start3A_120 = arith.constant 1 : i32
    %dma_start3A_121 = arith.constant 0 : i32
    %dma_start3A_122 = arith.constant 0 : i32
    %dma_start3A_123 = tpu.memref_slice %arg16[%dma_start3A_120, %dma_start3A_121, %dma_start3A_122] : memref<2x320x128xf32, #tpu.memory_space<vmem>> -> memref<1x320x128xf32, #tpu.memory_space<vmem>>
    %dma_start3A_124 = tpu.memref_squeeze %dma_start3A_123 : memref<1x320x128xf32, #tpu.memory_space<vmem>> -> memref<320x128xf32, #tpu.memory_space<vmem>>
    %dma_start3A_125 = arith.constant 0 : i32
    %dma_start3A_126 = arith.constant 0 : i32
    %dma_start3A_127 = tpu.memref_slice %dma_start3A_124[%dma_start3A_125, %dma_start3A_126] : memref<320x128xf32, #tpu.memory_space<vmem>> -> memref<64x128xf32, #tpu.memory_space<vmem>>
    %dma_start3A_128 = arith.constant 320 : i32
    %dma_start3A_129 = tpu.memref_slice %arg13[%dma_start3A_128] : memref<10240xi32, #tpu.memory_space<vmem>> -> memref<64xi32, #tpu.memory_space<vmem>>
    %dma_start3A_130 = arith.constant 0 : i32
    %dma_start3A_131 = arith.constant 0 : i32
    %dma_start3A_132 = tpu.memref_slice %arg6[%dma_start3A_130, %dma_start3A_131] : memref<500000x128xf32, #tpu.memory_space<hbm>> -> memref<500000x128xf32, #tpu.memory_space<hbm>>
    tpu.enqueue_indirect_dma source(%dma_start3A_132 : memref<500000x128xf32, #tpu.memory_space<hbm>>) target(%dma_start3A_127 : memref<64x128xf32, #tpu.memory_space<vmem>>) offsets(%dma_start3A_129 : memref<64xi32, #tpu.memory_space<vmem>>) semaphore(%arg19 : memref<!tpu.dma_semaphore, #tpu.memory_space<semaphore_mem>>)
    %dma_start3A_133 = arith.constant 1 : i32
    %dma_start3A_134 = arith.constant 0 : i32
    %dma_start3A_135 = arith.constant 0 : i32
    %dma_start3A_136 = tpu.memref_slice %arg16[%dma_start3A_133, %dma_start3A_134, %dma_start3A_135] : memref<2x320x128xf32, #tpu.memory_space<vmem>> -> memref<1x320x128xf32, #tpu.memory_space<vmem>>
    %dma_start3A_137 = tpu.memref_squeeze %dma_start3A_136 : memref<1x320x128xf32, #tpu.memory_space<vmem>> -> memref<320x128xf32, #tpu.memory_space<vmem>>
    %dma_start3A_138 = arith.constant 64 : i32
    %dma_start3A_139 = arith.constant 0 : i32
    %dma_start3A_140 = tpu.memref_slice %dma_start3A_137[%dma_start3A_138, %dma_start3A_139] : memref<320x128xf32, #tpu.memory_space<vmem>> -> memref<64x128xf32, #tpu.memory_space<vmem>>
    %dma_start3A_141 = arith.constant 384 : i32
    %dma_start3A_142 = tpu.memref_slice %arg13[%dma_start3A_141] : memref<10240xi32, #tpu.memory_space<vmem>> -> memref<64xi32, #tpu.memory_space<vmem>>
    %dma_start3A_143 = arith.constant 0 : i32
    %dma_start3A_144 = arith.constant 0 : i32
    %dma_start3A_145 = tpu.memref_slice %arg6[%dma_start3A_143, %dma_start3A_144] : memref<500000x128xf32, #tpu.memory_space<hbm>> -> memref<500000x128xf32, #tpu.memory_space<hbm>>
    tpu.enqueue_indirect_dma source(%dma_start3A_145 : memref<500000x128xf32, #tpu.memory_space<hbm>>) target(%dma_start3A_140 : memref<64x128xf32, #tpu.memory_space<vmem>>) offsets(%dma_start3A_142 : memref<64xi32, #tpu.memory_space<vmem>>) semaphore(%arg19 : memref<!tpu.dma_semaphore, #tpu.memory_space<semaphore_mem>>)
    %dma_start3A_146 = arith.constant 1 : i32
    %dma_start3A_147 = arith.constant 0 : i32
    %dma_start3A_148 = arith.constant 0 : i32
    %dma_start3A_149 = tpu.memref_slice %arg16[%dma_start3A_146, %dma_start3A_147, %dma_start3A_148] : memref<2x320x128xf32, #tpu.memory_space<vmem>> -> memref<1x320x128xf32, #tpu.memory_space<vmem>>
    %dma_start3A_150 = tpu.memref_squeeze %dma_start3A_149 : memref<1x320x128xf32, #tpu.memory_space<vmem>> -> memref<320x128xf32, #tpu.memory_space<vmem>>
    %dma_start3A_151 = arith.constant 128 : i32
    %dma_start3A_152 = arith.constant 0 : i32
    %dma_start3A_153 = tpu.memref_slice %dma_start3A_150[%dma_start3A_151, %dma_start3A_152] : memref<320x128xf32, #tpu.memory_space<vmem>> -> memref<64x128xf32, #tpu.memory_space<vmem>>
    %dma_start3A_154 = arith.constant 448 : i32
    %dma_start3A_155 = tpu.memref_slice %arg13[%dma_start3A_154] : memref<10240xi32, #tpu.memory_space<vmem>> -> memref<64xi32, #tpu.memory_space<vmem>>
    %dma_start3A_156 = arith.constant 0 : i32
    %dma_start3A_157 = arith.constant 0 : i32
    %dma_start3A_158 = tpu.memref_slice %arg6[%dma_start3A_156, %dma_start3A_157] : memref<500000x128xf32, #tpu.memory_space<hbm>> -> memref<500000x128xf32, #tpu.memory_space<hbm>>
    tpu.enqueue_indirect_dma source(%dma_start3A_158 : memref<500000x128xf32, #tpu.memory_space<hbm>>) target(%dma_start3A_153 : memref<64x128xf32, #tpu.memory_space<vmem>>) offsets(%dma_start3A_155 : memref<64xi32, #tpu.memory_space<vmem>>) semaphore(%arg19 : memref<!tpu.dma_semaphore, #tpu.memory_space<semaphore_mem>>)
    %dma_start3A_159 = arith.constant 1 : i32
    %dma_start3A_160 = arith.constant 0 : i32
    %dma_start3A_161 = arith.constant 0 : i32
    %dma_start3A_162 = tpu.memref_slice %arg16[%dma_start3A_159, %dma_start3A_160, %dma_start3A_161] : memref<2x320x128xf32, #tpu.memory_space<vmem>> -> memref<1x320x128xf32, #tpu.memory_space<vmem>>
    %dma_start3A_163 = tpu.memref_squeeze %dma_start3A_162 : memref<1x320x128xf32, #tpu.memory_space<vmem>> -> memref<320x128xf32, #tpu.memory_space<vmem>>
    %dma_start3A_164 = arith.constant 192 : i32
    %dma_start3A_165 = arith.constant 0 : i32
    %dma_start3A_166 = tpu.memref_slice %dma_start3A_163[%dma_start3A_164, %dma_start3A_165] : memref<320x128xf32, #tpu.memory_space<vmem>> -> memref<64x128xf32, #tpu.memory_space<vmem>>
    %dma_start3A_167 = arith.constant 512 : i32
    %dma_start3A_168 = tpu.memref_slice %arg13[%dma_start3A_167] : memref<10240xi32, #tpu.memory_space<vmem>> -> memref<64xi32, #tpu.memory_space<vmem>>
    %dma_start3A_169 = arith.constant 0 : i32
    %dma_start3A_170 = arith.constant 0 : i32
    %dma_start3A_171 = tpu.memref_slice %arg6[%dma_start3A_169, %dma_start3A_170] : memref<500000x128xf32, #tpu.memory_space<hbm>> -> memref<500000x128xf32, #tpu.memory_space<hbm>>
    tpu.enqueue_indirect_dma source(%dma_start3A_171 : memref<500000x128xf32, #tpu.memory_space<hbm>>) target(%dma_start3A_166 : memref<64x128xf32, #tpu.memory_space<vmem>>) offsets(%dma_start3A_168 : memref<64xi32, #tpu.memory_space<vmem>>) semaphore(%arg19 : memref<!tpu.dma_semaphore, #tpu.memory_space<semaphore_mem>>)
    %dma_start3A_172 = arith.constant 1 : i32
    %dma_start3A_173 = arith.constant 0 : i32
    %dma_start3A_174 = arith.constant 0 : i32
    %dma_start3A_175 = tpu.memref_slice %arg16[%dma_start3A_172, %dma_start3A_173, %dma_start3A_174] : memref<2x320x128xf32, #tpu.memory_space<vmem>> -> memref<1x320x128xf32, #tpu.memory_space<vmem>>
    %dma_start3A_176 = tpu.memref_squeeze %dma_start3A_175 : memref<1x320x128xf32, #tpu.memory_space<vmem>> -> memref<320x128xf32, #tpu.memory_space<vmem>>
    %dma_start3A_177 = arith.constant 256 : i32
    %dma_start3A_178 = arith.constant 0 : i32
    %dma_start3A_179 = tpu.memref_slice %dma_start3A_176[%dma_start3A_177, %dma_start3A_178] : memref<320x128xf32, #tpu.memory_space<vmem>> -> memref<64x128xf32, #tpu.memory_space<vmem>>
    %dma_start3A_180 = arith.constant 576 : i32
    %dma_start3A_181 = tpu.memref_slice %arg13[%dma_start3A_180] : memref<10240xi32, #tpu.memory_space<vmem>> -> memref<64xi32, #tpu.memory_space<vmem>>
    %dma_start3A_182 = arith.constant 0 : i32
    %dma_start3A_183 = arith.constant 0 : i32
    %dma_start3A_184 = tpu.memref_slice %arg6[%dma_start3A_182, %dma_start3A_183] : memref<500000x128xf32, #tpu.memory_space<hbm>> -> memref<500000x128xf32, #tpu.memory_space<hbm>>
    tpu.enqueue_indirect_dma source(%dma_start3A_184 : memref<500000x128xf32, #tpu.memory_space<hbm>>) target(%dma_start3A_179 : memref<64x128xf32, #tpu.memory_space<vmem>>) offsets(%dma_start3A_181 : memref<64xi32, #tpu.memory_space<vmem>>) semaphore(%arg19 : memref<!tpu.dma_semaphore, #tpu.memory_space<semaphore_mem>>)
    %broadcast_in_dim3A = arith.constant 0.000000e+00 : f32
    %broadcast_in_dim3A_185 = vector.broadcast %broadcast_in_dim3A : f32 to vector<16xf32>
    %scan3A_186 = arith.constant 0 : i32
    %scan3A_187 = arith.constant 16 : i32
    %scan3A_188 = arith.addi %scan3A_186, %scan3A_187 : i32
    %scan3A_189 = arith.constant 1 : i32
    %scan3A_190 = scf.for %scan3A_284 = %scan3A_186 to %scan3A_188 step %scan3A_189 iter_args(%scan3A_285 = %broadcast_in_dim3A_185) -> (vector<16xf32>)  : i32 {
      %mul3A_286 = arith.constant 2 : i32
      %mul3A_287 = arith.muli %mul3A_286, %scan3A_284 : i32
      %dma_wait3A_288 = arith.constant 0 : i32
      %dma_wait3A_289 = arith.constant 0 : i32
      %dma_wait3A_290 = arith.constant 0 : i32
      %dma_wait3A_291 = tpu.memref_slice %arg14[%dma_wait3A_288, %dma_wait3A_289, %dma_wait3A_290] : memref<2x16x128xf32, #tpu.memory_space<vmem>> -> memref<1x16x128xf32, #tpu.memory_space<vmem>>
      %dma_wait3A_292 = tpu.memref_squeeze %dma_wait3A_291 : memref<1x16x128xf32, #tpu.memory_space<vmem>> -> memref<16x128xf32, #tpu.memory_space<vmem>>
      %dma_wait3A_293 = arith.constant 0 : i32
      %dma_wait3A_294 = arith.constant 0 : i32
      %dma_wait3A_295 = tpu.memref_slice %arg5[%dma_wait3A_293, %dma_wait3A_294] : memref<500000x128xf32, #tpu.memory_space<hbm>> -> memref<16x128xf32, #tpu.memory_space<hbm>>
      %dma_wait3A_296 = arith.constant 0 : i32
      %dma_wait3A_297 = arith.constant 0 : i32
      %dma_wait3A_298 = tpu.memref_slice %arg14[%dma_wait3A_288, %dma_wait3A_296, %dma_wait3A_297] : memref<2x16x128xf32, #tpu.memory_space<vmem>> -> memref<1x16x128xf32, #tpu.memory_space<vmem>>
      %dma_wait3A_299 = tpu.memref_squeeze %dma_wait3A_298 : memref<1x16x128xf32, #tpu.memory_space<vmem>> -> memref<16x128xf32, #tpu.memory_space<vmem>>
      %dma_wait3A_300 = arith.constant 0 : i32
      %dma_wait3A_301 = arith.constant 0 : i32
      %dma_wait3A_302 = tpu.memref_slice %arg5[%dma_wait3A_300, %dma_wait3A_301] : memref<500000x128xf32, #tpu.memory_space<hbm>> -> memref<16x128xf32, #tpu.memory_space<hbm>>
      tpu.wait_dma2 semaphore(%arg18 : memref<!tpu.dma_semaphore, #tpu.memory_space<semaphore_mem>>) src(%dma_wait3A_302 : memref<16x128xf32, #tpu.memory_space<hbm>>) dst(%dma_wait3A_299 : memref<16x128xf32, #tpu.memory_space<vmem>>)
      %dma_wait3A_303 = arith.constant 0 : i32
      %dma_wait3A_304 = arith.constant 0 : i32
      %dma_wait3A_305 = arith.constant 0 : i32
      %dma_wait3A_306 = tpu.memref_slice %arg15[%dma_wait3A_303, %dma_wait3A_304, %dma_wait3A_305] : memref<2x16x128xf32, #tpu.memory_space<vmem>> -> memref<1x16x128xf32, #tpu.memory_space<vmem>>
      %dma_wait3A_307 = tpu.memref_squeeze %dma_wait3A_306 : memref<1x16x128xf32, #tpu.memory_space<vmem>> -> memref<16x128xf32, #tpu.memory_space<vmem>>
      %dma_wait3A_308 = arith.constant 0 : i32
      %dma_wait3A_309 = arith.constant 0 : i32
      %dma_wait3A_310 = tpu.memref_slice %arg5[%dma_wait3A_308, %dma_wait3A_309] : memref<500000x128xf32, #tpu.memory_space<hbm>> -> memref<16x128xf32, #tpu.memory_space<hbm>>
      %dma_wait3A_311 = arith.constant 0 : i32
      %dma_wait3A_312 = arith.constant 0 : i32
      %dma_wait3A_313 = tpu.memref_slice %arg15[%dma_wait3A_303, %dma_wait3A_311, %dma_wait3A_312] : memref<2x16x128xf32, #tpu.memory_space<vmem>> -> memref<1x16x128xf32, #tpu.memory_space<vmem>>
      %dma_wait3A_314 = tpu.memref_squeeze %dma_wait3A_313 : memref<1x16x128xf32, #tpu.memory_space<vmem>> -> memref<16x128xf32, #tpu.memory_space<vmem>>
      %dma_wait3A_315 = arith.constant 0 : i32
      %dma_wait3A_316 = arith.constant 0 : i32
      %dma_wait3A_317 = tpu.memref_slice %arg5[%dma_wait3A_315, %dma_wait3A_316] : memref<500000x128xf32, #tpu.memory_space<hbm>> -> memref<16x128xf32, #tpu.memory_space<hbm>>
      tpu.wait_dma2 semaphore(%arg18 : memref<!tpu.dma_semaphore, #tpu.memory_space<semaphore_mem>>) src(%dma_wait3A_317 : memref<16x128xf32, #tpu.memory_space<hbm>>) dst(%dma_wait3A_314 : memref<16x128xf32, #tpu.memory_space<vmem>>)
      %dma_wait3A_318 = arith.constant 0 : i32
      %dma_wait3A_319 = arith.constant 0 : i32
      %dma_wait3A_320 = arith.constant 0 : i32
      %dma_wait3A_321 = tpu.memref_slice %arg16[%dma_wait3A_318, %dma_wait3A_319, %dma_wait3A_320] : memref<2x320x128xf32, #tpu.memory_space<vmem>> -> memref<1x320x128xf32, #tpu.memory_space<vmem>>
      %dma_wait3A_322 = tpu.memref_squeeze %dma_wait3A_321 : memref<1x320x128xf32, #tpu.memory_space<vmem>> -> memref<320x128xf32, #tpu.memory_space<vmem>>
      %dma_wait3A_323 = arith.constant 0 : i32
      %dma_wait3A_324 = arith.constant 0 : i32
      %dma_wait3A_325 = tpu.memref_slice %arg5[%dma_wait3A_323, %dma_wait3A_324] : memref<500000x128xf32, #tpu.memory_space<hbm>> -> memref<320x128xf32, #tpu.memory_space<hbm>>
      %dma_wait3A_326 = arith.constant 0 : i32
      %dma_wait3A_327 = arith.constant 0 : i32
      %dma_wait3A_328 = tpu.memref_slice %arg16[%dma_wait3A_318, %dma_wait3A_326, %dma_wait3A_327] : memref<2x320x128xf32, #tpu.memory_space<vmem>> -> memref<1x320x128xf32, #tpu.memory_space<vmem>>
      %dma_wait3A_329 = tpu.memref_squeeze %dma_wait3A_328 : memref<1x320x128xf32, #tpu.memory_space<vmem>> -> memref<320x128xf32, #tpu.memory_space<vmem>>
      %dma_wait3A_330 = arith.constant 0 : i32
      %dma_wait3A_331 = arith.constant 0 : i32
      %dma_wait3A_332 = tpu.memref_slice %arg5[%dma_wait3A_330, %dma_wait3A_331] : memref<500000x128xf32, #tpu.memory_space<hbm>> -> memref<320x128xf32, #tpu.memory_space<hbm>>
      tpu.wait_dma2 semaphore(%arg18 : memref<!tpu.dma_semaphore, #tpu.memory_space<semaphore_mem>>) src(%dma_wait3A_332 : memref<320x128xf32, #tpu.memory_space<hbm>>) dst(%dma_wait3A_329 : memref<320x128xf32, #tpu.memory_space<vmem>>)
      %mul3A_333 = arith.constant 16 : i32
      %mul3A_334 = arith.muli %mul3A_287, %mul3A_333 : i32
      %add3A_335 = vector.broadcast %mul3A_334 : i32 to vector<16xi32>
      %add3A_336 = arith.addi %add3A_335, %iota3A : vector<16xi32>
      %mul3A_337 = arith.constant 320 : i32
      %mul3A_338 = arith.muli %mul3A_287, %mul3A_337 : i32
      %mul3A_339 = arith.constant 20 : i32
      %mul3A_340 = vector.broadcast %mul3A_339 : i32 to vector<16xi32>
      %mul3A_341 = arith.muli %iota3A, %mul3A_340 : vector<16xi32>
      %add3A_342 = vector.broadcast %mul3A_338 : i32 to vector<16xi32>
      %add3A_343 = arith.addi %add3A_342, %mul3A_341 : vector<16xi32>
      %gather3A = tpu.vector_load_idx %arg8[%add3A_336] : memref<512xi32, #tpu.memory_space<vmem>>[vector<16xi32>], vector<16xi32>,
      %and3A = arith.constant 1 : i32
      %and3A_344 = vector.broadcast %and3A : i32 to vector<16xi32>
      %and3A_345 = arith.andi %gather3A, %and3A_344 : vector<16xi32>
      %mul3A_346 = arith.constant 64 : i32
      %mul3A_347 = vector.broadcast %mul3A_346 : i32 to vector<16xi32>
      %mul3A_348 = arith.muli %and3A_345, %mul3A_347 : vector<16xi32>
      %gather3A_349 = tpu.vector_load_idx %arg9[%add3A_336] : memref<512xi32, #tpu.memory_space<vmem>>[vector<16xi32>], vector<16xi32>,
      %and3A_350 = arith.constant 1 : i32
      %and3A_351 = vector.broadcast %and3A_350 : i32 to vector<16xi32>
      %and3A_352 = arith.andi %gather3A_349, %and3A_351 : vector<16xi32>
      %mul3A_353 = arith.constant 64 : i32
      %mul3A_354 = vector.broadcast %mul3A_353 : i32 to vector<16xi32>
      %mul3A_355 = arith.muli %and3A_352, %mul3A_354 : vector<16xi32>
      %add3A_356 = arith.constant 0 : i32
      %add3A_357 = vector.broadcast %add3A_356 : i32 to vector<16xi32>
      %add3A_358 = arith.addi %add3A_343, %add3A_357 : vector<16xi32>
      %gather3A_359 = tpu.vector_load_idx %arg10[%add3A_358] : memref<10240xi32, #tpu.memory_space<vmem>>[vector<16xi32>], vector<16xi32>,
      %and3A_360 = arith.constant 1 : i32
      %and3A_361 = vector.broadcast %and3A_360 : i32 to vector<16xi32>
      %and3A_362 = arith.andi %gather3A_359, %and3A_361 : vector<16xi32>
      %mul3A_363 = arith.constant 64 : i32
      %mul3A_364 = vector.broadcast %mul3A_363 : i32 to vector<16xi32>
      %mul3A_365 = arith.muli %and3A_362, %mul3A_364 : vector<16xi32>
      %add3A_366 = arith.constant 1 : i32
      %add3A_367 = vector.broadcast %add3A_366 : i32 to vector<16xi32>
      %add3A_368 = arith.addi %add3A_343, %add3A_367 : vector<16xi32>
      %gather3A_369 = tpu.vector_load_idx %arg10[%add3A_368] : memref<10240xi32, #tpu.memory_space<vmem>>[vector<16xi32>], vector<16xi32>,
      %and3A_370 = arith.constant 1 : i32
      %and3A_371 = vector.broadcast %and3A_370 : i32 to vector<16xi32>
      %and3A_372 = arith.andi %gather3A_369, %and3A_371 : vector<16xi32>
      %mul3A_373 = arith.constant 64 : i32
      %mul3A_374 = vector.broadcast %mul3A_373 : i32 to vector<16xi32>
      %mul3A_375 = arith.muli %and3A_372, %mul3A_374 : vector<16xi32>
      %add3A_376 = arith.constant 2 : i32
      %add3A_377 = vector.broadcast %add3A_376 : i32 to vector<16xi32>
      %add3A_378 = arith.addi %add3A_343, %add3A_377 : vector<16xi32>
      %gather3A_379 = tpu.vector_load_idx %arg10[%add3A_378] : memref<10240xi32, #tpu.memory_space<vmem>>[vector<16xi32>], vector<16xi32>,
      %and3A_380 = arith.constant 1 : i32
      %and3A_381 = vector.broadcast %and3A_380 : i32 to vector<16xi32>
      %and3A_382 = arith.andi %gather3A_379, %and3A_381 : vector<16xi32>
      %mul3A_383 = arith.constant 64 : i32
      %mul3A_384 = vector.broadcast %mul3A_383 : i32 to vector<16xi32>
      %mul3A_385 = arith.muli %and3A_382, %mul3A_384 : vector<16xi32>
      %add3A_386 = arith.constant 3 : i32
      %add3A_387 = vector.broadcast %add3A_386 : i32 to vector<16xi32>
      %add3A_388 = arith.addi %add3A_343, %add3A_387 : vector<16xi32>
      %gather3A_389 = tpu.vector_load_idx %arg10[%add3A_388] : memref<10240xi32, #tpu.memory_space<vmem>>[vector<16xi32>], vector<16xi32>,
      %and3A_390 = arith.constant 1 : i32
      %and3A_391 = vector.broadcast %and3A_390 : i32 to vector<16xi32>
      %and3A_392 = arith.andi %gather3A_389, %and3A_391 : vector<16xi32>
      %mul3A_393 = arith.constant 64 : i32
      %mul3A_394 = vector.broadcast %mul3A_393 : i32 to vector<16xi32>
      %mul3A_395 = arith.muli %and3A_392, %mul3A_394 : vector<16xi32>
      %add3A_396 = arith.constant 4 : i32
      %add3A_397 = vector.broadcast %add3A_396 : i32 to vector<16xi32>
      %add3A_398 = arith.addi %add3A_343, %add3A_397 : vector<16xi32>
      %gather3A_399 = tpu.vector_load_idx %arg10[%add3A_398] : memref<10240xi32, #tpu.memory_space<vmem>>[vector<16xi32>], vector<16xi32>,
      %and3A_400 = arith.constant 1 : i32
      %and3A_401 = vector.broadcast %and3A_400 : i32 to vector<16xi32>
      %and3A_402 = arith.andi %gather3A_399, %and3A_401 : vector<16xi32>
      %mul3A_403 = arith.constant 64 : i32
      %mul3A_404 = vector.broadcast %mul3A_403 : i32 to vector<16xi32>
      %mul3A_405 = arith.muli %and3A_402, %mul3A_404 : vector<16xi32>
      %add3A_406 = arith.constant 5 : i32
      %add3A_407 = vector.broadcast %add3A_406 : i32 to vector<16xi32>
      %add3A_408 = arith.addi %add3A_343, %add3A_407 : vector<16xi32>
      %gather3A_409 = tpu.vector_load_idx %arg10[%add3A_408] : memref<10240xi32, #tpu.memory_space<vmem>>[vector<16xi32>], vector<16xi32>,
      %and3A_410 = arith.constant 1 : i32
      %and3A_411 = vector.broadcast %and3A_410 : i32 to vector<16xi32>
      %and3A_412 = arith.andi %gather3A_409, %and3A_411 : vector<16xi32>
      %mul3A_413 = arith.constant 64 : i32
      %mul3A_414 = vector.broadcast %mul3A_413 : i32 to vector<16xi32>
      %mul3A_415 = arith.muli %and3A_412, %mul3A_414 : vector<16xi32>
      %add3A_416 = arith.constant 6 : i32
      %add3A_417 = vector.broadcast %add3A_416 : i32 to vector<16xi32>
      %add3A_418 = arith.addi %add3A_343, %add3A_417 : vector<16xi32>
      %gather3A_419 = tpu.vector_load_idx %arg10[%add3A_418] : memref<10240xi32, #tpu.memory_space<vmem>>[vector<16xi32>], vector<16xi32>,
      %and3A_420 = arith.constant 1 : i32
      %and3A_421 = vector.broadcast %and3A_420 : i32 to vector<16xi32>
      %and3A_422 = arith.andi %gather3A_419, %and3A_421 : vector<16xi32>
      %mul3A_423 = arith.constant 64 : i32
      %mul3A_424 = vector.broadcast %mul3A_423 : i32 to vector<16xi32>
      %mul3A_425 = arith.muli %and3A_422, %mul3A_424 : vector<16xi32>
      %add3A_426 = arith.constant 7 : i32
      %add3A_427 = vector.broadcast %add3A_426 : i32 to vector<16xi32>
      %add3A_428 = arith.addi %add3A_343, %add3A_427 : vector<16xi32>
      %gather3A_429 = tpu.vector_load_idx %arg10[%add3A_428] : memref<10240xi32, #tpu.memory_space<vmem>>[vector<16xi32>], vector<16xi32>,
      %and3A_430 = arith.constant 1 : i32
      %and3A_431 = vector.broadcast %and3A_430 : i32 to vector<16xi32>
      %and3A_432 = arith.andi %gather3A_429, %and3A_431 : vector<16xi32>
      %mul3A_433 = arith.constant 64 : i32
      %mul3A_434 = vector.broadcast %mul3A_433 : i32 to vector<16xi32>
      %mul3A_435 = arith.muli %and3A_432, %mul3A_434 : vector<16xi32>
      %add3A_436 = arith.constant 8 : i32
      %add3A_437 = vector.broadcast %add3A_436 : i32 to vector<16xi32>
      %add3A_438 = arith.addi %add3A_343, %add3A_437 : vector<16xi32>
      %gather3A_439 = tpu.vector_load_idx %arg10[%add3A_438] : memref<10240xi32, #tpu.memory_space<vmem>>[vector<16xi32>], vector<16xi32>,
      %and3A_440 = arith.constant 1 : i32
      %and3A_441 = vector.broadcast %and3A_440 : i32 to vector<16xi32>
      %and3A_442 = arith.andi %gather3A_439, %and3A_441 : vector<16xi32>
      %mul3A_443 = arith.constant 64 : i32
      %mul3A_444 = vector.broadcast %mul3A_443 : i32 to vector<16xi32>
      %mul3A_445 = arith.muli %and3A_442, %mul3A_444 : vector<16xi32>
      %add3A_446 = arith.constant 9 : i32
      %add3A_447 = vector.broadcast %add3A_446 : i32 to vector<16xi32>
      %add3A_448 = arith.addi %add3A_343, %add3A_447 : vector<16xi32>
      %gather3A_449 = tpu.vector_load_idx %arg10[%add3A_448] : memref<10240xi32, #tpu.memory_space<vmem>>[vector<16xi32>], vector<16xi32>,
      %and3A_450 = arith.constant 1 : i32
      %and3A_451 = vector.broadcast %and3A_450 : i32 to vector<16xi32>
      %and3A_452 = arith.andi %gather3A_449, %and3A_451 : vector<16xi32>
      %mul3A_453 = arith.constant 64 : i32
      %mul3A_454 = vector.broadcast %mul3A_453 : i32 to vector<16xi32>
      %mul3A_455 = arith.muli %and3A_452, %mul3A_454 : vector<16xi32>
      %add3A_456 = arith.constant 10 : i32
      %add3A_457 = vector.broadcast %add3A_456 : i32 to vector<16xi32>
      %add3A_458 = arith.addi %add3A_343, %add3A_457 : vector<16xi32>
      %gather3A_459 = tpu.vector_load_idx %arg10[%add3A_458] : memref<10240xi32, #tpu.memory_space<vmem>>[vector<16xi32>], vector<16xi32>,
      %and3A_460 = arith.constant 1 : i32
      %and3A_461 = vector.broadcast %and3A_460 : i32 to vector<16xi32>
      %and3A_462 = arith.andi %gather3A_459, %and3A_461 : vector<16xi32>
      %mul3A_463 = arith.constant 64 : i32
      %mul3A_464 = vector.broadcast %mul3A_463 : i32 to vector<16xi32>
      %mul3A_465 = arith.muli %and3A_462, %mul3A_464 : vector<16xi32>
      %add3A_466 = arith.constant 11 : i32
      %add3A_467 = vector.broadcast %add3A_466 : i32 to vector<16xi32>
      %add3A_468 = arith.addi %add3A_343, %add3A_467 : vector<16xi32>
      %gather3A_469 = tpu.vector_load_idx %arg10[%add3A_468] : memref<10240xi32, #tpu.memory_space<vmem>>[vector<16xi32>], vector<16xi32>,
      %and3A_470 = arith.constant 1 : i32
      %and3A_471 = vector.broadcast %and3A_470 : i32 to vector<16xi32>
      %and3A_472 = arith.andi %gather3A_469, %and3A_471 : vector<16xi32>
      %mul3A_473 = arith.constant 64 : i32
      %mul3A_474 = vector.broadcast %mul3A_473 : i32 to vector<16xi32>
      %mul3A_475 = arith.muli %and3A_472, %mul3A_474 : vector<16xi32>
      %add3A_476 = arith.constant 12 : i32
      %add3A_477 = vector.broadcast %add3A_476 : i32 to vector<16xi32>
      %add3A_478 = arith.addi %add3A_343, %add3A_477 : vector<16xi32>
      %gather3A_479 = tpu.vector_load_idx %arg10[%add3A_478] : memref<10240xi32, #tpu.memory_space<vmem>>[vector<16xi32>], vector<16xi32>,
      %and3A_480 = arith.constant 1 : i32
      %and3A_481 = vector.broadcast %and3A_480 : i32 to vector<16xi32>
      %and3A_482 = arith.andi %gather3A_479, %and3A_481 : vector<16xi32>
      %mul3A_483 = arith.constant 64 : i32
      %mul3A_484 = vector.broadcast %mul3A_483 : i32 to vector<16xi32>
      %mul3A_485 = arith.muli %and3A_482, %mul3A_484 : vector<16xi32>
      %add3A_486 = arith.constant 13 : i32
      %add3A_487 = vector.broadcast %add3A_486 : i32 to vector<16xi32>
      %add3A_488 = arith.addi %add3A_343, %add3A_487 : vector<16xi32>
      %gather3A_489 = tpu.vector_load_idx %arg10[%add3A_488] : memref<10240xi32, #tpu.memory_space<vmem>>[vector<16xi32>], vector<16xi32>,
      %and3A_490 = arith.constant 1 : i32
      %and3A_491 = vector.broadcast %and3A_490 : i32 to vector<16xi32>
      %and3A_492 = arith.andi %gather3A_489, %and3A_491 : vector<16xi32>
      %mul3A_493 = arith.constant 64 : i32
      %mul3A_494 = vector.broadcast %mul3A_493 : i32 to vector<16xi32>
      %mul3A_495 = arith.muli %and3A_492, %mul3A_494 : vector<16xi32>
      %add3A_496 = arith.constant 14 : i32
      %add3A_497 = vector.broadcast %add3A_496 : i32 to vector<16xi32>
      %add3A_498 = arith.addi %add3A_343, %add3A_497 : vector<16xi32>
      %gather3A_499 = tpu.vector_load_idx %arg10[%add3A_498] : memref<10240xi32, #tpu.memory_space<vmem>>[vector<16xi32>], vector<16xi32>,
      %and3A_500 = arith.constant 1 : i32
      %and3A_501 = vector.broadcast %and3A_500 : i32 to vector<16xi32>
      %and3A_502 = arith.andi %gather3A_499, %and3A_501 : vector<16xi32>
      %mul3A_503 = arith.constant 64 : i32
      %mul3A_504 = vector.broadcast %mul3A_503 : i32 to vector<16xi32>
      %mul3A_505 = arith.muli %and3A_502, %mul3A_504 : vector<16xi32>
      %add3A_506 = arith.constant 15 : i32
      %add3A_507 = vector.broadcast %add3A_506 : i32 to vector<16xi32>
      %add3A_508 = arith.addi %add3A_343, %add3A_507 : vector<16xi32>
      %gather3A_509 = tpu.vector_load_idx %arg10[%add3A_508] : memref<10240xi32, #tpu.memory_space<vmem>>[vector<16xi32>], vector<16xi32>,
      %and3A_510 = arith.constant 1 : i32
      %and3A_511 = vector.broadcast %and3A_510 : i32 to vector<16xi32>
      %and3A_512 = arith.andi %gather3A_509, %and3A_511 : vector<16xi32>
      %mul3A_513 = arith.constant 64 : i32
      %mul3A_514 = vector.broadcast %mul3A_513 : i32 to vector<16xi32>
      %mul3A_515 = arith.muli %and3A_512, %mul3A_514 : vector<16xi32>
      %add3A_516 = arith.constant 16 : i32
      %add3A_517 = vector.broadcast %add3A_516 : i32 to vector<16xi32>
      %add3A_518 = arith.addi %add3A_343, %add3A_517 : vector<16xi32>
      %gather3A_519 = tpu.vector_load_idx %arg10[%add3A_518] : memref<10240xi32, #tpu.memory_space<vmem>>[vector<16xi32>], vector<16xi32>,
      %and3A_520 = arith.constant 1 : i32
      %and3A_521 = vector.broadcast %and3A_520 : i32 to vector<16xi32>
      %and3A_522 = arith.andi %gather3A_519, %and3A_521 : vector<16xi32>
      %mul3A_523 = arith.constant 64 : i32
      %mul3A_524 = vector.broadcast %mul3A_523 : i32 to vector<16xi32>
      %mul3A_525 = arith.muli %and3A_522, %mul3A_524 : vector<16xi32>
      %add3A_526 = arith.constant 17 : i32
      %add3A_527 = vector.broadcast %add3A_526 : i32 to vector<16xi32>
      %add3A_528 = arith.addi %add3A_343, %add3A_527 : vector<16xi32>
      %gather3A_529 = tpu.vector_load_idx %arg10[%add3A_528] : memref<10240xi32, #tpu.memory_space<vmem>>[vector<16xi32>], vector<16xi32>,
      %and3A_530 = arith.constant 1 : i32
      %and3A_531 = vector.broadcast %and3A_530 : i32 to vector<16xi32>
      %and3A_532 = arith.andi %gather3A_529, %and3A_531 : vector<16xi32>
      %mul3A_533 = arith.constant 64 : i32
      %mul3A_534 = vector.broadcast %mul3A_533 : i32 to vector<16xi32>
      %mul3A_535 = arith.muli %and3A_532, %mul3A_534 : vector<16xi32>
      %add3A_536 = arith.constant 18 : i32
      %add3A_537 = vector.broadcast %add3A_536 : i32 to vector<16xi32>
      %add3A_538 = arith.addi %add3A_343, %add3A_537 : vector<16xi32>
      %gather3A_539 = tpu.vector_load_idx %arg10[%add3A_538] : memref<10240xi32, #tpu.memory_space<vmem>>[vector<16xi32>], vector<16xi32>,
      %and3A_540 = arith.constant 1 : i32
      %and3A_541 = vector.broadcast %and3A_540 : i32 to vector<16xi32>
      %and3A_542 = arith.andi %gather3A_539, %and3A_541 : vector<16xi32>
      %mul3A_543 = arith.constant 64 : i32
      %mul3A_544 = vector.broadcast %mul3A_543 : i32 to vector<16xi32>
      %mul3A_545 = arith.muli %and3A_542, %mul3A_544 : vector<16xi32>
      %add3A_546 = arith.constant 19 : i32
      %add3A_547 = vector.broadcast %add3A_546 : i32 to vector<16xi32>
      %add3A_548 = arith.addi %add3A_343, %add3A_547 : vector<16xi32>
      %gather3A_549 = tpu.vector_load_idx %arg10[%add3A_548] : memref<10240xi32, #tpu.memory_space<vmem>>[vector<16xi32>], vector<16xi32>,
      %and3A_550 = arith.constant 1 : i32
      %and3A_551 = vector.broadcast %and3A_550 : i32 to vector<16xi32>
      %and3A_552 = arith.andi %gather3A_549, %and3A_551 : vector<16xi32>
      %mul3A_553 = arith.constant 64 : i32
      %mul3A_554 = vector.broadcast %mul3A_553 : i32 to vector<16xi32>
      %mul3A_555 = arith.muli %and3A_552, %mul3A_554 : vector<16xi32>
      %mul3A_556 = arith.constant 20 : i32
      %mul3A_557 = vector.broadcast %mul3A_556 : i32 to vector<16xi32>
      %mul3A_558 = arith.muli %iota3A, %mul3A_557 : vector<16xi32>
      %add3A_559 = arith.constant 0 : i32
      %add3A_560 = vector.broadcast %add3A_559 : i32 to vector<16xi32>
      %add3A_561 = arith.addi %mul3A_558, %add3A_560 : vector<16xi32>
      %mul3A_562 = arith.constant 20 : i32
      %mul3A_563 = vector.broadcast %mul3A_562 : i32 to vector<16xi32>
      %mul3A_564 = arith.muli %iota3A, %mul3A_563 : vector<16xi32>
      %add3A_565 = arith.constant 1 : i32
      %add3A_566 = vector.broadcast %add3A_565 : i32 to vector<16xi32>
      %add3A_567 = arith.addi %mul3A_564, %add3A_566 : vector<16xi32>
      %mul3A_568 = arith.constant 20 : i32
      %mul3A_569 = vector.broadcast %mul3A_568 : i32 to vector<16xi32>
      %mul3A_570 = arith.muli %iota3A, %mul3A_569 : vector<16xi32>
      %add3A_571 = arith.constant 2 : i32
      %add3A_572 = vector.broadcast %add3A_571 : i32 to vector<16xi32>
      %add3A_573 = arith.addi %mul3A_570, %add3A_572 : vector<16xi32>
      %mul3A_574 = arith.constant 20 : i32
      %mul3A_575 = vector.broadcast %mul3A_574 : i32 to vector<16xi32>
      %mul3A_576 = arith.muli %iota3A, %mul3A_575 : vector<16xi32>
      %add3A_577 = arith.constant 3 : i32
      %add3A_578 = vector.broadcast %add3A_577 : i32 to vector<16xi32>
      %add3A_579 = arith.addi %mul3A_576, %add3A_578 : vector<16xi32>
      %mul3A_580 = arith.constant 20 : i32
      %mul3A_581 = vector.broadcast %mul3A_580 : i32 to vector<16xi32>
      %mul3A_582 = arith.muli %iota3A, %mul3A_581 : vector<16xi32>
      %add3A_583 = arith.constant 4 : i32
      %add3A_584 = vector.broadcast %add3A_583 : i32 to vector<16xi32>
      %add3A_585 = arith.addi %mul3A_582, %add3A_584 : vector<16xi32>
      %mul3A_586 = arith.constant 20 : i32
      %mul3A_587 = vector.broadcast %mul3A_586 : i32 to vector<16xi32>
      %mul3A_588 = arith.muli %iota3A, %mul3A_587 : vector<16xi32>
      %add3A_589 = arith.constant 5 : i32
      %add3A_590 = vector.broadcast %add3A_589 : i32 to vector<16xi32>
      %add3A_591 = arith.addi %mul3A_588, %add3A_590 : vector<16xi32>
      %mul3A_592 = arith.constant 20 : i32
      %mul3A_593 = vector.broadcast %mul3A_592 : i32 to vector<16xi32>
      %mul3A_594 = arith.muli %iota3A, %mul3A_593 : vector<16xi32>
      %add3A_595 = arith.constant 6 : i32
      %add3A_596 = vector.broadcast %add3A_595 : i32 to vector<16xi32>
      %add3A_597 = arith.addi %mul3A_594, %add3A_596 : vector<16xi32>
      %mul3A_598 = arith.constant 20 : i32
      %mul3A_599 = vector.broadcast %mul3A_598 : i32 to vector<16xi32>
      %mul3A_600 = arith.muli %iota3A, %mul3A_599 : vector<16xi32>
      %add3A_601 = arith.constant 7 : i32
      %add3A_602 = vector.broadcast %add3A_601 : i32 to vector<16xi32>
      %add3A_603 = arith.addi %mul3A_600, %add3A_602 : vector<16xi32>
      %mul3A_604 = arith.constant 20 : i32
      %mul3A_605 = vector.broadcast %mul3A_604 : i32 to vector<16xi32>
      %mul3A_606 = arith.muli %iota3A, %mul3A_605 : vector<16xi32>
      %add3A_607 = arith.constant 8 : i32
      %add3A_608 = vector.broadcast %add3A_607 : i32 to vector<16xi32>
      %add3A_609 = arith.addi %mul3A_606, %add3A_608 : vector<16xi32>
      %mul3A_610 = arith.constant 20 : i32
      %mul3A_611 = vector.broadcast %mul3A_610 : i32 to vector<16xi32>
      %mul3A_612 = arith.muli %iota3A, %mul3A_611 : vector<16xi32>
      %add3A_613 = arith.constant 9 : i32
      %add3A_614 = vector.broadcast %add3A_613 : i32 to vector<16xi32>
      %add3A_615 = arith.addi %mul3A_612, %add3A_614 : vector<16xi32>
      %mul3A_616 = arith.constant 20 : i32
      %mul3A_617 = vector.broadcast %mul3A_616 : i32 to vector<16xi32>
      %mul3A_618 = arith.muli %iota3A, %mul3A_617 : vector<16xi32>
      %add3A_619 = arith.constant 10 : i32
      %add3A_620 = vector.broadcast %add3A_619 : i32 to vector<16xi32>
      %add3A_621 = arith.addi %mul3A_618, %add3A_620 : vector<16xi32>
      %mul3A_622 = arith.constant 20 : i32
      %mul3A_623 = vector.broadcast %mul3A_622 : i32 to vector<16xi32>
      %mul3A_624 = arith.muli %iota3A, %mul3A_623 : vector<16xi32>
      %add3A_625 = arith.constant 11 : i32
      %add3A_626 = vector.broadcast %add3A_625 : i32 to vector<16xi32>
      %add3A_627 = arith.addi %mul3A_624, %add3A_626 : vector<16xi32>
      %mul3A_628 = arith.constant 20 : i32
      %mul3A_629 = vector.broadcast %mul3A_628 : i32 to vector<16xi32>
      %mul3A_630 = arith.muli %iota3A, %mul3A_629 : vector<16xi32>
      %add3A_631 = arith.constant 12 : i32
      %add3A_632 = vector.broadcast %add3A_631 : i32 to vector<16xi32>
      %add3A_633 = arith.addi %mul3A_630, %add3A_632 : vector<16xi32>
      %mul3A_634 = arith.constant 20 : i32
      %mul3A_635 = vector.broadcast %mul3A_634 : i32 to vector<16xi32>
      %mul3A_636 = arith.muli %iota3A, %mul3A_635 : vector<16xi32>
      %add3A_637 = arith.constant 13 : i32
      %add3A_638 = vector.broadcast %add3A_637 : i32 to vector<16xi32>
      %add3A_639 = arith.addi %mul3A_636, %add3A_638 : vector<16xi32>
      %mul3A_640 = arith.constant 20 : i32
      %mul3A_641 = vector.broadcast %mul3A_640 : i32 to vector<16xi32>
      %mul3A_642 = arith.muli %iota3A, %mul3A_641 : vector<16xi32>
      %add3A_643 = arith.constant 14 : i32
      %add3A_644 = vector.broadcast %add3A_643 : i32 to vector<16xi32>
      %add3A_645 = arith.addi %mul3A_642, %add3A_644 : vector<16xi32>
      %mul3A_646 = arith.constant 20 : i32
      %mul3A_647 = vector.broadcast %mul3A_646 : i32 to vector<16xi32>
      %mul3A_648 = arith.muli %iota3A, %mul3A_647 : vector<16xi32>
      %add3A_649 = arith.constant 15 : i32
      %add3A_650 = vector.broadcast %add3A_649 : i32 to vector<16xi32>
      %add3A_651 = arith.addi %mul3A_648, %add3A_650 : vector<16xi32>
      %mul3A_652 = arith.constant 20 : i32
      %mul3A_653 = vector.broadcast %mul3A_652 : i32 to vector<16xi32>
      %mul3A_654 = arith.muli %iota3A, %mul3A_653 : vector<16xi32>
      %add3A_655 = arith.constant 16 : i32
      %add3A_656 = vector.broadcast %add3A_655 : i32 to vector<16xi32>
      %add3A_657 = arith.addi %mul3A_654, %add3A_656 : vector<16xi32>
      %mul3A_658 = arith.constant 20 : i32
      %mul3A_659 = vector.broadcast %mul3A_658 : i32 to vector<16xi32>
      %mul3A_660 = arith.muli %iota3A, %mul3A_659 : vector<16xi32>
      %add3A_661 = arith.constant 17 : i32
      %add3A_662 = vector.broadcast %add3A_661 : i32 to vector<16xi32>
      %add3A_663 = arith.addi %mul3A_660, %add3A_662 : vector<16xi32>
      %mul3A_664 = arith.constant 20 : i32
      %mul3A_665 = vector.broadcast %mul3A_664 : i32 to vector<16xi32>
      %mul3A_666 = arith.muli %iota3A, %mul3A_665 : vector<16xi32>
      %add3A_667 = arith.constant 18 : i32
      %add3A_668 = vector.broadcast %add3A_667 : i32 to vector<16xi32>
      %add3A_669 = arith.addi %mul3A_666, %add3A_668 : vector<16xi32>
      %mul3A_670 = arith.constant 20 : i32
      %mul3A_671 = vector.broadcast %mul3A_670 : i32 to vector<16xi32>
      %mul3A_672 = arith.muli %iota3A, %mul3A_671 : vector<16xi32>
      %add3A_673 = arith.constant 19 : i32
      %add3A_674 = vector.broadcast %add3A_673 : i32 to vector<16xi32>
      %add3A_675 = arith.addi %mul3A_672, %add3A_674 : vector<16xi32>
      %broadcast_in_dim3A_676 = arith.constant 0.000000e+00 : f32
      %broadcast_in_dim3A_677 = vector.broadcast %broadcast_in_dim3A_676 : f32 to vector<16xf32>
      %scan3A_678 = arith.constant 0 : i32
      %scan3A_679 = arith.constant 0 : i32
      %scan3A_680 = arith.constant 0 : i32
      %scan3A_681 = arith.constant 0 : i32
      %scan3A_682 = arith.constant 64 : i32
      %scan3A_683 = arith.addi %scan3A_681, %scan3A_682 : i32
      %scan3A_684 = arith.constant 1 : i32
      %scan3A_685:21 = scf.for %scan3A_2966 = %scan3A_681 to %scan3A_683 step %scan3A_684 iter_args(%scan3A_2967 = %broadcast_in_dim3A_677, %scan3A_2968 = %broadcast_in_dim3A_677, %scan3A_2969 = %broadcast_in_dim3A_677, %scan3A_2970 = %broadcast_in_dim3A_677, %scan3A_2971 = %broadcast_in_dim3A_677, %scan3A_2972 = %broadcast_in_dim3A_677, %scan3A_2973 = %broadcast_in_dim3A_677, %scan3A_2974 = %broadcast_in_dim3A_677, %scan3A_2975 = %broadcast_in_dim3A_677, %scan3A_2976 = %broadcast_in_dim3A_677, %scan3A_2977 = %broadcast_in_dim3A_677, %scan3A_2978 = %broadcast_in_dim3A_677, %scan3A_2979 = %broadcast_in_dim3A_677, %scan3A_2980 = %broadcast_in_dim3A_677, %scan3A_2981 = %broadcast_in_dim3A_677, %scan3A_2982 = %broadcast_in_dim3A_677, %scan3A_2983 = %broadcast_in_dim3A_677, %scan3A_2984 = %broadcast_in_dim3A_677, %scan3A_2985 = %broadcast_in_dim3A_677, %scan3A_2986 = %broadcast_in_dim3A_677, %scan3A_2987 = %broadcast_in_dim3A_677) -> (vector<16xf32>, vector<16xf32>, vector<16xf32>, vector<16xf32>, vector<16xf32>, vector<16xf32>, vector<16xf32>, vector<16xf32>, vector<16xf32>, vector<16xf32>, vector<16xf32>, vector<16xf32>, vector<16xf32>, vector<16xf32>, vector<16xf32>, vector<16xf32>, vector<16xf32>, vector<16xf32>, vector<16xf32>, vector<16xf32>, vector<16xf32>)  : i32 {
        %add3A_2988 = vector.broadcast %scan3A_2966 : i32 to vector<16xi32>
        %add3A_2989 = arith.addi %mul3A_348, %add3A_2988 : vector<16xi32>
        %gather3A_2990 = arith.constant 0 : i32
        %gather3A_2991 = arith.constant 0 : i32
        %gather3A_2992 = tpu.memref_slice %arg14[%scan3A_678, %gather3A_2990, %gather3A_2991] : memref<2x16x128xf32, #tpu.memory_space<vmem>> -> memref<1x16x128xf32, #tpu.memory_space<vmem>>
        %gather3A_2993 = tpu.memref_squeeze %gather3A_2992 : memref<1x16x128xf32, #tpu.memory_space<vmem>> -> memref<16x128xf32, #tpu.memory_space<vmem>>
        %gather3A_2994 = tpu.vector_load_idx %gather3A_2993[%iota3A, %add3A_2989] : memref<16x128xf32, #tpu.memory_space<vmem>>[vector<16xi32>, vector<16xi32>], vector<16xf32>,
        %add3A_2995 = vector.broadcast %scan3A_2966 : i32 to vector<16xi32>
        %add3A_2996 = arith.addi %mul3A_355, %add3A_2995 : vector<16xi32>
        %gather3A_2997 = arith.constant 0 : i32
        %gather3A_2998 = arith.constant 0 : i32
        %gather3A_2999 = tpu.memref_slice %arg15[%scan3A_679, %gather3A_2997, %gather3A_2998] : memref<2x16x128xf32, #tpu.memory_space<vmem>> -> memref<1x16x128xf32, #tpu.memory_space<vmem>>
        %gather3A_3000 = tpu.memref_squeeze %gather3A_2999 : memref<1x16x128xf32, #tpu.memory_space<vmem>> -> memref<16x128xf32, #tpu.memory_space<vmem>>
        %gather3A_3001 = tpu.vector_load_idx %gather3A_3000[%iota3A, %add3A_2996] : memref<16x128xf32, #tpu.memory_space<vmem>>[vector<16xi32>, vector<16xi32>], vector<16xf32>,
        %mul3A_3002 = arith.mulf %gather3A_2994, %gather3A_3001 : vector<16xf32>
        %add3A_3003 = arith.addf %scan3A_2967, %mul3A_3002 : vector<16xf32>
        %add3A_3004 = vector.broadcast %scan3A_2966 : i32 to vector<16xi32>
        %add3A_3005 = arith.addi %mul3A_365, %add3A_3004 : vector<16xi32>
        %gather3A_3006 = arith.constant 0 : i32
        %gather3A_3007 = arith.constant 0 : i32
        %gather3A_3008 = tpu.memref_slice %arg16[%scan3A_680, %gather3A_3006, %gather3A_3007] : memref<2x320x128xf32, #tpu.memory_space<vmem>> -> memref<1x320x128xf32, #tpu.memory_space<vmem>>
        %gather3A_3009 = tpu.memref_squeeze %gather3A_3008 : memref<1x320x128xf32, #tpu.memory_space<vmem>> -> memref<320x128xf32, #tpu.memory_space<vmem>>
        %gather3A_3010 = tpu.vector_load_idx %gather3A_3009[%add3A_561, %add3A_3005] : memref<320x128xf32, #tpu.memory_space<vmem>>[vector<16xi32>, vector<16xi32>], vector<16xf32>,
        %mul3A_3011 = arith.mulf %gather3A_2994, %gather3A_3010 : vector<16xf32>
        %add3A_3012 = arith.addf %scan3A_2968, %mul3A_3011 : vector<16xf32>
        %add3A_3013 = vector.broadcast %scan3A_2966 : i32 to vector<16xi32>
        %add3A_3014 = arith.addi %mul3A_375, %add3A_3013 : vector<16xi32>
        %gather3A_3015 = arith.constant 0 : i32
        %gather3A_3016 = arith.constant 0 : i32
        %gather3A_3017 = tpu.memref_slice %arg16[%scan3A_680, %gather3A_3015, %gather3A_3016] : memref<2x320x128xf32, #tpu.memory_space<vmem>> -> memref<1x320x128xf32, #tpu.memory_space<vmem>>
        %gather3A_3018 = tpu.memref_squeeze %gather3A_3017 : memref<1x320x128xf32, #tpu.memory_space<vmem>> -> memref<320x128xf32, #tpu.memory_space<vmem>>
        %gather3A_3019 = tpu.vector_load_idx %gather3A_3018[%add3A_567, %add3A_3014] : memref<320x128xf32, #tpu.memory_space<vmem>>[vector<16xi32>, vector<16xi32>], vector<16xf32>,
        %mul3A_3020 = arith.mulf %gather3A_2994, %gather3A_3019 : vector<16xf32>
        %add3A_3021 = arith.addf %scan3A_2969, %mul3A_3020 : vector<16xf32>
        %add3A_3022 = vector.broadcast %scan3A_2966 : i32 to vector<16xi32>
        %add3A_3023 = arith.addi %mul3A_385, %add3A_3022 : vector<16xi32>
        %gather3A_3024 = arith.constant 0 : i32
        %gather3A_3025 = arith.constant 0 : i32
        %gather3A_3026 = tpu.memref_slice %arg16[%scan3A_680, %gather3A_3024, %gather3A_3025] : memref<2x320x128xf32, #tpu.memory_space<vmem>> -> memref<1x320x128xf32, #tpu.memory_space<vmem>>
        %gather3A_3027 = tpu.memref_squeeze %gather3A_3026 : memref<1x320x128xf32, #tpu.memory_space<vmem>> -> memref<320x128xf32, #tpu.memory_space<vmem>>
        %gather3A_3028 = tpu.vector_load_idx %gather3A_3027[%add3A_573, %add3A_3023] : memref<320x128xf32, #tpu.memory_space<vmem>>[vector<16xi32>, vector<16xi32>], vector<16xf32>,
        %mul3A_3029 = arith.mulf %gather3A_2994, %gather3A_3028 : vector<16xf32>
        %add3A_3030 = arith.addf %scan3A_2970, %mul3A_3029 : vector<16xf32>
        %add3A_3031 = vector.broadcast %scan3A_2966 : i32 to vector<16xi32>
        %add3A_3032 = arith.addi %mul3A_395, %add3A_3031 : vector<16xi32>
        %gather3A_3033 = arith.constant 0 : i32
        %gather3A_3034 = arith.constant 0 : i32
        %gather3A_3035 = tpu.memref_slice %arg16[%scan3A_680, %gather3A_3033, %gather3A_3034] : memref<2x320x128xf32, #tpu.memory_space<vmem>> -> memref<1x320x128xf32, #tpu.memory_space<vmem>>
        %gather3A_3036 = tpu.memref_squeeze %gather3A_3035 : memref<1x320x128xf32, #tpu.memory_space<vmem>> -> memref<320x128xf32, #tpu.memory_space<vmem>>
        %gather3A_3037 = tpu.vector_load_idx %gather3A_3036[%add3A_579, %add3A_3032] : memref<320x128xf32, #tpu.memory_space<vmem>>[vector<16xi32>, vector<16xi32>], vector<16xf32>,
        %mul3A_3038 = arith.mulf %gather3A_2994, %gather3A_3037 : vector<16xf32>
        %add3A_3039 = arith.addf %scan3A_2971, %mul3A_3038 : vector<16xf32>
        %add3A_3040 = vector.broadcast %scan3A_2966 : i32 to vector<16xi32>
        %add3A_3041 = arith.addi %mul3A_405, %add3A_3040 : vector<16xi32>
        %gather3A_3042 = arith.constant 0 : i32
        %gather3A_3043 = arith.constant 0 : i32
        %gather3A_3044 = tpu.memref_slice %arg16[%scan3A_680, %gather3A_3042, %gather3A_3043] : memref<2x320x128xf32, #tpu.memory_space<vmem>> -> memref<1x320x128xf32, #tpu.memory_space<vmem>>
        %gather3A_3045 = tpu.memref_squeeze %gather3A_3044 : memref<1x320x128xf32, #tpu.memory_space<vmem>> -> memref<320x128xf32, #tpu.memory_space<vmem>>
        %gather3A_3046 = tpu.vector_load_idx %gather3A_3045[%add3A_585, %add3A_3041] : memref<320x128xf32, #tpu.memory_space<vmem>>[vector<16xi32>, vector<16xi32>], vector<16xf32>,
        %mul3A_3047 = arith.mulf %gather3A_2994, %gather3A_3046 : vector<16xf32>
        %add3A_3048 = arith.addf %scan3A_2972, %mul3A_3047 : vector<16xf32>
        %add3A_3049 = vector.broadcast %scan3A_2966 : i32 to vector<16xi32>
        %add3A_3050 = arith.addi %mul3A_415, %add3A_3049 : vector<16xi32>
        %gather3A_3051 = arith.constant 0 : i32
        %gather3A_3052 = arith.constant 0 : i32
        %gather3A_3053 = tpu.memref_slice %arg16[%scan3A_680, %gather3A_3051, %gather3A_3052] : memref<2x320x128xf32, #tpu.memory_space<vmem>> -> memref<1x320x128xf32, #tpu.memory_space<vmem>>
        %gather3A_3054 = tpu.memref_squeeze %gather3A_3053 : memref<1x320x128xf32, #tpu.memory_space<vmem>> -> memref<320x128xf32, #tpu.memory_space<vmem>>
        %gather3A_3055 = tpu.vector_load_idx %gather3A_3054[%add3A_591, %add3A_3050] : memref<320x128xf32, #tpu.memory_space<vmem>>[vector<16xi32>, vector<16xi32>], vector<16xf32>,
        %mul3A_3056 = arith.mulf %gather3A_2994, %gather3A_3055 : vector<16xf32>
        %add3A_3057 = arith.addf %scan3A_2973, %mul3A_3056 : vector<16xf32>
        %add3A_3058 = vector.broadcast %scan3A_2966 : i32 to vector<16xi32>
        %add3A_3059 = arith.addi %mul3A_425, %add3A_3058 : vector<16xi32>
        %gather3A_3060 = arith.constant 0 : i32
        %gather3A_3061 = arith.constant 0 : i32
        %gather3A_3062 = tpu.memref_slice %arg16[%scan3A_680, %gather3A_3060, %gather3A_3061] : memref<2x320x128xf32, #tpu.memory_space<vmem>> -> memref<1x320x128xf32, #tpu.memory_space<vmem>>
        %gather3A_3063 = tpu.memref_squeeze %gather3A_3062 : memref<1x320x128xf32, #tpu.memory_space<vmem>> -> memref<320x128xf32, #tpu.memory_space<vmem>>
        %gather3A_3064 = tpu.vector_load_idx %gather3A_3063[%add3A_597, %add3A_3059] : memref<320x128xf32, #tpu.memory_space<vmem>>[vector<16xi32>, vector<16xi32>], vector<16xf32>,
        %mul3A_3065 = arith.mulf %gather3A_2994, %gather3A_3064 : vector<16xf32>
        %add3A_3066 = arith.addf %scan3A_2974, %mul3A_3065 : vector<16xf32>
        %add3A_3067 = vector.broadcast %scan3A_2966 : i32 to vector<16xi32>
        %add3A_3068 = arith.addi %mul3A_435, %add3A_3067 : vector<16xi32>
        %gather3A_3069 = arith.constant 0 : i32
        %gather3A_3070 = arith.constant 0 : i32
        %gather3A_3071 = tpu.memref_slice %arg16[%scan3A_680, %gather3A_3069, %gather3A_3070] : memref<2x320x128xf32, #tpu.memory_space<vmem>> -> memref<1x320x128xf32, #tpu.memory_space<vmem>>
        %gather3A_3072 = tpu.memref_squeeze %gather3A_3071 : memref<1x320x128xf32, #tpu.memory_space<vmem>> -> memref<320x128xf32, #tpu.memory_space<vmem>>
        %gather3A_3073 = tpu.vector_load_idx %gather3A_3072[%add3A_603, %add3A_3068] : memref<320x128xf32, #tpu.memory_space<vmem>>[vector<16xi32>, vector<16xi32>], vector<16xf32>,
        %mul3A_3074 = arith.mulf %gather3A_2994, %gather3A_3073 : vector<16xf32>
        %add3A_3075 = arith.addf %scan3A_2975, %mul3A_3074 : vector<16xf32>
        %add3A_3076 = vector.broadcast %scan3A_2966 : i32 to vector<16xi32>
        %add3A_3077 = arith.addi %mul3A_445, %add3A_3076 : vector<16xi32>
        %gather3A_3078 = arith.constant 0 : i32
        %gather3A_3079 = arith.constant 0 : i32
        %gather3A_3080 = tpu.memref_slice %arg16[%scan3A_680, %gather3A_3078, %gather3A_3079] : memref<2x320x128xf32, #tpu.memory_space<vmem>> -> memref<1x320x128xf32, #tpu.memory_space<vmem>>
        %gather3A_3081 = tpu.memref_squeeze %gather3A_3080 : memref<1x320x128xf32, #tpu.memory_space<vmem>> -> memref<320x128xf32, #tpu.memory_space<vmem>>
        %gather3A_3082 = tpu.vector_load_idx %gather3A_3081[%add3A_609, %add3A_3077] : memref<320x128xf32, #tpu.memory_space<vmem>>[vector<16xi32>, vector<16xi32>], vector<16xf32>,
        %mul3A_3083 = arith.mulf %gather3A_2994, %gather3A_3082 : vector<16xf32>
        %add3A_3084 = arith.addf %scan3A_2976, %mul3A_3083 : vector<16xf32>
        %add3A_3085 = vector.broadcast %scan3A_2966 : i32 to vector<16xi32>
        %add3A_3086 = arith.addi %mul3A_455, %add3A_3085 : vector<16xi32>
        %gather3A_3087 = arith.constant 0 : i32
        %gather3A_3088 = arith.constant 0 : i32
        %gather3A_3089 = tpu.memref_slice %arg16[%scan3A_680, %gather3A_3087, %gather3A_3088] : memref<2x320x128xf32, #tpu.memory_space<vmem>> -> memref<1x320x128xf32, #tpu.memory_space<vmem>>
        %gather3A_3090 = tpu.memref_squeeze %gather3A_3089 : memref<1x320x128xf32, #tpu.memory_space<vmem>> -> memref<320x128xf32, #tpu.memory_space<vmem>>
        %gather3A_3091 = tpu.vector_load_idx %gather3A_3090[%add3A_615, %add3A_3086] : memref<320x128xf32, #tpu.memory_space<vmem>>[vector<16xi32>, vector<16xi32>], vector<16xf32>,
        %mul3A_3092 = arith.mulf %gather3A_2994, %gather3A_3091 : vector<16xf32>
        %add3A_3093 = arith.addf %scan3A_2977, %mul3A_3092 : vector<16xf32>
        %add3A_3094 = vector.broadcast %scan3A_2966 : i32 to vector<16xi32>
        %add3A_3095 = arith.addi %mul3A_465, %add3A_3094 : vector<16xi32>
        %gather3A_3096 = arith.constant 0 : i32
        %gather3A_3097 = arith.constant 0 : i32
        %gather3A_3098 = tpu.memref_slice %arg16[%scan3A_680, %gather3A_3096, %gather3A_3097] : memref<2x320x128xf32, #tpu.memory_space<vmem>> -> memref<1x320x128xf32, #tpu.memory_space<vmem>>
        %gather3A_3099 = tpu.memref_squeeze %gather3A_3098 : memref<1x320x128xf32, #tpu.memory_space<vmem>> -> memref<320x128xf32, #tpu.memory_space<vmem>>
        %gather3A_3100 = tpu.vector_load_idx %gather3A_3099[%add3A_621, %add3A_3095] : memref<320x128xf32, #tpu.memory_space<vmem>>[vector<16xi32>, vector<16xi32>], vector<16xf32>,
        %mul3A_3101 = arith.mulf %gather3A_2994, %gather3A_3100 : vector<16xf32>
        %add3A_3102 = arith.addf %scan3A_2978, %mul3A_3101 : vector<16xf32>
        %add3A_3103 = vector.broadcast %scan3A_2966 : i32 to vector<16xi32>
        %add3A_3104 = arith.addi %mul3A_475, %add3A_3103 : vector<16xi32>
        %gather3A_3105 = arith.constant 0 : i32
        %gather3A_3106 = arith.constant 0 : i32
        %gather3A_3107 = tpu.memref_slice %arg16[%scan3A_680, %gather3A_3105, %gather3A_3106] : memref<2x320x128xf32, #tpu.memory_space<vmem>> -> memref<1x320x128xf32, #tpu.memory_space<vmem>>
        %gather3A_3108 = tpu.memref_squeeze %gather3A_3107 : memref<1x320x128xf32, #tpu.memory_space<vmem>> -> memref<320x128xf32, #tpu.memory_space<vmem>>
        %gather3A_3109 = tpu.vector_load_idx %gather3A_3108[%add3A_627, %add3A_3104] : memref<320x128xf32, #tpu.memory_space<vmem>>[vector<16xi32>, vector<16xi32>], vector<16xf32>,
        %mul3A_3110 = arith.mulf %gather3A_2994, %gather3A_3109 : vector<16xf32>
        %add3A_3111 = arith.addf %scan3A_2979, %mul3A_3110 : vector<16xf32>
        %add3A_3112 = vector.broadcast %scan3A_2966 : i32 to vector<16xi32>
        %add3A_3113 = arith.addi %mul3A_485, %add3A_3112 : vector<16xi32>
        %gather3A_3114 = arith.constant 0 : i32
        %gather3A_3115 = arith.constant 0 : i32
        %gather3A_3116 = tpu.memref_slice %arg16[%scan3A_680, %gather3A_3114, %gather3A_3115] : memref<2x320x128xf32, #tpu.memory_space<vmem>> -> memref<1x320x128xf32, #tpu.memory_space<vmem>>
        %gather3A_3117 = tpu.memref_squeeze %gather3A_3116 : memref<1x320x128xf32, #tpu.memory_space<vmem>> -> memref<320x128xf32, #tpu.memory_space<vmem>>
        %gather3A_3118 = tpu.vector_load_idx %gather3A_3117[%add3A_633, %add3A_3113] : memref<320x128xf32, #tpu.memory_space<vmem>>[vector<16xi32>, vector<16xi32>], vector<16xf32>,
        %mul3A_3119 = arith.mulf %gather3A_2994, %gather3A_3118 : vector<16xf32>
        %add3A_3120 = arith.addf %scan3A_2980, %mul3A_3119 : vector<16xf32>
        %add3A_3121 = vector.broadcast %scan3A_2966 : i32 to vector<16xi32>
        %add3A_3122 = arith.addi %mul3A_495, %add3A_3121 : vector<16xi32>
        %gather3A_3123 = arith.constant 0 : i32
        %gather3A_3124 = arith.constant 0 : i32
        %gather3A_3125 = tpu.memref_slice %arg16[%scan3A_680, %gather3A_3123, %gather3A_3124] : memref<2x320x128xf32, #tpu.memory_space<vmem>> -> memref<1x320x128xf32, #tpu.memory_space<vmem>>
        %gather3A_3126 = tpu.memref_squeeze %gather3A_3125 : memref<1x320x128xf32, #tpu.memory_space<vmem>> -> memref<320x128xf32, #tpu.memory_space<vmem>>
        %gather3A_3127 = tpu.vector_load_idx %gather3A_3126[%add3A_639, %add3A_3122] : memref<320x128xf32, #tpu.memory_space<vmem>>[vector<16xi32>, vector<16xi32>], vector<16xf32>,
        %mul3A_3128 = arith.mulf %gather3A_2994, %gather3A_3127 : vector<16xf32>
        %add3A_3129 = arith.addf %scan3A_2981, %mul3A_3128 : vector<16xf32>
        %add3A_3130 = vector.broadcast %scan3A_2966 : i32 to vector<16xi32>
        %add3A_3131 = arith.addi %mul3A_505, %add3A_3130 : vector<16xi32>
        %gather3A_3132 = arith.constant 0 : i32
        %gather3A_3133 = arith.constant 0 : i32
        %gather3A_3134 = tpu.memref_slice %arg16[%scan3A_680, %gather3A_3132, %gather3A_3133] : memref<2x320x128xf32, #tpu.memory_space<vmem>> -> memref<1x320x128xf32, #tpu.memory_space<vmem>>
        %gather3A_3135 = tpu.memref_squeeze %gather3A_3134 : memref<1x320x128xf32, #tpu.memory_space<vmem>> -> memref<320x128xf32, #tpu.memory_space<vmem>>
        %gather3A_3136 = tpu.vector_load_idx %gather3A_3135[%add3A_645, %add3A_3131] : memref<320x128xf32, #tpu.memory_space<vmem>>[vector<16xi32>, vector<16xi32>], vector<16xf32>,
        %mul3A_3137 = arith.mulf %gather3A_2994, %gather3A_3136 : vector<16xf32>
        %add3A_3138 = arith.addf %scan3A_2982, %mul3A_3137 : vector<16xf32>
        %add3A_3139 = vector.broadcast %scan3A_2966 : i32 to vector<16xi32>
        %add3A_3140 = arith.addi %mul3A_515, %add3A_3139 : vector<16xi32>
        %gather3A_3141 = arith.constant 0 : i32
        %gather3A_3142 = arith.constant 0 : i32
        %gather3A_3143 = tpu.memref_slice %arg16[%scan3A_680, %gather3A_3141, %gather3A_3142] : memref<2x320x128xf32, #tpu.memory_space<vmem>> -> memref<1x320x128xf32, #tpu.memory_space<vmem>>
        %gather3A_3144 = tpu.memref_squeeze %gather3A_3143 : memref<1x320x128xf32, #tpu.memory_space<vmem>> -> memref<320x128xf32, #tpu.memory_space<vmem>>
        %gather3A_3145 = tpu.vector_load_idx %gather3A_3144[%add3A_651, %add3A_3140] : memref<320x128xf32, #tpu.memory_space<vmem>>[vector<16xi32>, vector<16xi32>], vector<16xf32>,
        %mul3A_3146 = arith.mulf %gather3A_2994, %gather3A_3145 : vector<16xf32>
        %add3A_3147 = arith.addf %scan3A_2983, %mul3A_3146 : vector<16xf32>
        %add3A_3148 = vector.broadcast %scan3A_2966 : i32 to vector<16xi32>
        %add3A_3149 = arith.addi %mul3A_525, %add3A_3148 : vector<16xi32>
        %gather3A_3150 = arith.constant 0 : i32
        %gather3A_3151 = arith.constant 0 : i32
        %gather3A_3152 = tpu.memref_slice %arg16[%scan3A_680, %gather3A_3150, %gather3A_3151] : memref<2x320x128xf32, #tpu.memory_space<vmem>> -> memref<1x320x128xf32, #tpu.memory_space<vmem>>
        %gather3A_3153 = tpu.memref_squeeze %gather3A_3152 : memref<1x320x128xf32, #tpu.memory_space<vmem>> -> memref<320x128xf32, #tpu.memory_space<vmem>>
        %gather3A_3154 = tpu.vector_load_idx %gather3A_3153[%add3A_657, %add3A_3149] : memref<320x128xf32, #tpu.memory_space<vmem>>[vector<16xi32>, vector<16xi32>], vector<16xf32>,
        %mul3A_3155 = arith.mulf %gather3A_2994, %gather3A_3154 : vector<16xf32>
        %add3A_3156 = arith.addf %scan3A_2984, %mul3A_3155 : vector<16xf32>
        %add3A_3157 = vector.broadcast %scan3A_2966 : i32 to vector<16xi32>
        %add3A_3158 = arith.addi %mul3A_535, %add3A_3157 : vector<16xi32>
        %gather3A_3159 = arith.constant 0 : i32
        %gather3A_3160 = arith.constant 0 : i32
        %gather3A_3161 = tpu.memref_slice %arg16[%scan3A_680, %gather3A_3159, %gather3A_3160] : memref<2x320x128xf32, #tpu.memory_space<vmem>> -> memref<1x320x128xf32, #tpu.memory_space<vmem>>
        %gather3A_3162 = tpu.memref_squeeze %gather3A_3161 : memref<1x320x128xf32, #tpu.memory_space<vmem>> -> memref<320x128xf32, #tpu.memory_space<vmem>>
        %gather3A_3163 = tpu.vector_load_idx %gather3A_3162[%add3A_663, %add3A_3158] : memref<320x128xf32, #tpu.memory_space<vmem>>[vector<16xi32>, vector<16xi32>], vector<16xf32>,
        %mul3A_3164 = arith.mulf %gather3A_2994, %gather3A_3163 : vector<16xf32>
        %add3A_3165 = arith.addf %scan3A_2985, %mul3A_3164 : vector<16xf32>
        %add3A_3166 = vector.broadcast %scan3A_2966 : i32 to vector<16xi32>
        %add3A_3167 = arith.addi %mul3A_545, %add3A_3166 : vector<16xi32>
        %gather3A_3168 = arith.constant 0 : i32
        %gather3A_3169 = arith.constant 0 : i32
        %gather3A_3170 = tpu.memref_slice %arg16[%scan3A_680, %gather3A_3168, %gather3A_3169] : memref<2x320x128xf32, #tpu.memory_space<vmem>> -> memref<1x320x128xf32, #tpu.memory_space<vmem>>
        %gather3A_3171 = tpu.memref_squeeze %gather3A_3170 : memref<1x320x128xf32, #tpu.memory_space<vmem>> -> memref<320x128xf32, #tpu.memory_space<vmem>>
        %gather3A_3172 = tpu.vector_load_idx %gather3A_3171[%add3A_669, %add3A_3167] : memref<320x128xf32, #tpu.memory_space<vmem>>[vector<16xi32>, vector<16xi32>], vector<16xf32>,
        %mul3A_3173 = arith.mulf %gather3A_2994, %gather3A_3172 : vector<16xf32>
        %add3A_3174 = arith.addf %scan3A_2986, %mul3A_3173 : vector<16xf32>
        %add3A_3175 = vector.broadcast %scan3A_2966 : i32 to vector<16xi32>
        %add3A_3176 = arith.addi %mul3A_555, %add3A_3175 : vector<16xi32>
        %gather3A_3177 = arith.constant 0 : i32
        %gather3A_3178 = arith.constant 0 : i32
        %gather3A_3179 = tpu.memref_slice %arg16[%scan3A_680, %gather3A_3177, %gather3A_3178] : memref<2x320x128xf32, #tpu.memory_space<vmem>> -> memref<1x320x128xf32, #tpu.memory_space<vmem>>
        %gather3A_3180 = tpu.memref_squeeze %gather3A_3179 : memref<1x320x128xf32, #tpu.memory_space<vmem>> -> memref<320x128xf32, #tpu.memory_space<vmem>>
        %gather3A_3181 = tpu.vector_load_idx %gather3A_3180[%add3A_675, %add3A_3176] : memref<320x128xf32, #tpu.memory_space<vmem>>[vector<16xi32>, vector<16xi32>], vector<16xf32>,
        %mul3A_3182 = arith.mulf %gather3A_2994, %gather3A_3181 : vector<16xf32>
        %add3A_3183 = arith.addf %scan3A_2987, %mul3A_3182 : vector<16xf32>
        scf.yield %add3A_3003, %add3A_3012, %add3A_3021, %add3A_3030, %add3A_3039, %add3A_3048, %add3A_3057, %add3A_3066, %add3A_3075, %add3A_3084, %add3A_3093, %add3A_3102, %add3A_3111, %add3A_3120, %add3A_3129, %add3A_3138, %add3A_3147, %add3A_3156, %add3A_3165, %add3A_3174, %add3A_3183 : vector<16xf32>, vector<16xf32>, vector<16xf32>, vector<16xf32>, vector<16xf32>, vector<16xf32>, vector<16xf32>, vector<16xf32>, vector<16xf32>, vector<16xf32>, vector<16xf32>, vector<16xf32>, vector<16xf32>, vector<16xf32>, vector<16xf32>, vector<16xf32>, vector<16xf32>, vector<16xf32>, vector<16xf32>, vector<16xf32>, vector<16xf32>
      }
      %scan3A_686 = arith.constant 64 : i32
      %abs3A = math.absf %scan3A_685#0 : vector<16xf32>
      %neg3A = arith.constant 0.000000e+00 : f32
      %neg3A_687 = vector.broadcast %neg3A : f32 to vector<16xf32>
      %neg3A_688 = arith.subf %neg3A_687, %abs3A : vector<16xf32>
      %exp3A = math.exp %neg3A_688 : vector<16xf32>
      %add3A_689 = arith.constant 2.000000e+00 : f32
      %add3A_690 = vector.broadcast %add3A_689 : f32 to vector<16xf32>
      %add3A_691 = arith.addf %add3A_690, %exp3A : vector<16xf32>
      %div3A = arith.divf %exp3A, %add3A_691 : vector<16xf32>
      %mul3A_692 = arith.mulf %div3A, %div3A : vector<16xf32>
      %mul3A_693 = arith.constant 2.000000e+00 : f32
      %mul3A_694 = vector.broadcast %mul3A_693 : f32 to vector<16xf32>
      %mul3A_695 = arith.mulf %mul3A_694, %div3A : vector<16xf32>
      %mul3A_696 = arith.constant 0.111111112 : f32
      %mul3A_697 = vector.broadcast %mul3A_696 : f32 to vector<16xf32>
      %mul3A_698 = arith.mulf %mul3A_692, %mul3A_697 : vector<16xf32>
      %add3A_699 = arith.constant 0.142857149 : f32
      %add3A_700 = vector.broadcast %add3A_699 : f32 to vector<16xf32>
      %add3A_701 = arith.addf %add3A_700, %mul3A_698 : vector<16xf32>
      %mul3A_702 = arith.mulf %mul3A_692, %add3A_701 : vector<16xf32>
      %add3A_703 = arith.constant 2.000000e-01 : f32
      %add3A_704 = vector.broadcast %add3A_703 : f32 to vector<16xf32>
      %add3A_705 = arith.addf %add3A_704, %mul3A_702 : vector<16xf32>
      %mul3A_706 = arith.mulf %mul3A_692, %add3A_705 : vector<16xf32>
      %add3A_707 = arith.constant 0.333333343 : f32
      %add3A_708 = vector.broadcast %add3A_707 : f32 to vector<16xf32>
      %add3A_709 = arith.addf %add3A_708, %mul3A_706 : vector<16xf32>
      %mul3A_710 = arith.mulf %mul3A_692, %add3A_709 : vector<16xf32>
      %add3A_711 = arith.constant 1.000000e+00 : f32
      %add3A_712 = vector.broadcast %add3A_711 : f32 to vector<16xf32>
      %add3A_713 = arith.addf %add3A_712, %mul3A_710 : vector<16xf32>
      %mul3A_714 = arith.mulf %mul3A_695, %add3A_713 : vector<16xf32>
      %min3A = arith.constant 0.000000e+00 : f32
      %min3A_715 = vector.broadcast %min3A : f32 to vector<16xf32>
      %min3A_716 = arith.minimumf %scan3A_685#0, %min3A_715 : vector<16xf32>
      %sub3A = arith.subf %min3A_716, %mul3A_714 : vector<16xf32>
      %neg3A_717 = arith.constant 0.000000e+00 : f32
      %neg3A_718 = vector.broadcast %neg3A_717 : f32 to vector<16xf32>
      %neg3A_719 = arith.subf %neg3A_718, %scan3A_685#1 : vector<16xf32>
      %abs3A_720 = math.absf %neg3A_719 : vector<16xf32>
      %neg3A_721 = arith.constant 0.000000e+00 : f32
      %neg3A_722 = vector.broadcast %neg3A_721 : f32 to vector<16xf32>
      %neg3A_723 = arith.subf %neg3A_722, %abs3A_720 : vector<16xf32>
      %exp3A_724 = math.exp %neg3A_723 : vector<16xf32>
      %add3A_725 = arith.constant 2.000000e+00 : f32
      %add3A_726 = vector.broadcast %add3A_725 : f32 to vector<16xf32>
      %add3A_727 = arith.addf %add3A_726, %exp3A_724 : vector<16xf32>
      %div3A_728 = arith.divf %exp3A_724, %add3A_727 : vector<16xf32>
      %mul3A_729 = arith.mulf %div3A_728, %div3A_728 : vector<16xf32>
      %mul3A_730 = arith.constant 2.000000e+00 : f32
      %mul3A_731 = vector.broadcast %mul3A_730 : f32 to vector<16xf32>
      %mul3A_732 = arith.mulf %mul3A_731, %div3A_728 : vector<16xf32>
      %mul3A_733 = arith.constant 0.111111112 : f32
      %mul3A_734 = vector.broadcast %mul3A_733 : f32 to vector<16xf32>
      %mul3A_735 = arith.mulf %mul3A_729, %mul3A_734 : vector<16xf32>
      %add3A_736 = arith.constant 0.142857149 : f32
      %add3A_737 = vector.broadcast %add3A_736 : f32 to vector<16xf32>
      %add3A_738 = arith.addf %add3A_737, %mul3A_735 : vector<16xf32>
      %mul3A_739 = arith.mulf %mul3A_729, %add3A_738 : vector<16xf32>
      %add3A_740 = arith.constant 2.000000e-01 : f32
      %add3A_741 = vector.broadcast %add3A_740 : f32 to vector<16xf32>
      %add3A_742 = arith.addf %add3A_741, %mul3A_739 : vector<16xf32>
      %mul3A_743 = arith.mulf %mul3A_729, %add3A_742 : vector<16xf32>
      %add3A_744 = arith.constant 0.333333343 : f32
      %add3A_745 = vector.broadcast %add3A_744 : f32 to vector<16xf32>
      %add3A_746 = arith.addf %add3A_745, %mul3A_743 : vector<16xf32>
      %mul3A_747 = arith.mulf %mul3A_729, %add3A_746 : vector<16xf32>
      %add3A_748 = arith.constant 1.000000e+00 : f32
      %add3A_749 = vector.broadcast %add3A_748 : f32 to vector<16xf32>
      %add3A_750 = arith.addf %add3A_749, %mul3A_747 : vector<16xf32>
      %mul3A_751 = arith.mulf %mul3A_732, %add3A_750 : vector<16xf32>
      %min3A_752 = arith.constant 0.000000e+00 : f32
      %min3A_753 = vector.broadcast %min3A_752 : f32 to vector<16xf32>
      %min3A_754 = arith.minimumf %neg3A_719, %min3A_753 : vector<16xf32>
      %sub3A_755 = arith.subf %min3A_754, %mul3A_751 : vector<16xf32>
      %add3A_756 = arith.addf %sub3A, %sub3A_755 : vector<16xf32>
      %neg3A_757 = arith.constant 0.000000e+00 : f32
      %neg3A_758 = vector.broadcast %neg3A_757 : f32 to vector<16xf32>
      %neg3A_759 = arith.subf %neg3A_758, %scan3A_685#2 : vector<16xf32>
      %abs3A_760 = math.absf %neg3A_759 : vector<16xf32>
      %neg3A_761 = arith.constant 0.000000e+00 : f32
      %neg3A_762 = vector.broadcast %neg3A_761 : f32 to vector<16xf32>
      %neg3A_763 = arith.subf %neg3A_762, %abs3A_760 : vector<16xf32>
      %exp3A_764 = math.exp %neg3A_763 : vector<16xf32>
      %add3A_765 = arith.constant 2.000000e+00 : f32
      %add3A_766 = vector.broadcast %add3A_765 : f32 to vector<16xf32>
      %add3A_767 = arith.addf %add3A_766, %exp3A_764 : vector<16xf32>
      %div3A_768 = arith.divf %exp3A_764, %add3A_767 : vector<16xf32>
      %mul3A_769 = arith.mulf %div3A_768, %div3A_768 : vector<16xf32>
      %mul3A_770 = arith.constant 2.000000e+00 : f32
      %mul3A_771 = vector.broadcast %mul3A_770 : f32 to vector<16xf32>
      %mul3A_772 = arith.mulf %mul3A_771, %div3A_768 : vector<16xf32>
      %mul3A_773 = arith.constant 0.111111112 : f32
      %mul3A_774 = vector.broadcast %mul3A_773 : f32 to vector<16xf32>
      %mul3A_775 = arith.mulf %mul3A_769, %mul3A_774 : vector<16xf32>
      %add3A_776 = arith.constant 0.142857149 : f32
      %add3A_777 = vector.broadcast %add3A_776 : f32 to vector<16xf32>
      %add3A_778 = arith.addf %add3A_777, %mul3A_775 : vector<16xf32>
      %mul3A_779 = arith.mulf %mul3A_769, %add3A_778 : vector<16xf32>
      %add3A_780 = arith.constant 2.000000e-01 : f32
      %add3A_781 = vector.broadcast %add3A_780 : f32 to vector<16xf32>
      %add3A_782 = arith.addf %add3A_781, %mul3A_779 : vector<16xf32>
      %mul3A_783 = arith.mulf %mul3A_769, %add3A_782 : vector<16xf32>
      %add3A_784 = arith.constant 0.333333343 : f32
      %add3A_785 = vector.broadcast %add3A_784 : f32 to vector<16xf32>
      %add3A_786 = arith.addf %add3A_785, %mul3A_783 : vector<16xf32>
      %mul3A_787 = arith.mulf %mul3A_769, %add3A_786 : vector<16xf32>
      %add3A_788 = arith.constant 1.000000e+00 : f32
      %add3A_789 = vector.broadcast %add3A_788 : f32 to vector<16xf32>
      %add3A_790 = arith.addf %add3A_789, %mul3A_787 : vector<16xf32>
      %mul3A_791 = arith.mulf %mul3A_772, %add3A_790 : vector<16xf32>
      %min3A_792 = arith.constant 0.000000e+00 : f32
      %min3A_793 = vector.broadcast %min3A_792 : f32 to vector<16xf32>
      %min3A_794 = arith.minimumf %neg3A_759, %min3A_793 : vector<16xf32>
      %sub3A_795 = arith.subf %min3A_794, %mul3A_791 : vector<16xf32>
      %add3A_796 = arith.addf %add3A_756, %sub3A_795 : vector<16xf32>
      %neg3A_797 = arith.constant 0.000000e+00 : f32
      %neg3A_798 = vector.broadcast %neg3A_797 : f32 to vector<16xf32>
      %neg3A_799 = arith.subf %neg3A_798, %scan3A_685#3 : vector<16xf32>
      %abs3A_800 = math.absf %neg3A_799 : vector<16xf32>
      %neg3A_801 = arith.constant 0.000000e+00 : f32
      %neg3A_802 = vector.broadcast %neg3A_801 : f32 to vector<16xf32>
      %neg3A_803 = arith.subf %neg3A_802, %abs3A_800 : vector<16xf32>
      %exp3A_804 = math.exp %neg3A_803 : vector<16xf32>
      %add3A_805 = arith.constant 2.000000e+00 : f32
      %add3A_806 = vector.broadcast %add3A_805 : f32 to vector<16xf32>
      %add3A_807 = arith.addf %add3A_806, %exp3A_804 : vector<16xf32>
      %div3A_808 = arith.divf %exp3A_804, %add3A_807 : vector<16xf32>
      %mul3A_809 = arith.mulf %div3A_808, %div3A_808 : vector<16xf32>
      %mul3A_810 = arith.constant 2.000000e+00 : f32
      %mul3A_811 = vector.broadcast %mul3A_810 : f32 to vector<16xf32>
      %mul3A_812 = arith.mulf %mul3A_811, %div3A_808 : vector<16xf32>
      %mul3A_813 = arith.constant 0.111111112 : f32
      %mul3A_814 = vector.broadcast %mul3A_813 : f32 to vector<16xf32>
      %mul3A_815 = arith.mulf %mul3A_809, %mul3A_814 : vector<16xf32>
      %add3A_816 = arith.constant 0.142857149 : f32
      %add3A_817 = vector.broadcast %add3A_816 : f32 to vector<16xf32>
      %add3A_818 = arith.addf %add3A_817, %mul3A_815 : vector<16xf32>
      %mul3A_819 = arith.mulf %mul3A_809, %add3A_818 : vector<16xf32>
      %add3A_820 = arith.constant 2.000000e-01 : f32
      %add3A_821 = vector.broadcast %add3A_820 : f32 to vector<16xf32>
      %add3A_822 = arith.addf %add3A_821, %mul3A_819 : vector<16xf32>
      %mul3A_823 = arith.mulf %mul3A_809, %add3A_822 : vector<16xf32>
      %add3A_824 = arith.constant 0.333333343 : f32
      %add3A_825 = vector.broadcast %add3A_824 : f32 to vector<16xf32>
      %add3A_826 = arith.addf %add3A_825, %mul3A_823 : vector<16xf32>
      %mul3A_827 = arith.mulf %mul3A_809, %add3A_826 : vector<16xf32>
      %add3A_828 = arith.constant 1.000000e+00 : f32
      %add3A_829 = vector.broadcast %add3A_828 : f32 to vector<16xf32>
      %add3A_830 = arith.addf %add3A_829, %mul3A_827 : vector<16xf32>
      %mul3A_831 = arith.mulf %mul3A_812, %add3A_830 : vector<16xf32>
      %min3A_832 = arith.constant 0.000000e+00 : f32
      %min3A_833 = vector.broadcast %min3A_832 : f32 to vector<16xf32>
      %min3A_834 = arith.minimumf %neg3A_799, %min3A_833 : vector<16xf32>
      %sub3A_835 = arith.subf %min3A_834, %mul3A_831 : vector<16xf32>
      %add3A_836 = arith.addf %add3A_796, %sub3A_835 : vector<16xf32>
      %neg3A_837 = arith.constant 0.000000e+00 : f32
      %neg3A_838 = vector.broadcast %neg3A_837 : f32 to vector<16xf32>
      %neg3A_839 = arith.subf %neg3A_838, %scan3A_685#4 : vector<16xf32>
      %abs3A_840 = math.absf %neg3A_839 : vector<16xf32>
      %neg3A_841 = arith.constant 0.000000e+00 : f32
      %neg3A_842 = vector.broadcast %neg3A_841 : f32 to vector<16xf32>
      %neg3A_843 = arith.subf %neg3A_842, %abs3A_840 : vector<16xf32>
      %exp3A_844 = math.exp %neg3A_843 : vector<16xf32>
      %add3A_845 = arith.constant 2.000000e+00 : f32
      %add3A_846 = vector.broadcast %add3A_845 : f32 to vector<16xf32>
      %add3A_847 = arith.addf %add3A_846, %exp3A_844 : vector<16xf32>
      %div3A_848 = arith.divf %exp3A_844, %add3A_847 : vector<16xf32>
      %mul3A_849 = arith.mulf %div3A_848, %div3A_848 : vector<16xf32>
      %mul3A_850 = arith.constant 2.000000e+00 : f32
      %mul3A_851 = vector.broadcast %mul3A_850 : f32 to vector<16xf32>
      %mul3A_852 = arith.mulf %mul3A_851, %div3A_848 : vector<16xf32>
      %mul3A_853 = arith.constant 0.111111112 : f32
      %mul3A_854 = vector.broadcast %mul3A_853 : f32 to vector<16xf32>
      %mul3A_855 = arith.mulf %mul3A_849, %mul3A_854 : vector<16xf32>
      %add3A_856 = arith.constant 0.142857149 : f32
      %add3A_857 = vector.broadcast %add3A_856 : f32 to vector<16xf32>
      %add3A_858 = arith.addf %add3A_857, %mul3A_855 : vector<16xf32>
      %mul3A_859 = arith.mulf %mul3A_849, %add3A_858 : vector<16xf32>
      %add3A_860 = arith.constant 2.000000e-01 : f32
      %add3A_861 = vector.broadcast %add3A_860 : f32 to vector<16xf32>
      %add3A_862 = arith.addf %add3A_861, %mul3A_859 : vector<16xf32>
      %mul3A_863 = arith.mulf %mul3A_849, %add3A_862 : vector<16xf32>
      %add3A_864 = arith.constant 0.333333343 : f32
      %add3A_865 = vector.broadcast %add3A_864 : f32 to vector<16xf32>
      %add3A_866 = arith.addf %add3A_865, %mul3A_863 : vector<16xf32>
      %mul3A_867 = arith.mulf %mul3A_849, %add3A_866 : vector<16xf32>
      %add3A_868 = arith.constant 1.000000e+00 : f32
      %add3A_869 = vector.broadcast %add3A_868 : f32 to vector<16xf32>
      %add3A_870 = arith.addf %add3A_869, %mul3A_867 : vector<16xf32>
      %mul3A_871 = arith.mulf %mul3A_852, %add3A_870 : vector<16xf32>
      %min3A_872 = arith.constant 0.000000e+00 : f32
      %min3A_873 = vector.broadcast %min3A_872 : f32 to vector<16xf32>
      %min3A_874 = arith.minimumf %neg3A_839, %min3A_873 : vector<16xf32>
      %sub3A_875 = arith.subf %min3A_874, %mul3A_871 : vector<16xf32>
      %add3A_876 = arith.addf %add3A_836, %sub3A_875 : vector<16xf32>
      %neg3A_877 = arith.constant 0.000000e+00 : f32
      %neg3A_878 = vector.broadcast %neg3A_877 : f32 to vector<16xf32>
      %neg3A_879 = arith.subf %neg3A_878, %scan3A_685#5 : vector<16xf32>
      %abs3A_880 = math.absf %neg3A_879 : vector<16xf32>
      %neg3A_881 = arith.constant 0.000000e+00 : f32
      %neg3A_882 = vector.broadcast %neg3A_881 : f32 to vector<16xf32>
      %neg3A_883 = arith.subf %neg3A_882, %abs3A_880 : vector<16xf32>
      %exp3A_884 = math.exp %neg3A_883 : vector<16xf32>
      %add3A_885 = arith.constant 2.000000e+00 : f32
      %add3A_886 = vector.broadcast %add3A_885 : f32 to vector<16xf32>
      %add3A_887 = arith.addf %add3A_886, %exp3A_884 : vector<16xf32>
      %div3A_888 = arith.divf %exp3A_884, %add3A_887 : vector<16xf32>
      %mul3A_889 = arith.mulf %div3A_888, %div3A_888 : vector<16xf32>
      %mul3A_890 = arith.constant 2.000000e+00 : f32
      %mul3A_891 = vector.broadcast %mul3A_890 : f32 to vector<16xf32>
      %mul3A_892 = arith.mulf %mul3A_891, %div3A_888 : vector<16xf32>
      %mul3A_893 = arith.constant 0.111111112 : f32
      %mul3A_894 = vector.broadcast %mul3A_893 : f32 to vector<16xf32>
      %mul3A_895 = arith.mulf %mul3A_889, %mul3A_894 : vector<16xf32>
      %add3A_896 = arith.constant 0.142857149 : f32
      %add3A_897 = vector.broadcast %add3A_896 : f32 to vector<16xf32>
      %add3A_898 = arith.addf %add3A_897, %mul3A_895 : vector<16xf32>
      %mul3A_899 = arith.mulf %mul3A_889, %add3A_898 : vector<16xf32>
      %add3A_900 = arith.constant 2.000000e-01 : f32
      %add3A_901 = vector.broadcast %add3A_900 : f32 to vector<16xf32>
      %add3A_902 = arith.addf %add3A_901, %mul3A_899 : vector<16xf32>
      %mul3A_903 = arith.mulf %mul3A_889, %add3A_902 : vector<16xf32>
      %add3A_904 = arith.constant 0.333333343 : f32
      %add3A_905 = vector.broadcast %add3A_904 : f32 to vector<16xf32>
      %add3A_906 = arith.addf %add3A_905, %mul3A_903 : vector<16xf32>
      %mul3A_907 = arith.mulf %mul3A_889, %add3A_906 : vector<16xf32>
      %add3A_908 = arith.constant 1.000000e+00 : f32
      %add3A_909 = vector.broadcast %add3A_908 : f32 to vector<16xf32>
      %add3A_910 = arith.addf %add3A_909, %mul3A_907 : vector<16xf32>
      %mul3A_911 = arith.mulf %mul3A_892, %add3A_910 : vector<16xf32>
      %min3A_912 = arith.constant 0.000000e+00 : f32
      %min3A_913 = vector.broadcast %min3A_912 : f32 to vector<16xf32>
      %min3A_914 = arith.minimumf %neg3A_879, %min3A_913 : vector<16xf32>
      %sub3A_915 = arith.subf %min3A_914, %mul3A_911 : vector<16xf32>
      %add3A_916 = arith.addf %add3A_876, %sub3A_915 : vector<16xf32>
      %neg3A_917 = arith.constant 0.000000e+00 : f32
      %neg3A_918 = vector.broadcast %neg3A_917 : f32 to vector<16xf32>
      %neg3A_919 = arith.subf %neg3A_918, %scan3A_685#6 : vector<16xf32>
      %abs3A_920 = math.absf %neg3A_919 : vector<16xf32>
      %neg3A_921 = arith.constant 0.000000e+00 : f32
      %neg3A_922 = vector.broadcast %neg3A_921 : f32 to vector<16xf32>
      %neg3A_923 = arith.subf %neg3A_922, %abs3A_920 : vector<16xf32>
      %exp3A_924 = math.exp %neg3A_923 : vector<16xf32>
      %add3A_925 = arith.constant 2.000000e+00 : f32
      %add3A_926 = vector.broadcast %add3A_925 : f32 to vector<16xf32>
      %add3A_927 = arith.addf %add3A_926, %exp3A_924 : vector<16xf32>
      %div3A_928 = arith.divf %exp3A_924, %add3A_927 : vector<16xf32>
      %mul3A_929 = arith.mulf %div3A_928, %div3A_928 : vector<16xf32>
      %mul3A_930 = arith.constant 2.000000e+00 : f32
      %mul3A_931 = vector.broadcast %mul3A_930 : f32 to vector<16xf32>
      %mul3A_932 = arith.mulf %mul3A_931, %div3A_928 : vector<16xf32>
      %mul3A_933 = arith.constant 0.111111112 : f32
      %mul3A_934 = vector.broadcast %mul3A_933 : f32 to vector<16xf32>
      %mul3A_935 = arith.mulf %mul3A_929, %mul3A_934 : vector<16xf32>
      %add3A_936 = arith.constant 0.142857149 : f32
      %add3A_937 = vector.broadcast %add3A_936 : f32 to vector<16xf32>
      %add3A_938 = arith.addf %add3A_937, %mul3A_935 : vector<16xf32>
      %mul3A_939 = arith.mulf %mul3A_929, %add3A_938 : vector<16xf32>
      %add3A_940 = arith.constant 2.000000e-01 : f32
      %add3A_941 = vector.broadcast %add3A_940 : f32 to vector<16xf32>
      %add3A_942 = arith.addf %add3A_941, %mul3A_939 : vector<16xf32>
      %mul3A_943 = arith.mulf %mul3A_929, %add3A_942 : vector<16xf32>
      %add3A_944 = arith.constant 0.333333343 : f32
      %add3A_945 = vector.broadcast %add3A_944 : f32 to vector<16xf32>
      %add3A_946 = arith.addf %add3A_945, %mul3A_943 : vector<16xf32>
      %mul3A_947 = arith.mulf %mul3A_929, %add3A_946 : vector<16xf32>
      %add3A_948 = arith.constant 1.000000e+00 : f32
      %add3A_949 = vector.broadcast %add3A_948 : f32 to vector<16xf32>
      %add3A_950 = arith.addf %add3A_949, %mul3A_947 : vector<16xf32>
      %mul3A_951 = arith.mulf %mul3A_932, %add3A_950 : vector<16xf32>
      %min3A_952 = arith.constant 0.000000e+00 : f32
      %min3A_953 = vector.broadcast %min3A_952 : f32 to vector<16xf32>
      %min3A_954 = arith.minimumf %neg3A_919, %min3A_953 : vector<16xf32>
      %sub3A_955 = arith.subf %min3A_954, %mul3A_951 : vector<16xf32>
      %add3A_956 = arith.addf %add3A_916, %sub3A_955 : vector<16xf32>
      %neg3A_957 = arith.constant 0.000000e+00 : f32
      %neg3A_958 = vector.broadcast %neg3A_957 : f32 to vector<16xf32>
      %neg3A_959 = arith.subf %neg3A_958, %scan3A_685#7 : vector<16xf32>
      %abs3A_960 = math.absf %neg3A_959 : vector<16xf32>
      %neg3A_961 = arith.constant 0.000000e+00 : f32
      %neg3A_962 = vector.broadcast %neg3A_961 : f32 to vector<16xf32>
      %neg3A_963 = arith.subf %neg3A_962, %abs3A_960 : vector<16xf32>
      %exp3A_964 = math.exp %neg3A_963 : vector<16xf32>
      %add3A_965 = arith.constant 2.000000e+00 : f32
      %add3A_966 = vector.broadcast %add3A_965 : f32 to vector<16xf32>
      %add3A_967 = arith.addf %add3A_966, %exp3A_964 : vector<16xf32>
      %div3A_968 = arith.divf %exp3A_964, %add3A_967 : vector<16xf32>
      %mul3A_969 = arith.mulf %div3A_968, %div3A_968 : vector<16xf32>
      %mul3A_970 = arith.constant 2.000000e+00 : f32
      %mul3A_971 = vector.broadcast %mul3A_970 : f32 to vector<16xf32>
      %mul3A_972 = arith.mulf %mul3A_971, %div3A_968 : vector<16xf32>
      %mul3A_973 = arith.constant 0.111111112 : f32
      %mul3A_974 = vector.broadcast %mul3A_973 : f32 to vector<16xf32>
      %mul3A_975 = arith.mulf %mul3A_969, %mul3A_974 : vector<16xf32>
      %add3A_976 = arith.constant 0.142857149 : f32
      %add3A_977 = vector.broadcast %add3A_976 : f32 to vector<16xf32>
      %add3A_978 = arith.addf %add3A_977, %mul3A_975 : vector<16xf32>
      %mul3A_979 = arith.mulf %mul3A_969, %add3A_978 : vector<16xf32>
      %add3A_980 = arith.constant 2.000000e-01 : f32
      %add3A_981 = vector.broadcast %add3A_980 : f32 to vector<16xf32>
      %add3A_982 = arith.addf %add3A_981, %mul3A_979 : vector<16xf32>
      %mul3A_983 = arith.mulf %mul3A_969, %add3A_982 : vector<16xf32>
      %add3A_984 = arith.constant 0.333333343 : f32
      %add3A_985 = vector.broadcast %add3A_984 : f32 to vector<16xf32>
      %add3A_986 = arith.addf %add3A_985, %mul3A_983 : vector<16xf32>
      %mul3A_987 = arith.mulf %mul3A_969, %add3A_986 : vector<16xf32>
      %add3A_988 = arith.constant 1.000000e+00 : f32
      %add3A_989 = vector.broadcast %add3A_988 : f32 to vector<16xf32>
      %add3A_990 = arith.addf %add3A_989, %mul3A_987 : vector<16xf32>
      %mul3A_991 = arith.mulf %mul3A_972, %add3A_990 : vector<16xf32>
      %min3A_992 = arith.constant 0.000000e+00 : f32
      %min3A_993 = vector.broadcast %min3A_992 : f32 to vector<16xf32>
      %min3A_994 = arith.minimumf %neg3A_959, %min3A_993 : vector<16xf32>
      %sub3A_995 = arith.subf %min3A_994, %mul3A_991 : vector<16xf32>
      %add3A_996 = arith.addf %add3A_956, %sub3A_995 : vector<16xf32>
      %neg3A_997 = arith.constant 0.000000e+00 : f32
      %neg3A_998 = vector.broadcast %neg3A_997 : f32 to vector<16xf32>
      %neg3A_999 = arith.subf %neg3A_998, %scan3A_685#8 : vector<16xf32>
      %abs3A_1000 = math.absf %neg3A_999 : vector<16xf32>
      %neg3A_1001 = arith.constant 0.000000e+00 : f32
      %neg3A_1002 = vector.broadcast %neg3A_1001 : f32 to vector<16xf32>
      %neg3A_1003 = arith.subf %neg3A_1002, %abs3A_1000 : vector<16xf32>
      %exp3A_1004 = math.exp %neg3A_1003 : vector<16xf32>
      %add3A_1005 = arith.constant 2.000000e+00 : f32
      %add3A_1006 = vector.broadcast %add3A_1005 : f32 to vector<16xf32>
      %add3A_1007 = arith.addf %add3A_1006, %exp3A_1004 : vector<16xf32>
      %div3A_1008 = arith.divf %exp3A_1004, %add3A_1007 : vector<16xf32>
      %mul3A_1009 = arith.mulf %div3A_1008, %div3A_1008 : vector<16xf32>
      %mul3A_1010 = arith.constant 2.000000e+00 : f32
      %mul3A_1011 = vector.broadcast %mul3A_1010 : f32 to vector<16xf32>
      %mul3A_1012 = arith.mulf %mul3A_1011, %div3A_1008 : vector<16xf32>
      %mul3A_1013 = arith.constant 0.111111112 : f32
      %mul3A_1014 = vector.broadcast %mul3A_1013 : f32 to vector<16xf32>
      %mul3A_1015 = arith.mulf %mul3A_1009, %mul3A_1014 : vector<16xf32>
      %add3A_1016 = arith.constant 0.142857149 : f32
      %add3A_1017 = vector.broadcast %add3A_1016 : f32 to vector<16xf32>
      %add3A_1018 = arith.addf %add3A_1017, %mul3A_1015 : vector<16xf32>
      %mul3A_1019 = arith.mulf %mul3A_1009, %add3A_1018 : vector<16xf32>
      %add3A_1020 = arith.constant 2.000000e-01 : f32
      %add3A_1021 = vector.broadcast %add3A_1020 : f32 to vector<16xf32>
      %add3A_1022 = arith.addf %add3A_1021, %mul3A_1019 : vector<16xf32>
      %mul3A_1023 = arith.mulf %mul3A_1009, %add3A_1022 : vector<16xf32>
      %add3A_1024 = arith.constant 0.333333343 : f32
      %add3A_1025 = vector.broadcast %add3A_1024 : f32 to vector<16xf32>
      %add3A_1026 = arith.addf %add3A_1025, %mul3A_1023 : vector<16xf32>
      %mul3A_1027 = arith.mulf %mul3A_1009, %add3A_1026 : vector<16xf32>
      %add3A_1028 = arith.constant 1.000000e+00 : f32
      %add3A_1029 = vector.broadcast %add3A_1028 : f32 to vector<16xf32>
      %add3A_1030 = arith.addf %add3A_1029, %mul3A_1027 : vector<16xf32>
      %mul3A_1031 = arith.mulf %mul3A_1012, %add3A_1030 : vector<16xf32>
      %min3A_1032 = arith.constant 0.000000e+00 : f32
      %min3A_1033 = vector.broadcast %min3A_1032 : f32 to vector<16xf32>
      %min3A_1034 = arith.minimumf %neg3A_999, %min3A_1033 : vector<16xf32>
      %sub3A_1035 = arith.subf %min3A_1034, %mul3A_1031 : vector<16xf32>
      %add3A_1036 = arith.addf %add3A_996, %sub3A_1035 : vector<16xf32>
      %neg3A_1037 = arith.constant 0.000000e+00 : f32
      %neg3A_1038 = vector.broadcast %neg3A_1037 : f32 to vector<16xf32>
      %neg3A_1039 = arith.subf %neg3A_1038, %scan3A_685#9 : vector<16xf32>
      %abs3A_1040 = math.absf %neg3A_1039 : vector<16xf32>
      %neg3A_1041 = arith.constant 0.000000e+00 : f32
      %neg3A_1042 = vector.broadcast %neg3A_1041 : f32 to vector<16xf32>
      %neg3A_1043 = arith.subf %neg3A_1042, %abs3A_1040 : vector<16xf32>
      %exp3A_1044 = math.exp %neg3A_1043 : vector<16xf32>
      %add3A_1045 = arith.constant 2.000000e+00 : f32
      %add3A_1046 = vector.broadcast %add3A_1045 : f32 to vector<16xf32>
      %add3A_1047 = arith.addf %add3A_1046, %exp3A_1044 : vector<16xf32>
      %div3A_1048 = arith.divf %exp3A_1044, %add3A_1047 : vector<16xf32>
      %mul3A_1049 = arith.mulf %div3A_1048, %div3A_1048 : vector<16xf32>
      %mul3A_1050 = arith.constant 2.000000e+00 : f32
      %mul3A_1051 = vector.broadcast %mul3A_1050 : f32 to vector<16xf32>
      %mul3A_1052 = arith.mulf %mul3A_1051, %div3A_1048 : vector<16xf32>
      %mul3A_1053 = arith.constant 0.111111112 : f32
      %mul3A_1054 = vector.broadcast %mul3A_1053 : f32 to vector<16xf32>
      %mul3A_1055 = arith.mulf %mul3A_1049, %mul3A_1054 : vector<16xf32>
      %add3A_1056 = arith.constant 0.142857149 : f32
      %add3A_1057 = vector.broadcast %add3A_1056 : f32 to vector<16xf32>
      %add3A_1058 = arith.addf %add3A_1057, %mul3A_1055 : vector<16xf32>
      %mul3A_1059 = arith.mulf %mul3A_1049, %add3A_1058 : vector<16xf32>
      %add3A_1060 = arith.constant 2.000000e-01 : f32
      %add3A_1061 = vector.broadcast %add3A_1060 : f32 to vector<16xf32>
      %add3A_1062 = arith.addf %add3A_1061, %mul3A_1059 : vector<16xf32>
      %mul3A_1063 = arith.mulf %mul3A_1049, %add3A_1062 : vector<16xf32>
      %add3A_1064 = arith.constant 0.333333343 : f32
      %add3A_1065 = vector.broadcast %add3A_1064 : f32 to vector<16xf32>
      %add3A_1066 = arith.addf %add3A_1065, %mul3A_1063 : vector<16xf32>
      %mul3A_1067 = arith.mulf %mul3A_1049, %add3A_1066 : vector<16xf32>
      %add3A_1068 = arith.constant 1.000000e+00 : f32
      %add3A_1069 = vector.broadcast %add3A_1068 : f32 to vector<16xf32>
      %add3A_1070 = arith.addf %add3A_1069, %mul3A_1067 : vector<16xf32>
      %mul3A_1071 = arith.mulf %mul3A_1052, %add3A_1070 : vector<16xf32>
      %min3A_1072 = arith.constant 0.000000e+00 : f32
      %min3A_1073 = vector.broadcast %min3A_1072 : f32 to vector<16xf32>
      %min3A_1074 = arith.minimumf %neg3A_1039, %min3A_1073 : vector<16xf32>
      %sub3A_1075 = arith.subf %min3A_1074, %mul3A_1071 : vector<16xf32>
      %add3A_1076 = arith.addf %add3A_1036, %sub3A_1075 : vector<16xf32>
      %neg3A_1077 = arith.constant 0.000000e+00 : f32
      %neg3A_1078 = vector.broadcast %neg3A_1077 : f32 to vector<16xf32>
      %neg3A_1079 = arith.subf %neg3A_1078, %scan3A_685#10 : vector<16xf32>
      %abs3A_1080 = math.absf %neg3A_1079 : vector<16xf32>
      %neg3A_1081 = arith.constant 0.000000e+00 : f32
      %neg3A_1082 = vector.broadcast %neg3A_1081 : f32 to vector<16xf32>
      %neg3A_1083 = arith.subf %neg3A_1082, %abs3A_1080 : vector<16xf32>
      %exp3A_1084 = math.exp %neg3A_1083 : vector<16xf32>
      %add3A_1085 = arith.constant 2.000000e+00 : f32
      %add3A_1086 = vector.broadcast %add3A_1085 : f32 to vector<16xf32>
      %add3A_1087 = arith.addf %add3A_1086, %exp3A_1084 : vector<16xf32>
      %div3A_1088 = arith.divf %exp3A_1084, %add3A_1087 : vector<16xf32>
      %mul3A_1089 = arith.mulf %div3A_1088, %div3A_1088 : vector<16xf32>
      %mul3A_1090 = arith.constant 2.000000e+00 : f32
      %mul3A_1091 = vector.broadcast %mul3A_1090 : f32 to vector<16xf32>
      %mul3A_1092 = arith.mulf %mul3A_1091, %div3A_1088 : vector<16xf32>
      %mul3A_1093 = arith.constant 0.111111112 : f32
      %mul3A_1094 = vector.broadcast %mul3A_1093 : f32 to vector<16xf32>
      %mul3A_1095 = arith.mulf %mul3A_1089, %mul3A_1094 : vector<16xf32>
      %add3A_1096 = arith.constant 0.142857149 : f32
      %add3A_1097 = vector.broadcast %add3A_1096 : f32 to vector<16xf32>
      %add3A_1098 = arith.addf %add3A_1097, %mul3A_1095 : vector<16xf32>
      %mul3A_1099 = arith.mulf %mul3A_1089, %add3A_1098 : vector<16xf32>
      %add3A_1100 = arith.constant 2.000000e-01 : f32
      %add3A_1101 = vector.broadcast %add3A_1100 : f32 to vector<16xf32>
      %add3A_1102 = arith.addf %add3A_1101, %mul3A_1099 : vector<16xf32>
      %mul3A_1103 = arith.mulf %mul3A_1089, %add3A_1102 : vector<16xf32>
      %add3A_1104 = arith.constant 0.333333343 : f32
      %add3A_1105 = vector.broadcast %add3A_1104 : f32 to vector<16xf32>
      %add3A_1106 = arith.addf %add3A_1105, %mul3A_1103 : vector<16xf32>
      %mul3A_1107 = arith.mulf %mul3A_1089, %add3A_1106 : vector<16xf32>
      %add3A_1108 = arith.constant 1.000000e+00 : f32
      %add3A_1109 = vector.broadcast %add3A_1108 : f32 to vector<16xf32>
      %add3A_1110 = arith.addf %add3A_1109, %mul3A_1107 : vector<16xf32>
      %mul3A_1111 = arith.mulf %mul3A_1092, %add3A_1110 : vector<16xf32>
      %min3A_1112 = arith.constant 0.000000e+00 : f32
      %min3A_1113 = vector.broadcast %min3A_1112 : f32 to vector<16xf32>
      %min3A_1114 = arith.minimumf %neg3A_1079, %min3A_1113 : vector<16xf32>
      %sub3A_1115 = arith.subf %min3A_1114, %mul3A_1111 : vector<16xf32>
      %add3A_1116 = arith.addf %add3A_1076, %sub3A_1115 : vector<16xf32>
      %neg3A_1117 = arith.constant 0.000000e+00 : f32
      %neg3A_1118 = vector.broadcast %neg3A_1117 : f32 to vector<16xf32>
      %neg3A_1119 = arith.subf %neg3A_1118, %scan3A_685#11 : vector<16xf32>
      %abs3A_1120 = math.absf %neg3A_1119 : vector<16xf32>
      %neg3A_1121 = arith.constant 0.000000e+00 : f32
      %neg3A_1122 = vector.broadcast %neg3A_1121 : f32 to vector<16xf32>
      %neg3A_1123 = arith.subf %neg3A_1122, %abs3A_1120 : vector<16xf32>
      %exp3A_1124 = math.exp %neg3A_1123 : vector<16xf32>
      %add3A_1125 = arith.constant 2.000000e+00 : f32
      %add3A_1126 = vector.broadcast %add3A_1125 : f32 to vector<16xf32>
      %add3A_1127 = arith.addf %add3A_1126, %exp3A_1124 : vector<16xf32>
      %div3A_1128 = arith.divf %exp3A_1124, %add3A_1127 : vector<16xf32>
      %mul3A_1129 = arith.mulf %div3A_1128, %div3A_1128 : vector<16xf32>
      %mul3A_1130 = arith.constant 2.000000e+00 : f32
      %mul3A_1131 = vector.broadcast %mul3A_1130 : f32 to vector<16xf32>
      %mul3A_1132 = arith.mulf %mul3A_1131, %div3A_1128 : vector<16xf32>
      %mul3A_1133 = arith.constant 0.111111112 : f32
      %mul3A_1134 = vector.broadcast %mul3A_1133 : f32 to vector<16xf32>
      %mul3A_1135 = arith.mulf %mul3A_1129, %mul3A_1134 : vector<16xf32>
      %add3A_1136 = arith.constant 0.142857149 : f32
      %add3A_1137 = vector.broadcast %add3A_1136 : f32 to vector<16xf32>
      %add3A_1138 = arith.addf %add3A_1137, %mul3A_1135 : vector<16xf32>
      %mul3A_1139 = arith.mulf %mul3A_1129, %add3A_1138 : vector<16xf32>
      %add3A_1140 = arith.constant 2.000000e-01 : f32
      %add3A_1141 = vector.broadcast %add3A_1140 : f32 to vector<16xf32>
      %add3A_1142 = arith.addf %add3A_1141, %mul3A_1139 : vector<16xf32>
      %mul3A_1143 = arith.mulf %mul3A_1129, %add3A_1142 : vector<16xf32>
      %add3A_1144 = arith.constant 0.333333343 : f32
      %add3A_1145 = vector.broadcast %add3A_1144 : f32 to vector<16xf32>
      %add3A_1146 = arith.addf %add3A_1145, %mul3A_1143 : vector<16xf32>
      %mul3A_1147 = arith.mulf %mul3A_1129, %add3A_1146 : vector<16xf32>
      %add3A_1148 = arith.constant 1.000000e+00 : f32
      %add3A_1149 = vector.broadcast %add3A_1148 : f32 to vector<16xf32>
      %add3A_1150 = arith.addf %add3A_1149, %mul3A_1147 : vector<16xf32>
      %mul3A_1151 = arith.mulf %mul3A_1132, %add3A_1150 : vector<16xf32>
      %min3A_1152 = arith.constant 0.000000e+00 : f32
      %min3A_1153 = vector.broadcast %min3A_1152 : f32 to vector<16xf32>
      %min3A_1154 = arith.minimumf %neg3A_1119, %min3A_1153 : vector<16xf32>
      %sub3A_1155 = arith.subf %min3A_1154, %mul3A_1151 : vector<16xf32>
      %add3A_1156 = arith.addf %add3A_1116, %sub3A_1155 : vector<16xf32>
      %neg3A_1157 = arith.constant 0.000000e+00 : f32
      %neg3A_1158 = vector.broadcast %neg3A_1157 : f32 to vector<16xf32>
      %neg3A_1159 = arith.subf %neg3A_1158, %scan3A_685#12 : vector<16xf32>
      %abs3A_1160 = math.absf %neg3A_1159 : vector<16xf32>
      %neg3A_1161 = arith.constant 0.000000e+00 : f32
      %neg3A_1162 = vector.broadcast %neg3A_1161 : f32 to vector<16xf32>
      %neg3A_1163 = arith.subf %neg3A_1162, %abs3A_1160 : vector<16xf32>
      %exp3A_1164 = math.exp %neg3A_1163 : vector<16xf32>
      %add3A_1165 = arith.constant 2.000000e+00 : f32
      %add3A_1166 = vector.broadcast %add3A_1165 : f32 to vector<16xf32>
      %add3A_1167 = arith.addf %add3A_1166, %exp3A_1164 : vector<16xf32>
      %div3A_1168 = arith.divf %exp3A_1164, %add3A_1167 : vector<16xf32>
      %mul3A_1169 = arith.mulf %div3A_1168, %div3A_1168 : vector<16xf32>
      %mul3A_1170 = arith.constant 2.000000e+00 : f32
      %mul3A_1171 = vector.broadcast %mul3A_1170 : f32 to vector<16xf32>
      %mul3A_1172 = arith.mulf %mul3A_1171, %div3A_1168 : vector<16xf32>
      %mul3A_1173 = arith.constant 0.111111112 : f32
      %mul3A_1174 = vector.broadcast %mul3A_1173 : f32 to vector<16xf32>
      %mul3A_1175 = arith.mulf %mul3A_1169, %mul3A_1174 : vector<16xf32>
      %add3A_1176 = arith.constant 0.142857149 : f32
      %add3A_1177 = vector.broadcast %add3A_1176 : f32 to vector<16xf32>
      %add3A_1178 = arith.addf %add3A_1177, %mul3A_1175 : vector<16xf32>
      %mul3A_1179 = arith.mulf %mul3A_1169, %add3A_1178 : vector<16xf32>
      %add3A_1180 = arith.constant 2.000000e-01 : f32
      %add3A_1181 = vector.broadcast %add3A_1180 : f32 to vector<16xf32>
      %add3A_1182 = arith.addf %add3A_1181, %mul3A_1179 : vector<16xf32>
      %mul3A_1183 = arith.mulf %mul3A_1169, %add3A_1182 : vector<16xf32>
      %add3A_1184 = arith.constant 0.333333343 : f32
      %add3A_1185 = vector.broadcast %add3A_1184 : f32 to vector<16xf32>
      %add3A_1186 = arith.addf %add3A_1185, %mul3A_1183 : vector<16xf32>
      %mul3A_1187 = arith.mulf %mul3A_1169, %add3A_1186 : vector<16xf32>
      %add3A_1188 = arith.constant 1.000000e+00 : f32
      %add3A_1189 = vector.broadcast %add3A_1188 : f32 to vector<16xf32>
      %add3A_1190 = arith.addf %add3A_1189, %mul3A_1187 : vector<16xf32>
      %mul3A_1191 = arith.mulf %mul3A_1172, %add3A_1190 : vector<16xf32>
      %min3A_1192 = arith.constant 0.000000e+00 : f32
      %min3A_1193 = vector.broadcast %min3A_1192 : f32 to vector<16xf32>
      %min3A_1194 = arith.minimumf %neg3A_1159, %min3A_1193 : vector<16xf32>
      %sub3A_1195 = arith.subf %min3A_1194, %mul3A_1191 : vector<16xf32>
      %add3A_1196 = arith.addf %add3A_1156, %sub3A_1195 : vector<16xf32>
      %neg3A_1197 = arith.constant 0.000000e+00 : f32
      %neg3A_1198 = vector.broadcast %neg3A_1197 : f32 to vector<16xf32>
      %neg3A_1199 = arith.subf %neg3A_1198, %scan3A_685#13 : vector<16xf32>
      %abs3A_1200 = math.absf %neg3A_1199 : vector<16xf32>
      %neg3A_1201 = arith.constant 0.000000e+00 : f32
      %neg3A_1202 = vector.broadcast %neg3A_1201 : f32 to vector<16xf32>
      %neg3A_1203 = arith.subf %neg3A_1202, %abs3A_1200 : vector<16xf32>
      %exp3A_1204 = math.exp %neg3A_1203 : vector<16xf32>
      %add3A_1205 = arith.constant 2.000000e+00 : f32
      %add3A_1206 = vector.broadcast %add3A_1205 : f32 to vector<16xf32>
      %add3A_1207 = arith.addf %add3A_1206, %exp3A_1204 : vector<16xf32>
      %div3A_1208 = arith.divf %exp3A_1204, %add3A_1207 : vector<16xf32>
      %mul3A_1209 = arith.mulf %div3A_1208, %div3A_1208 : vector<16xf32>
      %mul3A_1210 = arith.constant 2.000000e+00 : f32
      %mul3A_1211 = vector.broadcast %mul3A_1210 : f32 to vector<16xf32>
      %mul3A_1212 = arith.mulf %mul3A_1211, %div3A_1208 : vector<16xf32>
      %mul3A_1213 = arith.constant 0.111111112 : f32
      %mul3A_1214 = vector.broadcast %mul3A_1213 : f32 to vector<16xf32>
      %mul3A_1215 = arith.mulf %mul3A_1209, %mul3A_1214 : vector<16xf32>
      %add3A_1216 = arith.constant 0.142857149 : f32
      %add3A_1217 = vector.broadcast %add3A_1216 : f32 to vector<16xf32>
      %add3A_1218 = arith.addf %add3A_1217, %mul3A_1215 : vector<16xf32>
      %mul3A_1219 = arith.mulf %mul3A_1209, %add3A_1218 : vector<16xf32>
      %add3A_1220 = arith.constant 2.000000e-01 : f32
      %add3A_1221 = vector.broadcast %add3A_1220 : f32 to vector<16xf32>
      %add3A_1222 = arith.addf %add3A_1221, %mul3A_1219 : vector<16xf32>
      %mul3A_1223 = arith.mulf %mul3A_1209, %add3A_1222 : vector<16xf32>
      %add3A_1224 = arith.constant 0.333333343 : f32
      %add3A_1225 = vector.broadcast %add3A_1224 : f32 to vector<16xf32>
      %add3A_1226 = arith.addf %add3A_1225, %mul3A_1223 : vector<16xf32>
      %mul3A_1227 = arith.mulf %mul3A_1209, %add3A_1226 : vector<16xf32>
      %add3A_1228 = arith.constant 1.000000e+00 : f32
      %add3A_1229 = vector.broadcast %add3A_1228 : f32 to vector<16xf32>
      %add3A_1230 = arith.addf %add3A_1229, %mul3A_1227 : vector<16xf32>
      %mul3A_1231 = arith.mulf %mul3A_1212, %add3A_1230 : vector<16xf32>
      %min3A_1232 = arith.constant 0.000000e+00 : f32
      %min3A_1233 = vector.broadcast %min3A_1232 : f32 to vector<16xf32>
      %min3A_1234 = arith.minimumf %neg3A_1199, %min3A_1233 : vector<16xf32>
      %sub3A_1235 = arith.subf %min3A_1234, %mul3A_1231 : vector<16xf32>
      %add3A_1236 = arith.addf %add3A_1196, %sub3A_1235 : vector<16xf32>
      %neg3A_1237 = arith.constant 0.000000e+00 : f32
      %neg3A_1238 = vector.broadcast %neg3A_1237 : f32 to vector<16xf32>
      %neg3A_1239 = arith.subf %neg3A_1238, %scan3A_685#14 : vector<16xf32>
      %abs3A_1240 = math.absf %neg3A_1239 : vector<16xf32>
      %neg3A_1241 = arith.constant 0.000000e+00 : f32
      %neg3A_1242 = vector.broadcast %neg3A_1241 : f32 to vector<16xf32>
      %neg3A_1243 = arith.subf %neg3A_1242, %abs3A_1240 : vector<16xf32>
      %exp3A_1244 = math.exp %neg3A_1243 : vector<16xf32>
      %add3A_1245 = arith.constant 2.000000e+00 : f32
      %add3A_1246 = vector.broadcast %add3A_1245 : f32 to vector<16xf32>
      %add3A_1247 = arith.addf %add3A_1246, %exp3A_1244 : vector<16xf32>
      %div3A_1248 = arith.divf %exp3A_1244, %add3A_1247 : vector<16xf32>
      %mul3A_1249 = arith.mulf %div3A_1248, %div3A_1248 : vector<16xf32>
      %mul3A_1250 = arith.constant 2.000000e+00 : f32
      %mul3A_1251 = vector.broadcast %mul3A_1250 : f32 to vector<16xf32>
      %mul3A_1252 = arith.mulf %mul3A_1251, %div3A_1248 : vector<16xf32>
      %mul3A_1253 = arith.constant 0.111111112 : f32
      %mul3A_1254 = vector.broadcast %mul3A_1253 : f32 to vector<16xf32>
      %mul3A_1255 = arith.mulf %mul3A_1249, %mul3A_1254 : vector<16xf32>
      %add3A_1256 = arith.constant 0.142857149 : f32
      %add3A_1257 = vector.broadcast %add3A_1256 : f32 to vector<16xf32>
      %add3A_1258 = arith.addf %add3A_1257, %mul3A_1255 : vector<16xf32>
      %mul3A_1259 = arith.mulf %mul3A_1249, %add3A_1258 : vector<16xf32>
      %add3A_1260 = arith.constant 2.000000e-01 : f32
      %add3A_1261 = vector.broadcast %add3A_1260 : f32 to vector<16xf32>
      %add3A_1262 = arith.addf %add3A_1261, %mul3A_1259 : vector<16xf32>
      %mul3A_1263 = arith.mulf %mul3A_1249, %add3A_1262 : vector<16xf32>
      %add3A_1264 = arith.constant 0.333333343 : f32
      %add3A_1265 = vector.broadcast %add3A_1264 : f32 to vector<16xf32>
      %add3A_1266 = arith.addf %add3A_1265, %mul3A_1263 : vector<16xf32>
      %mul3A_1267 = arith.mulf %mul3A_1249, %add3A_1266 : vector<16xf32>
      %add3A_1268 = arith.constant 1.000000e+00 : f32
      %add3A_1269 = vector.broadcast %add3A_1268 : f32 to vector<16xf32>
      %add3A_1270 = arith.addf %add3A_1269, %mul3A_1267 : vector<16xf32>
      %mul3A_1271 = arith.mulf %mul3A_1252, %add3A_1270 : vector<16xf32>
      %min3A_1272 = arith.constant 0.000000e+00 : f32
      %min3A_1273 = vector.broadcast %min3A_1272 : f32 to vector<16xf32>
      %min3A_1274 = arith.minimumf %neg3A_1239, %min3A_1273 : vector<16xf32>
      %sub3A_1275 = arith.subf %min3A_1274, %mul3A_1271 : vector<16xf32>
      %add3A_1276 = arith.addf %add3A_1236, %sub3A_1275 : vector<16xf32>
      %neg3A_1277 = arith.constant 0.000000e+00 : f32
      %neg3A_1278 = vector.broadcast %neg3A_1277 : f32 to vector<16xf32>
      %neg3A_1279 = arith.subf %neg3A_1278, %scan3A_685#15 : vector<16xf32>
      %abs3A_1280 = math.absf %neg3A_1279 : vector<16xf32>
      %neg3A_1281 = arith.constant 0.000000e+00 : f32
      %neg3A_1282 = vector.broadcast %neg3A_1281 : f32 to vector<16xf32>
      %neg3A_1283 = arith.subf %neg3A_1282, %abs3A_1280 : vector<16xf32>
      %exp3A_1284 = math.exp %neg3A_1283 : vector<16xf32>
      %add3A_1285 = arith.constant 2.000000e+00 : f32
      %add3A_1286 = vector.broadcast %add3A_1285 : f32 to vector<16xf32>
      %add3A_1287 = arith.addf %add3A_1286, %exp3A_1284 : vector<16xf32>
      %div3A_1288 = arith.divf %exp3A_1284, %add3A_1287 : vector<16xf32>
      %mul3A_1289 = arith.mulf %div3A_1288, %div3A_1288 : vector<16xf32>
      %mul3A_1290 = arith.constant 2.000000e+00 : f32
      %mul3A_1291 = vector.broadcast %mul3A_1290 : f32 to vector<16xf32>
      %mul3A_1292 = arith.mulf %mul3A_1291, %div3A_1288 : vector<16xf32>
      %mul3A_1293 = arith.constant 0.111111112 : f32
      %mul3A_1294 = vector.broadcast %mul3A_1293 : f32 to vector<16xf32>
      %mul3A_1295 = arith.mulf %mul3A_1289, %mul3A_1294 : vector<16xf32>
      %add3A_1296 = arith.constant 0.142857149 : f32
      %add3A_1297 = vector.broadcast %add3A_1296 : f32 to vector<16xf32>
      %add3A_1298 = arith.addf %add3A_1297, %mul3A_1295 : vector<16xf32>
      %mul3A_1299 = arith.mulf %mul3A_1289, %add3A_1298 : vector<16xf32>
      %add3A_1300 = arith.constant 2.000000e-01 : f32
      %add3A_1301 = vector.broadcast %add3A_1300 : f32 to vector<16xf32>
      %add3A_1302 = arith.addf %add3A_1301, %mul3A_1299 : vector<16xf32>
      %mul3A_1303 = arith.mulf %mul3A_1289, %add3A_1302 : vector<16xf32>
      %add3A_1304 = arith.constant 0.333333343 : f32
      %add3A_1305 = vector.broadcast %add3A_1304 : f32 to vector<16xf32>
      %add3A_1306 = arith.addf %add3A_1305, %mul3A_1303 : vector<16xf32>
      %mul3A_1307 = arith.mulf %mul3A_1289, %add3A_1306 : vector<16xf32>
      %add3A_1308 = arith.constant 1.000000e+00 : f32
      %add3A_1309 = vector.broadcast %add3A_1308 : f32 to vector<16xf32>
      %add3A_1310 = arith.addf %add3A_1309, %mul3A_1307 : vector<16xf32>
      %mul3A_1311 = arith.mulf %mul3A_1292, %add3A_1310 : vector<16xf32>
      %min3A_1312 = arith.constant 0.000000e+00 : f32
      %min3A_1313 = vector.broadcast %min3A_1312 : f32 to vector<16xf32>
      %min3A_1314 = arith.minimumf %neg3A_1279, %min3A_1313 : vector<16xf32>
      %sub3A_1315 = arith.subf %min3A_1314, %mul3A_1311 : vector<16xf32>
      %add3A_1316 = arith.addf %add3A_1276, %sub3A_1315 : vector<16xf32>
      %neg3A_1317 = arith.constant 0.000000e+00 : f32
      %neg3A_1318 = vector.broadcast %neg3A_1317 : f32 to vector<16xf32>
      %neg3A_1319 = arith.subf %neg3A_1318, %scan3A_685#16 : vector<16xf32>
      %abs3A_1320 = math.absf %neg3A_1319 : vector<16xf32>
      %neg3A_1321 = arith.constant 0.000000e+00 : f32
      %neg3A_1322 = vector.broadcast %neg3A_1321 : f32 to vector<16xf32>
      %neg3A_1323 = arith.subf %neg3A_1322, %abs3A_1320 : vector<16xf32>
      %exp3A_1324 = math.exp %neg3A_1323 : vector<16xf32>
      %add3A_1325 = arith.constant 2.000000e+00 : f32
      %add3A_1326 = vector.broadcast %add3A_1325 : f32 to vector<16xf32>
      %add3A_1327 = arith.addf %add3A_1326, %exp3A_1324 : vector<16xf32>
      %div3A_1328 = arith.divf %exp3A_1324, %add3A_1327 : vector<16xf32>
      %mul3A_1329 = arith.mulf %div3A_1328, %div3A_1328 : vector<16xf32>
      %mul3A_1330 = arith.constant 2.000000e+00 : f32
      %mul3A_1331 = vector.broadcast %mul3A_1330 : f32 to vector<16xf32>
      %mul3A_1332 = arith.mulf %mul3A_1331, %div3A_1328 : vector<16xf32>
      %mul3A_1333 = arith.constant 0.111111112 : f32
      %mul3A_1334 = vector.broadcast %mul3A_1333 : f32 to vector<16xf32>
      %mul3A_1335 = arith.mulf %mul3A_1329, %mul3A_1334 : vector<16xf32>
      %add3A_1336 = arith.constant 0.142857149 : f32
      %add3A_1337 = vector.broadcast %add3A_1336 : f32 to vector<16xf32>
      %add3A_1338 = arith.addf %add3A_1337, %mul3A_1335 : vector<16xf32>
      %mul3A_1339 = arith.mulf %mul3A_1329, %add3A_1338 : vector<16xf32>
      %add3A_1340 = arith.constant 2.000000e-01 : f32
      %add3A_1341 = vector.broadcast %add3A_1340 : f32 to vector<16xf32>
      %add3A_1342 = arith.addf %add3A_1341, %mul3A_1339 : vector<16xf32>
      %mul3A_1343 = arith.mulf %mul3A_1329, %add3A_1342 : vector<16xf32>
      %add3A_1344 = arith.constant 0.333333343 : f32
      %add3A_1345 = vector.broadcast %add3A_1344 : f32 to vector<16xf32>
      %add3A_1346 = arith.addf %add3A_1345, %mul3A_1343 : vector<16xf32>
      %mul3A_1347 = arith.mulf %mul3A_1329, %add3A_1346 : vector<16xf32>
      %add3A_1348 = arith.constant 1.000000e+00 : f32
      %add3A_1349 = vector.broadcast %add3A_1348 : f32 to vector<16xf32>
      %add3A_1350 = arith.addf %add3A_1349, %mul3A_1347 : vector<16xf32>
      %mul3A_1351 = arith.mulf %mul3A_1332, %add3A_1350 : vector<16xf32>
      %min3A_1352 = arith.constant 0.000000e+00 : f32
      %min3A_1353 = vector.broadcast %min3A_1352 : f32 to vector<16xf32>
      %min3A_1354 = arith.minimumf %neg3A_1319, %min3A_1353 : vector<16xf32>
      %sub3A_1355 = arith.subf %min3A_1354, %mul3A_1351 : vector<16xf32>
      %add3A_1356 = arith.addf %add3A_1316, %sub3A_1355 : vector<16xf32>
      %neg3A_1357 = arith.constant 0.000000e+00 : f32
      %neg3A_1358 = vector.broadcast %neg3A_1357 : f32 to vector<16xf32>
      %neg3A_1359 = arith.subf %neg3A_1358, %scan3A_685#17 : vector<16xf32>
      %abs3A_1360 = math.absf %neg3A_1359 : vector<16xf32>
      %neg3A_1361 = arith.constant 0.000000e+00 : f32
      %neg3A_1362 = vector.broadcast %neg3A_1361 : f32 to vector<16xf32>
      %neg3A_1363 = arith.subf %neg3A_1362, %abs3A_1360 : vector<16xf32>
      %exp3A_1364 = math.exp %neg3A_1363 : vector<16xf32>
      %add3A_1365 = arith.constant 2.000000e+00 : f32
      %add3A_1366 = vector.broadcast %add3A_1365 : f32 to vector<16xf32>
      %add3A_1367 = arith.addf %add3A_1366, %exp3A_1364 : vector<16xf32>
      %div3A_1368 = arith.divf %exp3A_1364, %add3A_1367 : vector<16xf32>
      %mul3A_1369 = arith.mulf %div3A_1368, %div3A_1368 : vector<16xf32>
      %mul3A_1370 = arith.constant 2.000000e+00 : f32
      %mul3A_1371 = vector.broadcast %mul3A_1370 : f32 to vector<16xf32>
      %mul3A_1372 = arith.mulf %mul3A_1371, %div3A_1368 : vector<16xf32>
      %mul3A_1373 = arith.constant 0.111111112 : f32
      %mul3A_1374 = vector.broadcast %mul3A_1373 : f32 to vector<16xf32>
      %mul3A_1375 = arith.mulf %mul3A_1369, %mul3A_1374 : vector<16xf32>
      %add3A_1376 = arith.constant 0.142857149 : f32
      %add3A_1377 = vector.broadcast %add3A_1376 : f32 to vector<16xf32>
      %add3A_1378 = arith.addf %add3A_1377, %mul3A_1375 : vector<16xf32>
      %mul3A_1379 = arith.mulf %mul3A_1369, %add3A_1378 : vector<16xf32>
      %add3A_1380 = arith.constant 2.000000e-01 : f32
      %add3A_1381 = vector.broadcast %add3A_1380 : f32 to vector<16xf32>
      %add3A_1382 = arith.addf %add3A_1381, %mul3A_1379 : vector<16xf32>
      %mul3A_1383 = arith.mulf %mul3A_1369, %add3A_1382 : vector<16xf32>
      %add3A_1384 = arith.constant 0.333333343 : f32
      %add3A_1385 = vector.broadcast %add3A_1384 : f32 to vector<16xf32>
      %add3A_1386 = arith.addf %add3A_1385, %mul3A_1383 : vector<16xf32>
      %mul3A_1387 = arith.mulf %mul3A_1369, %add3A_1386 : vector<16xf32>
      %add3A_1388 = arith.constant 1.000000e+00 : f32
      %add3A_1389 = vector.broadcast %add3A_1388 : f32 to vector<16xf32>
      %add3A_1390 = arith.addf %add3A_1389, %mul3A_1387 : vector<16xf32>
      %mul3A_1391 = arith.mulf %mul3A_1372, %add3A_1390 : vector<16xf32>
      %min3A_1392 = arith.constant 0.000000e+00 : f32
      %min3A_1393 = vector.broadcast %min3A_1392 : f32 to vector<16xf32>
      %min3A_1394 = arith.minimumf %neg3A_1359, %min3A_1393 : vector<16xf32>
      %sub3A_1395 = arith.subf %min3A_1394, %mul3A_1391 : vector<16xf32>
      %add3A_1396 = arith.addf %add3A_1356, %sub3A_1395 : vector<16xf32>
      %neg3A_1397 = arith.constant 0.000000e+00 : f32
      %neg3A_1398 = vector.broadcast %neg3A_1397 : f32 to vector<16xf32>
      %neg3A_1399 = arith.subf %neg3A_1398, %scan3A_685#18 : vector<16xf32>
      %abs3A_1400 = math.absf %neg3A_1399 : vector<16xf32>
      %neg3A_1401 = arith.constant 0.000000e+00 : f32
      %neg3A_1402 = vector.broadcast %neg3A_1401 : f32 to vector<16xf32>
      %neg3A_1403 = arith.subf %neg3A_1402, %abs3A_1400 : vector<16xf32>
      %exp3A_1404 = math.exp %neg3A_1403 : vector<16xf32>
      %add3A_1405 = arith.constant 2.000000e+00 : f32
      %add3A_1406 = vector.broadcast %add3A_1405 : f32 to vector<16xf32>
      %add3A_1407 = arith.addf %add3A_1406, %exp3A_1404 : vector<16xf32>
      %div3A_1408 = arith.divf %exp3A_1404, %add3A_1407 : vector<16xf32>
      %mul3A_1409 = arith.mulf %div3A_1408, %div3A_1408 : vector<16xf32>
      %mul3A_1410 = arith.constant 2.000000e+00 : f32
      %mul3A_1411 = vector.broadcast %mul3A_1410 : f32 to vector<16xf32>
      %mul3A_1412 = arith.mulf %mul3A_1411, %div3A_1408 : vector<16xf32>
      %mul3A_1413 = arith.constant 0.111111112 : f32
      %mul3A_1414 = vector.broadcast %mul3A_1413 : f32 to vector<16xf32>
      %mul3A_1415 = arith.mulf %mul3A_1409, %mul3A_1414 : vector<16xf32>
      %add3A_1416 = arith.constant 0.142857149 : f32
      %add3A_1417 = vector.broadcast %add3A_1416 : f32 to vector<16xf32>
      %add3A_1418 = arith.addf %add3A_1417, %mul3A_1415 : vector<16xf32>
      %mul3A_1419 = arith.mulf %mul3A_1409, %add3A_1418 : vector<16xf32>
      %add3A_1420 = arith.constant 2.000000e-01 : f32
      %add3A_1421 = vector.broadcast %add3A_1420 : f32 to vector<16xf32>
      %add3A_1422 = arith.addf %add3A_1421, %mul3A_1419 : vector<16xf32>
      %mul3A_1423 = arith.mulf %mul3A_1409, %add3A_1422 : vector<16xf32>
      %add3A_1424 = arith.constant 0.333333343 : f32
      %add3A_1425 = vector.broadcast %add3A_1424 : f32 to vector<16xf32>
      %add3A_1426 = arith.addf %add3A_1425, %mul3A_1423 : vector<16xf32>
      %mul3A_1427 = arith.mulf %mul3A_1409, %add3A_1426 : vector<16xf32>
      %add3A_1428 = arith.constant 1.000000e+00 : f32
      %add3A_1429 = vector.broadcast %add3A_1428 : f32 to vector<16xf32>
      %add3A_1430 = arith.addf %add3A_1429, %mul3A_1427 : vector<16xf32>
      %mul3A_1431 = arith.mulf %mul3A_1412, %add3A_1430 : vector<16xf32>
      %min3A_1432 = arith.constant 0.000000e+00 : f32
      %min3A_1433 = vector.broadcast %min3A_1432 : f32 to vector<16xf32>
      %min3A_1434 = arith.minimumf %neg3A_1399, %min3A_1433 : vector<16xf32>
      %sub3A_1435 = arith.subf %min3A_1434, %mul3A_1431 : vector<16xf32>
      %add3A_1436 = arith.addf %add3A_1396, %sub3A_1435 : vector<16xf32>
      %neg3A_1437 = arith.constant 0.000000e+00 : f32
      %neg3A_1438 = vector.broadcast %neg3A_1437 : f32 to vector<16xf32>
      %neg3A_1439 = arith.subf %neg3A_1438, %scan3A_685#19 : vector<16xf32>
      %abs3A_1440 = math.absf %neg3A_1439 : vector<16xf32>
      %neg3A_1441 = arith.constant 0.000000e+00 : f32
      %neg3A_1442 = vector.broadcast %neg3A_1441 : f32 to vector<16xf32>
      %neg3A_1443 = arith.subf %neg3A_1442, %abs3A_1440 : vector<16xf32>
      %exp3A_1444 = math.exp %neg3A_1443 : vector<16xf32>
      %add3A_1445 = arith.constant 2.000000e+00 : f32
      %add3A_1446 = vector.broadcast %add3A_1445 : f32 to vector<16xf32>
      %add3A_1447 = arith.addf %add3A_1446, %exp3A_1444 : vector<16xf32>
      %div3A_1448 = arith.divf %exp3A_1444, %add3A_1447 : vector<16xf32>
      %mul3A_1449 = arith.mulf %div3A_1448, %div3A_1448 : vector<16xf32>
      %mul3A_1450 = arith.constant 2.000000e+00 : f32
      %mul3A_1451 = vector.broadcast %mul3A_1450 : f32 to vector<16xf32>
      %mul3A_1452 = arith.mulf %mul3A_1451, %div3A_1448 : vector<16xf32>
      %mul3A_1453 = arith.constant 0.111111112 : f32
      %mul3A_1454 = vector.broadcast %mul3A_1453 : f32 to vector<16xf32>
      %mul3A_1455 = arith.mulf %mul3A_1449, %mul3A_1454 : vector<16xf32>
      %add3A_1456 = arith.constant 0.142857149 : f32
      %add3A_1457 = vector.broadcast %add3A_1456 : f32 to vector<16xf32>
      %add3A_1458 = arith.addf %add3A_1457, %mul3A_1455 : vector<16xf32>
      %mul3A_1459 = arith.mulf %mul3A_1449, %add3A_1458 : vector<16xf32>
      %add3A_1460 = arith.constant 2.000000e-01 : f32
      %add3A_1461 = vector.broadcast %add3A_1460 : f32 to vector<16xf32>
      %add3A_1462 = arith.addf %add3A_1461, %mul3A_1459 : vector<16xf32>
      %mul3A_1463 = arith.mulf %mul3A_1449, %add3A_1462 : vector<16xf32>
      %add3A_1464 = arith.constant 0.333333343 : f32
      %add3A_1465 = vector.broadcast %add3A_1464 : f32 to vector<16xf32>
      %add3A_1466 = arith.addf %add3A_1465, %mul3A_1463 : vector<16xf32>
      %mul3A_1467 = arith.mulf %mul3A_1449, %add3A_1466 : vector<16xf32>
      %add3A_1468 = arith.constant 1.000000e+00 : f32
      %add3A_1469 = vector.broadcast %add3A_1468 : f32 to vector<16xf32>
      %add3A_1470 = arith.addf %add3A_1469, %mul3A_1467 : vector<16xf32>
      %mul3A_1471 = arith.mulf %mul3A_1452, %add3A_1470 : vector<16xf32>
      %min3A_1472 = arith.constant 0.000000e+00 : f32
      %min3A_1473 = vector.broadcast %min3A_1472 : f32 to vector<16xf32>
      %min3A_1474 = arith.minimumf %neg3A_1439, %min3A_1473 : vector<16xf32>
      %sub3A_1475 = arith.subf %min3A_1474, %mul3A_1471 : vector<16xf32>
      %add3A_1476 = arith.addf %add3A_1436, %sub3A_1475 : vector<16xf32>
      %neg3A_1477 = arith.constant 0.000000e+00 : f32
      %neg3A_1478 = vector.broadcast %neg3A_1477 : f32 to vector<16xf32>
      %neg3A_1479 = arith.subf %neg3A_1478, %scan3A_685#20 : vector<16xf32>
      %abs3A_1480 = math.absf %neg3A_1479 : vector<16xf32>
      %neg3A_1481 = arith.constant 0.000000e+00 : f32
      %neg3A_1482 = vector.broadcast %neg3A_1481 : f32 to vector<16xf32>
      %neg3A_1483 = arith.subf %neg3A_1482, %abs3A_1480 : vector<16xf32>
      %exp3A_1484 = math.exp %neg3A_1483 : vector<16xf32>
      %add3A_1485 = arith.constant 2.000000e+00 : f32
      %add3A_1486 = vector.broadcast %add3A_1485 : f32 to vector<16xf32>
      %add3A_1487 = arith.addf %add3A_1486, %exp3A_1484 : vector<16xf32>
      %div3A_1488 = arith.divf %exp3A_1484, %add3A_1487 : vector<16xf32>
      %mul3A_1489 = arith.mulf %div3A_1488, %div3A_1488 : vector<16xf32>
      %mul3A_1490 = arith.constant 2.000000e+00 : f32
      %mul3A_1491 = vector.broadcast %mul3A_1490 : f32 to vector<16xf32>
      %mul3A_1492 = arith.mulf %mul3A_1491, %div3A_1488 : vector<16xf32>
      %mul3A_1493 = arith.constant 0.111111112 : f32
      %mul3A_1494 = vector.broadcast %mul3A_1493 : f32 to vector<16xf32>
      %mul3A_1495 = arith.mulf %mul3A_1489, %mul3A_1494 : vector<16xf32>
      %add3A_1496 = arith.constant 0.142857149 : f32
      %add3A_1497 = vector.broadcast %add3A_1496 : f32 to vector<16xf32>
      %add3A_1498 = arith.addf %add3A_1497, %mul3A_1495 : vector<16xf32>
      %mul3A_1499 = arith.mulf %mul3A_1489, %add3A_1498 : vector<16xf32>
      %add3A_1500 = arith.constant 2.000000e-01 : f32
      %add3A_1501 = vector.broadcast %add3A_1500 : f32 to vector<16xf32>
      %add3A_1502 = arith.addf %add3A_1501, %mul3A_1499 : vector<16xf32>
      %mul3A_1503 = arith.mulf %mul3A_1489, %add3A_1502 : vector<16xf32>
      %add3A_1504 = arith.constant 0.333333343 : f32
      %add3A_1505 = vector.broadcast %add3A_1504 : f32 to vector<16xf32>
      %add3A_1506 = arith.addf %add3A_1505, %mul3A_1503 : vector<16xf32>
      %mul3A_1507 = arith.mulf %mul3A_1489, %add3A_1506 : vector<16xf32>
      %add3A_1508 = arith.constant 1.000000e+00 : f32
      %add3A_1509 = vector.broadcast %add3A_1508 : f32 to vector<16xf32>
      %add3A_1510 = arith.addf %add3A_1509, %mul3A_1507 : vector<16xf32>
      %mul3A_1511 = arith.mulf %mul3A_1492, %add3A_1510 : vector<16xf32>
      %min3A_1512 = arith.constant 0.000000e+00 : f32
      %min3A_1513 = vector.broadcast %min3A_1512 : f32 to vector<16xf32>
      %min3A_1514 = arith.minimumf %neg3A_1479, %min3A_1513 : vector<16xf32>
      %sub3A_1515 = arith.subf %min3A_1514, %mul3A_1511 : vector<16xf32>
      %add3A_1516 = arith.addf %add3A_1476, %sub3A_1515 : vector<16xf32>
      %add3A_1517 = arith.addf %scan3A_285, %add3A_1516 : vector<16xf32>
      %add3A_1518 = arith.constant 2 : i32
      %add3A_1519 = arith.addi %mul3A_287, %add3A_1518 : i32
      %min3A_1520 = arith.constant 30 : i32
      %min3A_1521 = arith.minsi %add3A_1519, %min3A_1520 : i32
      %mul3A_1522 = arith.constant 16 : i32
      %mul3A_1523 = arith.muli %min3A_1521, %mul3A_1522 : i32
      %dma_start3A_1524 = arith.constant 0 : i32
      %dma_start3A_1525 = arith.constant 0 : i32
      %dma_start3A_1526 = arith.constant 0 : i32
      %dma_start3A_1527 = tpu.memref_slice %arg14[%dma_start3A_1524, %dma_start3A_1525, %dma_start3A_1526] : memref<2x16x128xf32, #tpu.memory_space<vmem>> -> memref<1x16x128xf32, #tpu.memory_space<vmem>>
      %dma_start3A_1528 = tpu.memref_squeeze %dma_start3A_1527 : memref<1x16x128xf32, #tpu.memory_space<vmem>> -> memref<16x128xf32, #tpu.memory_space<vmem>>
      %dma_start3A_1529 = tpu.memref_slice %arg11[%mul3A_1523] : memref<512xi32, #tpu.memory_space<vmem>> -> memref<16xi32, #tpu.memory_space<vmem>>
      %dma_start3A_1530 = arith.constant 0 : i32
      %dma_start3A_1531 = arith.constant 0 : i32
      %dma_start3A_1532 = tpu.memref_slice %arg5[%dma_start3A_1530, %dma_start3A_1531] : memref<500000x128xf32, #tpu.memory_space<hbm>> -> memref<500000x128xf32, #tpu.memory_space<hbm>>
      tpu.enqueue_indirect_dma source(%dma_start3A_1532 : memref<500000x128xf32, #tpu.memory_space<hbm>>) target(%dma_start3A_1528 : memref<16x128xf32, #tpu.memory_space<vmem>>) offsets(%dma_start3A_1529 : memref<16xi32, #tpu.memory_space<vmem>>) semaphore(%arg18 : memref<!tpu.dma_semaphore, #tpu.memory_space<semaphore_mem>>)
      %dma_start3A_1533 = arith.constant 0 : i32
      %dma_start3A_1534 = arith.constant 0 : i32
      %dma_start3A_1535 = arith.constant 0 : i32
      %dma_start3A_1536 = tpu.memref_slice %arg15[%dma_start3A_1533, %dma_start3A_1534, %dma_start3A_1535] : memref<2x16x128xf32, #tpu.memory_space<vmem>> -> memref<1x16x128xf32, #tpu.memory_space<vmem>>
      %dma_start3A_1537 = tpu.memref_squeeze %dma_start3A_1536 : memref<1x16x128xf32, #tpu.memory_space<vmem>> -> memref<16x128xf32, #tpu.memory_space<vmem>>
      %dma_start3A_1538 = tpu.memref_slice %arg12[%mul3A_1523] : memref<512xi32, #tpu.memory_space<vmem>> -> memref<16xi32, #tpu.memory_space<vmem>>
      %dma_start3A_1539 = arith.constant 0 : i32
      %dma_start3A_1540 = arith.constant 0 : i32
      %dma_start3A_1541 = tpu.memref_slice %arg6[%dma_start3A_1539, %dma_start3A_1540] : memref<500000x128xf32, #tpu.memory_space<hbm>> -> memref<500000x128xf32, #tpu.memory_space<hbm>>
      tpu.enqueue_indirect_dma source(%dma_start3A_1541 : memref<500000x128xf32, #tpu.memory_space<hbm>>) target(%dma_start3A_1537 : memref<16x128xf32, #tpu.memory_space<vmem>>) offsets(%dma_start3A_1538 : memref<16xi32, #tpu.memory_space<vmem>>) semaphore(%arg18 : memref<!tpu.dma_semaphore, #tpu.memory_space<semaphore_mem>>)
      %mul3A_1542 = arith.constant 320 : i32
      %mul3A_1543 = arith.muli %min3A_1521, %mul3A_1542 : i32
      %add3A_1544 = arith.constant 0 : i32
      %add3A_1545 = arith.addi %mul3A_1543, %add3A_1544 : i32
      %dma_start3A_1546 = arith.constant 0 : i32
      %dma_start3A_1547 = arith.constant 0 : i32
      %dma_start3A_1548 = arith.constant 0 : i32
      %dma_start3A_1549 = tpu.memref_slice %arg16[%dma_start3A_1546, %dma_start3A_1547, %dma_start3A_1548] : memref<2x320x128xf32, #tpu.memory_space<vmem>> -> memref<1x320x128xf32, #tpu.memory_space<vmem>>
      %dma_start3A_1550 = tpu.memref_squeeze %dma_start3A_1549 : memref<1x320x128xf32, #tpu.memory_space<vmem>> -> memref<320x128xf32, #tpu.memory_space<vmem>>
      %dma_start3A_1551 = arith.constant 0 : i32
      %dma_start3A_1552 = arith.constant 0 : i32
      %dma_start3A_1553 = tpu.memref_slice %dma_start3A_1550[%dma_start3A_1551, %dma_start3A_1552] : memref<320x128xf32, #tpu.memory_space<vmem>> -> memref<64x128xf32, #tpu.memory_space<vmem>>
      %dma_start3A_1554 = tpu.memref_slice %arg13[%add3A_1545] : memref<10240xi32, #tpu.memory_space<vmem>> -> memref<64xi32, #tpu.memory_space<vmem>>
      %dma_start3A_1555 = arith.constant 0 : i32
      %dma_start3A_1556 = arith.constant 0 : i32
      %dma_start3A_1557 = tpu.memref_slice %arg6[%dma_start3A_1555, %dma_start3A_1556] : memref<500000x128xf32, #tpu.memory_space<hbm>> -> memref<500000x128xf32, #tpu.memory_space<hbm>>
      tpu.enqueue_indirect_dma source(%dma_start3A_1557 : memref<500000x128xf32, #tpu.memory_space<hbm>>) target(%dma_start3A_1553 : memref<64x128xf32, #tpu.memory_space<vmem>>) offsets(%dma_start3A_1554 : memref<64xi32, #tpu.memory_space<vmem>>) semaphore(%arg18 : memref<!tpu.dma_semaphore, #tpu.memory_space<semaphore_mem>>)
      %mul3A_1558 = arith.constant 320 : i32
      %mul3A_1559 = arith.muli %min3A_1521, %mul3A_1558 : i32
      %add3A_1560 = arith.constant 64 : i32
      %add3A_1561 = arith.addi %mul3A_1559, %add3A_1560 : i32
      %dma_start3A_1562 = arith.constant 0 : i32
      %dma_start3A_1563 = arith.constant 0 : i32
      %dma_start3A_1564 = arith.constant 0 : i32
      %dma_start3A_1565 = tpu.memref_slice %arg16[%dma_start3A_1562, %dma_start3A_1563, %dma_start3A_1564] : memref<2x320x128xf32, #tpu.memory_space<vmem>> -> memref<1x320x128xf32, #tpu.memory_space<vmem>>
      %dma_start3A_1566 = tpu.memref_squeeze %dma_start3A_1565 : memref<1x320x128xf32, #tpu.memory_space<vmem>> -> memref<320x128xf32, #tpu.memory_space<vmem>>
      %dma_start3A_1567 = arith.constant 64 : i32
      %dma_start3A_1568 = arith.constant 0 : i32
      %dma_start3A_1569 = tpu.memref_slice %dma_start3A_1566[%dma_start3A_1567, %dma_start3A_1568] : memref<320x128xf32, #tpu.memory_space<vmem>> -> memref<64x128xf32, #tpu.memory_space<vmem>>
      %dma_start3A_1570 = tpu.memref_slice %arg13[%add3A_1561] : memref<10240xi32, #tpu.memory_space<vmem>> -> memref<64xi32, #tpu.memory_space<vmem>>
      %dma_start3A_1571 = arith.constant 0 : i32
      %dma_start3A_1572 = arith.constant 0 : i32
      %dma_start3A_1573 = tpu.memref_slice %arg6[%dma_start3A_1571, %dma_start3A_1572] : memref<500000x128xf32, #tpu.memory_space<hbm>> -> memref<500000x128xf32, #tpu.memory_space<hbm>>
      tpu.enqueue_indirect_dma source(%dma_start3A_1573 : memref<500000x128xf32, #tpu.memory_space<hbm>>) target(%dma_start3A_1569 : memref<64x128xf32, #tpu.memory_space<vmem>>) offsets(%dma_start3A_1570 : memref<64xi32, #tpu.memory_space<vmem>>) semaphore(%arg18 : memref<!tpu.dma_semaphore, #tpu.memory_space<semaphore_mem>>)
      %mul3A_1574 = arith.constant 320 : i32
      %mul3A_1575 = arith.muli %min3A_1521, %mul3A_1574 : i32
      %add3A_1576 = arith.constant 128 : i32
      %add3A_1577 = arith.addi %mul3A_1575, %add3A_1576 : i32
      %dma_start3A_1578 = arith.constant 0 : i32
      %dma_start3A_1579 = arith.constant 0 : i32
      %dma_start3A_1580 = arith.constant 0 : i32
      %dma_start3A_1581 = tpu.memref_slice %arg16[%dma_start3A_1578, %dma_start3A_1579, %dma_start3A_1580] : memref<2x320x128xf32, #tpu.memory_space<vmem>> -> memref<1x320x128xf32, #tpu.memory_space<vmem>>
      %dma_start3A_1582 = tpu.memref_squeeze %dma_start3A_1581 : memref<1x320x128xf32, #tpu.memory_space<vmem>> -> memref<320x128xf32, #tpu.memory_space<vmem>>
      %dma_start3A_1583 = arith.constant 128 : i32
      %dma_start3A_1584 = arith.constant 0 : i32
      %dma_start3A_1585 = tpu.memref_slice %dma_start3A_1582[%dma_start3A_1583, %dma_start3A_1584] : memref<320x128xf32, #tpu.memory_space<vmem>> -> memref<64x128xf32, #tpu.memory_space<vmem>>
      %dma_start3A_1586 = tpu.memref_slice %arg13[%add3A_1577] : memref<10240xi32, #tpu.memory_space<vmem>> -> memref<64xi32, #tpu.memory_space<vmem>>
      %dma_start3A_1587 = arith.constant 0 : i32
      %dma_start3A_1588 = arith.constant 0 : i32
      %dma_start3A_1589 = tpu.memref_slice %arg6[%dma_start3A_1587, %dma_start3A_1588] : memref<500000x128xf32, #tpu.memory_space<hbm>> -> memref<500000x128xf32, #tpu.memory_space<hbm>>
      tpu.enqueue_indirect_dma source(%dma_start3A_1589 : memref<500000x128xf32, #tpu.memory_space<hbm>>) target(%dma_start3A_1585 : memref<64x128xf32, #tpu.memory_space<vmem>>) offsets(%dma_start3A_1586 : memref<64xi32, #tpu.memory_space<vmem>>) semaphore(%arg18 : memref<!tpu.dma_semaphore, #tpu.memory_space<semaphore_mem>>)
      %mul3A_1590 = arith.constant 320 : i32
      %mul3A_1591 = arith.muli %min3A_1521, %mul3A_1590 : i32
      %add3A_1592 = arith.constant 192 : i32
      %add3A_1593 = arith.addi %mul3A_1591, %add3A_1592 : i32
      %dma_start3A_1594 = arith.constant 0 : i32
      %dma_start3A_1595 = arith.constant 0 : i32
      %dma_start3A_1596 = arith.constant 0 : i32
      %dma_start3A_1597 = tpu.memref_slice %arg16[%dma_start3A_1594, %dma_start3A_1595, %dma_start3A_1596] : memref<2x320x128xf32, #tpu.memory_space<vmem>> -> memref<1x320x128xf32, #tpu.memory_space<vmem>>
      %dma_start3A_1598 = tpu.memref_squeeze %dma_start3A_1597 : memref<1x320x128xf32, #tpu.memory_space<vmem>> -> memref<320x128xf32, #tpu.memory_space<vmem>>
      %dma_start3A_1599 = arith.constant 192 : i32
      %dma_start3A_1600 = arith.constant 0 : i32
      %dma_start3A_1601 = tpu.memref_slice %dma_start3A_1598[%dma_start3A_1599, %dma_start3A_1600] : memref<320x128xf32, #tpu.memory_space<vmem>> -> memref<64x128xf32, #tpu.memory_space<vmem>>
      %dma_start3A_1602 = tpu.memref_slice %arg13[%add3A_1593] : memref<10240xi32, #tpu.memory_space<vmem>> -> memref<64xi32, #tpu.memory_space<vmem>>
      %dma_start3A_1603 = arith.constant 0 : i32
      %dma_start3A_1604 = arith.constant 0 : i32
      %dma_start3A_1605 = tpu.memref_slice %arg6[%dma_start3A_1603, %dma_start3A_1604] : memref<500000x128xf32, #tpu.memory_space<hbm>> -> memref<500000x128xf32, #tpu.memory_space<hbm>>
      tpu.enqueue_indirect_dma source(%dma_start3A_1605 : memref<500000x128xf32, #tpu.memory_space<hbm>>) target(%dma_start3A_1601 : memref<64x128xf32, #tpu.memory_space<vmem>>) offsets(%dma_start3A_1602 : memref<64xi32, #tpu.memory_space<vmem>>) semaphore(%arg18 : memref<!tpu.dma_semaphore, #tpu.memory_space<semaphore_mem>>)
      %mul3A_1606 = arith.constant 320 : i32
      %mul3A_1607 = arith.muli %min3A_1521, %mul3A_1606 : i32
      %add3A_1608 = arith.constant 256 : i32
      %add3A_1609 = arith.addi %mul3A_1607, %add3A_1608 : i32
      %dma_start3A_1610 = arith.constant 0 : i32
      %dma_start3A_1611 = arith.constant 0 : i32
      %dma_start3A_1612 = arith.constant 0 : i32
      %dma_start3A_1613 = tpu.memref_slice %arg16[%dma_start3A_1610, %dma_start3A_1611, %dma_start3A_1612] : memref<2x320x128xf32, #tpu.memory_space<vmem>> -> memref<1x320x128xf32, #tpu.memory_space<vmem>>
      %dma_start3A_1614 = tpu.memref_squeeze %dma_start3A_1613 : memref<1x320x128xf32, #tpu.memory_space<vmem>> -> memref<320x128xf32, #tpu.memory_space<vmem>>
      %dma_start3A_1615 = arith.constant 256 : i32
      %dma_start3A_1616 = arith.constant 0 : i32
      %dma_start3A_1617 = tpu.memref_slice %dma_start3A_1614[%dma_start3A_1615, %dma_start3A_1616] : memref<320x128xf32, #tpu.memory_space<vmem>> -> memref<64x128xf32, #tpu.memory_space<vmem>>
      %dma_start3A_1618 = tpu.memref_slice %arg13[%add3A_1609] : memref<10240xi32, #tpu.memory_space<vmem>> -> memref<64xi32, #tpu.memory_space<vmem>>
      %dma_start3A_1619 = arith.constant 0 : i32
      %dma_start3A_1620 = arith.constant 0 : i32
      %dma_start3A_1621 = tpu.memref_slice %arg6[%dma_start3A_1619, %dma_start3A_1620] : memref<500000x128xf32, #tpu.memory_space<hbm>> -> memref<500000x128xf32, #tpu.memory_space<hbm>>
      tpu.enqueue_indirect_dma source(%dma_start3A_1621 : memref<500000x128xf32, #tpu.memory_space<hbm>>) target(%dma_start3A_1617 : memref<64x128xf32, #tpu.memory_space<vmem>>) offsets(%dma_start3A_1618 : memref<64xi32, #tpu.memory_space<vmem>>) semaphore(%arg18 : memref<!tpu.dma_semaphore, #tpu.memory_space<semaphore_mem>>)
      %dma_wait3A_1622 = arith.constant 1 : i32
      %dma_wait3A_1623 = arith.constant 0 : i32
      %dma_wait3A_1624 = arith.constant 0 : i32
      %dma_wait3A_1625 = tpu.memref_slice %arg14[%dma_wait3A_1622, %dma_wait3A_1623, %dma_wait3A_1624] : memref<2x16x128xf32, #tpu.memory_space<vmem>> -> memref<1x16x128xf32, #tpu.memory_space<vmem>>
      %dma_wait3A_1626 = tpu.memref_squeeze %dma_wait3A_1625 : memref<1x16x128xf32, #tpu.memory_space<vmem>> -> memref<16x128xf32, #tpu.memory_space<vmem>>
      %dma_wait3A_1627 = arith.constant 0 : i32
      %dma_wait3A_1628 = arith.constant 0 : i32
      %dma_wait3A_1629 = tpu.memref_slice %arg5[%dma_wait3A_1627, %dma_wait3A_1628] : memref<500000x128xf32, #tpu.memory_space<hbm>> -> memref<16x128xf32, #tpu.memory_space<hbm>>
      %dma_wait3A_1630 = arith.constant 0 : i32
      %dma_wait3A_1631 = arith.constant 0 : i32
      %dma_wait3A_1632 = tpu.memref_slice %arg14[%dma_wait3A_1622, %dma_wait3A_1630, %dma_wait3A_1631] : memref<2x16x128xf32, #tpu.memory_space<vmem>> -> memref<1x16x128xf32, #tpu.memory_space<vmem>>
      %dma_wait3A_1633 = tpu.memref_squeeze %dma_wait3A_1632 : memref<1x16x128xf32, #tpu.memory_space<vmem>> -> memref<16x128xf32, #tpu.memory_space<vmem>>
      %dma_wait3A_1634 = arith.constant 0 : i32
      %dma_wait3A_1635 = arith.constant 0 : i32
      %dma_wait3A_1636 = tpu.memref_slice %arg5[%dma_wait3A_1634, %dma_wait3A_1635] : memref<500000x128xf32, #tpu.memory_space<hbm>> -> memref<16x128xf32, #tpu.memory_space<hbm>>
      tpu.wait_dma2 semaphore(%arg19 : memref<!tpu.dma_semaphore, #tpu.memory_space<semaphore_mem>>) src(%dma_wait3A_1636 : memref<16x128xf32, #tpu.memory_space<hbm>>) dst(%dma_wait3A_1633 : memref<16x128xf32, #tpu.memory_space<vmem>>)
      %dma_wait3A_1637 = arith.constant 1 : i32
      %dma_wait3A_1638 = arith.constant 0 : i32
      %dma_wait3A_1639 = arith.constant 0 : i32
      %dma_wait3A_1640 = tpu.memref_slice %arg15[%dma_wait3A_1637, %dma_wait3A_1638, %dma_wait3A_1639] : memref<2x16x128xf32, #tpu.memory_space<vmem>> -> memref<1x16x128xf32, #tpu.memory_space<vmem>>
      %dma_wait3A_1641 = tpu.memref_squeeze %dma_wait3A_1640 : memref<1x16x128xf32, #tpu.memory_space<vmem>> -> memref<16x128xf32, #tpu.memory_space<vmem>>
      %dma_wait3A_1642 = arith.constant 0 : i32
      %dma_wait3A_1643 = arith.constant 0 : i32
      %dma_wait3A_1644 = tpu.memref_slice %arg5[%dma_wait3A_1642, %dma_wait3A_1643] : memref<500000x128xf32, #tpu.memory_space<hbm>> -> memref<16x128xf32, #tpu.memory_space<hbm>>
      %dma_wait3A_1645 = arith.constant 0 : i32
      %dma_wait3A_1646 = arith.constant 0 : i32
      %dma_wait3A_1647 = tpu.memref_slice %arg15[%dma_wait3A_1637, %dma_wait3A_1645, %dma_wait3A_1646] : memref<2x16x128xf32, #tpu.memory_space<vmem>> -> memref<1x16x128xf32, #tpu.memory_space<vmem>>
      %dma_wait3A_1648 = tpu.memref_squeeze %dma_wait3A_1647 : memref<1x16x128xf32, #tpu.memory_space<vmem>> -> memref<16x128xf32, #tpu.memory_space<vmem>>
      %dma_wait3A_1649 = arith.constant 0 : i32
      %dma_wait3A_1650 = arith.constant 0 : i32
      %dma_wait3A_1651 = tpu.memref_slice %arg5[%dma_wait3A_1649, %dma_wait3A_1650] : memref<500000x128xf32, #tpu.memory_space<hbm>> -> memref<16x128xf32, #tpu.memory_space<hbm>>
      tpu.wait_dma2 semaphore(%arg19 : memref<!tpu.dma_semaphore, #tpu.memory_space<semaphore_mem>>) src(%dma_wait3A_1651 : memref<16x128xf32, #tpu.memory_space<hbm>>) dst(%dma_wait3A_1648 : memref<16x128xf32, #tpu.memory_space<vmem>>)
      %dma_wait3A_1652 = arith.constant 1 : i32
      %dma_wait3A_1653 = arith.constant 0 : i32
      %dma_wait3A_1654 = arith.constant 0 : i32
      %dma_wait3A_1655 = tpu.memref_slice %arg16[%dma_wait3A_1652, %dma_wait3A_1653, %dma_wait3A_1654] : memref<2x320x128xf32, #tpu.memory_space<vmem>> -> memref<1x320x128xf32, #tpu.memory_space<vmem>>
      %dma_wait3A_1656 = tpu.memref_squeeze %dma_wait3A_1655 : memref<1x320x128xf32, #tpu.memory_space<vmem>> -> memref<320x128xf32, #tpu.memory_space<vmem>>
      %dma_wait3A_1657 = arith.constant 0 : i32
      %dma_wait3A_1658 = arith.constant 0 : i32
      %dma_wait3A_1659 = tpu.memref_slice %arg5[%dma_wait3A_1657, %dma_wait3A_1658] : memref<500000x128xf32, #tpu.memory_space<hbm>> -> memref<320x128xf32, #tpu.memory_space<hbm>>
      %dma_wait3A_1660 = arith.constant 0 : i32
      %dma_wait3A_1661 = arith.constant 0 : i32
      %dma_wait3A_1662 = tpu.memref_slice %arg16[%dma_wait3A_1652, %dma_wait3A_1660, %dma_wait3A_1661] : memref<2x320x128xf32, #tpu.memory_space<vmem>> -> memref<1x320x128xf32, #tpu.memory_space<vmem>>
      %dma_wait3A_1663 = tpu.memref_squeeze %dma_wait3A_1662 : memref<1x320x128xf32, #tpu.memory_space<vmem>> -> memref<320x128xf32, #tpu.memory_space<vmem>>
      %dma_wait3A_1664 = arith.constant 0 : i32
      %dma_wait3A_1665 = arith.constant 0 : i32
      %dma_wait3A_1666 = tpu.memref_slice %arg5[%dma_wait3A_1664, %dma_wait3A_1665] : memref<500000x128xf32, #tpu.memory_space<hbm>> -> memref<320x128xf32, #tpu.memory_space<hbm>>
      tpu.wait_dma2 semaphore(%arg19 : memref<!tpu.dma_semaphore, #tpu.memory_space<semaphore_mem>>) src(%dma_wait3A_1666 : memref<320x128xf32, #tpu.memory_space<hbm>>) dst(%dma_wait3A_1663 : memref<320x128xf32, #tpu.memory_space<vmem>>)
      %add3A_1667 = arith.constant 1 : i32
      %add3A_1668 = arith.addi %mul3A_287, %add3A_1667 : i32
      %mul3A_1669 = arith.constant 16 : i32
      %mul3A_1670 = arith.muli %add3A_1668, %mul3A_1669 : i32
      %add3A_1671 = vector.broadcast %mul3A_1670 : i32 to vector<16xi32>
      %add3A_1672 = arith.addi %add3A_1671, %iota3A : vector<16xi32>
      %mul3A_1673 = arith.constant 320 : i32
      %mul3A_1674 = arith.muli %add3A_1668, %mul3A_1673 : i32
      %mul3A_1675 = arith.constant 20 : i32
      %mul3A_1676 = vector.broadcast %mul3A_1675 : i32 to vector<16xi32>
      %mul3A_1677 = arith.muli %iota3A, %mul3A_1676 : vector<16xi32>
      %add3A_1678 = vector.broadcast %mul3A_1674 : i32 to vector<16xi32>
      %add3A_1679 = arith.addi %add3A_1678, %mul3A_1677 : vector<16xi32>
      %gather3A_1680 = tpu.vector_load_idx %arg8[%add3A_1672] : memref<512xi32, #tpu.memory_space<vmem>>[vector<16xi32>], vector<16xi32>,
      %and3A_1681 = arith.constant 1 : i32
      %and3A_1682 = vector.broadcast %and3A_1681 : i32 to vector<16xi32>
      %and3A_1683 = arith.andi %gather3A_1680, %and3A_1682 : vector<16xi32>
      %mul3A_1684 = arith.constant 64 : i32
      %mul3A_1685 = vector.broadcast %mul3A_1684 : i32 to vector<16xi32>
      %mul3A_1686 = arith.muli %and3A_1683, %mul3A_1685 : vector<16xi32>
      %gather3A_1687 = tpu.vector_load_idx %arg9[%add3A_1672] : memref<512xi32, #tpu.memory_space<vmem>>[vector<16xi32>], vector<16xi32>,
      %and3A_1688 = arith.constant 1 : i32
      %and3A_1689 = vector.broadcast %and3A_1688 : i32 to vector<16xi32>
      %and3A_1690 = arith.andi %gather3A_1687, %and3A_1689 : vector<16xi32>
      %mul3A_1691 = arith.constant 64 : i32
      %mul3A_1692 = vector.broadcast %mul3A_1691 : i32 to vector<16xi32>
      %mul3A_1693 = arith.muli %and3A_1690, %mul3A_1692 : vector<16xi32>
      %add3A_1694 = arith.constant 0 : i32
      %add3A_1695 = vector.broadcast %add3A_1694 : i32 to vector<16xi32>
      %add3A_1696 = arith.addi %add3A_1679, %add3A_1695 : vector<16xi32>
      %gather3A_1697 = tpu.vector_load_idx %arg10[%add3A_1696] : memref<10240xi32, #tpu.memory_space<vmem>>[vector<16xi32>], vector<16xi32>,
      %and3A_1698 = arith.constant 1 : i32
      %and3A_1699 = vector.broadcast %and3A_1698 : i32 to vector<16xi32>
      %and3A_1700 = arith.andi %gather3A_1697, %and3A_1699 : vector<16xi32>
      %mul3A_1701 = arith.constant 64 : i32
      %mul3A_1702 = vector.broadcast %mul3A_1701 : i32 to vector<16xi32>
      %mul3A_1703 = arith.muli %and3A_1700, %mul3A_1702 : vector<16xi32>
      %add3A_1704 = arith.constant 1 : i32
      %add3A_1705 = vector.broadcast %add3A_1704 : i32 to vector<16xi32>
      %add3A_1706 = arith.addi %add3A_1679, %add3A_1705 : vector<16xi32>
      %gather3A_1707 = tpu.vector_load_idx %arg10[%add3A_1706] : memref<10240xi32, #tpu.memory_space<vmem>>[vector<16xi32>], vector<16xi32>,
      %and3A_1708 = arith.constant 1 : i32
      %and3A_1709 = vector.broadcast %and3A_1708 : i32 to vector<16xi32>
      %and3A_1710 = arith.andi %gather3A_1707, %and3A_1709 : vector<16xi32>
      %mul3A_1711 = arith.constant 64 : i32
      %mul3A_1712 = vector.broadcast %mul3A_1711 : i32 to vector<16xi32>
      %mul3A_1713 = arith.muli %and3A_1710, %mul3A_1712 : vector<16xi32>
      %add3A_1714 = arith.constant 2 : i32
      %add3A_1715 = vector.broadcast %add3A_1714 : i32 to vector<16xi32>
      %add3A_1716 = arith.addi %add3A_1679, %add3A_1715 : vector<16xi32>
      %gather3A_1717 = tpu.vector_load_idx %arg10[%add3A_1716] : memref<10240xi32, #tpu.memory_space<vmem>>[vector<16xi32>], vector<16xi32>,
      %and3A_1718 = arith.constant 1 : i32
      %and3A_1719 = vector.broadcast %and3A_1718 : i32 to vector<16xi32>
      %and3A_1720 = arith.andi %gather3A_1717, %and3A_1719 : vector<16xi32>
      %mul3A_1721 = arith.constant 64 : i32
      %mul3A_1722 = vector.broadcast %mul3A_1721 : i32 to vector<16xi32>
      %mul3A_1723 = arith.muli %and3A_1720, %mul3A_1722 : vector<16xi32>
      %add3A_1724 = arith.constant 3 : i32
      %add3A_1725 = vector.broadcast %add3A_1724 : i32 to vector<16xi32>
      %add3A_1726 = arith.addi %add3A_1679, %add3A_1725 : vector<16xi32>
      %gather3A_1727 = tpu.vector_load_idx %arg10[%add3A_1726] : memref<10240xi32, #tpu.memory_space<vmem>>[vector<16xi32>], vector<16xi32>,
      %and3A_1728 = arith.constant 1 : i32
      %and3A_1729 = vector.broadcast %and3A_1728 : i32 to vector<16xi32>
      %and3A_1730 = arith.andi %gather3A_1727, %and3A_1729 : vector<16xi32>
      %mul3A_1731 = arith.constant 64 : i32
      %mul3A_1732 = vector.broadcast %mul3A_1731 : i32 to vector<16xi32>
      %mul3A_1733 = arith.muli %and3A_1730, %mul3A_1732 : vector<16xi32>
      %add3A_1734 = arith.constant 4 : i32
      %add3A_1735 = vector.broadcast %add3A_1734 : i32 to vector<16xi32>
      %add3A_1736 = arith.addi %add3A_1679, %add3A_1735 : vector<16xi32>
      %gather3A_1737 = tpu.vector_load_idx %arg10[%add3A_1736] : memref<10240xi32, #tpu.memory_space<vmem>>[vector<16xi32>], vector<16xi32>,
      %and3A_1738 = arith.constant 1 : i32
      %and3A_1739 = vector.broadcast %and3A_1738 : i32 to vector<16xi32>
      %and3A_1740 = arith.andi %gather3A_1737, %and3A_1739 : vector<16xi32>
      %mul3A_1741 = arith.constant 64 : i32
      %mul3A_1742 = vector.broadcast %mul3A_1741 : i32 to vector<16xi32>
      %mul3A_1743 = arith.muli %and3A_1740, %mul3A_1742 : vector<16xi32>
      %add3A_1744 = arith.constant 5 : i32
      %add3A_1745 = vector.broadcast %add3A_1744 : i32 to vector<16xi32>
      %add3A_1746 = arith.addi %add3A_1679, %add3A_1745 : vector<16xi32>
      %gather3A_1747 = tpu.vector_load_idx %arg10[%add3A_1746] : memref<10240xi32, #tpu.memory_space<vmem>>[vector<16xi32>], vector<16xi32>,
      %and3A_1748 = arith.constant 1 : i32
      %and3A_1749 = vector.broadcast %and3A_1748 : i32 to vector<16xi32>
      %and3A_1750 = arith.andi %gather3A_1747, %and3A_1749 : vector<16xi32>
      %mul3A_1751 = arith.constant 64 : i32
      %mul3A_1752 = vector.broadcast %mul3A_1751 : i32 to vector<16xi32>
      %mul3A_1753 = arith.muli %and3A_1750, %mul3A_1752 : vector<16xi32>
      %add3A_1754 = arith.constant 6 : i32
      %add3A_1755 = vector.broadcast %add3A_1754 : i32 to vector<16xi32>
      %add3A_1756 = arith.addi %add3A_1679, %add3A_1755 : vector<16xi32>
      %gather3A_1757 = tpu.vector_load_idx %arg10[%add3A_1756] : memref<10240xi32, #tpu.memory_space<vmem>>[vector<16xi32>], vector<16xi32>,
      %and3A_1758 = arith.constant 1 : i32
      %and3A_1759 = vector.broadcast %and3A_1758 : i32 to vector<16xi32>
      %and3A_1760 = arith.andi %gather3A_1757, %and3A_1759 : vector<16xi32>
      %mul3A_1761 = arith.constant 64 : i32
      %mul3A_1762 = vector.broadcast %mul3A_1761 : i32 to vector<16xi32>
      %mul3A_1763 = arith.muli %and3A_1760, %mul3A_1762 : vector<16xi32>
      %add3A_1764 = arith.constant 7 : i32
      %add3A_1765 = vector.broadcast %add3A_1764 : i32 to vector<16xi32>
      %add3A_1766 = arith.addi %add3A_1679, %add3A_1765 : vector<16xi32>
      %gather3A_1767 = tpu.vector_load_idx %arg10[%add3A_1766] : memref<10240xi32, #tpu.memory_space<vmem>>[vector<16xi32>], vector<16xi32>,
      %and3A_1768 = arith.constant 1 : i32
      %and3A_1769 = vector.broadcast %and3A_1768 : i32 to vector<16xi32>
      %and3A_1770 = arith.andi %gather3A_1767, %and3A_1769 : vector<16xi32>
      %mul3A_1771 = arith.constant 64 : i32
      %mul3A_1772 = vector.broadcast %mul3A_1771 : i32 to vector<16xi32>
      %mul3A_1773 = arith.muli %and3A_1770, %mul3A_1772 : vector<16xi32>
      %add3A_1774 = arith.constant 8 : i32
      %add3A_1775 = vector.broadcast %add3A_1774 : i32 to vector<16xi32>
      %add3A_1776 = arith.addi %add3A_1679, %add3A_1775 : vector<16xi32>
      %gather3A_1777 = tpu.vector_load_idx %arg10[%add3A_1776] : memref<10240xi32, #tpu.memory_space<vmem>>[vector<16xi32>], vector<16xi32>,
      %and3A_1778 = arith.constant 1 : i32
      %and3A_1779 = vector.broadcast %and3A_1778 : i32 to vector<16xi32>
      %and3A_1780 = arith.andi %gather3A_1777, %and3A_1779 : vector<16xi32>
      %mul3A_1781 = arith.constant 64 : i32
      %mul3A_1782 = vector.broadcast %mul3A_1781 : i32 to vector<16xi32>
      %mul3A_1783 = arith.muli %and3A_1780, %mul3A_1782 : vector<16xi32>
      %add3A_1784 = arith.constant 9 : i32
      %add3A_1785 = vector.broadcast %add3A_1784 : i32 to vector<16xi32>
      %add3A_1786 = arith.addi %add3A_1679, %add3A_1785 : vector<16xi32>
      %gather3A_1787 = tpu.vector_load_idx %arg10[%add3A_1786] : memref<10240xi32, #tpu.memory_space<vmem>>[vector<16xi32>], vector<16xi32>,
      %and3A_1788 = arith.constant 1 : i32
      %and3A_1789 = vector.broadcast %and3A_1788 : i32 to vector<16xi32>
      %and3A_1790 = arith.andi %gather3A_1787, %and3A_1789 : vector<16xi32>
      %mul3A_1791 = arith.constant 64 : i32
      %mul3A_1792 = vector.broadcast %mul3A_1791 : i32 to vector<16xi32>
      %mul3A_1793 = arith.muli %and3A_1790, %mul3A_1792 : vector<16xi32>
      %add3A_1794 = arith.constant 10 : i32
      %add3A_1795 = vector.broadcast %add3A_1794 : i32 to vector<16xi32>
      %add3A_1796 = arith.addi %add3A_1679, %add3A_1795 : vector<16xi32>
      %gather3A_1797 = tpu.vector_load_idx %arg10[%add3A_1796] : memref<10240xi32, #tpu.memory_space<vmem>>[vector<16xi32>], vector<16xi32>,
      %and3A_1798 = arith.constant 1 : i32
      %and3A_1799 = vector.broadcast %and3A_1798 : i32 to vector<16xi32>
      %and3A_1800 = arith.andi %gather3A_1797, %and3A_1799 : vector<16xi32>
      %mul3A_1801 = arith.constant 64 : i32
      %mul3A_1802 = vector.broadcast %mul3A_1801 : i32 to vector<16xi32>
      %mul3A_1803 = arith.muli %and3A_1800, %mul3A_1802 : vector<16xi32>
      %add3A_1804 = arith.constant 11 : i32
      %add3A_1805 = vector.broadcast %add3A_1804 : i32 to vector<16xi32>
      %add3A_1806 = arith.addi %add3A_1679, %add3A_1805 : vector<16xi32>
      %gather3A_1807 = tpu.vector_load_idx %arg10[%add3A_1806] : memref<10240xi32, #tpu.memory_space<vmem>>[vector<16xi32>], vector<16xi32>,
      %and3A_1808 = arith.constant 1 : i32
      %and3A_1809 = vector.broadcast %and3A_1808 : i32 to vector<16xi32>
      %and3A_1810 = arith.andi %gather3A_1807, %and3A_1809 : vector<16xi32>
      %mul3A_1811 = arith.constant 64 : i32
      %mul3A_1812 = vector.broadcast %mul3A_1811 : i32 to vector<16xi32>
      %mul3A_1813 = arith.muli %and3A_1810, %mul3A_1812 : vector<16xi32>
      %add3A_1814 = arith.constant 12 : i32
      %add3A_1815 = vector.broadcast %add3A_1814 : i32 to vector<16xi32>
      %add3A_1816 = arith.addi %add3A_1679, %add3A_1815 : vector<16xi32>
      %gather3A_1817 = tpu.vector_load_idx %arg10[%add3A_1816] : memref<10240xi32, #tpu.memory_space<vmem>>[vector<16xi32>], vector<16xi32>,
      %and3A_1818 = arith.constant 1 : i32
      %and3A_1819 = vector.broadcast %and3A_1818 : i32 to vector<16xi32>
      %and3A_1820 = arith.andi %gather3A_1817, %and3A_1819 : vector<16xi32>
      %mul3A_1821 = arith.constant 64 : i32
      %mul3A_1822 = vector.broadcast %mul3A_1821 : i32 to vector<16xi32>
      %mul3A_1823 = arith.muli %and3A_1820, %mul3A_1822 : vector<16xi32>
      %add3A_1824 = arith.constant 13 : i32
      %add3A_1825 = vector.broadcast %add3A_1824 : i32 to vector<16xi32>
      %add3A_1826 = arith.addi %add3A_1679, %add3A_1825 : vector<16xi32>
      %gather3A_1827 = tpu.vector_load_idx %arg10[%add3A_1826] : memref<10240xi32, #tpu.memory_space<vmem>>[vector<16xi32>], vector<16xi32>,
      %and3A_1828 = arith.constant 1 : i32
      %and3A_1829 = vector.broadcast %and3A_1828 : i32 to vector<16xi32>
      %and3A_1830 = arith.andi %gather3A_1827, %and3A_1829 : vector<16xi32>
      %mul3A_1831 = arith.constant 64 : i32
      %mul3A_1832 = vector.broadcast %mul3A_1831 : i32 to vector<16xi32>
      %mul3A_1833 = arith.muli %and3A_1830, %mul3A_1832 : vector<16xi32>
      %add3A_1834 = arith.constant 14 : i32
      %add3A_1835 = vector.broadcast %add3A_1834 : i32 to vector<16xi32>
      %add3A_1836 = arith.addi %add3A_1679, %add3A_1835 : vector<16xi32>
      %gather3A_1837 = tpu.vector_load_idx %arg10[%add3A_1836] : memref<10240xi32, #tpu.memory_space<vmem>>[vector<16xi32>], vector<16xi32>,
      %and3A_1838 = arith.constant 1 : i32
      %and3A_1839 = vector.broadcast %and3A_1838 : i32 to vector<16xi32>
      %and3A_1840 = arith.andi %gather3A_1837, %and3A_1839 : vector<16xi32>
      %mul3A_1841 = arith.constant 64 : i32
      %mul3A_1842 = vector.broadcast %mul3A_1841 : i32 to vector<16xi32>
      %mul3A_1843 = arith.muli %and3A_1840, %mul3A_1842 : vector<16xi32>
      %add3A_1844 = arith.constant 15 : i32
      %add3A_1845 = vector.broadcast %add3A_1844 : i32 to vector<16xi32>
      %add3A_1846 = arith.addi %add3A_1679, %add3A_1845 : vector<16xi32>
      %gather3A_1847 = tpu.vector_load_idx %arg10[%add3A_1846] : memref<10240xi32, #tpu.memory_space<vmem>>[vector<16xi32>], vector<16xi32>,
      %and3A_1848 = arith.constant 1 : i32
      %and3A_1849 = vector.broadcast %and3A_1848 : i32 to vector<16xi32>
      %and3A_1850 = arith.andi %gather3A_1847, %and3A_1849 : vector<16xi32>
      %mul3A_1851 = arith.constant 64 : i32
      %mul3A_1852 = vector.broadcast %mul3A_1851 : i32 to vector<16xi32>
      %mul3A_1853 = arith.muli %and3A_1850, %mul3A_1852 : vector<16xi32>
      %add3A_1854 = arith.constant 16 : i32
      %add3A_1855 = vector.broadcast %add3A_1854 : i32 to vector<16xi32>
      %add3A_1856 = arith.addi %add3A_1679, %add3A_1855 : vector<16xi32>
      %gather3A_1857 = tpu.vector_load_idx %arg10[%add3A_1856] : memref<10240xi32, #tpu.memory_space<vmem>>[vector<16xi32>], vector<16xi32>,
      %and3A_1858 = arith.constant 1 : i32
      %and3A_1859 = vector.broadcast %and3A_1858 : i32 to vector<16xi32>
      %and3A_1860 = arith.andi %gather3A_1857, %and3A_1859 : vector<16xi32>
      %mul3A_1861 = arith.constant 64 : i32
      %mul3A_1862 = vector.broadcast %mul3A_1861 : i32 to vector<16xi32>
      %mul3A_1863 = arith.muli %and3A_1860, %mul3A_1862 : vector<16xi32>
      %add3A_1864 = arith.constant 17 : i32
      %add3A_1865 = vector.broadcast %add3A_1864 : i32 to vector<16xi32>
      %add3A_1866 = arith.addi %add3A_1679, %add3A_1865 : vector<16xi32>
      %gather3A_1867 = tpu.vector_load_idx %arg10[%add3A_1866] : memref<10240xi32, #tpu.memory_space<vmem>>[vector<16xi32>], vector<16xi32>,
      %and3A_1868 = arith.constant 1 : i32
      %and3A_1869 = vector.broadcast %and3A_1868 : i32 to vector<16xi32>
      %and3A_1870 = arith.andi %gather3A_1867, %and3A_1869 : vector<16xi32>
      %mul3A_1871 = arith.constant 64 : i32
      %mul3A_1872 = vector.broadcast %mul3A_1871 : i32 to vector<16xi32>
      %mul3A_1873 = arith.muli %and3A_1870, %mul3A_1872 : vector<16xi32>
      %add3A_1874 = arith.constant 18 : i32
      %add3A_1875 = vector.broadcast %add3A_1874 : i32 to vector<16xi32>
      %add3A_1876 = arith.addi %add3A_1679, %add3A_1875 : vector<16xi32>
      %gather3A_1877 = tpu.vector_load_idx %arg10[%add3A_1876] : memref<10240xi32, #tpu.memory_space<vmem>>[vector<16xi32>], vector<16xi32>,
      %and3A_1878 = arith.constant 1 : i32
      %and3A_1879 = vector.broadcast %and3A_1878 : i32 to vector<16xi32>
      %and3A_1880 = arith.andi %gather3A_1877, %and3A_1879 : vector<16xi32>
      %mul3A_1881 = arith.constant 64 : i32
      %mul3A_1882 = vector.broadcast %mul3A_1881 : i32 to vector<16xi32>
      %mul3A_1883 = arith.muli %and3A_1880, %mul3A_1882 : vector<16xi32>
      %add3A_1884 = arith.constant 19 : i32
      %add3A_1885 = vector.broadcast %add3A_1884 : i32 to vector<16xi32>
      %add3A_1886 = arith.addi %add3A_1679, %add3A_1885 : vector<16xi32>
      %gather3A_1887 = tpu.vector_load_idx %arg10[%add3A_1886] : memref<10240xi32, #tpu.memory_space<vmem>>[vector<16xi32>], vector<16xi32>,
      %and3A_1888 = arith.constant 1 : i32
      %and3A_1889 = vector.broadcast %and3A_1888 : i32 to vector<16xi32>
      %and3A_1890 = arith.andi %gather3A_1887, %and3A_1889 : vector<16xi32>
      %mul3A_1891 = arith.constant 64 : i32
      %mul3A_1892 = vector.broadcast %mul3A_1891 : i32 to vector<16xi32>
      %mul3A_1893 = arith.muli %and3A_1890, %mul3A_1892 : vector<16xi32>
      %mul3A_1894 = arith.constant 20 : i32
      %mul3A_1895 = vector.broadcast %mul3A_1894 : i32 to vector<16xi32>
      %mul3A_1896 = arith.muli %iota3A, %mul3A_1895 : vector<16xi32>
      %add3A_1897 = arith.constant 0 : i32
      %add3A_1898 = vector.broadcast %add3A_1897 : i32 to vector<16xi32>
      %add3A_1899 = arith.addi %mul3A_1896, %add3A_1898 : vector<16xi32>
      %mul3A_1900 = arith.constant 20 : i32
      %mul3A_1901 = vector.broadcast %mul3A_1900 : i32 to vector<16xi32>
      %mul3A_1902 = arith.muli %iota3A, %mul3A_1901 : vector<16xi32>
      %add3A_1903 = arith.constant 1 : i32
      %add3A_1904 = vector.broadcast %add3A_1903 : i32 to vector<16xi32>
      %add3A_1905 = arith.addi %mul3A_1902, %add3A_1904 : vector<16xi32>
      %mul3A_1906 = arith.constant 20 : i32
      %mul3A_1907 = vector.broadcast %mul3A_1906 : i32 to vector<16xi32>
      %mul3A_1908 = arith.muli %iota3A, %mul3A_1907 : vector<16xi32>
      %add3A_1909 = arith.constant 2 : i32
      %add3A_1910 = vector.broadcast %add3A_1909 : i32 to vector<16xi32>
      %add3A_1911 = arith.addi %mul3A_1908, %add3A_1910 : vector<16xi32>
      %mul3A_1912 = arith.constant 20 : i32
      %mul3A_1913 = vector.broadcast %mul3A_1912 : i32 to vector<16xi32>
      %mul3A_1914 = arith.muli %iota3A, %mul3A_1913 : vector<16xi32>
      %add3A_1915 = arith.constant 3 : i32
      %add3A_1916 = vector.broadcast %add3A_1915 : i32 to vector<16xi32>
      %add3A_1917 = arith.addi %mul3A_1914, %add3A_1916 : vector<16xi32>
      %mul3A_1918 = arith.constant 20 : i32
      %mul3A_1919 = vector.broadcast %mul3A_1918 : i32 to vector<16xi32>
      %mul3A_1920 = arith.muli %iota3A, %mul3A_1919 : vector<16xi32>
      %add3A_1921 = arith.constant 4 : i32
      %add3A_1922 = vector.broadcast %add3A_1921 : i32 to vector<16xi32>
      %add3A_1923 = arith.addi %mul3A_1920, %add3A_1922 : vector<16xi32>
      %mul3A_1924 = arith.constant 20 : i32
      %mul3A_1925 = vector.broadcast %mul3A_1924 : i32 to vector<16xi32>
      %mul3A_1926 = arith.muli %iota3A, %mul3A_1925 : vector<16xi32>
      %add3A_1927 = arith.constant 5 : i32
      %add3A_1928 = vector.broadcast %add3A_1927 : i32 to vector<16xi32>
      %add3A_1929 = arith.addi %mul3A_1926, %add3A_1928 : vector<16xi32>
      %mul3A_1930 = arith.constant 20 : i32
      %mul3A_1931 = vector.broadcast %mul3A_1930 : i32 to vector<16xi32>
      %mul3A_1932 = arith.muli %iota3A, %mul3A_1931 : vector<16xi32>
      %add3A_1933 = arith.constant 6 : i32
      %add3A_1934 = vector.broadcast %add3A_1933 : i32 to vector<16xi32>
      %add3A_1935 = arith.addi %mul3A_1932, %add3A_1934 : vector<16xi32>
      %mul3A_1936 = arith.constant 20 : i32
      %mul3A_1937 = vector.broadcast %mul3A_1936 : i32 to vector<16xi32>
      %mul3A_1938 = arith.muli %iota3A, %mul3A_1937 : vector<16xi32>
      %add3A_1939 = arith.constant 7 : i32
      %add3A_1940 = vector.broadcast %add3A_1939 : i32 to vector<16xi32>
      %add3A_1941 = arith.addi %mul3A_1938, %add3A_1940 : vector<16xi32>
      %mul3A_1942 = arith.constant 20 : i32
      %mul3A_1943 = vector.broadcast %mul3A_1942 : i32 to vector<16xi32>
      %mul3A_1944 = arith.muli %iota3A, %mul3A_1943 : vector<16xi32>
      %add3A_1945 = arith.constant 8 : i32
      %add3A_1946 = vector.broadcast %add3A_1945 : i32 to vector<16xi32>
      %add3A_1947 = arith.addi %mul3A_1944, %add3A_1946 : vector<16xi32>
      %mul3A_1948 = arith.constant 20 : i32
      %mul3A_1949 = vector.broadcast %mul3A_1948 : i32 to vector<16xi32>
      %mul3A_1950 = arith.muli %iota3A, %mul3A_1949 : vector<16xi32>
      %add3A_1951 = arith.constant 9 : i32
      %add3A_1952 = vector.broadcast %add3A_1951 : i32 to vector<16xi32>
      %add3A_1953 = arith.addi %mul3A_1950, %add3A_1952 : vector<16xi32>
      %mul3A_1954 = arith.constant 20 : i32
      %mul3A_1955 = vector.broadcast %mul3A_1954 : i32 to vector<16xi32>
      %mul3A_1956 = arith.muli %iota3A, %mul3A_1955 : vector<16xi32>
      %add3A_1957 = arith.constant 10 : i32
      %add3A_1958 = vector.broadcast %add3A_1957 : i32 to vector<16xi32>
      %add3A_1959 = arith.addi %mul3A_1956, %add3A_1958 : vector<16xi32>
      %mul3A_1960 = arith.constant 20 : i32
      %mul3A_1961 = vector.broadcast %mul3A_1960 : i32 to vector<16xi32>
      %mul3A_1962 = arith.muli %iota3A, %mul3A_1961 : vector<16xi32>
      %add3A_1963 = arith.constant 11 : i32
      %add3A_1964 = vector.broadcast %add3A_1963 : i32 to vector<16xi32>
      %add3A_1965 = arith.addi %mul3A_1962, %add3A_1964 : vector<16xi32>
      %mul3A_1966 = arith.constant 20 : i32
      %mul3A_1967 = vector.broadcast %mul3A_1966 : i32 to vector<16xi32>
      %mul3A_1968 = arith.muli %iota3A, %mul3A_1967 : vector<16xi32>
      %add3A_1969 = arith.constant 12 : i32
      %add3A_1970 = vector.broadcast %add3A_1969 : i32 to vector<16xi32>
      %add3A_1971 = arith.addi %mul3A_1968, %add3A_1970 : vector<16xi32>
      %mul3A_1972 = arith.constant 20 : i32
      %mul3A_1973 = vector.broadcast %mul3A_1972 : i32 to vector<16xi32>
      %mul3A_1974 = arith.muli %iota3A, %mul3A_1973 : vector<16xi32>
      %add3A_1975 = arith.constant 13 : i32
      %add3A_1976 = vector.broadcast %add3A_1975 : i32 to vector<16xi32>
      %add3A_1977 = arith.addi %mul3A_1974, %add3A_1976 : vector<16xi32>
      %mul3A_1978 = arith.constant 20 : i32
      %mul3A_1979 = vector.broadcast %mul3A_1978 : i32 to vector<16xi32>
      %mul3A_1980 = arith.muli %iota3A, %mul3A_1979 : vector<16xi32>
      %add3A_1981 = arith.constant 14 : i32
      %add3A_1982 = vector.broadcast %add3A_1981 : i32 to vector<16xi32>
      %add3A_1983 = arith.addi %mul3A_1980, %add3A_1982 : vector<16xi32>
      %mul3A_1984 = arith.constant 20 : i32
      %mul3A_1985 = vector.broadcast %mul3A_1984 : i32 to vector<16xi32>
      %mul3A_1986 = arith.muli %iota3A, %mul3A_1985 : vector<16xi32>
      %add3A_1987 = arith.constant 15 : i32
      %add3A_1988 = vector.broadcast %add3A_1987 : i32 to vector<16xi32>
      %add3A_1989 = arith.addi %mul3A_1986, %add3A_1988 : vector<16xi32>
      %mul3A_1990 = arith.constant 20 : i32
      %mul3A_1991 = vector.broadcast %mul3A_1990 : i32 to vector<16xi32>
      %mul3A_1992 = arith.muli %iota3A, %mul3A_1991 : vector<16xi32>
      %add3A_1993 = arith.constant 16 : i32
      %add3A_1994 = vector.broadcast %add3A_1993 : i32 to vector<16xi32>
      %add3A_1995 = arith.addi %mul3A_1992, %add3A_1994 : vector<16xi32>
      %mul3A_1996 = arith.constant 20 : i32
      %mul3A_1997 = vector.broadcast %mul3A_1996 : i32 to vector<16xi32>
      %mul3A_1998 = arith.muli %iota3A, %mul3A_1997 : vector<16xi32>
      %add3A_1999 = arith.constant 17 : i32
      %add3A_2000 = vector.broadcast %add3A_1999 : i32 to vector<16xi32>
      %add3A_2001 = arith.addi %mul3A_1998, %add3A_2000 : vector<16xi32>
      %mul3A_2002 = arith.constant 20 : i32
      %mul3A_2003 = vector.broadcast %mul3A_2002 : i32 to vector<16xi32>
      %mul3A_2004 = arith.muli %iota3A, %mul3A_2003 : vector<16xi32>
      %add3A_2005 = arith.constant 18 : i32
      %add3A_2006 = vector.broadcast %add3A_2005 : i32 to vector<16xi32>
      %add3A_2007 = arith.addi %mul3A_2004, %add3A_2006 : vector<16xi32>
      %mul3A_2008 = arith.constant 20 : i32
      %mul3A_2009 = vector.broadcast %mul3A_2008 : i32 to vector<16xi32>
      %mul3A_2010 = arith.muli %iota3A, %mul3A_2009 : vector<16xi32>
      %add3A_2011 = arith.constant 19 : i32
      %add3A_2012 = vector.broadcast %add3A_2011 : i32 to vector<16xi32>
      %add3A_2013 = arith.addi %mul3A_2010, %add3A_2012 : vector<16xi32>
      %broadcast_in_dim3A_2014 = arith.constant 0.000000e+00 : f32
      %broadcast_in_dim3A_2015 = vector.broadcast %broadcast_in_dim3A_2014 : f32 to vector<16xf32>
      %scan3A_2016 = arith.constant 1 : i32
      %scan3A_2017 = arith.constant 1 : i32
      %scan3A_2018 = arith.constant 1 : i32
      %scan3A_2019 = arith.constant 0 : i32
      %scan3A_2020 = arith.constant 64 : i32
      %scan3A_2021 = arith.addi %scan3A_2019, %scan3A_2020 : i32
      %scan3A_2022 = arith.constant 1 : i32
      %scan3A_2023:21 = scf.for %scan3A_2966 = %scan3A_2019 to %scan3A_2021 step %scan3A_2022 iter_args(%scan3A_2967 = %broadcast_in_dim3A_2015, %scan3A_2968 = %broadcast_in_dim3A_2015, %scan3A_2969 = %broadcast_in_dim3A_2015, %scan3A_2970 = %broadcast_in_dim3A_2015, %scan3A_2971 = %broadcast_in_dim3A_2015, %scan3A_2972 = %broadcast_in_dim3A_2015, %scan3A_2973 = %broadcast_in_dim3A_2015, %scan3A_2974 = %broadcast_in_dim3A_2015, %scan3A_2975 = %broadcast_in_dim3A_2015, %scan3A_2976 = %broadcast_in_dim3A_2015, %scan3A_2977 = %broadcast_in_dim3A_2015, %scan3A_2978 = %broadcast_in_dim3A_2015, %scan3A_2979 = %broadcast_in_dim3A_2015, %scan3A_2980 = %broadcast_in_dim3A_2015, %scan3A_2981 = %broadcast_in_dim3A_2015, %scan3A_2982 = %broadcast_in_dim3A_2015, %scan3A_2983 = %broadcast_in_dim3A_2015, %scan3A_2984 = %broadcast_in_dim3A_2015, %scan3A_2985 = %broadcast_in_dim3A_2015, %scan3A_2986 = %broadcast_in_dim3A_2015, %scan3A_2987 = %broadcast_in_dim3A_2015) -> (vector<16xf32>, vector<16xf32>, vector<16xf32>, vector<16xf32>, vector<16xf32>, vector<16xf32>, vector<16xf32>, vector<16xf32>, vector<16xf32>, vector<16xf32>, vector<16xf32>, vector<16xf32>, vector<16xf32>, vector<16xf32>, vector<16xf32>, vector<16xf32>, vector<16xf32>, vector<16xf32>, vector<16xf32>, vector<16xf32>, vector<16xf32>)  : i32 {
        %add3A_2988 = vector.broadcast %scan3A_2966 : i32 to vector<16xi32>
        %add3A_2989 = arith.addi %mul3A_1686, %add3A_2988 : vector<16xi32>
        %gather3A_2990 = arith.constant 0 : i32
        %gather3A_2991 = arith.constant 0 : i32
        %gather3A_2992 = tpu.memref_slice %arg14[%scan3A_2016, %gather3A_2990, %gather3A_2991] : memref<2x16x128xf32, #tpu.memory_space<vmem>> -> memref<1x16x128xf32, #tpu.memory_space<vmem>>
        %gather3A_2993 = tpu.memref_squeeze %gather3A_2992 : memref<1x16x128xf32, #tpu.memory_space<vmem>> -> memref<16x128xf32, #tpu.memory_space<vmem>>
        %gather3A_2994 = tpu.vector_load_idx %gather3A_2993[%iota3A, %add3A_2989] : memref<16x128xf32, #tpu.memory_space<vmem>>[vector<16xi32>, vector<16xi32>], vector<16xf32>,
        %add3A_2995 = vector.broadcast %scan3A_2966 : i32 to vector<16xi32>
        %add3A_2996 = arith.addi %mul3A_1693, %add3A_2995 : vector<16xi32>
        %gather3A_2997 = arith.constant 0 : i32
        %gather3A_2998 = arith.constant 0 : i32
        %gather3A_2999 = tpu.memref_slice %arg15[%scan3A_2017, %gather3A_2997, %gather3A_2998] : memref<2x16x128xf32, #tpu.memory_space<vmem>> -> memref<1x16x128xf32, #tpu.memory_space<vmem>>
        %gather3A_3000 = tpu.memref_squeeze %gather3A_2999 : memref<1x16x128xf32, #tpu.memory_space<vmem>> -> memref<16x128xf32, #tpu.memory_space<vmem>>
        %gather3A_3001 = tpu.vector_load_idx %gather3A_3000[%iota3A, %add3A_2996] : memref<16x128xf32, #tpu.memory_space<vmem>>[vector<16xi32>, vector<16xi32>], vector<16xf32>,
        %mul3A_3002 = arith.mulf %gather3A_2994, %gather3A_3001 : vector<16xf32>
        %add3A_3003 = arith.addf %scan3A_2967, %mul3A_3002 : vector<16xf32>
        %add3A_3004 = vector.broadcast %scan3A_2966 : i32 to vector<16xi32>
        %add3A_3005 = arith.addi %mul3A_1703, %add3A_3004 : vector<16xi32>
        %gather3A_3006 = arith.constant 0 : i32
        %gather3A_3007 = arith.constant 0 : i32
        %gather3A_3008 = tpu.memref_slice %arg16[%scan3A_2018, %gather3A_3006, %gather3A_3007] : memref<2x320x128xf32, #tpu.memory_space<vmem>> -> memref<1x320x128xf32, #tpu.memory_space<vmem>>
        %gather3A_3009 = tpu.memref_squeeze %gather3A_3008 : memref<1x320x128xf32, #tpu.memory_space<vmem>> -> memref<320x128xf32, #tpu.memory_space<vmem>>
        %gather3A_3010 = tpu.vector_load_idx %gather3A_3009[%add3A_1899, %add3A_3005] : memref<320x128xf32, #tpu.memory_space<vmem>>[vector<16xi32>, vector<16xi32>], vector<16xf32>,
        %mul3A_3011 = arith.mulf %gather3A_2994, %gather3A_3010 : vector<16xf32>
        %add3A_3012 = arith.addf %scan3A_2968, %mul3A_3011 : vector<16xf32>
        %add3A_3013 = vector.broadcast %scan3A_2966 : i32 to vector<16xi32>
        %add3A_3014 = arith.addi %mul3A_1713, %add3A_3013 : vector<16xi32>
        %gather3A_3015 = arith.constant 0 : i32
        %gather3A_3016 = arith.constant 0 : i32
        %gather3A_3017 = tpu.memref_slice %arg16[%scan3A_2018, %gather3A_3015, %gather3A_3016] : memref<2x320x128xf32, #tpu.memory_space<vmem>> -> memref<1x320x128xf32, #tpu.memory_space<vmem>>
        %gather3A_3018 = tpu.memref_squeeze %gather3A_3017 : memref<1x320x128xf32, #tpu.memory_space<vmem>> -> memref<320x128xf32, #tpu.memory_space<vmem>>
        %gather3A_3019 = tpu.vector_load_idx %gather3A_3018[%add3A_1905, %add3A_3014] : memref<320x128xf32, #tpu.memory_space<vmem>>[vector<16xi32>, vector<16xi32>], vector<16xf32>,
        %mul3A_3020 = arith.mulf %gather3A_2994, %gather3A_3019 : vector<16xf32>
        %add3A_3021 = arith.addf %scan3A_2969, %mul3A_3020 : vector<16xf32>
        %add3A_3022 = vector.broadcast %scan3A_2966 : i32 to vector<16xi32>
        %add3A_3023 = arith.addi %mul3A_1723, %add3A_3022 : vector<16xi32>
        %gather3A_3024 = arith.constant 0 : i32
        %gather3A_3025 = arith.constant 0 : i32
        %gather3A_3026 = tpu.memref_slice %arg16[%scan3A_2018, %gather3A_3024, %gather3A_3025] : memref<2x320x128xf32, #tpu.memory_space<vmem>> -> memref<1x320x128xf32, #tpu.memory_space<vmem>>
        %gather3A_3027 = tpu.memref_squeeze %gather3A_3026 : memref<1x320x128xf32, #tpu.memory_space<vmem>> -> memref<320x128xf32, #tpu.memory_space<vmem>>
        %gather3A_3028 = tpu.vector_load_idx %gather3A_3027[%add3A_1911, %add3A_3023] : memref<320x128xf32, #tpu.memory_space<vmem>>[vector<16xi32>, vector<16xi32>], vector<16xf32>,
        %mul3A_3029 = arith.mulf %gather3A_2994, %gather3A_3028 : vector<16xf32>
        %add3A_3030 = arith.addf %scan3A_2970, %mul3A_3029 : vector<16xf32>
        %add3A_3031 = vector.broadcast %scan3A_2966 : i32 to vector<16xi32>
        %add3A_3032 = arith.addi %mul3A_1733, %add3A_3031 : vector<16xi32>
        %gather3A_3033 = arith.constant 0 : i32
        %gather3A_3034 = arith.constant 0 : i32
        %gather3A_3035 = tpu.memref_slice %arg16[%scan3A_2018, %gather3A_3033, %gather3A_3034] : memref<2x320x128xf32, #tpu.memory_space<vmem>> -> memref<1x320x128xf32, #tpu.memory_space<vmem>>
        %gather3A_3036 = tpu.memref_squeeze %gather3A_3035 : memref<1x320x128xf32, #tpu.memory_space<vmem>> -> memref<320x128xf32, #tpu.memory_space<vmem>>
        %gather3A_3037 = tpu.vector_load_idx %gather3A_3036[%add3A_1917, %add3A_3032] : memref<320x128xf32, #tpu.memory_space<vmem>>[vector<16xi32>, vector<16xi32>], vector<16xf32>,
        %mul3A_3038 = arith.mulf %gather3A_2994, %gather3A_3037 : vector<16xf32>
        %add3A_3039 = arith.addf %scan3A_2971, %mul3A_3038 : vector<16xf32>
        %add3A_3040 = vector.broadcast %scan3A_2966 : i32 to vector<16xi32>
        %add3A_3041 = arith.addi %mul3A_1743, %add3A_3040 : vector<16xi32>
        %gather3A_3042 = arith.constant 0 : i32
        %gather3A_3043 = arith.constant 0 : i32
        %gather3A_3044 = tpu.memref_slice %arg16[%scan3A_2018, %gather3A_3042, %gather3A_3043] : memref<2x320x128xf32, #tpu.memory_space<vmem>> -> memref<1x320x128xf32, #tpu.memory_space<vmem>>
        %gather3A_3045 = tpu.memref_squeeze %gather3A_3044 : memref<1x320x128xf32, #tpu.memory_space<vmem>> -> memref<320x128xf32, #tpu.memory_space<vmem>>
        %gather3A_3046 = tpu.vector_load_idx %gather3A_3045[%add3A_1923, %add3A_3041] : memref<320x128xf32, #tpu.memory_space<vmem>>[vector<16xi32>, vector<16xi32>], vector<16xf32>,
        %mul3A_3047 = arith.mulf %gather3A_2994, %gather3A_3046 : vector<16xf32>
        %add3A_3048 = arith.addf %scan3A_2972, %mul3A_3047 : vector<16xf32>
        %add3A_3049 = vector.broadcast %scan3A_2966 : i32 to vector<16xi32>
        %add3A_3050 = arith.addi %mul3A_1753, %add3A_3049 : vector<16xi32>
        %gather3A_3051 = arith.constant 0 : i32
        %gather3A_3052 = arith.constant 0 : i32
        %gather3A_3053 = tpu.memref_slice %arg16[%scan3A_2018, %gather3A_3051, %gather3A_3052] : memref<2x320x128xf32, #tpu.memory_space<vmem>> -> memref<1x320x128xf32, #tpu.memory_space<vmem>>
        %gather3A_3054 = tpu.memref_squeeze %gather3A_3053 : memref<1x320x128xf32, #tpu.memory_space<vmem>> -> memref<320x128xf32, #tpu.memory_space<vmem>>
        %gather3A_3055 = tpu.vector_load_idx %gather3A_3054[%add3A_1929, %add3A_3050] : memref<320x128xf32, #tpu.memory_space<vmem>>[vector<16xi32>, vector<16xi32>], vector<16xf32>,
        %mul3A_3056 = arith.mulf %gather3A_2994, %gather3A_3055 : vector<16xf32>
        %add3A_3057 = arith.addf %scan3A_2973, %mul3A_3056 : vector<16xf32>
        %add3A_3058 = vector.broadcast %scan3A_2966 : i32 to vector<16xi32>
        %add3A_3059 = arith.addi %mul3A_1763, %add3A_3058 : vector<16xi32>
        %gather3A_3060 = arith.constant 0 : i32
        %gather3A_3061 = arith.constant 0 : i32
        %gather3A_3062 = tpu.memref_slice %arg16[%scan3A_2018, %gather3A_3060, %gather3A_3061] : memref<2x320x128xf32, #tpu.memory_space<vmem>> -> memref<1x320x128xf32, #tpu.memory_space<vmem>>
        %gather3A_3063 = tpu.memref_squeeze %gather3A_3062 : memref<1x320x128xf32, #tpu.memory_space<vmem>> -> memref<320x128xf32, #tpu.memory_space<vmem>>
        %gather3A_3064 = tpu.vector_load_idx %gather3A_3063[%add3A_1935, %add3A_3059] : memref<320x128xf32, #tpu.memory_space<vmem>>[vector<16xi32>, vector<16xi32>], vector<16xf32>,
        %mul3A_3065 = arith.mulf %gather3A_2994, %gather3A_3064 : vector<16xf32>
        %add3A_3066 = arith.addf %scan3A_2974, %mul3A_3065 : vector<16xf32>
        %add3A_3067 = vector.broadcast %scan3A_2966 : i32 to vector<16xi32>
        %add3A_3068 = arith.addi %mul3A_1773, %add3A_3067 : vector<16xi32>
        %gather3A_3069 = arith.constant 0 : i32
        %gather3A_3070 = arith.constant 0 : i32
        %gather3A_3071 = tpu.memref_slice %arg16[%scan3A_2018, %gather3A_3069, %gather3A_3070] : memref<2x320x128xf32, #tpu.memory_space<vmem>> -> memref<1x320x128xf32, #tpu.memory_space<vmem>>
        %gather3A_3072 = tpu.memref_squeeze %gather3A_3071 : memref<1x320x128xf32, #tpu.memory_space<vmem>> -> memref<320x128xf32, #tpu.memory_space<vmem>>
        %gather3A_3073 = tpu.vector_load_idx %gather3A_3072[%add3A_1941, %add3A_3068] : memref<320x128xf32, #tpu.memory_space<vmem>>[vector<16xi32>, vector<16xi32>], vector<16xf32>,
        %mul3A_3074 = arith.mulf %gather3A_2994, %gather3A_3073 : vector<16xf32>
        %add3A_3075 = arith.addf %scan3A_2975, %mul3A_3074 : vector<16xf32>
        %add3A_3076 = vector.broadcast %scan3A_2966 : i32 to vector<16xi32>
        %add3A_3077 = arith.addi %mul3A_1783, %add3A_3076 : vector<16xi32>
        %gather3A_3078 = arith.constant 0 : i32
        %gather3A_3079 = arith.constant 0 : i32
        %gather3A_3080 = tpu.memref_slice %arg16[%scan3A_2018, %gather3A_3078, %gather3A_3079] : memref<2x320x128xf32, #tpu.memory_space<vmem>> -> memref<1x320x128xf32, #tpu.memory_space<vmem>>
        %gather3A_3081 = tpu.memref_squeeze %gather3A_3080 : memref<1x320x128xf32, #tpu.memory_space<vmem>> -> memref<320x128xf32, #tpu.memory_space<vmem>>
        %gather3A_3082 = tpu.vector_load_idx %gather3A_3081[%add3A_1947, %add3A_3077] : memref<320x128xf32, #tpu.memory_space<vmem>>[vector<16xi32>, vector<16xi32>], vector<16xf32>,
        %mul3A_3083 = arith.mulf %gather3A_2994, %gather3A_3082 : vector<16xf32>
        %add3A_3084 = arith.addf %scan3A_2976, %mul3A_3083 : vector<16xf32>
        %add3A_3085 = vector.broadcast %scan3A_2966 : i32 to vector<16xi32>
        %add3A_3086 = arith.addi %mul3A_1793, %add3A_3085 : vector<16xi32>
        %gather3A_3087 = arith.constant 0 : i32
        %gather3A_3088 = arith.constant 0 : i32
        %gather3A_3089 = tpu.memref_slice %arg16[%scan3A_2018, %gather3A_3087, %gather3A_3088] : memref<2x320x128xf32, #tpu.memory_space<vmem>> -> memref<1x320x128xf32, #tpu.memory_space<vmem>>
        %gather3A_3090 = tpu.memref_squeeze %gather3A_3089 : memref<1x320x128xf32, #tpu.memory_space<vmem>> -> memref<320x128xf32, #tpu.memory_space<vmem>>
        %gather3A_3091 = tpu.vector_load_idx %gather3A_3090[%add3A_1953, %add3A_3086] : memref<320x128xf32, #tpu.memory_space<vmem>>[vector<16xi32>, vector<16xi32>], vector<16xf32>,
        %mul3A_3092 = arith.mulf %gather3A_2994, %gather3A_3091 : vector<16xf32>
        %add3A_3093 = arith.addf %scan3A_2977, %mul3A_3092 : vector<16xf32>
        %add3A_3094 = vector.broadcast %scan3A_2966 : i32 to vector<16xi32>
        %add3A_3095 = arith.addi %mul3A_1803, %add3A_3094 : vector<16xi32>
        %gather3A_3096 = arith.constant 0 : i32
        %gather3A_3097 = arith.constant 0 : i32
        %gather3A_3098 = tpu.memref_slice %arg16[%scan3A_2018, %gather3A_3096, %gather3A_3097] : memref<2x320x128xf32, #tpu.memory_space<vmem>> -> memref<1x320x128xf32, #tpu.memory_space<vmem>>
        %gather3A_3099 = tpu.memref_squeeze %gather3A_3098 : memref<1x320x128xf32, #tpu.memory_space<vmem>> -> memref<320x128xf32, #tpu.memory_space<vmem>>
        %gather3A_3100 = tpu.vector_load_idx %gather3A_3099[%add3A_1959, %add3A_3095] : memref<320x128xf32, #tpu.memory_space<vmem>>[vector<16xi32>, vector<16xi32>], vector<16xf32>,
        %mul3A_3101 = arith.mulf %gather3A_2994, %gather3A_3100 : vector<16xf32>
        %add3A_3102 = arith.addf %scan3A_2978, %mul3A_3101 : vector<16xf32>
        %add3A_3103 = vector.broadcast %scan3A_2966 : i32 to vector<16xi32>
        %add3A_3104 = arith.addi %mul3A_1813, %add3A_3103 : vector<16xi32>
        %gather3A_3105 = arith.constant 0 : i32
        %gather3A_3106 = arith.constant 0 : i32
        %gather3A_3107 = tpu.memref_slice %arg16[%scan3A_2018, %gather3A_3105, %gather3A_3106] : memref<2x320x128xf32, #tpu.memory_space<vmem>> -> memref<1x320x128xf32, #tpu.memory_space<vmem>>
        %gather3A_3108 = tpu.memref_squeeze %gather3A_3107 : memref<1x320x128xf32, #tpu.memory_space<vmem>> -> memref<320x128xf32, #tpu.memory_space<vmem>>
        %gather3A_3109 = tpu.vector_load_idx %gather3A_3108[%add3A_1965, %add3A_3104] : memref<320x128xf32, #tpu.memory_space<vmem>>[vector<16xi32>, vector<16xi32>], vector<16xf32>,
        %mul3A_3110 = arith.mulf %gather3A_2994, %gather3A_3109 : vector<16xf32>
        %add3A_3111 = arith.addf %scan3A_2979, %mul3A_3110 : vector<16xf32>
        %add3A_3112 = vector.broadcast %scan3A_2966 : i32 to vector<16xi32>
        %add3A_3113 = arith.addi %mul3A_1823, %add3A_3112 : vector<16xi32>
        %gather3A_3114 = arith.constant 0 : i32
        %gather3A_3115 = arith.constant 0 : i32
        %gather3A_3116 = tpu.memref_slice %arg16[%scan3A_2018, %gather3A_3114, %gather3A_3115] : memref<2x320x128xf32, #tpu.memory_space<vmem>> -> memref<1x320x128xf32, #tpu.memory_space<vmem>>
        %gather3A_3117 = tpu.memref_squeeze %gather3A_3116 : memref<1x320x128xf32, #tpu.memory_space<vmem>> -> memref<320x128xf32, #tpu.memory_space<vmem>>
        %gather3A_3118 = tpu.vector_load_idx %gather3A_3117[%add3A_1971, %add3A_3113] : memref<320x128xf32, #tpu.memory_space<vmem>>[vector<16xi32>, vector<16xi32>], vector<16xf32>,
        %mul3A_3119 = arith.mulf %gather3A_2994, %gather3A_3118 : vector<16xf32>
        %add3A_3120 = arith.addf %scan3A_2980, %mul3A_3119 : vector<16xf32>
        %add3A_3121 = vector.broadcast %scan3A_2966 : i32 to vector<16xi32>
        %add3A_3122 = arith.addi %mul3A_1833, %add3A_3121 : vector<16xi32>
        %gather3A_3123 = arith.constant 0 : i32
        %gather3A_3124 = arith.constant 0 : i32
        %gather3A_3125 = tpu.memref_slice %arg16[%scan3A_2018, %gather3A_3123, %gather3A_3124] : memref<2x320x128xf32, #tpu.memory_space<vmem>> -> memref<1x320x128xf32, #tpu.memory_space<vmem>>
        %gather3A_3126 = tpu.memref_squeeze %gather3A_3125 : memref<1x320x128xf32, #tpu.memory_space<vmem>> -> memref<320x128xf32, #tpu.memory_space<vmem>>
        %gather3A_3127 = tpu.vector_load_idx %gather3A_3126[%add3A_1977, %add3A_3122] : memref<320x128xf32, #tpu.memory_space<vmem>>[vector<16xi32>, vector<16xi32>], vector<16xf32>,
        %mul3A_3128 = arith.mulf %gather3A_2994, %gather3A_3127 : vector<16xf32>
        %add3A_3129 = arith.addf %scan3A_2981, %mul3A_3128 : vector<16xf32>
        %add3A_3130 = vector.broadcast %scan3A_2966 : i32 to vector<16xi32>
        %add3A_3131 = arith.addi %mul3A_1843, %add3A_3130 : vector<16xi32>
        %gather3A_3132 = arith.constant 0 : i32
        %gather3A_3133 = arith.constant 0 : i32
        %gather3A_3134 = tpu.memref_slice %arg16[%scan3A_2018, %gather3A_3132, %gather3A_3133] : memref<2x320x128xf32, #tpu.memory_space<vmem>> -> memref<1x320x128xf32, #tpu.memory_space<vmem>>
        %gather3A_3135 = tpu.memref_squeeze %gather3A_3134 : memref<1x320x128xf32, #tpu.memory_space<vmem>> -> memref<320x128xf32, #tpu.memory_space<vmem>>
        %gather3A_3136 = tpu.vector_load_idx %gather3A_3135[%add3A_1983, %add3A_3131] : memref<320x128xf32, #tpu.memory_space<vmem>>[vector<16xi32>, vector<16xi32>], vector<16xf32>,
        %mul3A_3137 = arith.mulf %gather3A_2994, %gather3A_3136 : vector<16xf32>
        %add3A_3138 = arith.addf %scan3A_2982, %mul3A_3137 : vector<16xf32>
        %add3A_3139 = vector.broadcast %scan3A_2966 : i32 to vector<16xi32>
        %add3A_3140 = arith.addi %mul3A_1853, %add3A_3139 : vector<16xi32>
        %gather3A_3141 = arith.constant 0 : i32
        %gather3A_3142 = arith.constant 0 : i32
        %gather3A_3143 = tpu.memref_slice %arg16[%scan3A_2018, %gather3A_3141, %gather3A_3142] : memref<2x320x128xf32, #tpu.memory_space<vmem>> -> memref<1x320x128xf32, #tpu.memory_space<vmem>>
        %gather3A_3144 = tpu.memref_squeeze %gather3A_3143 : memref<1x320x128xf32, #tpu.memory_space<vmem>> -> memref<320x128xf32, #tpu.memory_space<vmem>>
        %gather3A_3145 = tpu.vector_load_idx %gather3A_3144[%add3A_1989, %add3A_3140] : memref<320x128xf32, #tpu.memory_space<vmem>>[vector<16xi32>, vector<16xi32>], vector<16xf32>,
        %mul3A_3146 = arith.mulf %gather3A_2994, %gather3A_3145 : vector<16xf32>
        %add3A_3147 = arith.addf %scan3A_2983, %mul3A_3146 : vector<16xf32>
        %add3A_3148 = vector.broadcast %scan3A_2966 : i32 to vector<16xi32>
        %add3A_3149 = arith.addi %mul3A_1863, %add3A_3148 : vector<16xi32>
        %gather3A_3150 = arith.constant 0 : i32
        %gather3A_3151 = arith.constant 0 : i32
        %gather3A_3152 = tpu.memref_slice %arg16[%scan3A_2018, %gather3A_3150, %gather3A_3151] : memref<2x320x128xf32, #tpu.memory_space<vmem>> -> memref<1x320x128xf32, #tpu.memory_space<vmem>>
        %gather3A_3153 = tpu.memref_squeeze %gather3A_3152 : memref<1x320x128xf32, #tpu.memory_space<vmem>> -> memref<320x128xf32, #tpu.memory_space<vmem>>
        %gather3A_3154 = tpu.vector_load_idx %gather3A_3153[%add3A_1995, %add3A_3149] : memref<320x128xf32, #tpu.memory_space<vmem>>[vector<16xi32>, vector<16xi32>], vector<16xf32>,
        %mul3A_3155 = arith.mulf %gather3A_2994, %gather3A_3154 : vector<16xf32>
        %add3A_3156 = arith.addf %scan3A_2984, %mul3A_3155 : vector<16xf32>
        %add3A_3157 = vector.broadcast %scan3A_2966 : i32 to vector<16xi32>
        %add3A_3158 = arith.addi %mul3A_1873, %add3A_3157 : vector<16xi32>
        %gather3A_3159 = arith.constant 0 : i32
        %gather3A_3160 = arith.constant 0 : i32
        %gather3A_3161 = tpu.memref_slice %arg16[%scan3A_2018, %gather3A_3159, %gather3A_3160] : memref<2x320x128xf32, #tpu.memory_space<vmem>> -> memref<1x320x128xf32, #tpu.memory_space<vmem>>
        %gather3A_3162 = tpu.memref_squeeze %gather3A_3161 : memref<1x320x128xf32, #tpu.memory_space<vmem>> -> memref<320x128xf32, #tpu.memory_space<vmem>>
        %gather3A_3163 = tpu.vector_load_idx %gather3A_3162[%add3A_2001, %add3A_3158] : memref<320x128xf32, #tpu.memory_space<vmem>>[vector<16xi32>, vector<16xi32>], vector<16xf32>,
        %mul3A_3164 = arith.mulf %gather3A_2994, %gather3A_3163 : vector<16xf32>
        %add3A_3165 = arith.addf %scan3A_2985, %mul3A_3164 : vector<16xf32>
        %add3A_3166 = vector.broadcast %scan3A_2966 : i32 to vector<16xi32>
        %add3A_3167 = arith.addi %mul3A_1883, %add3A_3166 : vector<16xi32>
        %gather3A_3168 = arith.constant 0 : i32
        %gather3A_3169 = arith.constant 0 : i32
        %gather3A_3170 = tpu.memref_slice %arg16[%scan3A_2018, %gather3A_3168, %gather3A_3169] : memref<2x320x128xf32, #tpu.memory_space<vmem>> -> memref<1x320x128xf32, #tpu.memory_space<vmem>>
        %gather3A_3171 = tpu.memref_squeeze %gather3A_3170 : memref<1x320x128xf32, #tpu.memory_space<vmem>> -> memref<320x128xf32, #tpu.memory_space<vmem>>
        %gather3A_3172 = tpu.vector_load_idx %gather3A_3171[%add3A_2007, %add3A_3167] : memref<320x128xf32, #tpu.memory_space<vmem>>[vector<16xi32>, vector<16xi32>], vector<16xf32>,
        %mul3A_3173 = arith.mulf %gather3A_2994, %gather3A_3172 : vector<16xf32>
        %add3A_3174 = arith.addf %scan3A_2986, %mul3A_3173 : vector<16xf32>
        %add3A_3175 = vector.broadcast %scan3A_2966 : i32 to vector<16xi32>
        %add3A_3176 = arith.addi %mul3A_1893, %add3A_3175 : vector<16xi32>
        %gather3A_3177 = arith.constant 0 : i32
        %gather3A_3178 = arith.constant 0 : i32
        %gather3A_3179 = tpu.memref_slice %arg16[%scan3A_2018, %gather3A_3177, %gather3A_3178] : memref<2x320x128xf32, #tpu.memory_space<vmem>> -> memref<1x320x128xf32, #tpu.memory_space<vmem>>
        %gather3A_3180 = tpu.memref_squeeze %gather3A_3179 : memref<1x320x128xf32, #tpu.memory_space<vmem>> -> memref<320x128xf32, #tpu.memory_space<vmem>>
        %gather3A_3181 = tpu.vector_load_idx %gather3A_3180[%add3A_2013, %add3A_3176] : memref<320x128xf32, #tpu.memory_space<vmem>>[vector<16xi32>, vector<16xi32>], vector<16xf32>,
        %mul3A_3182 = arith.mulf %gather3A_2994, %gather3A_3181 : vector<16xf32>
        %add3A_3183 = arith.addf %scan3A_2987, %mul3A_3182 : vector<16xf32>
        scf.yield %add3A_3003, %add3A_3012, %add3A_3021, %add3A_3030, %add3A_3039, %add3A_3048, %add3A_3057, %add3A_3066, %add3A_3075, %add3A_3084, %add3A_3093, %add3A_3102, %add3A_3111, %add3A_3120, %add3A_3129, %add3A_3138, %add3A_3147, %add3A_3156, %add3A_3165, %add3A_3174, %add3A_3183 : vector<16xf32>, vector<16xf32>, vector<16xf32>, vector<16xf32>, vector<16xf32>, vector<16xf32>, vector<16xf32>, vector<16xf32>, vector<16xf32>, vector<16xf32>, vector<16xf32>, vector<16xf32>, vector<16xf32>, vector<16xf32>, vector<16xf32>, vector<16xf32>, vector<16xf32>, vector<16xf32>, vector<16xf32>, vector<16xf32>, vector<16xf32>
      }
      %scan3A_2024 = arith.constant 64 : i32
      %abs3A_2025 = math.absf %scan3A_2023#0 : vector<16xf32>
      %neg3A_2026 = arith.constant 0.000000e+00 : f32
      %neg3A_2027 = vector.broadcast %neg3A_2026 : f32 to vector<16xf32>
      %neg3A_2028 = arith.subf %neg3A_2027, %abs3A_2025 : vector<16xf32>
      %exp3A_2029 = math.exp %neg3A_2028 : vector<16xf32>
      %add3A_2030 = arith.constant 2.000000e+00 : f32
      %add3A_2031 = vector.broadcast %add3A_2030 : f32 to vector<16xf32>
      %add3A_2032 = arith.addf %add3A_2031, %exp3A_2029 : vector<16xf32>
      %div3A_2033 = arith.divf %exp3A_2029, %add3A_2032 : vector<16xf32>
      %mul3A_2034 = arith.mulf %div3A_2033, %div3A_2033 : vector<16xf32>
      %mul3A_2035 = arith.constant 2.000000e+00 : f32
      %mul3A_2036 = vector.broadcast %mul3A_2035 : f32 to vector<16xf32>
      %mul3A_2037 = arith.mulf %mul3A_2036, %div3A_2033 : vector<16xf32>
      %mul3A_2038 = arith.constant 0.111111112 : f32
      %mul3A_2039 = vector.broadcast %mul3A_2038 : f32 to vector<16xf32>
      %mul3A_2040 = arith.mulf %mul3A_2034, %mul3A_2039 : vector<16xf32>
      %add3A_2041 = arith.constant 0.142857149 : f32
      %add3A_2042 = vector.broadcast %add3A_2041 : f32 to vector<16xf32>
      %add3A_2043 = arith.addf %add3A_2042, %mul3A_2040 : vector<16xf32>
      %mul3A_2044 = arith.mulf %mul3A_2034, %add3A_2043 : vector<16xf32>
      %add3A_2045 = arith.constant 2.000000e-01 : f32
      %add3A_2046 = vector.broadcast %add3A_2045 : f32 to vector<16xf32>
      %add3A_2047 = arith.addf %add3A_2046, %mul3A_2044 : vector<16xf32>
      %mul3A_2048 = arith.mulf %mul3A_2034, %add3A_2047 : vector<16xf32>
      %add3A_2049 = arith.constant 0.333333343 : f32
      %add3A_2050 = vector.broadcast %add3A_2049 : f32 to vector<16xf32>
      %add3A_2051 = arith.addf %add3A_2050, %mul3A_2048 : vector<16xf32>
      %mul3A_2052 = arith.mulf %mul3A_2034, %add3A_2051 : vector<16xf32>
      %add3A_2053 = arith.constant 1.000000e+00 : f32
      %add3A_2054 = vector.broadcast %add3A_2053 : f32 to vector<16xf32>
      %add3A_2055 = arith.addf %add3A_2054, %mul3A_2052 : vector<16xf32>
      %mul3A_2056 = arith.mulf %mul3A_2037, %add3A_2055 : vector<16xf32>
      %min3A_2057 = arith.constant 0.000000e+00 : f32
      %min3A_2058 = vector.broadcast %min3A_2057 : f32 to vector<16xf32>
      %min3A_2059 = arith.minimumf %scan3A_2023#0, %min3A_2058 : vector<16xf32>
      %sub3A_2060 = arith.subf %min3A_2059, %mul3A_2056 : vector<16xf32>
      %neg3A_2061 = arith.constant 0.000000e+00 : f32
      %neg3A_2062 = vector.broadcast %neg3A_2061 : f32 to vector<16xf32>
      %neg3A_2063 = arith.subf %neg3A_2062, %scan3A_2023#1 : vector<16xf32>
      %abs3A_2064 = math.absf %neg3A_2063 : vector<16xf32>
      %neg3A_2065 = arith.constant 0.000000e+00 : f32
      %neg3A_2066 = vector.broadcast %neg3A_2065 : f32 to vector<16xf32>
      %neg3A_2067 = arith.subf %neg3A_2066, %abs3A_2064 : vector<16xf32>
      %exp3A_2068 = math.exp %neg3A_2067 : vector<16xf32>
      %add3A_2069 = arith.constant 2.000000e+00 : f32
      %add3A_2070 = vector.broadcast %add3A_2069 : f32 to vector<16xf32>
      %add3A_2071 = arith.addf %add3A_2070, %exp3A_2068 : vector<16xf32>
      %div3A_2072 = arith.divf %exp3A_2068, %add3A_2071 : vector<16xf32>
      %mul3A_2073 = arith.mulf %div3A_2072, %div3A_2072 : vector<16xf32>
      %mul3A_2074 = arith.constant 2.000000e+00 : f32
      %mul3A_2075 = vector.broadcast %mul3A_2074 : f32 to vector<16xf32>
      %mul3A_2076 = arith.mulf %mul3A_2075, %div3A_2072 : vector<16xf32>
      %mul3A_2077 = arith.constant 0.111111112 : f32
      %mul3A_2078 = vector.broadcast %mul3A_2077 : f32 to vector<16xf32>
      %mul3A_2079 = arith.mulf %mul3A_2073, %mul3A_2078 : vector<16xf32>
      %add3A_2080 = arith.constant 0.142857149 : f32
      %add3A_2081 = vector.broadcast %add3A_2080 : f32 to vector<16xf32>
      %add3A_2082 = arith.addf %add3A_2081, %mul3A_2079 : vector<16xf32>
      %mul3A_2083 = arith.mulf %mul3A_2073, %add3A_2082 : vector<16xf32>
      %add3A_2084 = arith.constant 2.000000e-01 : f32
      %add3A_2085 = vector.broadcast %add3A_2084 : f32 to vector<16xf32>
      %add3A_2086 = arith.addf %add3A_2085, %mul3A_2083 : vector<16xf32>
      %mul3A_2087 = arith.mulf %mul3A_2073, %add3A_2086 : vector<16xf32>
      %add3A_2088 = arith.constant 0.333333343 : f32
      %add3A_2089 = vector.broadcast %add3A_2088 : f32 to vector<16xf32>
      %add3A_2090 = arith.addf %add3A_2089, %mul3A_2087 : vector<16xf32>
      %mul3A_2091 = arith.mulf %mul3A_2073, %add3A_2090 : vector<16xf32>
      %add3A_2092 = arith.constant 1.000000e+00 : f32
      %add3A_2093 = vector.broadcast %add3A_2092 : f32 to vector<16xf32>
      %add3A_2094 = arith.addf %add3A_2093, %mul3A_2091 : vector<16xf32>
      %mul3A_2095 = arith.mulf %mul3A_2076, %add3A_2094 : vector<16xf32>
      %min3A_2096 = arith.constant 0.000000e+00 : f32
      %min3A_2097 = vector.broadcast %min3A_2096 : f32 to vector<16xf32>
      %min3A_2098 = arith.minimumf %neg3A_2063, %min3A_2097 : vector<16xf32>
      %sub3A_2099 = arith.subf %min3A_2098, %mul3A_2095 : vector<16xf32>
      %add3A_2100 = arith.addf %sub3A_2060, %sub3A_2099 : vector<16xf32>
      %neg3A_2101 = arith.constant 0.000000e+00 : f32
      %neg3A_2102 = vector.broadcast %neg3A_2101 : f32 to vector<16xf32>
      %neg3A_2103 = arith.subf %neg3A_2102, %scan3A_2023#2 : vector<16xf32>
      %abs3A_2104 = math.absf %neg3A_2103 : vector<16xf32>
      %neg3A_2105 = arith.constant 0.000000e+00 : f32
      %neg3A_2106 = vector.broadcast %neg3A_2105 : f32 to vector<16xf32>
      %neg3A_2107 = arith.subf %neg3A_2106, %abs3A_2104 : vector<16xf32>
      %exp3A_2108 = math.exp %neg3A_2107 : vector<16xf32>
      %add3A_2109 = arith.constant 2.000000e+00 : f32
      %add3A_2110 = vector.broadcast %add3A_2109 : f32 to vector<16xf32>
      %add3A_2111 = arith.addf %add3A_2110, %exp3A_2108 : vector<16xf32>
      %div3A_2112 = arith.divf %exp3A_2108, %add3A_2111 : vector<16xf32>
      %mul3A_2113 = arith.mulf %div3A_2112, %div3A_2112 : vector<16xf32>
      %mul3A_2114 = arith.constant 2.000000e+00 : f32
      %mul3A_2115 = vector.broadcast %mul3A_2114 : f32 to vector<16xf32>
      %mul3A_2116 = arith.mulf %mul3A_2115, %div3A_2112 : vector<16xf32>
      %mul3A_2117 = arith.constant 0.111111112 : f32
      %mul3A_2118 = vector.broadcast %mul3A_2117 : f32 to vector<16xf32>
      %mul3A_2119 = arith.mulf %mul3A_2113, %mul3A_2118 : vector<16xf32>
      %add3A_2120 = arith.constant 0.142857149 : f32
      %add3A_2121 = vector.broadcast %add3A_2120 : f32 to vector<16xf32>
      %add3A_2122 = arith.addf %add3A_2121, %mul3A_2119 : vector<16xf32>
      %mul3A_2123 = arith.mulf %mul3A_2113, %add3A_2122 : vector<16xf32>
      %add3A_2124 = arith.constant 2.000000e-01 : f32
      %add3A_2125 = vector.broadcast %add3A_2124 : f32 to vector<16xf32>
      %add3A_2126 = arith.addf %add3A_2125, %mul3A_2123 : vector<16xf32>
      %mul3A_2127 = arith.mulf %mul3A_2113, %add3A_2126 : vector<16xf32>
      %add3A_2128 = arith.constant 0.333333343 : f32
      %add3A_2129 = vector.broadcast %add3A_2128 : f32 to vector<16xf32>
      %add3A_2130 = arith.addf %add3A_2129, %mul3A_2127 : vector<16xf32>
      %mul3A_2131 = arith.mulf %mul3A_2113, %add3A_2130 : vector<16xf32>
      %add3A_2132 = arith.constant 1.000000e+00 : f32
      %add3A_2133 = vector.broadcast %add3A_2132 : f32 to vector<16xf32>
      %add3A_2134 = arith.addf %add3A_2133, %mul3A_2131 : vector<16xf32>
      %mul3A_2135 = arith.mulf %mul3A_2116, %add3A_2134 : vector<16xf32>
      %min3A_2136 = arith.constant 0.000000e+00 : f32
      %min3A_2137 = vector.broadcast %min3A_2136 : f32 to vector<16xf32>
      %min3A_2138 = arith.minimumf %neg3A_2103, %min3A_2137 : vector<16xf32>
      %sub3A_2139 = arith.subf %min3A_2138, %mul3A_2135 : vector<16xf32>
      %add3A_2140 = arith.addf %add3A_2100, %sub3A_2139 : vector<16xf32>
      %neg3A_2141 = arith.constant 0.000000e+00 : f32
      %neg3A_2142 = vector.broadcast %neg3A_2141 : f32 to vector<16xf32>
      %neg3A_2143 = arith.subf %neg3A_2142, %scan3A_2023#3 : vector<16xf32>
      %abs3A_2144 = math.absf %neg3A_2143 : vector<16xf32>
      %neg3A_2145 = arith.constant 0.000000e+00 : f32
      %neg3A_2146 = vector.broadcast %neg3A_2145 : f32 to vector<16xf32>
      %neg3A_2147 = arith.subf %neg3A_2146, %abs3A_2144 : vector<16xf32>
      %exp3A_2148 = math.exp %neg3A_2147 : vector<16xf32>
      %add3A_2149 = arith.constant 2.000000e+00 : f32
      %add3A_2150 = vector.broadcast %add3A_2149 : f32 to vector<16xf32>
      %add3A_2151 = arith.addf %add3A_2150, %exp3A_2148 : vector<16xf32>
      %div3A_2152 = arith.divf %exp3A_2148, %add3A_2151 : vector<16xf32>
      %mul3A_2153 = arith.mulf %div3A_2152, %div3A_2152 : vector<16xf32>
      %mul3A_2154 = arith.constant 2.000000e+00 : f32
      %mul3A_2155 = vector.broadcast %mul3A_2154 : f32 to vector<16xf32>
      %mul3A_2156 = arith.mulf %mul3A_2155, %div3A_2152 : vector<16xf32>
      %mul3A_2157 = arith.constant 0.111111112 : f32
      %mul3A_2158 = vector.broadcast %mul3A_2157 : f32 to vector<16xf32>
      %mul3A_2159 = arith.mulf %mul3A_2153, %mul3A_2158 : vector<16xf32>
      %add3A_2160 = arith.constant 0.142857149 : f32
      %add3A_2161 = vector.broadcast %add3A_2160 : f32 to vector<16xf32>
      %add3A_2162 = arith.addf %add3A_2161, %mul3A_2159 : vector<16xf32>
      %mul3A_2163 = arith.mulf %mul3A_2153, %add3A_2162 : vector<16xf32>
      %add3A_2164 = arith.constant 2.000000e-01 : f32
      %add3A_2165 = vector.broadcast %add3A_2164 : f32 to vector<16xf32>
      %add3A_2166 = arith.addf %add3A_2165, %mul3A_2163 : vector<16xf32>
      %mul3A_2167 = arith.mulf %mul3A_2153, %add3A_2166 : vector<16xf32>
      %add3A_2168 = arith.constant 0.333333343 : f32
      %add3A_2169 = vector.broadcast %add3A_2168 : f32 to vector<16xf32>
      %add3A_2170 = arith.addf %add3A_2169, %mul3A_2167 : vector<16xf32>
      %mul3A_2171 = arith.mulf %mul3A_2153, %add3A_2170 : vector<16xf32>
      %add3A_2172 = arith.constant 1.000000e+00 : f32
      %add3A_2173 = vector.broadcast %add3A_2172 : f32 to vector<16xf32>
      %add3A_2174 = arith.addf %add3A_2173, %mul3A_2171 : vector<16xf32>
      %mul3A_2175 = arith.mulf %mul3A_2156, %add3A_2174 : vector<16xf32>
      %min3A_2176 = arith.constant 0.000000e+00 : f32
      %min3A_2177 = vector.broadcast %min3A_2176 : f32 to vector<16xf32>
      %min3A_2178 = arith.minimumf %neg3A_2143, %min3A_2177 : vector<16xf32>
      %sub3A_2179 = arith.subf %min3A_2178, %mul3A_2175 : vector<16xf32>
      %add3A_2180 = arith.addf %add3A_2140, %sub3A_2179 : vector<16xf32>
      %neg3A_2181 = arith.constant 0.000000e+00 : f32
      %neg3A_2182 = vector.broadcast %neg3A_2181 : f32 to vector<16xf32>
      %neg3A_2183 = arith.subf %neg3A_2182, %scan3A_2023#4 : vector<16xf32>
      %abs3A_2184 = math.absf %neg3A_2183 : vector<16xf32>
      %neg3A_2185 = arith.constant 0.000000e+00 : f32
      %neg3A_2186 = vector.broadcast %neg3A_2185 : f32 to vector<16xf32>
      %neg3A_2187 = arith.subf %neg3A_2186, %abs3A_2184 : vector<16xf32>
      %exp3A_2188 = math.exp %neg3A_2187 : vector<16xf32>
      %add3A_2189 = arith.constant 2.000000e+00 : f32
      %add3A_2190 = vector.broadcast %add3A_2189 : f32 to vector<16xf32>
      %add3A_2191 = arith.addf %add3A_2190, %exp3A_2188 : vector<16xf32>
      %div3A_2192 = arith.divf %exp3A_2188, %add3A_2191 : vector<16xf32>
      %mul3A_2193 = arith.mulf %div3A_2192, %div3A_2192 : vector<16xf32>
      %mul3A_2194 = arith.constant 2.000000e+00 : f32
      %mul3A_2195 = vector.broadcast %mul3A_2194 : f32 to vector<16xf32>
      %mul3A_2196 = arith.mulf %mul3A_2195, %div3A_2192 : vector<16xf32>
      %mul3A_2197 = arith.constant 0.111111112 : f32
      %mul3A_2198 = vector.broadcast %mul3A_2197 : f32 to vector<16xf32>
      %mul3A_2199 = arith.mulf %mul3A_2193, %mul3A_2198 : vector<16xf32>
      %add3A_2200 = arith.constant 0.142857149 : f32
      %add3A_2201 = vector.broadcast %add3A_2200 : f32 to vector<16xf32>
      %add3A_2202 = arith.addf %add3A_2201, %mul3A_2199 : vector<16xf32>
      %mul3A_2203 = arith.mulf %mul3A_2193, %add3A_2202 : vector<16xf32>
      %add3A_2204 = arith.constant 2.000000e-01 : f32
      %add3A_2205 = vector.broadcast %add3A_2204 : f32 to vector<16xf32>
      %add3A_2206 = arith.addf %add3A_2205, %mul3A_2203 : vector<16xf32>
      %mul3A_2207 = arith.mulf %mul3A_2193, %add3A_2206 : vector<16xf32>
      %add3A_2208 = arith.constant 0.333333343 : f32
      %add3A_2209 = vector.broadcast %add3A_2208 : f32 to vector<16xf32>
      %add3A_2210 = arith.addf %add3A_2209, %mul3A_2207 : vector<16xf32>
      %mul3A_2211 = arith.mulf %mul3A_2193, %add3A_2210 : vector<16xf32>
      %add3A_2212 = arith.constant 1.000000e+00 : f32
      %add3A_2213 = vector.broadcast %add3A_2212 : f32 to vector<16xf32>
      %add3A_2214 = arith.addf %add3A_2213, %mul3A_2211 : vector<16xf32>
      %mul3A_2215 = arith.mulf %mul3A_2196, %add3A_2214 : vector<16xf32>
      %min3A_2216 = arith.constant 0.000000e+00 : f32
      %min3A_2217 = vector.broadcast %min3A_2216 : f32 to vector<16xf32>
      %min3A_2218 = arith.minimumf %neg3A_2183, %min3A_2217 : vector<16xf32>
      %sub3A_2219 = arith.subf %min3A_2218, %mul3A_2215 : vector<16xf32>
      %add3A_2220 = arith.addf %add3A_2180, %sub3A_2219 : vector<16xf32>
      %neg3A_2221 = arith.constant 0.000000e+00 : f32
      %neg3A_2222 = vector.broadcast %neg3A_2221 : f32 to vector<16xf32>
      %neg3A_2223 = arith.subf %neg3A_2222, %scan3A_2023#5 : vector<16xf32>
      %abs3A_2224 = math.absf %neg3A_2223 : vector<16xf32>
      %neg3A_2225 = arith.constant 0.000000e+00 : f32
      %neg3A_2226 = vector.broadcast %neg3A_2225 : f32 to vector<16xf32>
      %neg3A_2227 = arith.subf %neg3A_2226, %abs3A_2224 : vector<16xf32>
      %exp3A_2228 = math.exp %neg3A_2227 : vector<16xf32>
      %add3A_2229 = arith.constant 2.000000e+00 : f32
      %add3A_2230 = vector.broadcast %add3A_2229 : f32 to vector<16xf32>
      %add3A_2231 = arith.addf %add3A_2230, %exp3A_2228 : vector<16xf32>
      %div3A_2232 = arith.divf %exp3A_2228, %add3A_2231 : vector<16xf32>
      %mul3A_2233 = arith.mulf %div3A_2232, %div3A_2232 : vector<16xf32>
      %mul3A_2234 = arith.constant 2.000000e+00 : f32
      %mul3A_2235 = vector.broadcast %mul3A_2234 : f32 to vector<16xf32>
      %mul3A_2236 = arith.mulf %mul3A_2235, %div3A_2232 : vector<16xf32>
      %mul3A_2237 = arith.constant 0.111111112 : f32
      %mul3A_2238 = vector.broadcast %mul3A_2237 : f32 to vector<16xf32>
      %mul3A_2239 = arith.mulf %mul3A_2233, %mul3A_2238 : vector<16xf32>
      %add3A_2240 = arith.constant 0.142857149 : f32
      %add3A_2241 = vector.broadcast %add3A_2240 : f32 to vector<16xf32>
      %add3A_2242 = arith.addf %add3A_2241, %mul3A_2239 : vector<16xf32>
      %mul3A_2243 = arith.mulf %mul3A_2233, %add3A_2242 : vector<16xf32>
      %add3A_2244 = arith.constant 2.000000e-01 : f32
      %add3A_2245 = vector.broadcast %add3A_2244 : f32 to vector<16xf32>
      %add3A_2246 = arith.addf %add3A_2245, %mul3A_2243 : vector<16xf32>
      %mul3A_2247 = arith.mulf %mul3A_2233, %add3A_2246 : vector<16xf32>
      %add3A_2248 = arith.constant 0.333333343 : f32
      %add3A_2249 = vector.broadcast %add3A_2248 : f32 to vector<16xf32>
      %add3A_2250 = arith.addf %add3A_2249, %mul3A_2247 : vector<16xf32>
      %mul3A_2251 = arith.mulf %mul3A_2233, %add3A_2250 : vector<16xf32>
      %add3A_2252 = arith.constant 1.000000e+00 : f32
      %add3A_2253 = vector.broadcast %add3A_2252 : f32 to vector<16xf32>
      %add3A_2254 = arith.addf %add3A_2253, %mul3A_2251 : vector<16xf32>
      %mul3A_2255 = arith.mulf %mul3A_2236, %add3A_2254 : vector<16xf32>
      %min3A_2256 = arith.constant 0.000000e+00 : f32
      %min3A_2257 = vector.broadcast %min3A_2256 : f32 to vector<16xf32>
      %min3A_2258 = arith.minimumf %neg3A_2223, %min3A_2257 : vector<16xf32>
      %sub3A_2259 = arith.subf %min3A_2258, %mul3A_2255 : vector<16xf32>
      %add3A_2260 = arith.addf %add3A_2220, %sub3A_2259 : vector<16xf32>
      %neg3A_2261 = arith.constant 0.000000e+00 : f32
      %neg3A_2262 = vector.broadcast %neg3A_2261 : f32 to vector<16xf32>
      %neg3A_2263 = arith.subf %neg3A_2262, %scan3A_2023#6 : vector<16xf32>
      %abs3A_2264 = math.absf %neg3A_2263 : vector<16xf32>
      %neg3A_2265 = arith.constant 0.000000e+00 : f32
      %neg3A_2266 = vector.broadcast %neg3A_2265 : f32 to vector<16xf32>
      %neg3A_2267 = arith.subf %neg3A_2266, %abs3A_2264 : vector<16xf32>
      %exp3A_2268 = math.exp %neg3A_2267 : vector<16xf32>
      %add3A_2269 = arith.constant 2.000000e+00 : f32
      %add3A_2270 = vector.broadcast %add3A_2269 : f32 to vector<16xf32>
      %add3A_2271 = arith.addf %add3A_2270, %exp3A_2268 : vector<16xf32>
      %div3A_2272 = arith.divf %exp3A_2268, %add3A_2271 : vector<16xf32>
      %mul3A_2273 = arith.mulf %div3A_2272, %div3A_2272 : vector<16xf32>
      %mul3A_2274 = arith.constant 2.000000e+00 : f32
      %mul3A_2275 = vector.broadcast %mul3A_2274 : f32 to vector<16xf32>
      %mul3A_2276 = arith.mulf %mul3A_2275, %div3A_2272 : vector<16xf32>
      %mul3A_2277 = arith.constant 0.111111112 : f32
      %mul3A_2278 = vector.broadcast %mul3A_2277 : f32 to vector<16xf32>
      %mul3A_2279 = arith.mulf %mul3A_2273, %mul3A_2278 : vector<16xf32>
      %add3A_2280 = arith.constant 0.142857149 : f32
      %add3A_2281 = vector.broadcast %add3A_2280 : f32 to vector<16xf32>
      %add3A_2282 = arith.addf %add3A_2281, %mul3A_2279 : vector<16xf32>
      %mul3A_2283 = arith.mulf %mul3A_2273, %add3A_2282 : vector<16xf32>
      %add3A_2284 = arith.constant 2.000000e-01 : f32
      %add3A_2285 = vector.broadcast %add3A_2284 : f32 to vector<16xf32>
      %add3A_2286 = arith.addf %add3A_2285, %mul3A_2283 : vector<16xf32>
      %mul3A_2287 = arith.mulf %mul3A_2273, %add3A_2286 : vector<16xf32>
      %add3A_2288 = arith.constant 0.333333343 : f32
      %add3A_2289 = vector.broadcast %add3A_2288 : f32 to vector<16xf32>
      %add3A_2290 = arith.addf %add3A_2289, %mul3A_2287 : vector<16xf32>
      %mul3A_2291 = arith.mulf %mul3A_2273, %add3A_2290 : vector<16xf32>
      %add3A_2292 = arith.constant 1.000000e+00 : f32
      %add3A_2293 = vector.broadcast %add3A_2292 : f32 to vector<16xf32>
      %add3A_2294 = arith.addf %add3A_2293, %mul3A_2291 : vector<16xf32>
      %mul3A_2295 = arith.mulf %mul3A_2276, %add3A_2294 : vector<16xf32>
      %min3A_2296 = arith.constant 0.000000e+00 : f32
      %min3A_2297 = vector.broadcast %min3A_2296 : f32 to vector<16xf32>
      %min3A_2298 = arith.minimumf %neg3A_2263, %min3A_2297 : vector<16xf32>
      %sub3A_2299 = arith.subf %min3A_2298, %mul3A_2295 : vector<16xf32>
      %add3A_2300 = arith.addf %add3A_2260, %sub3A_2299 : vector<16xf32>
      %neg3A_2301 = arith.constant 0.000000e+00 : f32
      %neg3A_2302 = vector.broadcast %neg3A_2301 : f32 to vector<16xf32>
      %neg3A_2303 = arith.subf %neg3A_2302, %scan3A_2023#7 : vector<16xf32>
      %abs3A_2304 = math.absf %neg3A_2303 : vector<16xf32>
      %neg3A_2305 = arith.constant 0.000000e+00 : f32
      %neg3A_2306 = vector.broadcast %neg3A_2305 : f32 to vector<16xf32>
      %neg3A_2307 = arith.subf %neg3A_2306, %abs3A_2304 : vector<16xf32>
      %exp3A_2308 = math.exp %neg3A_2307 : vector<16xf32>
      %add3A_2309 = arith.constant 2.000000e+00 : f32
      %add3A_2310 = vector.broadcast %add3A_2309 : f32 to vector<16xf32>
      %add3A_2311 = arith.addf %add3A_2310, %exp3A_2308 : vector<16xf32>
      %div3A_2312 = arith.divf %exp3A_2308, %add3A_2311 : vector<16xf32>
      %mul3A_2313 = arith.mulf %div3A_2312, %div3A_2312 : vector<16xf32>
      %mul3A_2314 = arith.constant 2.000000e+00 : f32
      %mul3A_2315 = vector.broadcast %mul3A_2314 : f32 to vector<16xf32>
      %mul3A_2316 = arith.mulf %mul3A_2315, %div3A_2312 : vector<16xf32>
      %mul3A_2317 = arith.constant 0.111111112 : f32
      %mul3A_2318 = vector.broadcast %mul3A_2317 : f32 to vector<16xf32>
      %mul3A_2319 = arith.mulf %mul3A_2313, %mul3A_2318 : vector<16xf32>
      %add3A_2320 = arith.constant 0.142857149 : f32
      %add3A_2321 = vector.broadcast %add3A_2320 : f32 to vector<16xf32>
      %add3A_2322 = arith.addf %add3A_2321, %mul3A_2319 : vector<16xf32>
      %mul3A_2323 = arith.mulf %mul3A_2313, %add3A_2322 : vector<16xf32>
      %add3A_2324 = arith.constant 2.000000e-01 : f32
      %add3A_2325 = vector.broadcast %add3A_2324 : f32 to vector<16xf32>
      %add3A_2326 = arith.addf %add3A_2325, %mul3A_2323 : vector<16xf32>
      %mul3A_2327 = arith.mulf %mul3A_2313, %add3A_2326 : vector<16xf32>
      %add3A_2328 = arith.constant 0.333333343 : f32
      %add3A_2329 = vector.broadcast %add3A_2328 : f32 to vector<16xf32>
      %add3A_2330 = arith.addf %add3A_2329, %mul3A_2327 : vector<16xf32>
      %mul3A_2331 = arith.mulf %mul3A_2313, %add3A_2330 : vector<16xf32>
      %add3A_2332 = arith.constant 1.000000e+00 : f32
      %add3A_2333 = vector.broadcast %add3A_2332 : f32 to vector<16xf32>
      %add3A_2334 = arith.addf %add3A_2333, %mul3A_2331 : vector<16xf32>
      %mul3A_2335 = arith.mulf %mul3A_2316, %add3A_2334 : vector<16xf32>
      %min3A_2336 = arith.constant 0.000000e+00 : f32
      %min3A_2337 = vector.broadcast %min3A_2336 : f32 to vector<16xf32>
      %min3A_2338 = arith.minimumf %neg3A_2303, %min3A_2337 : vector<16xf32>
      %sub3A_2339 = arith.subf %min3A_2338, %mul3A_2335 : vector<16xf32>
      %add3A_2340 = arith.addf %add3A_2300, %sub3A_2339 : vector<16xf32>
      %neg3A_2341 = arith.constant 0.000000e+00 : f32
      %neg3A_2342 = vector.broadcast %neg3A_2341 : f32 to vector<16xf32>
      %neg3A_2343 = arith.subf %neg3A_2342, %scan3A_2023#8 : vector<16xf32>
      %abs3A_2344 = math.absf %neg3A_2343 : vector<16xf32>
      %neg3A_2345 = arith.constant 0.000000e+00 : f32
      %neg3A_2346 = vector.broadcast %neg3A_2345 : f32 to vector<16xf32>
      %neg3A_2347 = arith.subf %neg3A_2346, %abs3A_2344 : vector<16xf32>
      %exp3A_2348 = math.exp %neg3A_2347 : vector<16xf32>
      %add3A_2349 = arith.constant 2.000000e+00 : f32
      %add3A_2350 = vector.broadcast %add3A_2349 : f32 to vector<16xf32>
      %add3A_2351 = arith.addf %add3A_2350, %exp3A_2348 : vector<16xf32>
      %div3A_2352 = arith.divf %exp3A_2348, %add3A_2351 : vector<16xf32>
      %mul3A_2353 = arith.mulf %div3A_2352, %div3A_2352 : vector<16xf32>
      %mul3A_2354 = arith.constant 2.000000e+00 : f32
      %mul3A_2355 = vector.broadcast %mul3A_2354 : f32 to vector<16xf32>
      %mul3A_2356 = arith.mulf %mul3A_2355, %div3A_2352 : vector<16xf32>
      %mul3A_2357 = arith.constant 0.111111112 : f32
      %mul3A_2358 = vector.broadcast %mul3A_2357 : f32 to vector<16xf32>
      %mul3A_2359 = arith.mulf %mul3A_2353, %mul3A_2358 : vector<16xf32>
      %add3A_2360 = arith.constant 0.142857149 : f32
      %add3A_2361 = vector.broadcast %add3A_2360 : f32 to vector<16xf32>
      %add3A_2362 = arith.addf %add3A_2361, %mul3A_2359 : vector<16xf32>
      %mul3A_2363 = arith.mulf %mul3A_2353, %add3A_2362 : vector<16xf32>
      %add3A_2364 = arith.constant 2.000000e-01 : f32
      %add3A_2365 = vector.broadcast %add3A_2364 : f32 to vector<16xf32>
      %add3A_2366 = arith.addf %add3A_2365, %mul3A_2363 : vector<16xf32>
      %mul3A_2367 = arith.mulf %mul3A_2353, %add3A_2366 : vector<16xf32>
      %add3A_2368 = arith.constant 0.333333343 : f32
      %add3A_2369 = vector.broadcast %add3A_2368 : f32 to vector<16xf32>
      %add3A_2370 = arith.addf %add3A_2369, %mul3A_2367 : vector<16xf32>
      %mul3A_2371 = arith.mulf %mul3A_2353, %add3A_2370 : vector<16xf32>
      %add3A_2372 = arith.constant 1.000000e+00 : f32
      %add3A_2373 = vector.broadcast %add3A_2372 : f32 to vector<16xf32>
      %add3A_2374 = arith.addf %add3A_2373, %mul3A_2371 : vector<16xf32>
      %mul3A_2375 = arith.mulf %mul3A_2356, %add3A_2374 : vector<16xf32>
      %min3A_2376 = arith.constant 0.000000e+00 : f32
      %min3A_2377 = vector.broadcast %min3A_2376 : f32 to vector<16xf32>
      %min3A_2378 = arith.minimumf %neg3A_2343, %min3A_2377 : vector<16xf32>
      %sub3A_2379 = arith.subf %min3A_2378, %mul3A_2375 : vector<16xf32>
      %add3A_2380 = arith.addf %add3A_2340, %sub3A_2379 : vector<16xf32>
      %neg3A_2381 = arith.constant 0.000000e+00 : f32
      %neg3A_2382 = vector.broadcast %neg3A_2381 : f32 to vector<16xf32>
      %neg3A_2383 = arith.subf %neg3A_2382, %scan3A_2023#9 : vector<16xf32>
      %abs3A_2384 = math.absf %neg3A_2383 : vector<16xf32>
      %neg3A_2385 = arith.constant 0.000000e+00 : f32
      %neg3A_2386 = vector.broadcast %neg3A_2385 : f32 to vector<16xf32>
      %neg3A_2387 = arith.subf %neg3A_2386, %abs3A_2384 : vector<16xf32>
      %exp3A_2388 = math.exp %neg3A_2387 : vector<16xf32>
      %add3A_2389 = arith.constant 2.000000e+00 : f32
      %add3A_2390 = vector.broadcast %add3A_2389 : f32 to vector<16xf32>
      %add3A_2391 = arith.addf %add3A_2390, %exp3A_2388 : vector<16xf32>
      %div3A_2392 = arith.divf %exp3A_2388, %add3A_2391 : vector<16xf32>
      %mul3A_2393 = arith.mulf %div3A_2392, %div3A_2392 : vector<16xf32>
      %mul3A_2394 = arith.constant 2.000000e+00 : f32
      %mul3A_2395 = vector.broadcast %mul3A_2394 : f32 to vector<16xf32>
      %mul3A_2396 = arith.mulf %mul3A_2395, %div3A_2392 : vector<16xf32>
      %mul3A_2397 = arith.constant 0.111111112 : f32
      %mul3A_2398 = vector.broadcast %mul3A_2397 : f32 to vector<16xf32>
      %mul3A_2399 = arith.mulf %mul3A_2393, %mul3A_2398 : vector<16xf32>
      %add3A_2400 = arith.constant 0.142857149 : f32
      %add3A_2401 = vector.broadcast %add3A_2400 : f32 to vector<16xf32>
      %add3A_2402 = arith.addf %add3A_2401, %mul3A_2399 : vector<16xf32>
      %mul3A_2403 = arith.mulf %mul3A_2393, %add3A_2402 : vector<16xf32>
      %add3A_2404 = arith.constant 2.000000e-01 : f32
      %add3A_2405 = vector.broadcast %add3A_2404 : f32 to vector<16xf32>
      %add3A_2406 = arith.addf %add3A_2405, %mul3A_2403 : vector<16xf32>
      %mul3A_2407 = arith.mulf %mul3A_2393, %add3A_2406 : vector<16xf32>
      %add3A_2408 = arith.constant 0.333333343 : f32
      %add3A_2409 = vector.broadcast %add3A_2408 : f32 to vector<16xf32>
      %add3A_2410 = arith.addf %add3A_2409, %mul3A_2407 : vector<16xf32>
      %mul3A_2411 = arith.mulf %mul3A_2393, %add3A_2410 : vector<16xf32>
      %add3A_2412 = arith.constant 1.000000e+00 : f32
      %add3A_2413 = vector.broadcast %add3A_2412 : f32 to vector<16xf32>
      %add3A_2414 = arith.addf %add3A_2413, %mul3A_2411 : vector<16xf32>
      %mul3A_2415 = arith.mulf %mul3A_2396, %add3A_2414 : vector<16xf32>
      %min3A_2416 = arith.constant 0.000000e+00 : f32
      %min3A_2417 = vector.broadcast %min3A_2416 : f32 to vector<16xf32>
      %min3A_2418 = arith.minimumf %neg3A_2383, %min3A_2417 : vector<16xf32>
      %sub3A_2419 = arith.subf %min3A_2418, %mul3A_2415 : vector<16xf32>
      %add3A_2420 = arith.addf %add3A_2380, %sub3A_2419 : vector<16xf32>
      %neg3A_2421 = arith.constant 0.000000e+00 : f32
      %neg3A_2422 = vector.broadcast %neg3A_2421 : f32 to vector<16xf32>
      %neg3A_2423 = arith.subf %neg3A_2422, %scan3A_2023#10 : vector<16xf32>
      %abs3A_2424 = math.absf %neg3A_2423 : vector<16xf32>
      %neg3A_2425 = arith.constant 0.000000e+00 : f32
      %neg3A_2426 = vector.broadcast %neg3A_2425 : f32 to vector<16xf32>
      %neg3A_2427 = arith.subf %neg3A_2426, %abs3A_2424 : vector<16xf32>
      %exp3A_2428 = math.exp %neg3A_2427 : vector<16xf32>
      %add3A_2429 = arith.constant 2.000000e+00 : f32
      %add3A_2430 = vector.broadcast %add3A_2429 : f32 to vector<16xf32>
      %add3A_2431 = arith.addf %add3A_2430, %exp3A_2428 : vector<16xf32>
      %div3A_2432 = arith.divf %exp3A_2428, %add3A_2431 : vector<16xf32>
      %mul3A_2433 = arith.mulf %div3A_2432, %div3A_2432 : vector<16xf32>
      %mul3A_2434 = arith.constant 2.000000e+00 : f32
      %mul3A_2435 = vector.broadcast %mul3A_2434 : f32 to vector<16xf32>
      %mul3A_2436 = arith.mulf %mul3A_2435, %div3A_2432 : vector<16xf32>
      %mul3A_2437 = arith.constant 0.111111112 : f32
      %mul3A_2438 = vector.broadcast %mul3A_2437 : f32 to vector<16xf32>
      %mul3A_2439 = arith.mulf %mul3A_2433, %mul3A_2438 : vector<16xf32>
      %add3A_2440 = arith.constant 0.142857149 : f32
      %add3A_2441 = vector.broadcast %add3A_2440 : f32 to vector<16xf32>
      %add3A_2442 = arith.addf %add3A_2441, %mul3A_2439 : vector<16xf32>
      %mul3A_2443 = arith.mulf %mul3A_2433, %add3A_2442 : vector<16xf32>
      %add3A_2444 = arith.constant 2.000000e-01 : f32
      %add3A_2445 = vector.broadcast %add3A_2444 : f32 to vector<16xf32>
      %add3A_2446 = arith.addf %add3A_2445, %mul3A_2443 : vector<16xf32>
      %mul3A_2447 = arith.mulf %mul3A_2433, %add3A_2446 : vector<16xf32>
      %add3A_2448 = arith.constant 0.333333343 : f32
      %add3A_2449 = vector.broadcast %add3A_2448 : f32 to vector<16xf32>
      %add3A_2450 = arith.addf %add3A_2449, %mul3A_2447 : vector<16xf32>
      %mul3A_2451 = arith.mulf %mul3A_2433, %add3A_2450 : vector<16xf32>
      %add3A_2452 = arith.constant 1.000000e+00 : f32
      %add3A_2453 = vector.broadcast %add3A_2452 : f32 to vector<16xf32>
      %add3A_2454 = arith.addf %add3A_2453, %mul3A_2451 : vector<16xf32>
      %mul3A_2455 = arith.mulf %mul3A_2436, %add3A_2454 : vector<16xf32>
      %min3A_2456 = arith.constant 0.000000e+00 : f32
      %min3A_2457 = vector.broadcast %min3A_2456 : f32 to vector<16xf32>
      %min3A_2458 = arith.minimumf %neg3A_2423, %min3A_2457 : vector<16xf32>
      %sub3A_2459 = arith.subf %min3A_2458, %mul3A_2455 : vector<16xf32>
      %add3A_2460 = arith.addf %add3A_2420, %sub3A_2459 : vector<16xf32>
      %neg3A_2461 = arith.constant 0.000000e+00 : f32
      %neg3A_2462 = vector.broadcast %neg3A_2461 : f32 to vector<16xf32>
      %neg3A_2463 = arith.subf %neg3A_2462, %scan3A_2023#11 : vector<16xf32>
      %abs3A_2464 = math.absf %neg3A_2463 : vector<16xf32>
      %neg3A_2465 = arith.constant 0.000000e+00 : f32
      %neg3A_2466 = vector.broadcast %neg3A_2465 : f32 to vector<16xf32>
      %neg3A_2467 = arith.subf %neg3A_2466, %abs3A_2464 : vector<16xf32>
      %exp3A_2468 = math.exp %neg3A_2467 : vector<16xf32>
      %add3A_2469 = arith.constant 2.000000e+00 : f32
      %add3A_2470 = vector.broadcast %add3A_2469 : f32 to vector<16xf32>
      %add3A_2471 = arith.addf %add3A_2470, %exp3A_2468 : vector<16xf32>
      %div3A_2472 = arith.divf %exp3A_2468, %add3A_2471 : vector<16xf32>
      %mul3A_2473 = arith.mulf %div3A_2472, %div3A_2472 : vector<16xf32>
      %mul3A_2474 = arith.constant 2.000000e+00 : f32
      %mul3A_2475 = vector.broadcast %mul3A_2474 : f32 to vector<16xf32>
      %mul3A_2476 = arith.mulf %mul3A_2475, %div3A_2472 : vector<16xf32>
      %mul3A_2477 = arith.constant 0.111111112 : f32
      %mul3A_2478 = vector.broadcast %mul3A_2477 : f32 to vector<16xf32>
      %mul3A_2479 = arith.mulf %mul3A_2473, %mul3A_2478 : vector<16xf32>
      %add3A_2480 = arith.constant 0.142857149 : f32
      %add3A_2481 = vector.broadcast %add3A_2480 : f32 to vector<16xf32>
      %add3A_2482 = arith.addf %add3A_2481, %mul3A_2479 : vector<16xf32>
      %mul3A_2483 = arith.mulf %mul3A_2473, %add3A_2482 : vector<16xf32>
      %add3A_2484 = arith.constant 2.000000e-01 : f32
      %add3A_2485 = vector.broadcast %add3A_2484 : f32 to vector<16xf32>
      %add3A_2486 = arith.addf %add3A_2485, %mul3A_2483 : vector<16xf32>
      %mul3A_2487 = arith.mulf %mul3A_2473, %add3A_2486 : vector<16xf32>
      %add3A_2488 = arith.constant 0.333333343 : f32
      %add3A_2489 = vector.broadcast %add3A_2488 : f32 to vector<16xf32>
      %add3A_2490 = arith.addf %add3A_2489, %mul3A_2487 : vector<16xf32>
      %mul3A_2491 = arith.mulf %mul3A_2473, %add3A_2490 : vector<16xf32>
      %add3A_2492 = arith.constant 1.000000e+00 : f32
      %add3A_2493 = vector.broadcast %add3A_2492 : f32 to vector<16xf32>
      %add3A_2494 = arith.addf %add3A_2493, %mul3A_2491 : vector<16xf32>
      %mul3A_2495 = arith.mulf %mul3A_2476, %add3A_2494 : vector<16xf32>
      %min3A_2496 = arith.constant 0.000000e+00 : f32
      %min3A_2497 = vector.broadcast %min3A_2496 : f32 to vector<16xf32>
      %min3A_2498 = arith.minimumf %neg3A_2463, %min3A_2497 : vector<16xf32>
      %sub3A_2499 = arith.subf %min3A_2498, %mul3A_2495 : vector<16xf32>
      %add3A_2500 = arith.addf %add3A_2460, %sub3A_2499 : vector<16xf32>
      %neg3A_2501 = arith.constant 0.000000e+00 : f32
      %neg3A_2502 = vector.broadcast %neg3A_2501 : f32 to vector<16xf32>
      %neg3A_2503 = arith.subf %neg3A_2502, %scan3A_2023#12 : vector<16xf32>
      %abs3A_2504 = math.absf %neg3A_2503 : vector<16xf32>
      %neg3A_2505 = arith.constant 0.000000e+00 : f32
      %neg3A_2506 = vector.broadcast %neg3A_2505 : f32 to vector<16xf32>
      %neg3A_2507 = arith.subf %neg3A_2506, %abs3A_2504 : vector<16xf32>
      %exp3A_2508 = math.exp %neg3A_2507 : vector<16xf32>
      %add3A_2509 = arith.constant 2.000000e+00 : f32
      %add3A_2510 = vector.broadcast %add3A_2509 : f32 to vector<16xf32>
      %add3A_2511 = arith.addf %add3A_2510, %exp3A_2508 : vector<16xf32>
      %div3A_2512 = arith.divf %exp3A_2508, %add3A_2511 : vector<16xf32>
      %mul3A_2513 = arith.mulf %div3A_2512, %div3A_2512 : vector<16xf32>
      %mul3A_2514 = arith.constant 2.000000e+00 : f32
      %mul3A_2515 = vector.broadcast %mul3A_2514 : f32 to vector<16xf32>
      %mul3A_2516 = arith.mulf %mul3A_2515, %div3A_2512 : vector<16xf32>
      %mul3A_2517 = arith.constant 0.111111112 : f32
      %mul3A_2518 = vector.broadcast %mul3A_2517 : f32 to vector<16xf32>
      %mul3A_2519 = arith.mulf %mul3A_2513, %mul3A_2518 : vector<16xf32>
      %add3A_2520 = arith.constant 0.142857149 : f32
      %add3A_2521 = vector.broadcast %add3A_2520 : f32 to vector<16xf32>
      %add3A_2522 = arith.addf %add3A_2521, %mul3A_2519 : vector<16xf32>
      %mul3A_2523 = arith.mulf %mul3A_2513, %add3A_2522 : vector<16xf32>
      %add3A_2524 = arith.constant 2.000000e-01 : f32
      %add3A_2525 = vector.broadcast %add3A_2524 : f32 to vector<16xf32>
      %add3A_2526 = arith.addf %add3A_2525, %mul3A_2523 : vector<16xf32>
      %mul3A_2527 = arith.mulf %mul3A_2513, %add3A_2526 : vector<16xf32>
      %add3A_2528 = arith.constant 0.333333343 : f32
      %add3A_2529 = vector.broadcast %add3A_2528 : f32 to vector<16xf32>
      %add3A_2530 = arith.addf %add3A_2529, %mul3A_2527 : vector<16xf32>
      %mul3A_2531 = arith.mulf %mul3A_2513, %add3A_2530 : vector<16xf32>
      %add3A_2532 = arith.constant 1.000000e+00 : f32
      %add3A_2533 = vector.broadcast %add3A_2532 : f32 to vector<16xf32>
      %add3A_2534 = arith.addf %add3A_2533, %mul3A_2531 : vector<16xf32>
      %mul3A_2535 = arith.mulf %mul3A_2516, %add3A_2534 : vector<16xf32>
      %min3A_2536 = arith.constant 0.000000e+00 : f32
      %min3A_2537 = vector.broadcast %min3A_2536 : f32 to vector<16xf32>
      %min3A_2538 = arith.minimumf %neg3A_2503, %min3A_2537 : vector<16xf32>
      %sub3A_2539 = arith.subf %min3A_2538, %mul3A_2535 : vector<16xf32>
      %add3A_2540 = arith.addf %add3A_2500, %sub3A_2539 : vector<16xf32>
      %neg3A_2541 = arith.constant 0.000000e+00 : f32
      %neg3A_2542 = vector.broadcast %neg3A_2541 : f32 to vector<16xf32>
      %neg3A_2543 = arith.subf %neg3A_2542, %scan3A_2023#13 : vector<16xf32>
      %abs3A_2544 = math.absf %neg3A_2543 : vector<16xf32>
      %neg3A_2545 = arith.constant 0.000000e+00 : f32
      %neg3A_2546 = vector.broadcast %neg3A_2545 : f32 to vector<16xf32>
      %neg3A_2547 = arith.subf %neg3A_2546, %abs3A_2544 : vector<16xf32>
      %exp3A_2548 = math.exp %neg3A_2547 : vector<16xf32>
      %add3A_2549 = arith.constant 2.000000e+00 : f32
      %add3A_2550 = vector.broadcast %add3A_2549 : f32 to vector<16xf32>
      %add3A_2551 = arith.addf %add3A_2550, %exp3A_2548 : vector<16xf32>
      %div3A_2552 = arith.divf %exp3A_2548, %add3A_2551 : vector<16xf32>
      %mul3A_2553 = arith.mulf %div3A_2552, %div3A_2552 : vector<16xf32>
      %mul3A_2554 = arith.constant 2.000000e+00 : f32
      %mul3A_2555 = vector.broadcast %mul3A_2554 : f32 to vector<16xf32>
      %mul3A_2556 = arith.mulf %mul3A_2555, %div3A_2552 : vector<16xf32>
      %mul3A_2557 = arith.constant 0.111111112 : f32
      %mul3A_2558 = vector.broadcast %mul3A_2557 : f32 to vector<16xf32>
      %mul3A_2559 = arith.mulf %mul3A_2553, %mul3A_2558 : vector<16xf32>
      %add3A_2560 = arith.constant 0.142857149 : f32
      %add3A_2561 = vector.broadcast %add3A_2560 : f32 to vector<16xf32>
      %add3A_2562 = arith.addf %add3A_2561, %mul3A_2559 : vector<16xf32>
      %mul3A_2563 = arith.mulf %mul3A_2553, %add3A_2562 : vector<16xf32>
      %add3A_2564 = arith.constant 2.000000e-01 : f32
      %add3A_2565 = vector.broadcast %add3A_2564 : f32 to vector<16xf32>
      %add3A_2566 = arith.addf %add3A_2565, %mul3A_2563 : vector<16xf32>
      %mul3A_2567 = arith.mulf %mul3A_2553, %add3A_2566 : vector<16xf32>
      %add3A_2568 = arith.constant 0.333333343 : f32
      %add3A_2569 = vector.broadcast %add3A_2568 : f32 to vector<16xf32>
      %add3A_2570 = arith.addf %add3A_2569, %mul3A_2567 : vector<16xf32>
      %mul3A_2571 = arith.mulf %mul3A_2553, %add3A_2570 : vector<16xf32>
      %add3A_2572 = arith.constant 1.000000e+00 : f32
      %add3A_2573 = vector.broadcast %add3A_2572 : f32 to vector<16xf32>
      %add3A_2574 = arith.addf %add3A_2573, %mul3A_2571 : vector<16xf32>
      %mul3A_2575 = arith.mulf %mul3A_2556, %add3A_2574 : vector<16xf32>
      %min3A_2576 = arith.constant 0.000000e+00 : f32
      %min3A_2577 = vector.broadcast %min3A_2576 : f32 to vector<16xf32>
      %min3A_2578 = arith.minimumf %neg3A_2543, %min3A_2577 : vector<16xf32>
      %sub3A_2579 = arith.subf %min3A_2578, %mul3A_2575 : vector<16xf32>
      %add3A_2580 = arith.addf %add3A_2540, %sub3A_2579 : vector<16xf32>
      %neg3A_2581 = arith.constant 0.000000e+00 : f32
      %neg3A_2582 = vector.broadcast %neg3A_2581 : f32 to vector<16xf32>
      %neg3A_2583 = arith.subf %neg3A_2582, %scan3A_2023#14 : vector<16xf32>
      %abs3A_2584 = math.absf %neg3A_2583 : vector<16xf32>
      %neg3A_2585 = arith.constant 0.000000e+00 : f32
      %neg3A_2586 = vector.broadcast %neg3A_2585 : f32 to vector<16xf32>
      %neg3A_2587 = arith.subf %neg3A_2586, %abs3A_2584 : vector<16xf32>
      %exp3A_2588 = math.exp %neg3A_2587 : vector<16xf32>
      %add3A_2589 = arith.constant 2.000000e+00 : f32
      %add3A_2590 = vector.broadcast %add3A_2589 : f32 to vector<16xf32>
      %add3A_2591 = arith.addf %add3A_2590, %exp3A_2588 : vector<16xf32>
      %div3A_2592 = arith.divf %exp3A_2588, %add3A_2591 : vector<16xf32>
      %mul3A_2593 = arith.mulf %div3A_2592, %div3A_2592 : vector<16xf32>
      %mul3A_2594 = arith.constant 2.000000e+00 : f32
      %mul3A_2595 = vector.broadcast %mul3A_2594 : f32 to vector<16xf32>
      %mul3A_2596 = arith.mulf %mul3A_2595, %div3A_2592 : vector<16xf32>
      %mul3A_2597 = arith.constant 0.111111112 : f32
      %mul3A_2598 = vector.broadcast %mul3A_2597 : f32 to vector<16xf32>
      %mul3A_2599 = arith.mulf %mul3A_2593, %mul3A_2598 : vector<16xf32>
      %add3A_2600 = arith.constant 0.142857149 : f32
      %add3A_2601 = vector.broadcast %add3A_2600 : f32 to vector<16xf32>
      %add3A_2602 = arith.addf %add3A_2601, %mul3A_2599 : vector<16xf32>
      %mul3A_2603 = arith.mulf %mul3A_2593, %add3A_2602 : vector<16xf32>
      %add3A_2604 = arith.constant 2.000000e-01 : f32
      %add3A_2605 = vector.broadcast %add3A_2604 : f32 to vector<16xf32>
      %add3A_2606 = arith.addf %add3A_2605, %mul3A_2603 : vector<16xf32>
      %mul3A_2607 = arith.mulf %mul3A_2593, %add3A_2606 : vector<16xf32>
      %add3A_2608 = arith.constant 0.333333343 : f32
      %add3A_2609 = vector.broadcast %add3A_2608 : f32 to vector<16xf32>
      %add3A_2610 = arith.addf %add3A_2609, %mul3A_2607 : vector<16xf32>
      %mul3A_2611 = arith.mulf %mul3A_2593, %add3A_2610 : vector<16xf32>
      %add3A_2612 = arith.constant 1.000000e+00 : f32
      %add3A_2613 = vector.broadcast %add3A_2612 : f32 to vector<16xf32>
      %add3A_2614 = arith.addf %add3A_2613, %mul3A_2611 : vector<16xf32>
      %mul3A_2615 = arith.mulf %mul3A_2596, %add3A_2614 : vector<16xf32>
      %min3A_2616 = arith.constant 0.000000e+00 : f32
      %min3A_2617 = vector.broadcast %min3A_2616 : f32 to vector<16xf32>
      %min3A_2618 = arith.minimumf %neg3A_2583, %min3A_2617 : vector<16xf32>
      %sub3A_2619 = arith.subf %min3A_2618, %mul3A_2615 : vector<16xf32>
      %add3A_2620 = arith.addf %add3A_2580, %sub3A_2619 : vector<16xf32>
      %neg3A_2621 = arith.constant 0.000000e+00 : f32
      %neg3A_2622 = vector.broadcast %neg3A_2621 : f32 to vector<16xf32>
      %neg3A_2623 = arith.subf %neg3A_2622, %scan3A_2023#15 : vector<16xf32>
      %abs3A_2624 = math.absf %neg3A_2623 : vector<16xf32>
      %neg3A_2625 = arith.constant 0.000000e+00 : f32
      %neg3A_2626 = vector.broadcast %neg3A_2625 : f32 to vector<16xf32>
      %neg3A_2627 = arith.subf %neg3A_2626, %abs3A_2624 : vector<16xf32>
      %exp3A_2628 = math.exp %neg3A_2627 : vector<16xf32>
      %add3A_2629 = arith.constant 2.000000e+00 : f32
      %add3A_2630 = vector.broadcast %add3A_2629 : f32 to vector<16xf32>
      %add3A_2631 = arith.addf %add3A_2630, %exp3A_2628 : vector<16xf32>
      %div3A_2632 = arith.divf %exp3A_2628, %add3A_2631 : vector<16xf32>
      %mul3A_2633 = arith.mulf %div3A_2632, %div3A_2632 : vector<16xf32>
      %mul3A_2634 = arith.constant 2.000000e+00 : f32
      %mul3A_2635 = vector.broadcast %mul3A_2634 : f32 to vector<16xf32>
      %mul3A_2636 = arith.mulf %mul3A_2635, %div3A_2632 : vector<16xf32>
      %mul3A_2637 = arith.constant 0.111111112 : f32
      %mul3A_2638 = vector.broadcast %mul3A_2637 : f32 to vector<16xf32>
      %mul3A_2639 = arith.mulf %mul3A_2633, %mul3A_2638 : vector<16xf32>
      %add3A_2640 = arith.constant 0.142857149 : f32
      %add3A_2641 = vector.broadcast %add3A_2640 : f32 to vector<16xf32>
      %add3A_2642 = arith.addf %add3A_2641, %mul3A_2639 : vector<16xf32>
      %mul3A_2643 = arith.mulf %mul3A_2633, %add3A_2642 : vector<16xf32>
      %add3A_2644 = arith.constant 2.000000e-01 : f32
      %add3A_2645 = vector.broadcast %add3A_2644 : f32 to vector<16xf32>
      %add3A_2646 = arith.addf %add3A_2645, %mul3A_2643 : vector<16xf32>
      %mul3A_2647 = arith.mulf %mul3A_2633, %add3A_2646 : vector<16xf32>
      %add3A_2648 = arith.constant 0.333333343 : f32
      %add3A_2649 = vector.broadcast %add3A_2648 : f32 to vector<16xf32>
      %add3A_2650 = arith.addf %add3A_2649, %mul3A_2647 : vector<16xf32>
      %mul3A_2651 = arith.mulf %mul3A_2633, %add3A_2650 : vector<16xf32>
      %add3A_2652 = arith.constant 1.000000e+00 : f32
      %add3A_2653 = vector.broadcast %add3A_2652 : f32 to vector<16xf32>
      %add3A_2654 = arith.addf %add3A_2653, %mul3A_2651 : vector<16xf32>
      %mul3A_2655 = arith.mulf %mul3A_2636, %add3A_2654 : vector<16xf32>
      %min3A_2656 = arith.constant 0.000000e+00 : f32
      %min3A_2657 = vector.broadcast %min3A_2656 : f32 to vector<16xf32>
      %min3A_2658 = arith.minimumf %neg3A_2623, %min3A_2657 : vector<16xf32>
      %sub3A_2659 = arith.subf %min3A_2658, %mul3A_2655 : vector<16xf32>
      %add3A_2660 = arith.addf %add3A_2620, %sub3A_2659 : vector<16xf32>
      %neg3A_2661 = arith.constant 0.000000e+00 : f32
      %neg3A_2662 = vector.broadcast %neg3A_2661 : f32 to vector<16xf32>
      %neg3A_2663 = arith.subf %neg3A_2662, %scan3A_2023#16 : vector<16xf32>
      %abs3A_2664 = math.absf %neg3A_2663 : vector<16xf32>
      %neg3A_2665 = arith.constant 0.000000e+00 : f32
      %neg3A_2666 = vector.broadcast %neg3A_2665 : f32 to vector<16xf32>
      %neg3A_2667 = arith.subf %neg3A_2666, %abs3A_2664 : vector<16xf32>
      %exp3A_2668 = math.exp %neg3A_2667 : vector<16xf32>
      %add3A_2669 = arith.constant 2.000000e+00 : f32
      %add3A_2670 = vector.broadcast %add3A_2669 : f32 to vector<16xf32>
      %add3A_2671 = arith.addf %add3A_2670, %exp3A_2668 : vector<16xf32>
      %div3A_2672 = arith.divf %exp3A_2668, %add3A_2671 : vector<16xf32>
      %mul3A_2673 = arith.mulf %div3A_2672, %div3A_2672 : vector<16xf32>
      %mul3A_2674 = arith.constant 2.000000e+00 : f32
      %mul3A_2675 = vector.broadcast %mul3A_2674 : f32 to vector<16xf32>
      %mul3A_2676 = arith.mulf %mul3A_2675, %div3A_2672 : vector<16xf32>
      %mul3A_2677 = arith.constant 0.111111112 : f32
      %mul3A_2678 = vector.broadcast %mul3A_2677 : f32 to vector<16xf32>
      %mul3A_2679 = arith.mulf %mul3A_2673, %mul3A_2678 : vector<16xf32>
      %add3A_2680 = arith.constant 0.142857149 : f32
      %add3A_2681 = vector.broadcast %add3A_2680 : f32 to vector<16xf32>
      %add3A_2682 = arith.addf %add3A_2681, %mul3A_2679 : vector<16xf32>
      %mul3A_2683 = arith.mulf %mul3A_2673, %add3A_2682 : vector<16xf32>
      %add3A_2684 = arith.constant 2.000000e-01 : f32
      %add3A_2685 = vector.broadcast %add3A_2684 : f32 to vector<16xf32>
      %add3A_2686 = arith.addf %add3A_2685, %mul3A_2683 : vector<16xf32>
      %mul3A_2687 = arith.mulf %mul3A_2673, %add3A_2686 : vector<16xf32>
      %add3A_2688 = arith.constant 0.333333343 : f32
      %add3A_2689 = vector.broadcast %add3A_2688 : f32 to vector<16xf32>
      %add3A_2690 = arith.addf %add3A_2689, %mul3A_2687 : vector<16xf32>
      %mul3A_2691 = arith.mulf %mul3A_2673, %add3A_2690 : vector<16xf32>
      %add3A_2692 = arith.constant 1.000000e+00 : f32
      %add3A_2693 = vector.broadcast %add3A_2692 : f32 to vector<16xf32>
      %add3A_2694 = arith.addf %add3A_2693, %mul3A_2691 : vector<16xf32>
      %mul3A_2695 = arith.mulf %mul3A_2676, %add3A_2694 : vector<16xf32>
      %min3A_2696 = arith.constant 0.000000e+00 : f32
      %min3A_2697 = vector.broadcast %min3A_2696 : f32 to vector<16xf32>
      %min3A_2698 = arith.minimumf %neg3A_2663, %min3A_2697 : vector<16xf32>
      %sub3A_2699 = arith.subf %min3A_2698, %mul3A_2695 : vector<16xf32>
      %add3A_2700 = arith.addf %add3A_2660, %sub3A_2699 : vector<16xf32>
      %neg3A_2701 = arith.constant 0.000000e+00 : f32
      %neg3A_2702 = vector.broadcast %neg3A_2701 : f32 to vector<16xf32>
      %neg3A_2703 = arith.subf %neg3A_2702, %scan3A_2023#17 : vector<16xf32>
      %abs3A_2704 = math.absf %neg3A_2703 : vector<16xf32>
      %neg3A_2705 = arith.constant 0.000000e+00 : f32
      %neg3A_2706 = vector.broadcast %neg3A_2705 : f32 to vector<16xf32>
      %neg3A_2707 = arith.subf %neg3A_2706, %abs3A_2704 : vector<16xf32>
      %exp3A_2708 = math.exp %neg3A_2707 : vector<16xf32>
      %add3A_2709 = arith.constant 2.000000e+00 : f32
      %add3A_2710 = vector.broadcast %add3A_2709 : f32 to vector<16xf32>
      %add3A_2711 = arith.addf %add3A_2710, %exp3A_2708 : vector<16xf32>
      %div3A_2712 = arith.divf %exp3A_2708, %add3A_2711 : vector<16xf32>
      %mul3A_2713 = arith.mulf %div3A_2712, %div3A_2712 : vector<16xf32>
      %mul3A_2714 = arith.constant 2.000000e+00 : f32
      %mul3A_2715 = vector.broadcast %mul3A_2714 : f32 to vector<16xf32>
      %mul3A_2716 = arith.mulf %mul3A_2715, %div3A_2712 : vector<16xf32>
      %mul3A_2717 = arith.constant 0.111111112 : f32
      %mul3A_2718 = vector.broadcast %mul3A_2717 : f32 to vector<16xf32>
      %mul3A_2719 = arith.mulf %mul3A_2713, %mul3A_2718 : vector<16xf32>
      %add3A_2720 = arith.constant 0.142857149 : f32
      %add3A_2721 = vector.broadcast %add3A_2720 : f32 to vector<16xf32>
      %add3A_2722 = arith.addf %add3A_2721, %mul3A_2719 : vector<16xf32>
      %mul3A_2723 = arith.mulf %mul3A_2713, %add3A_2722 : vector<16xf32>
      %add3A_2724 = arith.constant 2.000000e-01 : f32
      %add3A_2725 = vector.broadcast %add3A_2724 : f32 to vector<16xf32>
      %add3A_2726 = arith.addf %add3A_2725, %mul3A_2723 : vector<16xf32>
      %mul3A_2727 = arith.mulf %mul3A_2713, %add3A_2726 : vector<16xf32>
      %add3A_2728 = arith.constant 0.333333343 : f32
      %add3A_2729 = vector.broadcast %add3A_2728 : f32 to vector<16xf32>
      %add3A_2730 = arith.addf %add3A_2729, %mul3A_2727 : vector<16xf32>
      %mul3A_2731 = arith.mulf %mul3A_2713, %add3A_2730 : vector<16xf32>
      %add3A_2732 = arith.constant 1.000000e+00 : f32
      %add3A_2733 = vector.broadcast %add3A_2732 : f32 to vector<16xf32>
      %add3A_2734 = arith.addf %add3A_2733, %mul3A_2731 : vector<16xf32>
      %mul3A_2735 = arith.mulf %mul3A_2716, %add3A_2734 : vector<16xf32>
      %min3A_2736 = arith.constant 0.000000e+00 : f32
      %min3A_2737 = vector.broadcast %min3A_2736 : f32 to vector<16xf32>
      %min3A_2738 = arith.minimumf %neg3A_2703, %min3A_2737 : vector<16xf32>
      %sub3A_2739 = arith.subf %min3A_2738, %mul3A_2735 : vector<16xf32>
      %add3A_2740 = arith.addf %add3A_2700, %sub3A_2739 : vector<16xf32>
      %neg3A_2741 = arith.constant 0.000000e+00 : f32
      %neg3A_2742 = vector.broadcast %neg3A_2741 : f32 to vector<16xf32>
      %neg3A_2743 = arith.subf %neg3A_2742, %scan3A_2023#18 : vector<16xf32>
      %abs3A_2744 = math.absf %neg3A_2743 : vector<16xf32>
      %neg3A_2745 = arith.constant 0.000000e+00 : f32
      %neg3A_2746 = vector.broadcast %neg3A_2745 : f32 to vector<16xf32>
      %neg3A_2747 = arith.subf %neg3A_2746, %abs3A_2744 : vector<16xf32>
      %exp3A_2748 = math.exp %neg3A_2747 : vector<16xf32>
      %add3A_2749 = arith.constant 2.000000e+00 : f32
      %add3A_2750 = vector.broadcast %add3A_2749 : f32 to vector<16xf32>
      %add3A_2751 = arith.addf %add3A_2750, %exp3A_2748 : vector<16xf32>
      %div3A_2752 = arith.divf %exp3A_2748, %add3A_2751 : vector<16xf32>
      %mul3A_2753 = arith.mulf %div3A_2752, %div3A_2752 : vector<16xf32>
      %mul3A_2754 = arith.constant 2.000000e+00 : f32
      %mul3A_2755 = vector.broadcast %mul3A_2754 : f32 to vector<16xf32>
      %mul3A_2756 = arith.mulf %mul3A_2755, %div3A_2752 : vector<16xf32>
      %mul3A_2757 = arith.constant 0.111111112 : f32
      %mul3A_2758 = vector.broadcast %mul3A_2757 : f32 to vector<16xf32>
      %mul3A_2759 = arith.mulf %mul3A_2753, %mul3A_2758 : vector<16xf32>
      %add3A_2760 = arith.constant 0.142857149 : f32
      %add3A_2761 = vector.broadcast %add3A_2760 : f32 to vector<16xf32>
      %add3A_2762 = arith.addf %add3A_2761, %mul3A_2759 : vector<16xf32>
      %mul3A_2763 = arith.mulf %mul3A_2753, %add3A_2762 : vector<16xf32>
      %add3A_2764 = arith.constant 2.000000e-01 : f32
      %add3A_2765 = vector.broadcast %add3A_2764 : f32 to vector<16xf32>
      %add3A_2766 = arith.addf %add3A_2765, %mul3A_2763 : vector<16xf32>
      %mul3A_2767 = arith.mulf %mul3A_2753, %add3A_2766 : vector<16xf32>
      %add3A_2768 = arith.constant 0.333333343 : f32
      %add3A_2769 = vector.broadcast %add3A_2768 : f32 to vector<16xf32>
      %add3A_2770 = arith.addf %add3A_2769, %mul3A_2767 : vector<16xf32>
      %mul3A_2771 = arith.mulf %mul3A_2753, %add3A_2770 : vector<16xf32>
      %add3A_2772 = arith.constant 1.000000e+00 : f32
      %add3A_2773 = vector.broadcast %add3A_2772 : f32 to vector<16xf32>
      %add3A_2774 = arith.addf %add3A_2773, %mul3A_2771 : vector<16xf32>
      %mul3A_2775 = arith.mulf %mul3A_2756, %add3A_2774 : vector<16xf32>
      %min3A_2776 = arith.constant 0.000000e+00 : f32
      %min3A_2777 = vector.broadcast %min3A_2776 : f32 to vector<16xf32>
      %min3A_2778 = arith.minimumf %neg3A_2743, %min3A_2777 : vector<16xf32>
      %sub3A_2779 = arith.subf %min3A_2778, %mul3A_2775 : vector<16xf32>
      %add3A_2780 = arith.addf %add3A_2740, %sub3A_2779 : vector<16xf32>
      %neg3A_2781 = arith.constant 0.000000e+00 : f32
      %neg3A_2782 = vector.broadcast %neg3A_2781 : f32 to vector<16xf32>
      %neg3A_2783 = arith.subf %neg3A_2782, %scan3A_2023#19 : vector<16xf32>
      %abs3A_2784 = math.absf %neg3A_2783 : vector<16xf32>
      %neg3A_2785 = arith.constant 0.000000e+00 : f32
      %neg3A_2786 = vector.broadcast %neg3A_2785 : f32 to vector<16xf32>
      %neg3A_2787 = arith.subf %neg3A_2786, %abs3A_2784 : vector<16xf32>
      %exp3A_2788 = math.exp %neg3A_2787 : vector<16xf32>
      %add3A_2789 = arith.constant 2.000000e+00 : f32
      %add3A_2790 = vector.broadcast %add3A_2789 : f32 to vector<16xf32>
      %add3A_2791 = arith.addf %add3A_2790, %exp3A_2788 : vector<16xf32>
      %div3A_2792 = arith.divf %exp3A_2788, %add3A_2791 : vector<16xf32>
      %mul3A_2793 = arith.mulf %div3A_2792, %div3A_2792 : vector<16xf32>
      %mul3A_2794 = arith.constant 2.000000e+00 : f32
      %mul3A_2795 = vector.broadcast %mul3A_2794 : f32 to vector<16xf32>
      %mul3A_2796 = arith.mulf %mul3A_2795, %div3A_2792 : vector<16xf32>
      %mul3A_2797 = arith.constant 0.111111112 : f32
      %mul3A_2798 = vector.broadcast %mul3A_2797 : f32 to vector<16xf32>
      %mul3A_2799 = arith.mulf %mul3A_2793, %mul3A_2798 : vector<16xf32>
      %add3A_2800 = arith.constant 0.142857149 : f32
      %add3A_2801 = vector.broadcast %add3A_2800 : f32 to vector<16xf32>
      %add3A_2802 = arith.addf %add3A_2801, %mul3A_2799 : vector<16xf32>
      %mul3A_2803 = arith.mulf %mul3A_2793, %add3A_2802 : vector<16xf32>
      %add3A_2804 = arith.constant 2.000000e-01 : f32
      %add3A_2805 = vector.broadcast %add3A_2804 : f32 to vector<16xf32>
      %add3A_2806 = arith.addf %add3A_2805, %mul3A_2803 : vector<16xf32>
      %mul3A_2807 = arith.mulf %mul3A_2793, %add3A_2806 : vector<16xf32>
      %add3A_2808 = arith.constant 0.333333343 : f32
      %add3A_2809 = vector.broadcast %add3A_2808 : f32 to vector<16xf32>
      %add3A_2810 = arith.addf %add3A_2809, %mul3A_2807 : vector<16xf32>
      %mul3A_2811 = arith.mulf %mul3A_2793, %add3A_2810 : vector<16xf32>
      %add3A_2812 = arith.constant 1.000000e+00 : f32
      %add3A_2813 = vector.broadcast %add3A_2812 : f32 to vector<16xf32>
      %add3A_2814 = arith.addf %add3A_2813, %mul3A_2811 : vector<16xf32>
      %mul3A_2815 = arith.mulf %mul3A_2796, %add3A_2814 : vector<16xf32>
      %min3A_2816 = arith.constant 0.000000e+00 : f32
      %min3A_2817 = vector.broadcast %min3A_2816 : f32 to vector<16xf32>
      %min3A_2818 = arith.minimumf %neg3A_2783, %min3A_2817 : vector<16xf32>
      %sub3A_2819 = arith.subf %min3A_2818, %mul3A_2815 : vector<16xf32>
      %add3A_2820 = arith.addf %add3A_2780, %sub3A_2819 : vector<16xf32>
      %neg3A_2821 = arith.constant 0.000000e+00 : f32
      %neg3A_2822 = vector.broadcast %neg3A_2821 : f32 to vector<16xf32>
      %neg3A_2823 = arith.subf %neg3A_2822, %scan3A_2023#20 : vector<16xf32>
      %abs3A_2824 = math.absf %neg3A_2823 : vector<16xf32>
      %neg3A_2825 = arith.constant 0.000000e+00 : f32
      %neg3A_2826 = vector.broadcast %neg3A_2825 : f32 to vector<16xf32>
      %neg3A_2827 = arith.subf %neg3A_2826, %abs3A_2824 : vector<16xf32>
      %exp3A_2828 = math.exp %neg3A_2827 : vector<16xf32>
      %add3A_2829 = arith.constant 2.000000e+00 : f32
      %add3A_2830 = vector.broadcast %add3A_2829 : f32 to vector<16xf32>
      %add3A_2831 = arith.addf %add3A_2830, %exp3A_2828 : vector<16xf32>
      %div3A_2832 = arith.divf %exp3A_2828, %add3A_2831 : vector<16xf32>
      %mul3A_2833 = arith.mulf %div3A_2832, %div3A_2832 : vector<16xf32>
      %mul3A_2834 = arith.constant 2.000000e+00 : f32
      %mul3A_2835 = vector.broadcast %mul3A_2834 : f32 to vector<16xf32>
      %mul3A_2836 = arith.mulf %mul3A_2835, %div3A_2832 : vector<16xf32>
      %mul3A_2837 = arith.constant 0.111111112 : f32
      %mul3A_2838 = vector.broadcast %mul3A_2837 : f32 to vector<16xf32>
      %mul3A_2839 = arith.mulf %mul3A_2833, %mul3A_2838 : vector<16xf32>
      %add3A_2840 = arith.constant 0.142857149 : f32
      %add3A_2841 = vector.broadcast %add3A_2840 : f32 to vector<16xf32>
      %add3A_2842 = arith.addf %add3A_2841, %mul3A_2839 : vector<16xf32>
      %mul3A_2843 = arith.mulf %mul3A_2833, %add3A_2842 : vector<16xf32>
      %add3A_2844 = arith.constant 2.000000e-01 : f32
      %add3A_2845 = vector.broadcast %add3A_2844 : f32 to vector<16xf32>
      %add3A_2846 = arith.addf %add3A_2845, %mul3A_2843 : vector<16xf32>
      %mul3A_2847 = arith.mulf %mul3A_2833, %add3A_2846 : vector<16xf32>
      %add3A_2848 = arith.constant 0.333333343 : f32
      %add3A_2849 = vector.broadcast %add3A_2848 : f32 to vector<16xf32>
      %add3A_2850 = arith.addf %add3A_2849, %mul3A_2847 : vector<16xf32>
      %mul3A_2851 = arith.mulf %mul3A_2833, %add3A_2850 : vector<16xf32>
      %add3A_2852 = arith.constant 1.000000e+00 : f32
      %add3A_2853 = vector.broadcast %add3A_2852 : f32 to vector<16xf32>
      %add3A_2854 = arith.addf %add3A_2853, %mul3A_2851 : vector<16xf32>
      %mul3A_2855 = arith.mulf %mul3A_2836, %add3A_2854 : vector<16xf32>
      %min3A_2856 = arith.constant 0.000000e+00 : f32
      %min3A_2857 = vector.broadcast %min3A_2856 : f32 to vector<16xf32>
      %min3A_2858 = arith.minimumf %neg3A_2823, %min3A_2857 : vector<16xf32>
      %sub3A_2859 = arith.subf %min3A_2858, %mul3A_2855 : vector<16xf32>
      %add3A_2860 = arith.addf %add3A_2820, %sub3A_2859 : vector<16xf32>
      %add3A_2861 = arith.addf %add3A_1517, %add3A_2860 : vector<16xf32>
      %add3A_2862 = arith.constant 3 : i32
      %add3A_2863 = arith.addi %mul3A_287, %add3A_2862 : i32
      %min3A_2864 = arith.constant 31 : i32
      %min3A_2865 = arith.minsi %add3A_2863, %min3A_2864 : i32
      %mul3A_2866 = arith.constant 16 : i32
      %mul3A_2867 = arith.muli %min3A_2865, %mul3A_2866 : i32
      %dma_start3A_2868 = arith.constant 1 : i32
      %dma_start3A_2869 = arith.constant 0 : i32
      %dma_start3A_2870 = arith.constant 0 : i32
      %dma_start3A_2871 = tpu.memref_slice %arg14[%dma_start3A_2868, %dma_start3A_2869, %dma_start3A_2870] : memref<2x16x128xf32, #tpu.memory_space<vmem>> -> memref<1x16x128xf32, #tpu.memory_space<vmem>>
      %dma_start3A_2872 = tpu.memref_squeeze %dma_start3A_2871 : memref<1x16x128xf32, #tpu.memory_space<vmem>> -> memref<16x128xf32, #tpu.memory_space<vmem>>
      %dma_start3A_2873 = tpu.memref_slice %arg11[%mul3A_2867] : memref<512xi32, #tpu.memory_space<vmem>> -> memref<16xi32, #tpu.memory_space<vmem>>
      %dma_start3A_2874 = arith.constant 0 : i32
      %dma_start3A_2875 = arith.constant 0 : i32
      %dma_start3A_2876 = tpu.memref_slice %arg5[%dma_start3A_2874, %dma_start3A_2875] : memref<500000x128xf32, #tpu.memory_space<hbm>> -> memref<500000x128xf32, #tpu.memory_space<hbm>>
      tpu.enqueue_indirect_dma source(%dma_start3A_2876 : memref<500000x128xf32, #tpu.memory_space<hbm>>) target(%dma_start3A_2872 : memref<16x128xf32, #tpu.memory_space<vmem>>) offsets(%dma_start3A_2873 : memref<16xi32, #tpu.memory_space<vmem>>) semaphore(%arg19 : memref<!tpu.dma_semaphore, #tpu.memory_space<semaphore_mem>>)
      %dma_start3A_2877 = arith.constant 1 : i32
      %dma_start3A_2878 = arith.constant 0 : i32
      %dma_start3A_2879 = arith.constant 0 : i32
      %dma_start3A_2880 = tpu.memref_slice %arg15[%dma_start3A_2877, %dma_start3A_2878, %dma_start3A_2879] : memref<2x16x128xf32, #tpu.memory_space<vmem>> -> memref<1x16x128xf32, #tpu.memory_space<vmem>>
      %dma_start3A_2881 = tpu.memref_squeeze %dma_start3A_2880 : memref<1x16x128xf32, #tpu.memory_space<vmem>> -> memref<16x128xf32, #tpu.memory_space<vmem>>
      %dma_start3A_2882 = tpu.memref_slice %arg12[%mul3A_2867] : memref<512xi32, #tpu.memory_space<vmem>> -> memref<16xi32, #tpu.memory_space<vmem>>
      %dma_start3A_2883 = arith.constant 0 : i32
      %dma_start3A_2884 = arith.constant 0 : i32
      %dma_start3A_2885 = tpu.memref_slice %arg6[%dma_start3A_2883, %dma_start3A_2884] : memref<500000x128xf32, #tpu.memory_space<hbm>> -> memref<500000x128xf32, #tpu.memory_space<hbm>>
      tpu.enqueue_indirect_dma source(%dma_start3A_2885 : memref<500000x128xf32, #tpu.memory_space<hbm>>) target(%dma_start3A_2881 : memref<16x128xf32, #tpu.memory_space<vmem>>) offsets(%dma_start3A_2882 : memref<16xi32, #tpu.memory_space<vmem>>) semaphore(%arg19 : memref<!tpu.dma_semaphore, #tpu.memory_space<semaphore_mem>>)
      %mul3A_2886 = arith.constant 320 : i32
      %mul3A_2887 = arith.muli %min3A_2865, %mul3A_2886 : i32
      %add3A_2888 = arith.constant 0 : i32
      %add3A_2889 = arith.addi %mul3A_2887, %add3A_2888 : i32
      %dma_start3A_2890 = arith.constant 1 : i32
      %dma_start3A_2891 = arith.constant 0 : i32
      %dma_start3A_2892 = arith.constant 0 : i32
      %dma_start3A_2893 = tpu.memref_slice %arg16[%dma_start3A_2890, %dma_start3A_2891, %dma_start3A_2892] : memref<2x320x128xf32, #tpu.memory_space<vmem>> -> memref<1x320x128xf32, #tpu.memory_space<vmem>>
      %dma_start3A_2894 = tpu.memref_squeeze %dma_start3A_2893 : memref<1x320x128xf32, #tpu.memory_space<vmem>> -> memref<320x128xf32, #tpu.memory_space<vmem>>
      %dma_start3A_2895 = arith.constant 0 : i32
      %dma_start3A_2896 = arith.constant 0 : i32
      %dma_start3A_2897 = tpu.memref_slice %dma_start3A_2894[%dma_start3A_2895, %dma_start3A_2896] : memref<320x128xf32, #tpu.memory_space<vmem>> -> memref<64x128xf32, #tpu.memory_space<vmem>>
      %dma_start3A_2898 = tpu.memref_slice %arg13[%add3A_2889] : memref<10240xi32, #tpu.memory_space<vmem>> -> memref<64xi32, #tpu.memory_space<vmem>>
      %dma_start3A_2899 = arith.constant 0 : i32
      %dma_start3A_2900 = arith.constant 0 : i32
      %dma_start3A_2901 = tpu.memref_slice %arg6[%dma_start3A_2899, %dma_start3A_2900] : memref<500000x128xf32, #tpu.memory_space<hbm>> -> memref<500000x128xf32, #tpu.memory_space<hbm>>
      tpu.enqueue_indirect_dma source(%dma_start3A_2901 : memref<500000x128xf32, #tpu.memory_space<hbm>>) target(%dma_start3A_2897 : memref<64x128xf32, #tpu.memory_space<vmem>>) offsets(%dma_start3A_2898 : memref<64xi32, #tpu.memory_space<vmem>>) semaphore(%arg19 : memref<!tpu.dma_semaphore, #tpu.memory_space<semaphore_mem>>)
      %mul3A_2902 = arith.constant 320 : i32
      %mul3A_2903 = arith.muli %min3A_2865, %mul3A_2902 : i32
      %add3A_2904 = arith.constant 64 : i32
      %add3A_2905 = arith.addi %mul3A_2903, %add3A_2904 : i32
      %dma_start3A_2906 = arith.constant 1 : i32
      %dma_start3A_2907 = arith.constant 0 : i32
      %dma_start3A_2908 = arith.constant 0 : i32
      %dma_start3A_2909 = tpu.memref_slice %arg16[%dma_start3A_2906, %dma_start3A_2907, %dma_start3A_2908] : memref<2x320x128xf32, #tpu.memory_space<vmem>> -> memref<1x320x128xf32, #tpu.memory_space<vmem>>
      %dma_start3A_2910 = tpu.memref_squeeze %dma_start3A_2909 : memref<1x320x128xf32, #tpu.memory_space<vmem>> -> memref<320x128xf32, #tpu.memory_space<vmem>>
      %dma_start3A_2911 = arith.constant 64 : i32
      %dma_start3A_2912 = arith.constant 0 : i32
      %dma_start3A_2913 = tpu.memref_slice %dma_start3A_2910[%dma_start3A_2911, %dma_start3A_2912] : memref<320x128xf32, #tpu.memory_space<vmem>> -> memref<64x128xf32, #tpu.memory_space<vmem>>
      %dma_start3A_2914 = tpu.memref_slice %arg13[%add3A_2905] : memref<10240xi32, #tpu.memory_space<vmem>> -> memref<64xi32, #tpu.memory_space<vmem>>
      %dma_start3A_2915 = arith.constant 0 : i32
      %dma_start3A_2916 = arith.constant 0 : i32
      %dma_start3A_2917 = tpu.memref_slice %arg6[%dma_start3A_2915, %dma_start3A_2916] : memref<500000x128xf32, #tpu.memory_space<hbm>> -> memref<500000x128xf32, #tpu.memory_space<hbm>>
      tpu.enqueue_indirect_dma source(%dma_start3A_2917 : memref<500000x128xf32, #tpu.memory_space<hbm>>) target(%dma_start3A_2913 : memref<64x128xf32, #tpu.memory_space<vmem>>) offsets(%dma_start3A_2914 : memref<64xi32, #tpu.memory_space<vmem>>) semaphore(%arg19 : memref<!tpu.dma_semaphore, #tpu.memory_space<semaphore_mem>>)
      %mul3A_2918 = arith.constant 320 : i32
      %mul3A_2919 = arith.muli %min3A_2865, %mul3A_2918 : i32
      %add3A_2920 = arith.constant 128 : i32
      %add3A_2921 = arith.addi %mul3A_2919, %add3A_2920 : i32
      %dma_start3A_2922 = arith.constant 1 : i32
      %dma_start3A_2923 = arith.constant 0 : i32
      %dma_start3A_2924 = arith.constant 0 : i32
      %dma_start3A_2925 = tpu.memref_slice %arg16[%dma_start3A_2922, %dma_start3A_2923, %dma_start3A_2924] : memref<2x320x128xf32, #tpu.memory_space<vmem>> -> memref<1x320x128xf32, #tpu.memory_space<vmem>>
      %dma_start3A_2926 = tpu.memref_squeeze %dma_start3A_2925 : memref<1x320x128xf32, #tpu.memory_space<vmem>> -> memref<320x128xf32, #tpu.memory_space<vmem>>
      %dma_start3A_2927 = arith.constant 128 : i32
      %dma_start3A_2928 = arith.constant 0 : i32
      %dma_start3A_2929 = tpu.memref_slice %dma_start3A_2926[%dma_start3A_2927, %dma_start3A_2928] : memref<320x128xf32, #tpu.memory_space<vmem>> -> memref<64x128xf32, #tpu.memory_space<vmem>>
      %dma_start3A_2930 = tpu.memref_slice %arg13[%add3A_2921] : memref<10240xi32, #tpu.memory_space<vmem>> -> memref<64xi32, #tpu.memory_space<vmem>>
      %dma_start3A_2931 = arith.constant 0 : i32
      %dma_start3A_2932 = arith.constant 0 : i32
      %dma_start3A_2933 = tpu.memref_slice %arg6[%dma_start3A_2931, %dma_start3A_2932] : memref<500000x128xf32, #tpu.memory_space<hbm>> -> memref<500000x128xf32, #tpu.memory_space<hbm>>
      tpu.enqueue_indirect_dma source(%dma_start3A_2933 : memref<500000x128xf32, #tpu.memory_space<hbm>>) target(%dma_start3A_2929 : memref<64x128xf32, #tpu.memory_space<vmem>>) offsets(%dma_start3A_2930 : memref<64xi32, #tpu.memory_space<vmem>>) semaphore(%arg19 : memref<!tpu.dma_semaphore, #tpu.memory_space<semaphore_mem>>)
      %mul3A_2934 = arith.constant 320 : i32
      %mul3A_2935 = arith.muli %min3A_2865, %mul3A_2934 : i32
      %add3A_2936 = arith.constant 192 : i32
      %add3A_2937 = arith.addi %mul3A_2935, %add3A_2936 : i32
      %dma_start3A_2938 = arith.constant 1 : i32
      %dma_start3A_2939 = arith.constant 0 : i32
      %dma_start3A_2940 = arith.constant 0 : i32
      %dma_start3A_2941 = tpu.memref_slice %arg16[%dma_start3A_2938, %dma_start3A_2939, %dma_start3A_2940] : memref<2x320x128xf32, #tpu.memory_space<vmem>> -> memref<1x320x128xf32, #tpu.memory_space<vmem>>
      %dma_start3A_2942 = tpu.memref_squeeze %dma_start3A_2941 : memref<1x320x128xf32, #tpu.memory_space<vmem>> -> memref<320x128xf32, #tpu.memory_space<vmem>>
      %dma_start3A_2943 = arith.constant 192 : i32
      %dma_start3A_2944 = arith.constant 0 : i32
      %dma_start3A_2945 = tpu.memref_slice %dma_start3A_2942[%dma_start3A_2943, %dma_start3A_2944] : memref<320x128xf32, #tpu.memory_space<vmem>> -> memref<64x128xf32, #tpu.memory_space<vmem>>
      %dma_start3A_2946 = tpu.memref_slice %arg13[%add3A_2937] : memref<10240xi32, #tpu.memory_space<vmem>> -> memref<64xi32, #tpu.memory_space<vmem>>
      %dma_start3A_2947 = arith.constant 0 : i32
      %dma_start3A_2948 = arith.constant 0 : i32
      %dma_start3A_2949 = tpu.memref_slice %arg6[%dma_start3A_2947, %dma_start3A_2948] : memref<500000x128xf32, #tpu.memory_space<hbm>> -> memref<500000x128xf32, #tpu.memory_space<hbm>>
      tpu.enqueue_indirect_dma source(%dma_start3A_2949 : memref<500000x128xf32, #tpu.memory_space<hbm>>) target(%dma_start3A_2945 : memref<64x128xf32, #tpu.memory_space<vmem>>) offsets(%dma_start3A_2946 : memref<64xi32, #tpu.memory_space<vmem>>) semaphore(%arg19 : memref<!tpu.dma_semaphore, #tpu.memory_space<semaphore_mem>>)
      %mul3A_2950 = arith.constant 320 : i32
      %mul3A_2951 = arith.muli %min3A_2865, %mul3A_2950 : i32
      %add3A_2952 = arith.constant 256 : i32
      %add3A_2953 = arith.addi %mul3A_2951, %add3A_2952 : i32
      %dma_start3A_2954 = arith.constant 1 : i32
      %dma_start3A_2955 = arith.constant 0 : i32
      %dma_start3A_2956 = arith.constant 0 : i32
      %dma_start3A_2957 = tpu.memref_slice %arg16[%dma_start3A_2954, %dma_start3A_2955, %dma_start3A_2956] : memref<2x320x128xf32, #tpu.memory_space<vmem>> -> memref<1x320x128xf32, #tpu.memory_space<vmem>>
      %dma_start3A_2958 = tpu.memref_squeeze %dma_start3A_2957 : memref<1x320x128xf32, #tpu.memory_space<vmem>> -> memref<320x128xf32, #tpu.memory_space<vmem>>
      %dma_start3A_2959 = arith.constant 256 : i32
      %dma_start3A_2960 = arith.constant 0 : i32
      %dma_start3A_2961 = tpu.memref_slice %dma_start3A_2958[%dma_start3A_2959, %dma_start3A_2960] : memref<320x128xf32, #tpu.memory_space<vmem>> -> memref<64x128xf32, #tpu.memory_space<vmem>>
      %dma_start3A_2962 = tpu.memref_slice %arg13[%add3A_2953] : memref<10240xi32, #tpu.memory_space<vmem>> -> memref<64xi32, #tpu.memory_space<vmem>>
      %dma_start3A_2963 = arith.constant 0 : i32
      %dma_start3A_2964 = arith.constant 0 : i32
      %dma_start3A_2965 = tpu.memref_slice %arg6[%dma_start3A_2963, %dma_start3A_2964] : memref<500000x128xf32, #tpu.memory_space<hbm>> -> memref<500000x128xf32, #tpu.memory_space<hbm>>
      tpu.enqueue_indirect_dma source(%dma_start3A_2965 : memref<500000x128xf32, #tpu.memory_space<hbm>>) target(%dma_start3A_2961 : memref<64x128xf32, #tpu.memory_space<vmem>>) offsets(%dma_start3A_2962 : memref<64xi32, #tpu.memory_space<vmem>>) semaphore(%arg19 : memref<!tpu.dma_semaphore, #tpu.memory_space<semaphore_mem>>)
      scf.yield %add3A_2861 : vector<16xf32>
    }
    %scan3A_191 = arith.constant 16 : i32
    %dma_wait3A = arith.constant 0 : i32
    %dma_wait3A_192 = arith.constant 0 : i32
    %dma_wait3A_193 = arith.constant 0 : i32
    %dma_wait3A_194 = tpu.memref_slice %arg14[%dma_wait3A, %dma_wait3A_192, %dma_wait3A_193] : memref<2x16x128xf32, #tpu.memory_space<vmem>> -> memref<1x16x128xf32, #tpu.memory_space<vmem>>
    %dma_wait3A_195 = tpu.memref_squeeze %dma_wait3A_194 : memref<1x16x128xf32, #tpu.memory_space<vmem>> -> memref<16x128xf32, #tpu.memory_space<vmem>>
    %dma_wait3A_196 = arith.constant 0 : i32
    %dma_wait3A_197 = arith.constant 0 : i32
    %dma_wait3A_198 = tpu.memref_slice %arg5[%dma_wait3A_196, %dma_wait3A_197] : memref<500000x128xf32, #tpu.memory_space<hbm>> -> memref<16x128xf32, #tpu.memory_space<hbm>>
    %dma_wait3A_199 = arith.constant 0 : i32
    %dma_wait3A_200 = arith.constant 0 : i32
    %dma_wait3A_201 = tpu.memref_slice %arg14[%dma_wait3A, %dma_wait3A_199, %dma_wait3A_200] : memref<2x16x128xf32, #tpu.memory_space<vmem>> -> memref<1x16x128xf32, #tpu.memory_space<vmem>>
    %dma_wait3A_202 = tpu.memref_squeeze %dma_wait3A_201 : memref<1x16x128xf32, #tpu.memory_space<vmem>> -> memref<16x128xf32, #tpu.memory_space<vmem>>
    %dma_wait3A_203 = arith.constant 0 : i32
    %dma_wait3A_204 = arith.constant 0 : i32
    %dma_wait3A_205 = tpu.memref_slice %arg5[%dma_wait3A_203, %dma_wait3A_204] : memref<500000x128xf32, #tpu.memory_space<hbm>> -> memref<16x128xf32, #tpu.memory_space<hbm>>
    tpu.wait_dma2 semaphore(%arg18 : memref<!tpu.dma_semaphore, #tpu.memory_space<semaphore_mem>>) src(%dma_wait3A_205 : memref<16x128xf32, #tpu.memory_space<hbm>>) dst(%dma_wait3A_202 : memref<16x128xf32, #tpu.memory_space<vmem>>)
    %dma_wait3A_206 = arith.constant 0 : i32
    %dma_wait3A_207 = arith.constant 0 : i32
    %dma_wait3A_208 = arith.constant 0 : i32
    %dma_wait3A_209 = tpu.memref_slice %arg15[%dma_wait3A_206, %dma_wait3A_207, %dma_wait3A_208] : memref<2x16x128xf32, #tpu.memory_space<vmem>> -> memref<1x16x128xf32, #tpu.memory_space<vmem>>
    %dma_wait3A_210 = tpu.memref_squeeze %dma_wait3A_209 : memref<1x16x128xf32, #tpu.memory_space<vmem>> -> memref<16x128xf32, #tpu.memory_space<vmem>>
    %dma_wait3A_211 = arith.constant 0 : i32
    %dma_wait3A_212 = arith.constant 0 : i32
    %dma_wait3A_213 = tpu.memref_slice %arg5[%dma_wait3A_211, %dma_wait3A_212] : memref<500000x128xf32, #tpu.memory_space<hbm>> -> memref<16x128xf32, #tpu.memory_space<hbm>>
    %dma_wait3A_214 = arith.constant 0 : i32
    %dma_wait3A_215 = arith.constant 0 : i32
    %dma_wait3A_216 = tpu.memref_slice %arg15[%dma_wait3A_206, %dma_wait3A_214, %dma_wait3A_215] : memref<2x16x128xf32, #tpu.memory_space<vmem>> -> memref<1x16x128xf32, #tpu.memory_space<vmem>>
    %dma_wait3A_217 = tpu.memref_squeeze %dma_wait3A_216 : memref<1x16x128xf32, #tpu.memory_space<vmem>> -> memref<16x128xf32, #tpu.memory_space<vmem>>
    %dma_wait3A_218 = arith.constant 0 : i32
    %dma_wait3A_219 = arith.constant 0 : i32
    %dma_wait3A_220 = tpu.memref_slice %arg5[%dma_wait3A_218, %dma_wait3A_219] : memref<500000x128xf32, #tpu.memory_space<hbm>> -> memref<16x128xf32, #tpu.memory_space<hbm>>
    tpu.wait_dma2 semaphore(%arg18 : memref<!tpu.dma_semaphore, #tpu.memory_space<semaphore_mem>>) src(%dma_wait3A_220 : memref<16x128xf32, #tpu.memory_space<hbm>>) dst(%dma_wait3A_217 : memref<16x128xf32, #tpu.memory_space<vmem>>)
    %dma_wait3A_221 = arith.constant 0 : i32
    %dma_wait3A_222 = arith.constant 0 : i32
    %dma_wait3A_223 = arith.constant 0 : i32
    %dma_wait3A_224 = tpu.memref_slice %arg16[%dma_wait3A_221, %dma_wait3A_222, %dma_wait3A_223] : memref<2x320x128xf32, #tpu.memory_space<vmem>> -> memref<1x320x128xf32, #tpu.memory_space<vmem>>
    %dma_wait3A_225 = tpu.memref_squeeze %dma_wait3A_224 : memref<1x320x128xf32, #tpu.memory_space<vmem>> -> memref<320x128xf32, #tpu.memory_space<vmem>>
    %dma_wait3A_226 = arith.constant 0 : i32
    %dma_wait3A_227 = arith.constant 0 : i32
    %dma_wait3A_228 = tpu.memref_slice %arg5[%dma_wait3A_226, %dma_wait3A_227] : memref<500000x128xf32, #tpu.memory_space<hbm>> -> memref<320x128xf32, #tpu.memory_space<hbm>>
    %dma_wait3A_229 = arith.constant 0 : i32
    %dma_wait3A_230 = arith.constant 0 : i32
    %dma_wait3A_231 = tpu.memref_slice %arg16[%dma_wait3A_221, %dma_wait3A_229, %dma_wait3A_230] : memref<2x320x128xf32, #tpu.memory_space<vmem>> -> memref<1x320x128xf32, #tpu.memory_space<vmem>>
    %dma_wait3A_232 = tpu.memref_squeeze %dma_wait3A_231 : memref<1x320x128xf32, #tpu.memory_space<vmem>> -> memref<320x128xf32, #tpu.memory_space<vmem>>
    %dma_wait3A_233 = arith.constant 0 : i32
    %dma_wait3A_234 = arith.constant 0 : i32
    %dma_wait3A_235 = tpu.memref_slice %arg5[%dma_wait3A_233, %dma_wait3A_234] : memref<500000x128xf32, #tpu.memory_space<hbm>> -> memref<320x128xf32, #tpu.memory_space<hbm>>
    tpu.wait_dma2 semaphore(%arg18 : memref<!tpu.dma_semaphore, #tpu.memory_space<semaphore_mem>>) src(%dma_wait3A_235 : memref<320x128xf32, #tpu.memory_space<hbm>>) dst(%dma_wait3A_232 : memref<320x128xf32, #tpu.memory_space<vmem>>)
    %dma_wait3A_236 = arith.constant 1 : i32
    %dma_wait3A_237 = arith.constant 0 : i32
    %dma_wait3A_238 = arith.constant 0 : i32
    %dma_wait3A_239 = tpu.memref_slice %arg14[%dma_wait3A_236, %dma_wait3A_237, %dma_wait3A_238] : memref<2x16x128xf32, #tpu.memory_space<vmem>> -> memref<1x16x128xf32, #tpu.memory_space<vmem>>
    %dma_wait3A_240 = tpu.memref_squeeze %dma_wait3A_239 : memref<1x16x128xf32, #tpu.memory_space<vmem>> -> memref<16x128xf32, #tpu.memory_space<vmem>>
    %dma_wait3A_241 = arith.constant 0 : i32
    %dma_wait3A_242 = arith.constant 0 : i32
    %dma_wait3A_243 = tpu.memref_slice %arg5[%dma_wait3A_241, %dma_wait3A_242] : memref<500000x128xf32, #tpu.memory_space<hbm>> -> memref<16x128xf32, #tpu.memory_space<hbm>>
    %dma_wait3A_244 = arith.constant 0 : i32
    %dma_wait3A_245 = arith.constant 0 : i32
    %dma_wait3A_246 = tpu.memref_slice %arg14[%dma_wait3A_236, %dma_wait3A_244, %dma_wait3A_245] : memref<2x16x128xf32, #tpu.memory_space<vmem>> -> memref<1x16x128xf32, #tpu.memory_space<vmem>>
    %dma_wait3A_247 = tpu.memref_squeeze %dma_wait3A_246 : memref<1x16x128xf32, #tpu.memory_space<vmem>> -> memref<16x128xf32, #tpu.memory_space<vmem>>
    %dma_wait3A_248 = arith.constant 0 : i32
    %dma_wait3A_249 = arith.constant 0 : i32
    %dma_wait3A_250 = tpu.memref_slice %arg5[%dma_wait3A_248, %dma_wait3A_249] : memref<500000x128xf32, #tpu.memory_space<hbm>> -> memref<16x128xf32, #tpu.memory_space<hbm>>
    tpu.wait_dma2 semaphore(%arg19 : memref<!tpu.dma_semaphore, #tpu.memory_space<semaphore_mem>>) src(%dma_wait3A_250 : memref<16x128xf32, #tpu.memory_space<hbm>>) dst(%dma_wait3A_247 : memref<16x128xf32, #tpu.memory_space<vmem>>)
    %dma_wait3A_251 = arith.constant 1 : i32
    %dma_wait3A_252 = arith.constant 0 : i32
    %dma_wait3A_253 = arith.constant 0 : i32
    %dma_wait3A_254 = tpu.memref_slice %arg15[%dma_wait3A_251, %dma_wait3A_252, %dma_wait3A_253] : memref<2x16x128xf32, #tpu.memory_space<vmem>> -> memref<1x16x128xf32, #tpu.memory_space<vmem>>
    %dma_wait3A_255 = tpu.memref_squeeze %dma_wait3A_254 : memref<1x16x128xf32, #tpu.memory_space<vmem>> -> memref<16x128xf32, #tpu.memory_space<vmem>>
    %dma_wait3A_256 = arith.constant 0 : i32
    %dma_wait3A_257 = arith.constant 0 : i32
    %dma_wait3A_258 = tpu.memref_slice %arg5[%dma_wait3A_256, %dma_wait3A_257] : memref<500000x128xf32, #tpu.memory_space<hbm>> -> memref<16x128xf32, #tpu.memory_space<hbm>>
    %dma_wait3A_259 = arith.constant 0 : i32
    %dma_wait3A_260 = arith.constant 0 : i32
    %dma_wait3A_261 = tpu.memref_slice %arg15[%dma_wait3A_251, %dma_wait3A_259, %dma_wait3A_260] : memref<2x16x128xf32, #tpu.memory_space<vmem>> -> memref<1x16x128xf32, #tpu.memory_space<vmem>>
    %dma_wait3A_262 = tpu.memref_squeeze %dma_wait3A_261 : memref<1x16x128xf32, #tpu.memory_space<vmem>> -> memref<16x128xf32, #tpu.memory_space<vmem>>
    %dma_wait3A_263 = arith.constant 0 : i32
    %dma_wait3A_264 = arith.constant 0 : i32
    %dma_wait3A_265 = tpu.memref_slice %arg5[%dma_wait3A_263, %dma_wait3A_264] : memref<500000x128xf32, #tpu.memory_space<hbm>> -> memref<16x128xf32, #tpu.memory_space<hbm>>
    tpu.wait_dma2 semaphore(%arg19 : memref<!tpu.dma_semaphore, #tpu.memory_space<semaphore_mem>>) src(%dma_wait3A_265 : memref<16x128xf32, #tpu.memory_space<hbm>>) dst(%dma_wait3A_262 : memref<16x128xf32, #tpu.memory_space<vmem>>)
    %dma_wait3A_266 = arith.constant 1 : i32
    %dma_wait3A_267 = arith.constant 0 : i32
    %dma_wait3A_268 = arith.constant 0 : i32
    %dma_wait3A_269 = tpu.memref_slice %arg16[%dma_wait3A_266, %dma_wait3A_267, %dma_wait3A_268] : memref<2x320x128xf32, #tpu.memory_space<vmem>> -> memref<1x320x128xf32, #tpu.memory_space<vmem>>
    %dma_wait3A_270 = tpu.memref_squeeze %dma_wait3A_269 : memref<1x320x128xf32, #tpu.memory_space<vmem>> -> memref<320x128xf32, #tpu.memory_space<vmem>>
    %dma_wait3A_271 = arith.constant 0 : i32
    %dma_wait3A_272 = arith.constant 0 : i32
    %dma_wait3A_273 = tpu.memref_slice %arg5[%dma_wait3A_271, %dma_wait3A_272] : memref<500000x128xf32, #tpu.memory_space<hbm>> -> memref<320x128xf32, #tpu.memory_space<hbm>>
    %dma_wait3A_274 = arith.constant 0 : i32
    %dma_wait3A_275 = arith.constant 0 : i32
    %dma_wait3A_276 = tpu.memref_slice %arg16[%dma_wait3A_266, %dma_wait3A_274, %dma_wait3A_275] : memref<2x320x128xf32, #tpu.memory_space<vmem>> -> memref<1x320x128xf32, #tpu.memory_space<vmem>>
    %dma_wait3A_277 = tpu.memref_squeeze %dma_wait3A_276 : memref<1x320x128xf32, #tpu.memory_space<vmem>> -> memref<320x128xf32, #tpu.memory_space<vmem>>
    %dma_wait3A_278 = arith.constant 0 : i32
    %dma_wait3A_279 = arith.constant 0 : i32
    %dma_wait3A_280 = tpu.memref_slice %arg5[%dma_wait3A_278, %dma_wait3A_279] : memref<500000x128xf32, #tpu.memory_space<hbm>> -> memref<320x128xf32, #tpu.memory_space<hbm>>
    tpu.wait_dma2 semaphore(%arg19 : memref<!tpu.dma_semaphore, #tpu.memory_space<semaphore_mem>>) src(%dma_wait3A_280 : memref<320x128xf32, #tpu.memory_space<hbm>>) dst(%dma_wait3A_277 : memref<320x128xf32, #tpu.memory_space<vmem>>)
    %swap3A = arith.constant 0 : index
    %swap3A_281 = tpu.vector_load %arg17[%swap3A] {strides = array<i32>} : memref<16xf32, #tpu.memory_space<vmem>>, vector<16xf32>,
    tpu.vector_store %arg17[%swap3A], %scan3A_190 {strides = array<i32>} : memref<16xf32, #tpu.memory_space<vmem>>, vector<16xf32>,
    %mul3A_282 = arith.constant 16 : i32
    %mul3A_283 = arith.muli %add3A, %mul3A_282 : i32
    "tpu.region"() ({
      %run_scoped3A = tpu.sem_alloc : memref<!tpu.dma_semaphore, #tpu.memory_space<semaphore_mem>>
      %dma_start3A_284 = tpu.memref_slice %arg7[%mul3A_283] : memref<512xf32, #tpu.memory_space<hbm>> -> memref<16xf32, #tpu.memory_space<hbm>>
      %dma_start3A_285 = tpu.memref_slice %arg7[%mul3A_283] : memref<512xf32, #tpu.memory_space<hbm>> -> memref<16xf32, #tpu.memory_space<hbm>>
      tpu.enqueue_dma source(%arg17 : memref<16xf32, #tpu.memory_space<vmem>>) target(%dma_start3A_285 : memref<16xf32, #tpu.memory_space<hbm>>) target_semaphore(%run_scoped3A : memref<!tpu.dma_semaphore, #tpu.memory_space<semaphore_mem>>)
      %dma_wait3A_286 = tpu.memref_slice %arg7[%mul3A_283] : memref<512xf32, #tpu.memory_space<hbm>> -> memref<16xf32, #tpu.memory_space<hbm>>
      %dma_wait3A_287 = tpu.memref_slice %arg7[%mul3A_283] : memref<512xf32, #tpu.memory_space<hbm>> -> memref<16xf32, #tpu.memory_space<hbm>>
      tpu.wait_dma2 semaphore(%run_scoped3A : memref<!tpu.dma_semaphore, #tpu.memory_space<semaphore_mem>>) src(%arg17 : memref<16xf32, #tpu.memory_space<vmem>>) dst(%dma_wait3A_287 : memref<16xf32, #tpu.memory_space<hbm>>)
      tpu.yield
    }) : () -> ()
    return
  }
}

module attributes {stable_mosaic.version = 14 : i64} {
  func.func @body(%arg0: memref<32x16xf32, #tpu.memory_space<vmem>>, %arg1: memref<1x1xf32, #tpu.memory_space<smem>>) attributes {dimension_semantics = [], scalar_prefetch = 0 : i64, scratch_operands = 0 : i64, tpu.core_type = #tpu.core_type<tc>} {
    %get3A = arith.constant 0 : index
    %get3A_0 = arith.constant 0 : index
    %get3A_1 = vector.load %arg0[%get3A, %get3A_0] : memref<32x16xf32, #tpu.memory_space<vmem>>, vector<32x16xf32>
    %reduce_sum3A = vector.shape_cast %get3A_1 : vector<32x16xf32> to vector<1x32x16xf32>
    %reduce_sum3A_2 = arith.constant dense<0.000000e+00> : vector<1xf32>
    %reduce_sum3A_3 = vector.multi_reduction <add>, %reduce_sum3A, %reduce_sum3A_2 [1, 2] : vector<1x32x16xf32> to vector<1xf32>
    %reduce_sum3A_4 = vector.shape_cast %reduce_sum3A_3 : vector<1xf32> to vector<1x1x1xf32>
    %reduce_sum3A_5 = vector.extract %reduce_sum3A_4[0, 0, 0] : f32 from vector<1x1x1xf32>
    %neg3A = arith.constant 0.000000e+00 : f32
    %neg3A_6 = arith.subf %neg3A, %reduce_sum3A_5 : f32
    %mul3A = arith.constant 6.10351563E-5 : f32
    %mul3A_7 = arith.mulf %neg3A_6, %mul3A : f32
    %swap3A = arith.constant 0 : index
    %swap3A_8 = arith.constant 0 : index
    %swap3A_9 = memref.load %arg1[%swap3A, %swap3A_8] : memref<1x1xf32, #tpu.memory_space<smem>>
    memref.store %mul3A_7, %arg1[%swap3A, %swap3A_8] : memref<1x1xf32, #tpu.memory_space<smem>>
    return
  }
}

</mosaic_0001>

<sc_bundles>
// kernel: kernel.4.cloned.1.call-start
scs
__scs_entry_jumppad:
0x0: {  	(pc) =	sbr.rel $0x88, $3  }
0x1: {  	(tag) =	ssettag $0x0;
	lr =	simm.s32 $0x1  }
0x2: {  	[smem:$0x3F9C] =	sst lr;
	_ =	strace $0xD0000000  }
0x3: {  	_ = 	snop  }
0x4: {  	_ = 	snop  }
0x5: {  	_ = 	snop  }
0x6: {  	_ = 	snop  }
0x7: {  	_ = 	snop  }
__scs_overlays_trampoline_lowered:
0x8: {  	[smem:$0x3FAB] =	sst s0  }
0x9: {  	[smem:$0x3FAC] =	sst s1  }
0xa: {  	[smem:$0x3FAD] =	sst s2  }
0xb: {  	[smem:$0x3FAE] =	sst s3  }
0xc: {  	[smem:$0x3FAF] =	sst s4  }
0xd: {  	[smem:$0x3FB0] =	sst s5  }
0xe: {  	[smem:$0x3FB1] =	sst s6  }
0xf: {  	[smem:$0x3FB2] =	sst s7  }
0x10: {  	[smem:$0x3FB3] =	sst s8  }
0x11: {  	[smem:$0x3FB4] =	sst s9;
	s0 =	simm.s32 @!p0 $0x0  }
0x12: {  	s1 =	sld [smem:$0x3F9A];
	s0 =	simm.s32 @p0 $0x1  }
0x13: {  	[smem:$0x3FB5] =	sst s0;
	s0 =	simm.s32 @!p1 $0x0  }
0x14: {  	s2 =	sld [smem:$0x3F99];
	s0 =	simm.s32 @p1 $0x1  }
0x15: {  	[smem:$0x3FB6] =	sst s0;
	s0 =	simm.s32 @!p2 $0x0  }
0x16: {  	s3 =	sld [smem:$0x3FDB];
	s0 =	simm.s32 @p2 $0x1  }
0x17: {  	s4 =	simm.s32 $0x1BF5;
	[smem:$0x3FB8] =	sst s0  }
0x18: {  	s0 =	sld [smem:$0x3F9B];
	_ =	swait.ge [sflag:s4], $0x0  }
0x19: {  	s7 =	sld [smem:$0x3F9C]  }
0x1a: {  	s8 =	sadd.s32 $0xFFFFE003, lr  }
0x1b: {  	s9 =	sadd.s32 $0xFFFFFEF7, lr;
	s5 =	simm.s32 $0xFFFFFFFF;
	p2 =	slt.u32 s8, $0xFFFFF086  }
0x1c: {  	p1 =	slt.u32 s9, $0xF7A;
	s5 =	simm.s32 @!p2 $0x0  }
0x1d: {  	s5 =	simm.s32 @p1 $0x1;
	p0 =	seq.s32 s7, s2  }
0x1e: {  	s7 =	smul.u32 @!p0 $0xF7A, s2;
	p2 =	seq.s32 @!p0 s5, $0x0  }
0x1f: {  	s9 =	smul.u32 $0xF7A, s1;
	s8 =	simm.s32 @!p0 $0x1BF5;
	p2 =	por !p2, p0  }
0x20: {  	[sflag:s8] =	ssyncset.s32 @!p0 $0xFFFFF086;
	s6 =	sadd.s32 @!p0 s3, s7;
	s7 =	simm.s32 @!p0 $0x108  }
0x21: {  	s3 =	sadd.s32 s3, s9;
	s6 =	sadd.s32 @!p0 $0x88, s6;
	s7 =	simm.s32 @p2 $0x1082  }
0x22: {  	[simem:s7], [sflag:s8] =	dma.local @!p0 [hbm:s6], $0xF7A  }
0x23: {  	s9 =	sor.u32 $0xD0000000, s2;
	s6 =	simm.s32 $0x108;
	_ =	swait.ge @!p0 [sflag:s8], $0x0  }
0x24: {  	s3 =	sadd.s32 $0x88, s3;
	s6 =	simm.s32 @!p1 $0x1082;
	[sflag:s4] =	ssyncset.s32 $0xFFFFF086  }
0x25: {  	[simem:s6], [sflag:s4] =	dma.local [hbm:s3], $0xF7A  }
0x26: {  	[smem:$0x3F9C] =	sst s1;
	(tag) =	ssettag s2;
	_ =	strace s9  }
0x27: {  	s1 =	sld [smem:$0x3FAC]  }
0x28: {  	s2 =	sld [smem:$0x3FAD]  }
0x29: {  	s4 =	sld [smem:$0x3FAF]  }
0x2a: {  	p0 =	seq.s32 s5, $0x0;
	s5 =	sld [smem:$0x3FB0]  }
0x2b: {  	s6 =	sld [smem:$0x3FB1]  }
0x2c: {  	s7 =	sld [smem:$0x3FB2]  }
0x2d: {  	s3 =	simm.s32 $0x108;
	s8 =	sld [smem:$0x3FB3]  }
0x2e: {  	s3 =	simm.s32 @!p0 $0x1082;
	s9 =	sld [smem:$0x3FB4]  }
0x2f: {  	lr =	sadd.s32 s0, s3;
	s0 =	sld [smem:$0x3FAB]  }
0x30: {  	s3 =	sld [smem:$0x3FAE]  }
0x31: {  	[smem:$0x3FB7] =	sst s10  }
0x32: {  	s10 =	sld [smem:$0x3FB5];
	_ =	sdelay $0x3  }
0x33: {  	p0 =	seq.s32 s10, $0x1;
	s10 =	sld [smem:$0x3FB7];
	_ =	sdelay $0x3  }
0x34: {  	[smem:$0x3FB7] =	sst s10  }
0x35: {  	s10 =	sld [smem:$0x3FB6];
	_ =	sdelay $0x3  }
0x36: {  	p1 =	seq.s32 s10, $0x1;
	s10 =	sld [smem:$0x3FB7];
	_ =	sdelay $0x3  }
0x37: {  	[smem:$0x3FB7] =	sst s10  }
0x38: {  	s10 =	sld [smem:$0x3FB8]  }
0x39: {  	_ = 	snop;
	(pc) =	sbr.ind lr, $3  }
0x3a: {  	_ = 	snop  }
0x3b: {  	_ = 	snop  }
0x3c: {  	p2 =	seq.s32 s10, $0x1;
	s10 =	sld [smem:$0x3FB7]  }
0x3d: {  	_ =	shalt  }
0x3e: {  	_ =	shalt  }
0x3f: {  	_ =	shalt  }
0x40: {  	_ =	shalt  }
0x41: {  	_ =	shalt  }
0x42: {  	_ =	shalt  }
0x43: {  	_ =	shalt  }
0x44: {  	_ =	shalt  }
0x45: {  	_ =	shalt  }
0x46: {  	_ =	shalt  }
0x47: {  	_ =	shalt  }
0x48: {  	_ =	shalt  }
0x49: {  	_ =	shalt  }
0x4a: {  	_ =	shalt  }
0x4b: {  	_ =	shalt  }
0x4c: {  	_ =	shalt  }
0x4d: {  	_ =	shalt  }
0x4e: {  	_ =	shalt  }
0x4f: {  	_ =	shalt  }
0x50: {  	_ =	shalt  }
0x51: {  	_ =	shalt  }
0x52: {  	_ =	shalt  }
0x53: {  	_ =	shalt  }
0x54: {  	_ =	shalt  }
0x55: {  	_ =	shalt  }
0x56: {  	_ =	shalt  }
0x57: {  	_ =	shalt  }
0x58: {  	_ =	shalt  }
0x59: {  	_ =	shalt  }
0x5a: {  	_ =	shalt  }
0x5b: {  	_ =	shalt  }
0x5c: {  	_ =	shalt  }
0x5d: {  	_ =	shalt  }
0x5e: {  	_ =	shalt  }
0x5f: {  	_ =	shalt  }
0x60: {  	_ =	shalt  }
0x61: {  	_ =	shalt  }
0x62: {  	_ =	shalt  }
0x63: {  	_ =	shalt  }
0x64: {  	_ =	shalt  }
0x65: {  	_ =	shalt  }
0x66: {  	_ =	shalt  }
0x67: {  	_ =	shalt  }
0x68: {  	_ =	shalt  }
0x69: {  	_ =	shalt  }
0x6a: {  	_ =	shalt  }
0x6b: {  	_ =	shalt  }
0x6c: {  	_ =	shalt  }
0x6d: {  	_ =	shalt  }
0x6e: {  	_ =	shalt  }
0x6f: {  	_ =	shalt  }
0x70: {  	_ =	shalt  }
0x71: {  	_ =	shalt  }
0x72: {  	_ =	shalt  }
0x73: {  	_ =	shalt  }
0x74: {  	_ =	shalt  }
0x75: {  	_ =	shalt  }
0x76: {  	_ =	shalt  }
0x77: {  	_ =	shalt  }
0x78: {  	_ =	shalt  }
0x79: {  	_ =	shalt  }
0x7a: {  	_ =	shalt  }
0x7b: {  	_ =	shalt  }
0x7c: {  	_ =	shalt  }
0x7d: {  	_ =	shalt  }
0x7e: {  	_ =	shalt  }
0x7f: {  	_ =	shalt  }
0x80: {  	_ =	shalt  }
0x81: {  	_ =	shalt  }
0x82: {  	_ =	shalt  }
0x83: {  	_ =	shalt  }
0x84: {  	_ =	shalt  }
0x85: {  	_ =	shalt  }
0x86: {  	_ =	shalt  }
0x87: {  	_ =	shalt  }
.Lfunc_end0:
.L_simem_size_0:
called_computation_lowered:
.L_overlay_start_0:
0x88: {  	s2 =	sld [smem:$0x3FD9]  }
0x89: {  	s3 =	sld [smem:$0x3FFE];
	_ =	sdelay $0x1  }
0x8a: {  	s1 =	srdreg.scid  }
0x8b: {  	s0 =	sand.u32 $0x1, s1  }
0x8c: {  	s17 =	sshll.u32 s0, $0xA;
	s2 =	sadd.s32 s3, s2  }
0x8d: {  	s2 =	sadd.s32 s2, s17  }
0x8e: {  	[smem:$0x3FC3] =	sst s2  }
0x8f: {  	_ = 	snop  }
0x90: {  	s2 =	sld [smem:$0x3FC9]  }
0x91: {  	s18 =	sld [smem:$0x3FC8];
	(tm) =	ssettm $0x1  }
0x92: {  	s4 =	sld [smem:$0x3FFB];
	_ =	sdelay $0x3  }
0x93: {  	_ =	strace s4  }
0x94: {  	s4 =	sld [smem:$0x3FFC];
	_ =	sdelay $0x3  }
0x95: {  	_ =	strace s4  }
0x96: {  	s4 =	sld [smem:$0x3FFD];
	_ =	sdelay $0x3  }
0x97: {  	_ =	strace s4  }
0x98: {  	_ =	strace $0x8FFFFFFF  }
0x99: {  	s19 =	sld [smem:$0x3FDB];
	_ =	sdelay $0x1  }
0x9a: {  	s5 =	simm.s32 $_scs_section_size  }
0x9b: {  	s6 =	simm.s32 $_size__tile_overlayer_lowered;
	s7 =	simm.s32 $_tile_overlayer_lowered  }
0x9c: {  	s22 =	simm.s32 $0x1BFF;
	s21 =	sshll.u32 s7, $0x1;
	s4 =	sadd.s32 s5, s19  }
0x9d: {  	s8 =	simm.s32 $0x0;
	s20 =	sshll.u32 s6, $0x1;
	s6 =	sadd.s32 s21, s4  }
0x9e: {  	[timem:s8], [sflag:s22] =	dma.local [hbm:s6], s20  }
0x9f: {  	_ =	swait.ge [sflag:s22], s20  }
0xa0: {  	s5 =	ssub.s32 $0x0, s20;
	[sflag:s22] =	ssyncset.done $0x0  }
0xa1: {  	[sflag:s22] =	ssyncadd.s32 s5;
	_ =	sdelay $0x1  }
0xa2: {  	s23 =	simm.s32 $0x1B8B  }
0xa3: {  	_ =	swait.ge [sflag:s23], $0x1  }
0xa4: {  	[sflag:s23] =	ssyncset.done $0x0  }
0xa5: {  	s25 =	simm.s32 $0x1B8E;
	s24 =	sld [smem:$0x3FFE];
	[sflag:s23] =	ssyncadd.s32 $0xFFFFFFFF  }
0xa6: {  	s26 =	simm.s32 $execute0_lowered;
	[smem:$0x3FD2] =	sst s25  }
0xa7: {  	s6 =	sshll.u32 s26, $0x1;
	_ =	strace $0x80000046;
	[dreg:$0x1] =	wrdreg $0xFFFFFFFF  }
0xa8: {  	s28 =	simm.s32 $_size_execute0_lowered;
	s4 =	sadd.s32 s4, s6;
	[dreg:$0x0] =	wrdreg $0x0  }
0xa9: {  	s6 =	sshll.u32 s28, $0x1;
	[dreg:$0x2] =	wrdreg s4  }
0xaa: {  	[dreg:$0x3] =	wrdreg s6  }
0xab: {  	[dreg:$0x4] =	wrdreg $0xC0  }
0xac: {  	_ =	task [dreg:s8], $0x5FFFF  }
0xad: {  	[dreg:$0x1] =	wrdreg $0xFFFFFFFF  }
0xae: {  	[dreg:$0x0] =	wrdreg $0x60  }
0xaf: {  	[dreg:$0x2] =	wrdreg s2  }
0xb0: {  	[dreg:$0x3] =	wrdreg s18  }
0xb1: {  	[dreg:$0x4] =	wrdreg s24  }
0xb2: {  	[dreg:$0x5] =	wrdreg $0x9  }
0xb3: {  	_ =	task.clear_ibuf [dreg:s8], $0x6FFFF;
	_ =	strace $0x90000046  }
0xb4: {  	s29 =	simm.s32 $0x9;
	_ =	strace $0x80000048  }
0xb5: {  	_ =	swait.ge [sflag:s29], $0x1  }
0xb6: {  	[sflag:s29] =	ssyncadd.s32 $0xFFFFFFFF  }
0xb7: {  	_ =	strace $0x90000048  }
0xb8: {  	_ =	sfence  }
0xb9: {  	s30 =	sld [smem:$0x0];
	_ =	sdelay $0x2  }
0xba: {  	s31 =	sshll.u32 s1, $0xD;
	s1 =	sshrl.u32 s1, $0x2  }
0xbb: {  	s3 =	sand.u32 $0x4000, s31;
	s1 =	sadd.s32 s1, s30  }
0xbc: {  	s0 =	sor.u32 s3, s0;
	s1 =	sshll.u32 s1, $0x11  }
0xbd: {  	s0 =	sor.u32 s1, s0  }
0xbe: {  	s0 =	sadd.s32 $0x8F2B, s0  }
0xbf: {  	[sflag:s0] =	ssyncadd.remote.s32 $0x1  }
0xc0: {  	_ =	sfence.sel $0xFFFF  }
0xc1: {  	[dreg:$0x0] =	wrdreg $0xFFFFFFFF;
	(pc) =	sbr.abs _section_cstart, $3  }
0xc2: {  	[dreg:$0x1] =	wrdreg $0xFFFFFFFF  }
0xc3: {  	_ =	task.clear_ibuf [dreg:s8], $0x2FFFF;
	_ =	strace $0x9FFFFFFF  }
0xc4: {  	(tm) =	ssettm $0x7FFFFFFF  }
0xc5: {  	_ =	shalt  }
tec
execute0_lowered:
.L_overlay_start_1:
0x0: {  	(tag) =	ssettag $0x1  }
0x1: {  	v0 =	vimm.s32 $0x5C483420;
	v13 =	vlaneseq.u32  }
0x2: {  	v1 =	vimm.s32 $0x2C180470;
	v2 =	vimm.s32 $0xC786450;
	v3 =	vimm.s32 $0x3C281400  }
0x3: {  	vm0 =	vcmask $0x1F10;
	v4 =	vimm.s32 $0x5D493521;
	v42 =	vimm.s32 $0x2D190571  }
0x4: {  	v5 =	vimm.s32 $0xD796551;
	v6 =	vimm.s32 $0x3D291501;
	v44 =	vimm.s32 $0x5E4A3622  }
0x5: {  	v45 =	vimm.s32 $0x2E1A0672;
	v46 =	vimm.s32 $0xE7A6652;
	v47 =	vimm.s32 $0x3E2A1602  }
0x6: {  	v49 =	vimm.s32 $0x5F4B3723;
	v51 =	vimm.s32 $0x2F1B0773;
	v52 =	vimm.s32 $0xF7B6753  }
0x7: {  	v53 =	vimm.s32 $0x3F2B1703;
	v55 =	vimm.s32 $0x604C3824;
	v57 =	vimm.s32 $0x301C0874  }
0x8: {  	v58 =	vimm.s32 $0x402C1804;
	v59 =	vimm.s32 $0x107C6854;
	v61 =	vimm.s32 $0x614D3925  }
0x9: {  	v63 =	vimm.s32 $0x311D0975;
	v12 =	vimm.s32 $0x412D1905;
	v15 =	vimm.s32 $0x117D6955  }
0xa: {  	v17 =	vimm.s32 $0x624E3A26;
	v19 =	vimm.s32 $0x321E0A76;
	v20 =	vimm.s32 $0x422E1A06  }
0xb: {  	v21 =	vimm.s32 $0x127E6A56;
	v23 =	vimm.s32 $0x634F3B27;
	v25 =	vimm.s32 $0x331F0B77  }
0xc: {  	v26 =	vimm.s32 $0x432F1B07;
	v27 =	vimm.s32 $0x137F6B57;
	v29 =	vimm.s32 $0x64503C28  }
0xd: {  	v31 =	vimm.s32 $0x34200C78;
	v32 =	vimm.s32 $0x44301C08;
	v33 =	vimm.s32 $0x14006C58  }
0xe: {  	v35 =	vimm.s32 $0x65513D29;
	v37 =	vimm.s32 $0x35210D79;
	v38 =	vimm.s32 $0x45311D09  }
0xf: {  	v39 =	vimm.s32 $0x15016D59;
	v41 =	vimm.s32 $0x66523E2A;
	v10 =	vimm.s32 $0x6C584430  }
0x10: {  	v11 =	vimm.s32 $0x4C382410;
	v0 =	vunpack.c.0.s8.s32 v0;
	v1 =	vunpack.c.0.s8.s32 v1  }
0x11: {  	v2 =	vunpack.c.0.s8.s32 v2;
	v3 =	vunpack.c.0.s8.s32 v3;
	v14 =	vmul.u32 $0x14, v13  }
0x12: {  	v4 =	vunpack.c.0.s8.s32 v4;
	v7 =	vunpack.c.0.s8.s32 v42;
	v5 =	vunpack.c.0.s8.s32 v5  }
0x13: {  	v8 =	vunpack.c.0.s8.s32 v45;
	v9 =	vunpack.c.0.s8.s32 v51;
	v45 =	vimm.s32 $0x16026E5A  }
0x14: {  	v51 =	vimm.s32 $0x17036F5B;
	v10 =	vunpack.c.0.s8.s32 v10;
	v11 =	vunpack.c.0.s8.s32 v11  }
0x15: {  	v0 =	vsel vm0, v1, v0;
	v2 =	vsel vm0, v2, v3;
	v1 =	vunpack.c.0.s8.s32 v6  }
0x16: {  	v43 =	vor.u32 $0x1, v14;
	v4 =	vsel vm0, v7, v4;
	v6 =	vunpack.c.0.s8.s32 v46  }
0x17: {  	v48 =	vor.u32 $0x2, v14;
	v7 =	vunpack.c.0.s8.s32 v52;
	v54 =	vor.u32 $0x3, v14  }
0x18: {  	v60 =	vadd.s32 $0x4, v14;
	v16 =	vadd.s32 $0x5, v14;
	v22 =	vadd.s32 $0x6, v14  }
0x19: {  	v28 =	vadd.s32 $0x7, v14;
	v34 =	vadd.s32 $0x8, v14;
	v0 =	vcombine.low v2, v0  }
0x1a: {  	v40 =	vadd.s32 $0x9, v14;
	v46 =	vadd.s32 $0xA, v14;
	v52 =	vadd.s32 $0xB, v14  }
0x1b: {  	v2 =	vunpack.c.0.s8.s32 v47;
	v5 =	vsel vm0, v5, v1;
	[tilespmem:$0x1FC60] =	vst v0;
	v0 =	vunpack.c.0.s8.s32 v44  }
0x1c: {  	[tilespmem:$0x1FC70] =	vst v43;
	v43 =	vimm.s32 $0x36220E7A;
	v47 =	vimm.s32 $0x67533F2B;
	v4 =	vcombine.low v5, v4  }
0x1d: {  	v6 =	vsel vm0, v6, v2;
	v44 =	vimm.s32 $0x46321E0A;
	v50 =	vsel vm0, v8, v0  }
0x1e: {  	[tilespmem:$0x1FC80] =	vst v4;
	v4 =	vunpack.c.0.s8.s32 v49;
	v0 =	vunpack.c.0.s8.s32 v53;
	v8 =	vunpack.c.0.s8.s32 v58  }
0x1f: {  	v49 =	vimm.s32 $0x37230F7B;
	v53 =	vimm.s32 $0x6854402C;
	v58 =	vadd.s32 $0xC, v14  }
0x20: {  	v5 =	vcombine.low v6, v50;
	v50 =	vimm.s32 $0x47331F0B;
	v4 =	vsel vm0, v9, v4  }
0x21: {  	v56 =	vsel vm0, v7, v0;
	v7 =	vunpack.c.0.s8.s32 v57;
	v9 =	vunpack.c.0.s8.s32 v59  }
0x22: {  	v57 =	vimm.s32 $0x1804705C;
	v59 =	vimm.s32 $0x6955412D;
	[tilespmem:$0x1FCA0] =	vst v5;
	v5 =	vunpack.c.0.s8.s32 v55  }
0x23: {  	v4 =	vcombine.low v56, v4;
	v55 =	vimm.s32 $0x3824107C;
	v56 =	vimm.s32 $0x4834200C  }
0x24: {  	v62 =	vsel vm0, v9, v8;
	v8 =	vunpack.c.0.s8.s32 v12;
	v9 =	vunpack.c.0.s8.s32 v15  }
0x25: {  	v12 =	vadd.s32 $0xD, v14;
	v15 =	vimm.s32 $0x6A56422E;
	v5 =	vsel vm0, v7, v5  }
0x26: {  	[tilespmem:$0x1FCC0] =	vst v4;
	v4 =	vunpack.c.0.s8.s32 v61;
	v7 =	vunpack.c.0.s8.s32 v63;
	v61 =	vimm.s32 $0x3925117D  }
0x27: {  	v63 =	vimm.s32 $0x1905715D;
	[tilespmem:$0x1FDF0] =	vst v12;
	v12 =	vimm.s32 $0x1C087460;
	v5 =	vcombine.low v62, v5  }
0x28: {  	v18 =	vsel vm0, v9, v8;
	v8 =	vunpack.c.0.s8.s32 v20;
	v9 =	vunpack.c.0.s8.s32 v21  }
0x29: {  	v4 =	vsel vm0, v7, v4;
	v7 =	vunpack.c.0.s8.s32 v19;
	[tilespmem:$0x1FCE0] =	vst v5;
	v5 =	vunpack.c.0.s8.s32 v17  }
0x2a: {  	v62 =	vimm.s32 $0x4935210D;
	v4 =	vcombine.low v18, v4;
	v24 =	vsel vm0, v9, v8  }
0x2b: {  	v8 =	vunpack.c.0.s8.s32 v26;
	v9 =	vunpack.c.0.s8.s32 v27;
	v5 =	vsel vm0, v7, v5  }
0x2c: {  	[tilespmem:$0x1FD00] =	vst v4;
	v4 =	vunpack.c.0.s8.s32 v23;
	v7 =	vunpack.c.0.s8.s32 v25;
	v5 =	vcombine.low v24, v5  }
0x2d: {  	[tilespmem:$0x1FC90] =	vst v48;
	v30 =	vsel vm0, v9, v8;
	v8 =	vunpack.c.0.s8.s32 v32;
	v9 =	vunpack.c.0.s8.s32 v33  }
0x2e: {  	v4 =	vsel vm0, v7, v4;
	v7 =	vunpack.c.0.s8.s32 v31;
	[tilespmem:$0x1FD20] =	vst v5;
	v5 =	vunpack.c.0.s8.s32 v29  }
0x2f: {  	[tilespmem:$0x1FCB0] =	vst v54;
	v19 =	vimm.s32 $0x1A06725E;
	v36 =	vsel vm0, v9, v8;
	v4 =	vcombine.low v30, v4  }
0x30: {  	[tilespmem:$0x1FCD0] =	vst v60;
	v8 =	vunpack.c.0.s8.s32 v38;
	v9 =	vunpack.c.0.s8.s32 v39;
	v5 =	vsel vm0, v7, v5  }
0x31: {  	[tilespmem:$0x1FD40] =	vst v4;
	v4 =	vunpack.c.0.s8.s32 v35;
	v7 =	vunpack.c.0.s8.s32 v37;
	v5 =	vcombine.low v36, v5  }
0x32: {  	[tilespmem:$0x1FCF0] =	vst v16;
	v42 =	vsel vm0, v9, v8;
	v8 =	vunpack.c.0.s8.s32 v44;
	v9 =	vunpack.c.0.s8.s32 v45  }
0x33: {  	v4 =	vsel vm0, v7, v4;
	v7 =	vunpack.c.0.s8.s32 v43;
	[tilespmem:$0x1FD60] =	vst v5;
	v5 =	vunpack.c.0.s8.s32 v41  }
0x34: {  	[tilespmem:$0x1FD10] =	vst v22;
	v17 =	vimm.s32 $0x3A26127E;
	v48 =	vsel vm0, v9, v8;
	v4 =	vcombine.low v42, v4  }
0x35: {  	[tilespmem:$0x1FD30] =	vst v28;
	v8 =	vunpack.c.0.s8.s32 v50;
	v9 =	vunpack.c.0.s8.s32 v51;
	v5 =	vsel vm0, v7, v5  }
0x36: {  	[tilespmem:$0x1FD80] =	vst v4;
	v4 =	vunpack.c.0.s8.s32 v47;
	v7 =	vunpack.c.0.s8.s32 v49;
	v5 =	vcombine.low v48, v5  }
0x37: {  	[tilespmem:$0x1FD50] =	vst v34;
	v54 =	vsel vm0, v9, v8;
	v8 =	vunpack.c.0.s8.s32 v56;
	v9 =	vunpack.c.0.s8.s32 v57  }
0x38: {  	v4 =	vsel vm0, v7, v4;
	v7 =	vunpack.c.0.s8.s32 v55;
	[tilespmem:$0x1FDA0] =	vst v5;
	v5 =	vunpack.c.0.s8.s32 v53  }
0x39: {  	[tilespmem:$0x1FD70] =	vst v40;
	v18 =	vimm.s32 $0x4A36220E;
	v60 =	vsel vm0, v9, v8;
	v4 =	vcombine.low v54, v4  }
0x3a: {  	[tilespmem:$0x1FD90] =	vst v46;
	v8 =	vunpack.c.0.s8.s32 v62;
	v9 =	vunpack.c.0.s8.s32 v63;
	v5 =	vsel vm0, v7, v5  }
0x3b: {  	[tilespmem:$0x1FDC0] =	vst v4;
	v4 =	vunpack.c.0.s8.s32 v59;
	v7 =	vunpack.c.0.s8.s32 v61;
	v5 =	vcombine.low v60, v5  }
0x3c: {  	[tilespmem:$0x1FDB0] =	vst v52;
	v16 =	vsel vm0, v9, v8;
	v8 =	vunpack.c.0.s8.s32 v18;
	v9 =	vunpack.c.0.s8.s32 v19  }
0x3d: {  	v4 =	vsel vm0, v7, v4;
	v7 =	vunpack.c.0.s8.s32 v17;
	[tilespmem:$0x1FDE0] =	vst v5;
	v5 =	vunpack.c.0.s8.s32 v15  }
0x3e: {  	[tilespmem:$0x1FDD0] =	vst v58;
	v20 =	vadd.s32 $0xE, v14;
	v12 =	vunpack.c.0.s8.s32 v12;
	v26 =	vadd.s32 $0xF, v14  }
0x3f: {  	[tilespmem:$0x1FE10] =	vst v20;
	v22 =	vsel vm0, v9, v8;
	v4 =	vcombine.low v16, v4;
	v5 =	vsel vm0, v7, v5  }
0x40: {  	s0 =	rddreg [dreg:$0x0];
	[tilespmem:$0x1FE30] =	vst v26;
	v5 =	vcombine.low v22, v5  }
0x41: {  	s1 =	rddreg [dreg:$0x1];
	s2 =	simm.s32 $0x0;
	v3 =	vsel vm0, v3, v10;
	v28 =	vsel vm0, v12, v11;
	[tilespmem:$0x1FE00] =	vst v4  }
0x42: {  	[smem:$0x7FF] =	sst s2;
	v3 =	vcombine.low v28, v3;
	v29 =	vadd.s32 $0x10, v14;
	[tilespmem:$0x1FE20] =	vst v5  }
0x43: {  	s5 =	rddreg [dreg:$0x2];
	_ =	strace $0x80000047;
	[tilespmem:$0x1FE50] =	vst v29  }
0x44: {  	v36 =	vadd.s32 $0x11, v14;
	[tilespmem:$0x1FE60] =	vst v3  }
0x45: {  	v43 =	vadd.s32 $0x12, v14;
	[tilespmem:$0x1FE70] =	vst v36  }
0x46: {  	[tilespmem:$0x1FE90] =	vst v43  }
0x47: {  	v44 =	vmul.u32 $0xA00, v13;
	v45 =	vadd.s32 $0x13, v14;
	v47 =	vmul.u32 $0x80, v13;
	[tilespmem:$0x1FEB0] =	vst v14  }
0x48: {  	[tilespmem:$0x1FEC0] =	vst v45  }
0x49: {  	v48 =	vor.u32 $0x80, v44;
	[tilespmem:$0x1FEE0] =	vst v47  }
0x4a: {  	v49 =	vor.u32 $0x100, v44;
	[tilespmem:$0x1FEF0] =	vst v48  }
0x4b: {  	v34 =	vimm.s32 $0x4E3A2612;
	v40 =	vimm.s32 $0x6F5B4733;
	v50 =	vor.u32 $0x180, v44;
	[tilespmem:$0x1FF00] =	vst v49  }
0x4c: {  	v21 =	vimm.s32 $0x6B57432F;
	v23 =	vimm.s32 $0x3B27137F;
	v51 =	vadd.s32 $0x200, v44;
	[tilespmem:$0x1FF10] =	vst v50  }
0x4d: {  	v25 =	vimm.s32 $0x1B07735F;
	v32 =	vimm.s32 $0x1D097561;
	v52 =	vadd.s32 $0x280, v44;
	[tilespmem:$0x1FF20] =	vst v51  }
0x4e: {  	v33 =	vimm.s32 $0x6E5A4632;
	v24 =	vimm.s32 $0x4B37230F;
	v53 =	vadd.s32 $0x300, v44;
	[tilespmem:$0x1FF30] =	vst v52  }
0x4f: {  	s3 =	srdreg.scid;
	s10 =	simm.s32 $0x200;
	s11 =	simm.s32 $0x400;
	v6 =	vunpack.c.0.s8.s32 v33;
	v31 =	vimm.s32 $0x4D392511;
	v54 =	vadd.s32 $0x380, v44;
	[tilespmem:$0x1FF40] =	vst v53  }
0x50: {  	s13 =	simm.s32 $0x5800;
	s15 =	simm.s32 $0x6800;
	s20 =	simm.s32 $0x7800;
	v56 =	vadd.s32 $0x480, v44;
	v55 =	vadd.s32 $0x400, v44;
	v8 =	vunpack.c.0.s8.s32 v24;
	[tilespmem:$0x1FF50] =	vst v54  }
0x51: {  	s29 =	simm.s32 $0xF800;
	s31 =	simm.s32 $0x6000;
	s14 =	simm.s32 $0x11800;
	v9 =	vunpack.c.0.s8.s32 v25;
	v4 =	vunpack.c.0.s8.s32 v21;
	v7 =	vunpack.c.0.s8.s32 v23;
	[tilespmem:$0x1FF60] =	vst v55  }
0x52: {  	s4 =	stileid.u32;
	s17 =	simm.s32 $0x3;
	s18 =	simm.s32 $0x10;
	v30 =	vimm.s32 $0x6D594531;
	v35 =	vimm.s32 $0x1E0A7662;
	v57 =	vadd.s32 $0x500, v44;
	[tilespmem:$0x1FF70] =	vst v56  }
0x53: {  	s21 =	simm.s32 $0x13800;
	s6 =	sand.u32 $0x1, s3;
	s22 =	sshll.u32 s4, $0x1;
	v58 =	vadd.s32 $0x580, v44;
	v27 =	vsel vm0, v9, v8;
	v4 =	vsel vm0, v7, v4;
	[tilespmem:$0x1FF80] =	vst v57  }
0x54: {  	s30 =	simm.s32 $0x17800;
	s12 =	simm.s32 $0x19800;
	s7 =	sor.u32 s6, s22;
	v41 =	vimm.s32 $0x4F3B2713;
	v59 =	vadd.s32 $0x600, v44;
	v4 =	vcombine.low v27, v4;
	[tilespmem:$0x1FF90] =	vst v58  }
0x55: {  	s19 =	simm.s32 $0x40;
	s16 =	simm.s32 $0x1;
	s8 =	smul.u32 $0x500, s7;
	v42 =	vimm.s32 $0x1F0B7763;
	v62 =	vadd.s32 $0x780, v44;
	v60 =	vadd.s32 $0x680, v44;
	[tilespmem:$0x1FFA0] =	vst v59  }
0x56: {  	s28 =	simm.s32 $0x0;
	s3 =	sadd.s32 $0xF42A00, s5;
	s4 =	sadd.s32 $0x16E3C00, s5;
	v5 =	vunpack.c.0.s8.s32 v32;
	v3 =	vunpack.c.0.s8.s32 v30;
	[tilespmem:$0x1FE40] =	vst v4;
	v4 =	vunpack.c.0.s8.s32 v31  }
0x57: {  	s6 =	ssub.s32 $0x2, s6;
	s22 =	simm.s32 $0x9800;
	s8 =	sadd.s32 s8, s5;
	v61 =	vadd.s32 $0x700, v44;
	v8 =	vunpack.c.0.s8.s32 v35;
	v7 =	vunpack.c.0.s8.s32 v34;
	[tilespmem:$0x1FFB0] =	vst v60  }
0x58: {  	s9 =	sshll.u32 s7, $0x1;
	s7 =	sshll.u32 s7, $0x6;
	s8 =	sadd.s32 $0x600, s8;
	[tilespmem:$0x1FFC0] =	vst v61;
	v1 =	vsel vm0, v1, v3;
	v3 =	vunpack.c.0.s8.s32 v40;
	v37 =	vsel vm0, v5, v4  }
0x59: {  	s23 =	sshrl.u32 s6, $0x1;
	s0 =	sadd.s32 s0, s7;
	[dreg:$0x4] =	wrdreg s8;
	[tilespmem:$0x1FFD0] =	vst v62;
	v4 =	vunpack.c.0.s8.s32 v41;
	v5 =	vunpack.c.0.s8.s32 v42;
	v1 =	vcombine.low v37, v1  }
0x5a: {  	s24 =	sadd.s32 s1, s7;
	s5 =	sadd.s32 s9, s5;
	v38 =	vsel vm0, v2, v6;
	v63 =	vadd.s32 $0x800, v44;
	[dreg:$0x5] =	wrdreg s0;
	v39 =	vsel vm0, v8, v7;
	[tilespmem:$0x1FFE0] =	vst v44  }
0x5b: {  	s6 =	ssub.s32 s6, s23;
	s25 =	sadd.s32 $0xA600, s5;
	[dreg:$0x6] =	wrdreg s24;
	v0 =	vsel vm0, v0, v3;
	v46 =	vsel vm0, v5, v4;
	[tilespmem:$0x1FE80] =	vst v1;
	v1 =	vcombine.low v39, v38  }
0x5c: {  	s1 =	simm.s32 $0x7000;
	s26 =	smax.u32 s6, $0x1;
	[dreg:$0x7] =	wrdreg s25;
	[tilespmem:$0x1FFF0] =	vst v63;
	v0 =	vcombine.low v46, v0  }
0x5d: {  	s23 =	simm.s32 $0x2;
	[dreg:$0x8] =	wrdreg s26;
	s24 =	simm.s32 $0xB800;
	[tilespmem:$0x1FEA0] =	vst v1  }
0x5e: {  	s26 =	simm.s32 $0xD800;
	s25 =	simm.s32 $0x15800;
	s0 =	simm.s32 $0x0;
	[tilespmem:$0x1FED0] =	vst v0  }
.LBB2_1:
0x5f: {  	s5 =	rddreg [dreg:$0x5]  }
0x60: {  	[tilespmem:s2], [sflag:$0x3] =	stream.linear.gather [hbm4b:s5+s2], $0x200, $0x38;
	[tilespmem:$0x1B880] =	vst v63  }
0x61: {  	_ =	swait.ge [sflag:s17], $0x200  }
0x62: {  	[sflag:s17] =	ssyncset.done $0x0  }
0x63: {  	s8 =	rddreg [dreg:$0x6];
	[sflag:s17] =	ssyncadd.s32 $0xFFFFFE00  }
0x64: {  	[tilespmem:s10], [sflag:$0x3] =	stream.linear.gather [hbm4b:s8+s2], $0x200, $0x38;
	[tilespmem:$0x1B880] =	vst v63  }
0x65: {  	_ =	swait.ge [sflag:s17], $0x200  }
0x66: {  	[sflag:s17] =	ssyncset.done $0x0  }
0x67: {  	s9 =	rddreg [dreg:$0x4];
	[sflag:s17] =	ssyncadd.s32 $0xFFFFFE00  }
0x68: {  	[tilespmem:s11], [sflag:$0x3] =	stream.linear.gather [hbm4b:s9+s2], $0x2800, $0x38;
	[tilespmem:$0x1B880] =	vst v63  }
0x69: {  	_ =	swait.ge [sflag:s17], $0x2800  }
0x6a: {  	[sflag:s17] =	ssyncset.done $0x0  }
0x6b: {  	s5 =	simm.s32 $0x0;
	[sflag:s17] =	ssyncadd.s32 $0xFFFFD800  }
0x6c: {  	v0 =	vld [tilespmem:s5+$0x200]  }
0x6d: {  	s6 =	simm.s32 $0x40;
	v1 =	vld [tilespmem:s5+$0x0]  }
.LBB2_2:
0x6e: {  	p0 =	sne.s32 s6, $0x7C0  }
.Ltmp0:
0x6f: {  	_ = 	snop;
	(pc) =	sbr.rel @p0 .LBB2_2-.Ltmp0, $4  }
0x70: {  	_ = 	snop  }
0x71: {  	s7 =	sshra.s32 s6, $0x2;
	s6 =	sadd.s32 $0x40, s6;
	v2 =	vshra.s32 v0, $0x1  }
0x72: {  	v0 =	vld [tilespmem:s7+$0x200];
	v3 =	vshra.s32 v1, $0x1;
	[tilespmem:s5+$0x2E00] =	vst v2  }
0x73: {  	v1 =	vld [tilespmem:s7+$0x0];
	[tilespmem:s5+$0x2C00] =	vst v3;
	s5 =	smov.u32 s7  }
0x74: {  	_ =	sdelay $0x2  }
0x75: {  	v0 =	vshra.s32 v0, $0x1  }
0x76: {  	v1 =	vshra.s32 v1, $0x1;
	[tilespmem:s5+$0x2E00] =	vst v0  }
0x77: {  	[tilespmem:s5+$0x2C00] =	vst v1;
	s5 =	simm.s32 $0x0  }
0x78: {  	s6 =	simm.s32 $0x40;
	v0 =	vld [tilespmem:s5+$0x400]  }
.LBB2_4:
0x79: {  	p0 =	sne.s32 s6, $0x9FC0  }
.Ltmp1:
0x7a: {  	_ = 	snop;
	(pc) =	sbr.rel @p0 .LBB2_4-.Ltmp1, $3  }
0x7b: {  	_ =	sdelay $0x1  }
0x7c: {  	s7 =	sshra.s32 s6, $0x2;
	s6 =	sadd.s32 $0x40, s6;
	v1 =	vshra.s32 v0, $0x1  }
0x7d: {  	v0 =	vld [tilespmem:s7+$0x400];
	[tilespmem:s5+$0x3000] =	vst v1;
	s5 =	smov.u32 s7  }
0x7e: {  	_ =	sdelay $0x3  }
0x7f: {  	v0 =	vshra.s32 v0, $0x1  }
0x80: {  	s8 =	simm.s32 $0x2C00;
	[tilespmem:s5+$0x3000] =	vst v0  }
0x81: {  	[tilespmem:s13], [sflag:$0x1] =	stream.indirect.gather [hbm4b:s3+s18], $0x80, s8, s18, $0xb8;
	[tilespmem:$0x1B880] =	vst v63  }
0x82: {  	s9 =	simm.s32 $0x2E00  }
0x83: {  	[tilespmem:s15], [sflag:$0x1] =	stream.indirect.gather [hbm4b:s4+s18], $0x80, s9, s18, $0xb8;
	[tilespmem:$0x1B880] =	vst v63  }
0x84: {  	s6 =	simm.s32 $0x3000  }
0x85: {  	[tilespmem:s20], [sflag:$0x1] =	stream.indirect.gather [hbm4b:s4+s19], $0x80, s6, s19, $0xb8;
	[tilespmem:$0x1B880] =	vst v63  }
0x86: {  	s7 =	simm.s32 $0x3040  }
0x87: {  	[tilespmem:s22], [sflag:$0x1] =	stream.indirect.gather [hbm4b:s4+s19], $0x80, s7, s19, $0xb8;
	[tilespmem:$0x1B880] =	vst v63  }
0x88: {  	s8 =	simm.s32 $0x3080  }
0x89: {  	[tilespmem:s24], [sflag:$0x1] =	stream.indirect.gather [hbm4b:s4+s19], $0x80, s8, s19, $0xb8;
	[tilespmem:$0x1B880] =	vst v63  }
0x8a: {  	s9 =	simm.s32 $0x30C0  }
0x8b: {  	[tilespmem:s26], [sflag:$0x1] =	stream.indirect.gather [hbm4b:s4+s19], $0x80, s9, s19, $0xb8;
	[tilespmem:$0x1B880] =	vst v63  }
0x8c: {  	s6 =	simm.s32 $0x3100  }
0x8d: {  	[tilespmem:s29], [sflag:$0x1] =	stream.indirect.gather [hbm4b:s4+s19], $0x80, s6, s19, $0xb8;
	[tilespmem:$0x1B880] =	vst v63  }
0x8e: {  	s7 =	simm.s32 $0x2C10  }
0x8f: {  	[tilespmem:s31], [sflag:$0x2] =	stream.indirect.gather [hbm4b:s3+s18], $0x80, s7, s18, $0xb8;
	[tilespmem:$0x1B880] =	vst v63  }
0x90: {  	s8 =	simm.s32 $0x2E10  }
0x91: {  	[tilespmem:s1], [sflag:$0x2] =	stream.indirect.gather [hbm4b:s4+s18], $0x80, s8, s18, $0xb8;
	[tilespmem:$0x1B880] =	vst v63  }
0x92: {  	s9 =	simm.s32 $0x3140  }
0x93: {  	[tilespmem:s14], [sflag:$0x2] =	stream.indirect.gather [hbm4b:s4+s19], $0x80, s9, s19, $0xb8;
	[tilespmem:$0x1B880] =	vst v63  }
0x94: {  	s6 =	simm.s32 $0x3180  }
0x95: {  	[tilespmem:s21], [sflag:$0x2] =	stream.indirect.gather [hbm4b:s4+s19], $0x80, s6, s19, $0xb8;
	[tilespmem:$0x1B880] =	vst v63  }
0x96: {  	s7 =	simm.s32 $0x31C0  }
0x97: {  	[tilespmem:s25], [sflag:$0x2] =	stream.indirect.gather [hbm4b:s4+s19], $0x80, s7, s19, $0xb8;
	[tilespmem:$0x1B880] =	vst v63  }
0x98: {  	s8 =	simm.s32 $0x3200  }
0x99: {  	[tilespmem:s30], [sflag:$0x2] =	stream.indirect.gather [hbm4b:s4+s19], $0x80, s8, s19, $0xb8;
	[tilespmem:$0x1B880] =	vst v63  }
0x9a: {  	s5 =	simm.s32 $0x0;
	s9 =	simm.s32 $0x3240  }
0x9b: {  	v0 =	vimm.f32 $0.0e+00;
	[tilespmem:s12], [sflag:$0x2] =	stream.indirect.gather [hbm4b:s4+s19], $0x80, s9, s19, $0xb8;
	[tilespmem:$0x1B880] =	vst v63  }
.LBB2_6:
0x9c: {  	[tilespmem:$0x1FB40] =	vst v0  }
0x9d: {  	_ =	swait.ge [sflag:s16], $0x800  }
0x9e: {  	[sflag:s16] =	ssyncset.done $0x0  }
0x9f: {  	[sflag:s16] =	ssyncadd.s32 $0xFFFFF800  }
0xa0: {  	_ =	swait.ge [sflag:s16], $0x800  }
0xa1: {  	[sflag:s16] =	ssyncset.done $0x0  }
0xa2: {  	v1 =	vld [tilespmem:$0x1FEB0];
	[sflag:s16] =	ssyncadd.s32 $0xFFFFF800  }
0xa3: {  	v2 =	vld [tilespmem:$0x1FC70];
	_ =	swait.ge [sflag:s16], $0xA000  }
0xa4: {  	v3 =	vld [tilespmem:$0x1FC60]  }
0xa5: {  	s6 =	smul.u32 $0x280, s5;
	_ =	sdelay $0x1  }
0xa6: {  	v1 =	vadd.s32 s6, v1  }
0xa7: {  	v4 =	vld [tilespmem:$0x1FC80];
	v1 =	vand.u32 $0x7F80, v1  }
0xa8: {  	v1 =	vor.u32 v3, v1;
	v3 =	vld [tilespmem:$0x1FC90];
	_ =	sdelay $0x1  }
0xa9: {  	v5 =	vld [tilespmem:$0x1FCA0]  }
0xaa: {  	v2 =	vadd.s32 s6, v2  }
0xab: {  	v2 =	vand.u32 $0x7F80, v2  }
0xac: {  	v2 =	vor.u32 v4, v2;
	v4 =	vld [tilespmem:$0x1FCB0];
	v3 =	vadd.s32 s6, v3  }
0xad: {  	v7 =	vld [tilespmem:$0x1FCC0];
	v3 =	vand.u32 $0x7F80, v3  }
0xae: {  	v3 =	vor.u32 v5, v3;
	v5 =	vld [tilespmem:$0x1FCD0];
	_ =	sdelay $0x1  }
0xaf: {  	v8 =	vld [tilespmem:$0x1FCE0]  }
0xb0: {  	v4 =	vadd.s32 s6, v4  }
0xb1: {  	v4 =	vand.u32 $0x7F80, v4  }
0xb2: {  	v4 =	vor.u32 v7, v4;
	v7 =	vld [tilespmem:$0x1FCF0];
	v5 =	vadd.s32 s6, v5  }
0xb3: {  	v9 =	vld [tilespmem:$0x1FD00];
	v5 =	vand.u32 $0x7F80, v5  }
0xb4: {  	v5 =	vor.u32 v8, v5;
	v8 =	vld [tilespmem:$0x1FD10];
	_ =	sdelay $0x1  }
0xb5: {  	v10 =	vld [tilespmem:$0x1FD20]  }
0xb6: {  	v7 =	vadd.s32 s6, v7  }
0xb7: {  	v7 =	vand.u32 $0x7F80, v7  }
0xb8: {  	v7 =	vor.u32 v9, v7;
	v9 =	vld [tilespmem:$0x1FD30];
	v8 =	vadd.s32 s6, v8  }
0xb9: {  	v11 =	vld [tilespmem:$0x1FD40];
	v8 =	vand.u32 $0x7F80, v8  }
0xba: {  	v8 =	vor.u32 v10, v8;
	v10 =	vld [tilespmem:$0x1FD50];
	_ =	sdelay $0x1  }
0xbb: {  	v12 =	vld [tilespmem:$0x1FD60]  }
0xbc: {  	v9 =	vadd.s32 s6, v9  }
0xbd: {  	v9 =	vand.u32 $0x7F80, v9  }
0xbe: {  	v9 =	vor.u32 v11, v9;
	v11 =	vld [tilespmem:$0x1FD70];
	v10 =	vadd.s32 s6, v10  }
0xbf: {  	v13 =	vld [tilespmem:$0x1FD80];
	v10 =	vand.u32 $0x7F80, v10  }
0xc0: {  	v10 =	vor.u32 v12, v10;
	v12 =	vld [tilespmem:$0x1FD90];
	_ =	sdelay $0x1  }
0xc1: {  	v14 =	vld [tilespmem:$0x1FDA0]  }
0xc2: {  	v11 =	vadd.s32 s6, v11  }
0xc3: {  	v11 =	vand.u32 $0x7F80, v11  }
0xc4: {  	v11 =	vor.u32 v13, v11;
	v13 =	vld [tilespmem:$0x1FDB0];
	v12 =	vadd.s32 s6, v12  }
0xc5: {  	v15 =	vld [tilespmem:$0x1FDC0];
	v12 =	vand.u32 $0x7F80, v12  }
0xc6: {  	v12 =	vor.u32 v14, v12;
	v14 =	vld [tilespmem:$0x1FDD0];
	_ =	sdelay $0x1  }
0xc7: {  	v16 =	vld [tilespmem:$0x1FDE0]  }
0xc8: {  	v13 =	vadd.s32 s6, v13  }
0xc9: {  	v13 =	vand.u32 $0x7F80, v13  }
0xca: {  	v13 =	vor.u32 v15, v13;
	v15 =	vld [tilespmem:$0x1FDF0];
	v14 =	vadd.s32 s6, v14  }
0xcb: {  	v17 =	vld [tilespmem:$0x1FE00];
	v14 =	vand.u32 $0x7F80, v14  }
0xcc: {  	v14 =	vor.u32 v16, v14;
	v16 =	vld [tilespmem:$0x1FE10];
	_ =	sdelay $0x1  }
0xcd: {  	v18 =	vld [tilespmem:$0x1FE20]  }
0xce: {  	v15 =	vadd.s32 s6, v15  }
0xcf: {  	v15 =	vand.u32 $0x7F80, v15  }
0xd0: {  	v15 =	vor.u32 v17, v15;
	v17 =	vld [tilespmem:$0x1FE30];
	v16 =	vadd.s32 s6, v16  }
0xd1: {  	v19 =	vld [tilespmem:$0x1FE40];
	v16 =	vand.u32 $0x7F80, v16  }
0xd2: {  	v16 =	vor.u32 v18, v16;
	v18 =	vld [tilespmem:$0x1FE50];
	_ =	sdelay $0x1  }
0xd3: {  	v20 =	vld [tilespmem:$0x1FE60]  }
0xd4: {  	v17 =	vadd.s32 s6, v17  }
0xd5: {  	v17 =	vand.u32 $0x7F80, v17  }
0xd6: {  	v17 =	vor.u32 v19, v17;
	v19 =	vld [tilespmem:$0x1FE70];
	v18 =	vadd.s32 s6, v18  }
0xd7: {  	v21 =	vld [tilespmem:$0x1FE80];
	v18 =	vand.u32 $0x7F80, v18  }
0xd8: {  	v18 =	vor.u32 v20, v18;
	v20 =	vld [tilespmem:$0x1FE90];
	_ =	sdelay $0x1  }
0xd9: {  	v22 =	vld [tilespmem:$0x1FEA0]  }
0xda: {  	v19 =	vadd.s32 s6, v19  }
0xdb: {  	[sflag:s16] =	ssyncset.done $0x0;
	v19 =	vand.u32 $0x7F80, v19  }
0xdc: {  	[sflag:s16] =	ssyncadd.s32 $0xFFFF6000;
	v19 =	vor.u32 v21, v19;
	v21 =	vld [tilespmem:$0x1FEC0];
	v20 =	vadd.s32 s6, v20  }
0xdd: {  	v1 =	vld.idx.msk [tilespmem:v1+s11+$0x0], $0xffff;
	v20 =	vand.u32 $0x7F80, v20  }
0xde: {  	v20 =	vor.u32 v22, v20;
	v22 =	vld [tilespmem:$0x1FED0]  }
0xdf: {  	v4 =	vld.idx.msk [tilespmem:v4+s11+$0x0], $0xffff;
	_ =	sdelay $0x1  }
0xe0: {  	s7 =	sshll.u32 s5, $0x5;
	v0 =	vlaneseq.u32;
	v21 =	vadd.s32 s6, v21  }
0xe1: {  	v0 =	vor.u32 s7, v0;
	v5 =	vld.idx.msk [tilespmem:v5+s11+$0x0], $0xffff;
	v21 =	vand.u32 $0x7F80, v21  }
0xe2: {  	v21 =	vor.u32 v22, v21;
	v22 =	vshll.u32 v1, $0x6;
	v1 =	vld.idx.msk [tilespmem:v19+s11+$0x0], $0xffff  }
0xe3: {  	v19 =	vshll.u32 v4, $0x6;
	v4 =	vld.idx.msk [tilespmem:v20+s11+$0x0], $0xffff;
	_ =	sdelay $0x2  }
0xe4: {  	v6 =	vld.idx.msk [tilespmem:v0+s28+$0x0], $0xffff  }
0xe5: {  	v23 =	vshll.u32 v5, $0x6;
	v5 =	vld.idx.msk [tilespmem:v21+s11+$0x0], $0xffff  }
0xe6: {  	v37 =	vshll.u32 v4, $0x6;
	v4 =	vld [tilespmem:$0x1FEE0];
	_ =	sdelay $0x1  }
0xe7: {  	v0 =	vld.idx.msk [tilespmem:v0+s10+$0x0], $0xffff  }
0xe8: {  	v6 =	vshll.u32 v6, $0x6  }
0xe9: {  	v7 =	vld.idx.msk [tilespmem:v7+s11+$0x0], $0xffff;
	v30 =	vshll.u32 v1, $0x6;
	v1 =	vand.u32 $0x40, v6  }
0xea: {  	v35 =	vshll.u32 v5, $0x6;
	v5 =	vor.u32 v4, v1;
	v1 =	vld [tilespmem:$0x1FFE0];
	_ =	sdelay $0x1  }
0xeb: {  	v0 =	vshll.u32 v0, $0x6  }
0xec: {  	v0 =	vand.u32 $0x40, v0;
	v2 =	vld.idx.msk [tilespmem:v2+s11+$0x0], $0xffff  }
0xed: {  	v9 =	vld.idx.msk [tilespmem:v9+s11+$0x0], $0xffff;
	v6 =	vor.u32 v4, v0;
	v0 =	vand.u32 $0x40, v22  }
0xee: {  	v24 =	vshll.u32 v7, $0x6;
	v7 =	vor.u32 v1, v0;
	v0 =	vld [tilespmem:$0x1FEF0];
	_ =	sdelay $0x1  }
0xef: {  	v3 =	vld.idx.msk [tilespmem:v3+s11+$0x0], $0xffff  }
0xf0: {  	v2 =	vshll.u32 v2, $0x6;
	v10 =	vld.idx.msk [tilespmem:v10+s11+$0x0], $0xffff  }
0xf1: {  	v2 =	vand.u32 $0x40, v2;
	v17 =	vld.idx.msk [tilespmem:v17+s11+$0x0], $0xffff  }
0xf2: {  	v20 =	vshll.u32 v9, $0x6;
	v9 =	vor.u32 v0, v2;
	v0 =	vld [tilespmem:$0x1FF00]  }
0xf3: {  	v4 =	vld [tilespmem:$0x1FF10];
	_ =	sdelay $0x1  }
0xf4: {  	v3 =	vshll.u32 v3, $0x6  }
0xf5: {  	v3 =	vand.u32 $0x40, v3  }
0xf6: {  	v25 =	vshll.u32 v10, $0x6;
	v10 =	vor.u32 v0, v3;
	v0 =	vand.u32 $0x40, v19  }
0xf7: {  	v27 =	vshll.u32 v17, $0x6;
	v17 =	vor.u32 v4, v0;
	v0 =	vld [tilespmem:$0x1FF20];
	_ =	sdelay $0x3  }
0xf8: {  	v8 =	vld.idx.msk [tilespmem:v8+s11+$0x0], $0xffff;
	v2 =	vand.u32 $0x40, v23  }
0xf9: {  	v21 =	vor.u32 v0, v2;
	v0 =	vld [tilespmem:$0x1FF30]  }
0xfa: {  	v4 =	vld [tilespmem:$0x1FF40];
	_ =	sdelay $0x2  }
0xfb: {  	v8 =	vshll.u32 v8, $0x6;
	v3 =	vand.u32 $0x40, v24  }
0xfc: {  	v26 =	vor.u32 v0, v3;
	v0 =	vand.u32 $0x40, v8  }
0xfd: {  	v2 =	vand.u32 $0x40, v20;
	v20 =	vor.u32 v4, v0;
	v0 =	vld [tilespmem:$0x1FF50]  }
0xfe: {  	v4 =	vld [tilespmem:$0x1FF60];
	_ =	sdelay $0x2  }
0xff: {  	v11 =	vld.idx.msk [tilespmem:v11+s11+$0x0], $0xffff  }
0x100: {  	v12 =	vld.idx.msk [tilespmem:v12+s11+$0x0], $0xffff;
	v28 =	vor.u32 v0, v2;
	v2 =	vand.u32 $0x40, v25  }
0x101: {  	v0 =	vor.u32 s28, v7;
	v25 =	vor.u32 v4, v2;
	v2 =	vld [tilespmem:$0x1FF70]  }
0x102: {  	v4 =	vld [tilespmem:$0x1FF80];
	_ =	sdelay $0x1  }
0x103: {  	v11 =	vshll.u32 v11, $0x6;
	v13 =	vld.idx.msk [tilespmem:v13+s11+$0x0], $0xffff  }
0x104: {  	v12 =	vshll.u32 v12, $0x6;
	v14 =	vld.idx.msk [tilespmem:v14+s11+$0x0], $0xffff;
	v8 =	vand.u32 $0x40, v11  }
0x105: {  	s6 =	simm.s32 $0x1;
	v19 =	vld.idx.msk [tilespmem:v0+s20+$0x0], $0xffff;
	v29 =	vor.u32 v2, v8;
	v8 =	vand.u32 $0x40, v12  }
0x106: {  	v39 =	vor.u32 s6, v6;
	v32 =	vor.u32 v4, v8;
	v4 =	vld [tilespmem:$0x1FF90]  }
0x107: {  	v0 =	vld [tilespmem:$0x1FFA0]  }
0x108: {  	v15 =	vld.idx.msk [tilespmem:v15+s11+$0x0], $0xffff  }
0x109: {  	v13 =	vshll.u32 v13, $0x6;
	v16 =	vld.idx.msk [tilespmem:v16+s11+$0x0], $0xffff;
	v23 =	vor.u32 s28, v5  }
0x10a: {  	v14 =	vshll.u32 v14, $0x6;
	v18 =	vld.idx.msk [tilespmem:v18+s11+$0x0], $0xffff;
	v42 =	vor.u32 s6, v9;
	v12 =	vand.u32 $0x40, v13  }
0x10b: {  	v39 =	vld.idx.msk [tilespmem:v39+s15+$0x0], $0xffff;
	v3 =	vor.u32 s28, v6;
	v31 =	vor.u32 v4, v12;
	v12 =	vand.u32 $0x40, v14  }
0x10c: {  	v11 =	vor.u32 s28, v9;
	v34 =	vor.u32 v0, v12;
	v0 =	vld [tilespmem:$0x1FFB0]  }
0x10d: {  	v4 =	vld [tilespmem:$0x1FFC0]  }
0x10e: {  	v15 =	vshll.u32 v15, $0x6;
	v43 =	vld.idx.msk [tilespmem:v23+s13+$0x0], $0xffff;
	v2 =	vor.u32 s28, v10  }
0x10f: {  	v16 =	vshll.u32 v16, $0x6;
	v18 =	vshll.u32 v18, $0x6;
	v42 =	vld.idx.msk [tilespmem:v42+s20+$0x0], $0xffff;
	v13 =	vor.u32 s28, v17  }
0x110: {  	v18 =	vand.u32 $0x40, v18;
	v3 =	vld.idx.msk [tilespmem:v3+s15+$0x0], $0xffff;
	v8 =	vor.u32 s28, v21;
	v14 =	vand.u32 $0x40, v15  }
0x111: {  	v11 =	vld.idx.msk [tilespmem:v11+s20+$0x0], $0xffff;
	v15 =	vor.u32 s28, v26;
	v33 =	vor.u32 v0, v14;
	v0 =	vand.u32 $0x40, v16  }
0x112: {  	v22 =	vand.u32 $0x40, v35;
	v12 =	vor.u32 s28, v20;
	v38 =	vor.u32 v4, v0;
	v0 =	vld [tilespmem:$0x1FFD0]  }
0x113: {  	v41 =	vor.u32 s6, v7;
	v24 =	vand.u32 $0x40, v30;
	v63 =	vor.u32 s6, v10;
	v2 =	vld.idx.msk [tilespmem:v2+s20+$0x0], $0xffff  }
0x114: {  	v46 =	vor.u32 s6, v17;
	v49 =	vor.u32 s6, v21;
	v13 =	vld.idx.msk [tilespmem:v13+s20+$0x0], $0xffff;
	v30 =	vor.u32 s28, v31  }
0x115: {  	[tilespmem:$0x1FBC0] =	vst v6;
	v6 =	vor.u32 s6, v26;
	v54 =	vor.u32 s6, v28;
	v8 =	vld.idx.msk [tilespmem:v8+s20+$0x0], $0xffff;
	v16 =	vor.u32 s28, v28  }
0x116: {  	v55 =	vor.u32 s6, v25;
	v15 =	vld.idx.msk [tilespmem:v15+s20+$0x0], $0xffff;
	v14 =	vand.u32 $0x40, v27;
	v23 =	vor.u32 s28, v33  }
0x117: {  	v12 =	vld.idx.msk [tilespmem:v12+s20+$0x0], $0xffff;
	v40 =	vor.u32 s28, v38;
	v36 =	vor.u32 v0, v14;
	v0 =	vadd.s32 $0x980, v1  }
0x118: {  	v3 =	vmul.f32 v3, v43;
	v14 =	vor.u32 s28, v25;
	[tilespmem:$0x1FB50] =	vst v0;
	v52 =	vor.u32 v0, v22;
	v0 =	vld [tilespmem:$0x1FFF0]  }
0x119: {  	[tilespmem:$0x1FBE0] =	vst v7;
	v11 =	vmul.f32 v11, v43;
	v48 =	vld.idx.msk [tilespmem:v30+s20+$0x0], $0xffff;
	v4 =	vadd.s32 $0x880, v1;
	v44 =	vor.u32 s28, v36  }
0x11a: {  	v56 =	vor.u32 s6, v29;
	[tilespmem:$0x1FB60] =	vst v4;
	v4 =	vor.u32 v4, v24;
	v16 =	vld.idx.msk [tilespmem:v16+s20+$0x0], $0xffff;
	v27 =	vor.u32 s28, v52  }
0x11b: {  	[tilespmem:$0x1FBF0] =	vst v9;
	v19 =	vmul.f32 v19, v43;
	v2 =	vmul.f32 v2, v43;
	v50 =	vor.u32 s28, v4;
	v57 =	vld.idx.msk [tilespmem:v23+s20+$0x0], $0xffff  }
0x11c: {  	[tilespmem:$0x1FC10] =	vst v10;
	v8 =	vmul.f32 v8, v43;
	v24 =	vand.u32 $0x40, v37;
	v22 =	vor.u32 s28, v29;
	v58 =	vld.idx.msk [tilespmem:v40+s20+$0x0], $0xffff  }
0x11d: {  	[tilespmem:$0x1FC40] =	vst v4;
	v4 =	vor.u32 s6, v20;
	v12 =	vmul.f32 v12, v43;
	v14 =	vld.idx.msk [tilespmem:v14+s20+$0x0], $0xffff;
	v59 =	vor.u32 v0, v18  }
0x11e: {  	[tilespmem:$0x1FC20] =	vst v17;
	v18 =	vor.u32 s28, v32;
	v0 =	vadd.s32 $0x900, v1;
	v44 =	vld.idx.msk [tilespmem:v44+s20+$0x0], $0xffff;
	v1 =	vimm.f32 $0.0e+00  }
0x11f: {  	[tilespmem:$0x1FB90] =	vst v0;
	v0 =	vor.u32 v0, v24;
	v24 =	vor.u32 s28, v34;
	v27 =	vld.idx.msk [tilespmem:v27+s20+$0x0], $0xffff;
	v47 =	vor.u32 s28, v59  }
0x120: {  	v30 =	vadd.f32 v3, v1;
	v3 =	vmul.f32 v13, v43;
	v13 =	vmul.f32 v15, v43;
	v15 =	vld.idx.msk [tilespmem:v50+s20+$0x0], $0xffff  }
0x121: {  	[tilespmem:$0x1FB70] =	vst v32;
	v45 =	vmul.f32 v48, v43;
	v16 =	vmul.f32 v16, v43;
	v22 =	vld.idx.msk [tilespmem:v22+s20+$0x0], $0xffff;
	v53 =	vor.u32 s28, v0  }
0x122: {  	v35 =	vmovc v29;
	[tilespmem:$0x1FB80] =	vst v31;
	v48 =	vld.idx.msk [tilespmem:v46+s20+$0x0], $0xffff;
	v46 =	vimm.f32 $0.0e+00;
	v57 =	vmul.f32 v57, v43;
	v60 =	vmul.f32 v58, v43  }
0x123: {  	v13 =	vadd.f32 v13, v1;
	v14 =	vmul.f32 v14, v43;
	v18 =	vld.idx.msk [tilespmem:v18+s20+$0x0], $0xffff;
	v58 =	vmul.f32 v44, v43  }
0x124: {  	v31 =	vmovc v5;
	[tilespmem:$0x1FBB0] =	vst v33;
	v44 =	vimm.f32 $0.0e+00;
	v51 =	vld.idx.msk [tilespmem:v24+s20+$0x0], $0xffff;
	v23 =	vmul.f32 v27, v43;
	v24 =	vadd.f32 v19, v1  }
0x125: {  	[tilespmem:$0x1FC30] =	vst v59;
	v47 =	vld.idx.msk [tilespmem:v47+s20+$0x0], $0xffff;
	v19 =	vadd.f32 v3, v1;
	v59 =	vmul.f32 v15, v43;
	v3 =	vor.u32 s6, v52  }
0x126: {  	v50 =	vld.idx.msk [tilespmem:v53+s20+$0x0], $0xffff;
	v53 =	vmul.f32 v22, v43;
	v22 =	vadd.f32 v2, v1;
	v27 =	vadd.f32 v23, v1  }
0x127: {  	v37 =	vmovc v21;
	v40 =	vld.idx.msk [tilespmem:v41+s20+$0x0], $0xffff;
	v2 =	vor.u32 s6, v5;
	v23 =	vadd.f32 v11, v1;
	v11 =	vadd.f32 v16, v1  }
0x128: {  	[tilespmem:$0x1FC50] =	vst v0;
	v16 =	vadd.f32 v45, v1;
	v0 =	vmul.f32 v18, v43;
	v18 =	vadd.f32 v8, v1  }
0x129: {  	[tilespmem:$0x1FC00] =	vst v36;
	v41 =	vld.idx.msk [tilespmem:v63+s20+$0x0], $0xffff;
	v36 =	vmovc v52;
	v45 =	vimm.f32 $0.0e+00;
	v8 =	vadd.f32 v12, v1;
	v12 =	vadd.f32 v14, v1  }
0x12a: {  	v52 =	vld.idx.msk [tilespmem:v4+s20+$0x0], $0xffff;
	v14 =	vadd.f32 v53, v1;
	v61 =	vmul.f32 v51, v43;
	v62 =	vmul.f32 v47, v43  }
0x12b: {  	[tilespmem:$0x1FBD0] =	vst v38;
	v33 =	vmovc v28;
	v38 =	vmovc v26;
	v51 =	vld.idx.msk [tilespmem:v49+s20+$0x0], $0xffff;
	v47 =	vimm.f32 $0.0e+00;
	v49 =	vimm.f32 $0.0e+00;
	v63 =	vmul.f32 v50, v43  }
0x12c: {  	s7 =	simm.s32 $0x2;
	[tilespmem:$0x1FBA0] =	vst v34;
	v32 =	vmovc v20;
	v34 =	vmovc v25;
	v53 =	vld.idx.msk [tilespmem:v6+s20+$0x0], $0xffff;
	v15 =	vadd.f32 v0, v1;
	v50 =	vimm.f32 $0.0e+00;
	v43 =	vimm.f32 $0.0e+00  }
.LBB2_7:
0x12d: {  	v1 =	vld [tilespmem:$0x1FB70];
	_ =	sdelay $0x3  }
0x12e: {  	v0 =	vld.idx.msk [tilespmem:v54+s20+$0x0], $0xffff  }
0x12f: {  	v54 =	vor.u32 s6, v1;
	v1 =	vld [tilespmem:$0x1FB80];
	_ =	sdelay $0x3  }
0x130: {  	v46 =	vadd.f32 v57, v46;
	v57 =	vld.idx.msk [tilespmem:v55+s20+$0x0], $0xffff  }
0x131: {  	v55 =	vor.u32 s6, v1;
	v1 =	vld [tilespmem:$0x1FBA0];
	_ =	sdelay $0x3  }
0x132: {  	v43 =	vadd.f32 v58, v43;
	v58 =	vld.idx.msk [tilespmem:v56+s20+$0x0], $0xffff  }
0x133: {  	v56 =	vor.u32 s6, v1;
	v1 =	vld [tilespmem:$0x1FBB0];
	_ =	sdelay $0x3  }
0x134: {  	v2 =	vld.idx.msk [tilespmem:v2+s13+$0x0], $0xffff  }
0x135: {  	v44 =	vadd.f32 v59, v44;
	v59 =	vor.u32 s6, v1;
	v1 =	vld [tilespmem:$0x1FBC0]  }
0x136: {  	v3 =	vld.idx.msk [tilespmem:v3+s20+$0x0], $0xffff  }
0x137: {  	v4 =	vld [tilespmem:$0x1FC00]  }
0x138: {  	v9 =	vld [tilespmem:$0x1FC30]  }
0x139: {  	v5 =	vld [tilespmem:$0x1FC10];
	v10 =	vor.u32 s7, v37  }
0x13a: {  	v47 =	vadd.f32 v60, v47;
	v60 =	vor.u32 s7, v1;
	v1 =	vld [tilespmem:$0x1FBD0]  }
0x13b: {  	v17 =	vor.u32 s7, v38;
	v21 =	vld [tilespmem:$0x1FC40]  }
0x13c: {  	v6 =	vld [tilespmem:$0x1FC20];
	v25 =	vor.u32 s7, v32;
	v3 =	vmul.f32 v3, v2;
	v51 =	vmul.f32 v51, v2  }
0x13d: {  	v26 =	vld [tilespmem:$0x1FC50];
	v50 =	vadd.f32 v61, v50;
	v4 =	vor.u32 s6, v4;
	v9 =	vor.u32 s6, v9  }
0x13e: {  	v53 =	vmul.f32 v53, v2;
	v27 =	vadd.f32 v3, v27;
	v18 =	vadd.f32 v51, v18;
	v51 =	vld.idx.msk [tilespmem:v10+s20+$0x0], $0xffff  }
0x13f: {  	v3 =	vmul.f32 v52, v2;
	v52 =	vmul.f32 v57, v2;
	v61 =	vor.u32 s6, v1;
	v1 =	vld [tilespmem:$0x1FBE0]  }
0x140: {  	v21 =	vor.u32 s6, v21;
	v13 =	vadd.f32 v53, v13;
	v53 =	vld.idx.msk [tilespmem:v17+s20+$0x0], $0xffff  }
0x141: {  	v12 =	vadd.f32 v52, v12;
	v52 =	vld.idx.msk [tilespmem:v25+s20+$0x0], $0xffff  }
0x142: {  	v4 =	vld.idx.msk [tilespmem:v4+s20+$0x0], $0xffff  }
0x143: {  	v9 =	vld.idx.msk [tilespmem:v9+s20+$0x0], $0xffff  }
0x144: {  	v49 =	vadd.f32 v62, v49;
	v45 =	vadd.f32 v63, v45;
	v62 =	vor.u32 s7, v1;
	v1 =	vld [tilespmem:$0x1FBF0]  }
0x145: {  	v5 =	vor.u32 s7, v5;
	v39 =	vmul.f32 v39, v2;
	v40 =	vmul.f32 v40, v2;
	v21 =	vld.idx.msk [tilespmem:v21+s20+$0x0], $0xffff  }
0x146: {  	v26 =	vor.u32 s6, v26;
	v42 =	vmul.f32 v42, v2;
	v41 =	vmul.f32 v41, v2;
	v7 =	vld.idx.msk [tilespmem:v55+s20+$0x0], $0xffff  }
0x147: {  	v6 =	vor.u32 s7, v6;
	v48 =	vmul.f32 v48, v2;
	v0 =	vmul.f32 v0, v2;
	v20 =	vld.idx.msk [tilespmem:v56+s20+$0x0], $0xffff  }
0x148: {  	v29 =	vmul.f32 v58, v2;
	v30 =	vadd.f32 v39, v30;
	v24 =	vadd.f32 v40, v24;
	v59 =	vld.idx.msk [tilespmem:v59+s20+$0x0], $0xffff  }
0x149: {  	v23 =	vadd.f32 v42, v23;
	v22 =	vadd.f32 v41, v22;
	v63 =	vor.u32 s7, v1;
	v1 =	vld.idx.msk [tilespmem:v54+s20+$0x0], $0xffff  }
0x14a: {  	v19 =	vadd.f32 v48, v19;
	v11 =	vadd.f32 v0, v11;
	v28 =	vld.idx.msk [tilespmem:v61+s20+$0x0], $0xffff  }
0x14b: {  	p0 =	sne.s32 s7, $0x3F;
	v14 =	vadd.f32 v29, v14;
	v8 =	vadd.f32 v3, v8;
	v26 =	vld.idx.msk [tilespmem:v26+s20+$0x0], $0xffff;
	v7 =	vmul.f32 v7, v2  }
.Ltmp2:
0x14c: {  	v41 =	vld.idx.msk [tilespmem:v5+s20+$0x0], $0xffff;
	v55 =	vor.u32 s7, v34;
	v58 =	vmul.f32 v4, v2;
	v56 =	vor.u32 s7, v35;
	(pc) =	sbr.rel @p0 .LBB2_7-.Ltmp2, $4  }
0x14d: {  	v48 =	vld.idx.msk [tilespmem:v6+s20+$0x0], $0xffff;
	v16 =	vadd.f32 v7, v16;
	s6 =	smov.u32 s7;
	v57 =	vmul.f32 v59, v2;
	v59 =	vmul.f32 v21, v2  }
0x14e: {  	v39 =	vld.idx.msk [tilespmem:v60+s15+$0x0], $0xffff;
	v3 =	vor.u32 s6, v36;
	v61 =	vmul.f32 v20, v2;
	v1 =	vmul.f32 v1, v2  }
0x14f: {  	v54 =	vor.u32 s7, v33;
	v40 =	vld.idx.msk [tilespmem:v62+s20+$0x0], $0xffff;
	v60 =	vmul.f32 v28, v2;
	v62 =	vmul.f32 v9, v2  }
0x150: {  	v42 =	vld.idx.msk [tilespmem:v63+s20+$0x0], $0xffff;
	v63 =	vmul.f32 v26, v2;
	v2 =	vor.u32 s7, v31;
	s7 =	sadd.s32 $0x1, s7;
	v15 =	vadd.f32 v1, v15  }
0x151: {  	_ =	sdelay $0x3  }
0x152: {  	v0 =	vld.idx.msk [tilespmem:v54+s20+$0x0], $0xffff  }
0x153: {  	v1 =	vld [tilespmem:$0x1FB70]  }
0x154: {  	v5 =	vld.idx.msk [tilespmem:v55+s20+$0x0], $0xffff  }
0x155: {  	v54 =	vld [tilespmem:$0x1FB80]  }
0x156: {  	v7 =	vld.idx.msk [tilespmem:v56+s20+$0x0], $0xffff  }
0x157: {  	v55 =	vld [tilespmem:$0x1FBA0]  }
0x158: {  	v56 =	vld [tilespmem:$0x1FBB0]  }
0x159: {  	v10 =	vld [tilespmem:$0x1FBD0]  }
0x15a: {  	v17 =	vld [tilespmem:$0x1FC00]  }
0x15b: {  	v20 =	vld [tilespmem:$0x1FC30];
	v4 =	vor.u32 s6, v1  }
0x15c: {  	v21 =	vld [tilespmem:$0x1FC40];
	v6 =	vor.u32 s6, v54  }
0x15d: {  	v25 =	vld [tilespmem:$0x1FC50];
	v9 =	vor.u32 s6, v55  }
0x15e: {  	v1 =	vld.idx.msk [tilespmem:v2+s13+$0x0], $0xffff;
	v2 =	vor.u32 s6, v56  }
0x15f: {  	v3 =	vld.idx.msk [tilespmem:v3+s20+$0x0], $0xffff;
	v10 =	vor.u32 s6, v10  }
0x160: {  	v17 =	vor.u32 s6, v17;
	v4 =	vld.idx.msk [tilespmem:v4+s20+$0x0], $0xffff  }
0x161: {  	v20 =	vor.u32 s6, v20;
	v6 =	vld.idx.msk [tilespmem:v6+s20+$0x0], $0xffff  }
0x162: {  	v21 =	vor.u32 s6, v21;
	v9 =	vld.idx.msk [tilespmem:v9+s20+$0x0], $0xffff  }
0x163: {  	s8 =	sshll.u32 s5, $0x1;
	v25 =	vor.u32 s6, v25;
	v2 =	vld.idx.msk [tilespmem:v2+s20+$0x0], $0xffff  }
0x164: {  	s6 =	smin.u32 s8, $0x1C;
	v10 =	vld.idx.msk [tilespmem:v10+s20+$0x0], $0xffff  }
0x165: {  	s7 =	sadd.s32 $0x2, s6;
	v17 =	vld.idx.msk [tilespmem:v17+s20+$0x0], $0xffff  }
0x166: {  	s8 =	sshll.u32 s7, $0x4;
	v20 =	vld.idx.msk [tilespmem:v20+s20+$0x0], $0xffff  }
0x167: {  	s7 =	smul.u32 $0x500, s7;
	s9 =	sor.u32 $0x2C00, s8;
	v21 =	vld.idx.msk [tilespmem:v21+s20+$0x0], $0xffff  }
0x168: {  	v25 =	vld.idx.msk [tilespmem:v25+s20+$0x0], $0xffff;
	[tilespmem:s13], [sflag:$0x1] =	stream.indirect.gather [hbm4b:s3+s18], $0x80, s9, s18, $0xb8  }
0x169: {  	s8 =	sadd.s32 $0x2E00, s8;
	s7 =	sshrl.u32 s7, $0x2  }
0x16a: {  	[tilespmem:s15], [sflag:$0x1] =	stream.indirect.gather [hbm4b:s4+s18], $0x80, s8, s18, $0xb8;
	[tilespmem:$0x1B880] =	vst v63  }
0x16b: {  	s9 =	sadd.s32 $0x3000, s7  }
0x16c: {  	[tilespmem:s20], [sflag:$0x1] =	stream.indirect.gather [hbm4b:s4+s19], $0x80, s9, s19, $0xb8;
	[tilespmem:$0x1B880] =	vst v63  }
0x16d: {  	s9 =	sadd.s32 $0x3040, s7  }
0x16e: {  	[tilespmem:s22], [sflag:$0x1] =	stream.indirect.gather [hbm4b:s4+s19], $0x80, s9, s19, $0xb8;
	[tilespmem:$0x1B880] =	vst v63  }
0x16f: {  	s9 =	sadd.s32 $0x3080, s7  }
0x170: {  	[tilespmem:s24], [sflag:$0x1] =	stream.indirect.gather [hbm4b:s4+s19], $0x80, s9, s19, $0xb8;
	[tilespmem:$0x1B880] =	vst v63  }
0x171: {  	s9 =	sadd.s32 $0x30C0, s7  }
0x172: {  	[tilespmem:s26], [sflag:$0x1] =	stream.indirect.gather [hbm4b:s4+s19], $0x80, s9, s19, $0xb8;
	[tilespmem:$0x1B880] =	vst v63  }
0x173: {  	s7 =	sadd.s32 $0x3100, s7  }
0x174: {  	[tilespmem:s29], [sflag:$0x1] =	stream.indirect.gather [hbm4b:s4+s19], $0x80, s7, s19, $0xb8;
	[tilespmem:$0x1B880] =	vst v63  }
0x175: {  	_ =	swait.ge [sflag:s23], $0x800  }
0x176: {  	[sflag:s23] =	ssyncset.done $0x0  }
0x177: {  	[sflag:s23] =	ssyncadd.s32 $0xFFFFF800  }
0x178: {  	_ =	swait.ge [sflag:s23], $0x800  }
0x179: {  	[sflag:s23] =	ssyncset.done $0x0  }
0x17a: {  	[sflag:s23] =	ssyncadd.s32 $0xFFFFF800  }
0x17b: {  	_ =	swait.ge [sflag:s23], $0xA000  }
0x17c: {  	v34 =	vld [tilespmem:$0x1FEB0]  }
0x17d: {  	v37 =	vld [tilespmem:$0x1FC70]  }
0x17e: {  	v33 =	vadd.f32 v62, v49;
	v62 =	vld [tilespmem:$0x1FC90]  }
0x17f: {  	v36 =	vadd.f32 v63, v45;
	v63 =	vld [tilespmem:$0x1FCB0]  }
0x180: {  	v31 =	vadd.f32 v60, v47;
	v3 =	vmul.f32 v3, v1;
	v47 =	vld [tilespmem:$0x1FCD0]  }
0x181: {  	v26 =	vadd.f32 v61, v50;
	v50 =	vld [tilespmem:$0x1FCF0]  }
0x182: {  	v3 =	vadd.f32 v3, v27;
	v27 =	vld [tilespmem:$0x1FD10]  }
0x183: {  	v55 =	vld [tilespmem:$0x1FD30]  }
0x184: {  	v56 =	vld [tilespmem:$0x1FD50]  }
0x185: {  	v28 =	vlaneseq.u32;
	v29 =	vadd.f32 v57, v46;
	v57 =	vld [tilespmem:$0x1FD70]  }
0x186: {  	v32 =	vadd.f32 v58, v43;
	v38 =	vmul.f32 v39, v1;
	v5 =	vmul.f32 v5, v1;
	v58 =	vld [tilespmem:$0x1FDD0]  }
0x187: {  	v35 =	vadd.f32 v59, v44;
	v61 =	vmul.f32 v40, v1;
	v4 =	vmul.f32 v4, v1;
	v59 =	vld [tilespmem:$0x1FDF0]  }
0x188: {  	v7 =	vmul.f32 v7, v1;
	v5 =	vadd.f32 v5, v12;
	v9 =	vmul.f32 v9, v1;
	s9 =	sshllo.u32 s5, $0x1;
	v60 =	vld [tilespmem:$0x1FE10]  }
0x189: {  	v24 =	vadd.f32 v61, v24;
	v6 =	vmul.f32 v6, v1;
	v4 =	vadd.f32 v4, v15;
	s8 =	sshll.u32 s9, $0x4;
	v61 =	vld [tilespmem:$0x1FE30]  }
0x18a: {  	v9 =	vadd.f32 v9, v26;
	v28 =	vor.u32 s8, v28;
	[tilespmem:$0x1F9C0] =	vst v5;
	v5 =	vadd.f32 v7, v14;
	v7 =	vld [tilespmem:$0x1FE70]  }
0x18b: {  	v48 =	vmul.f32 v48, v1;
	v49 =	vmul.f32 v51, v1;
	[tilespmem:$0x1F9E0] =	vst v4;
	v4 =	vadd.f32 v6, v16;
	v6 =	vld [tilespmem:$0x1FE90]  }
0x18c: {  	v51 =	vmul.f32 v53, v1;
	v30 =	vadd.f32 v38, v30;
	v10 =	vmul.f32 v10, v1;
	[tilespmem:$0x1FA00] =	vst v9;
	v9 =	vld [tilespmem:$0x1FEC0]  }
0x18d: {  	v19 =	vadd.f32 v48, v19;
	[sflag:s23] =	ssyncset.done $0x0;
	v48 =	vld [tilespmem:$0x1FF30]  }
0x18e: {  	v13 =	vadd.f32 v51, v13;
	v17 =	vmul.f32 v17, v1;
	v10 =	vadd.f32 v10, v31;
	s7 =	smul.u32 $0x140, s9;
	s9 =	simm.s32 $0x0;
	[tilespmem:$0x1F920] =	vst v30;
	v51 =	vld [tilespmem:$0x1FF60];
	[sflag:s23] =	ssyncadd.s32 $0xFFFF6000  }
0x18f: {  	[tilespmem:$0x1F940] =	vst v24;
	v24 =	vmul.f32 v52, v1;
	v43 =	vld.idx.msk [tilespmem:v28+s9+$0x0], $0xffff  }
0x190: {  	v30 =	vmul.f32 v41, v1;
	[tilespmem:$0x1FA20] =	vst v10;
	v10 =	vadd.f32 v17, v32;
	v32 =	vld [tilespmem:$0x1FFA0];
	v40 =	vadd.s32 s7, v62  }
0x191: {  	v0 =	vmul.f32 v0, v1;
	v28 =	vld.idx.msk [tilespmem:v28+s10+$0x0], $0xffff;
	v8 =	vadd.f32 v24, v8;
	v34 =	vadd.s32 s7, v34  }
0x192: {  	v20 =	vmul.f32 v20, v1;
	v22 =	vadd.f32 v30, v22;
	v30 =	vld [tilespmem:$0x1FD90];
	v37 =	vadd.s32 s7, v37  }
0x193: {  	v42 =	vmul.f32 v42, v1;
	v0 =	vadd.f32 v0, v11;
	[tilespmem:$0x1F9A0] =	vst v8;
	v8 =	vld [tilespmem:$0x1FE50];
	v44 =	vadd.s32 s7, v63  }
0x194: {  	v11 =	vadd.f32 v20, v33;
	v38 =	vadd.s32 s7, v47;
	v33 =	vshll.u32 v43, $0x6;
	v43 =	vld [tilespmem:$0x1FF10]  }
0x195: {  	v54 =	vld.idx.msk [tilespmem:v40+s11+$0x0], $0xffff;
	v40 =	vadd.s32 s7, v56  }
0x196: {  	v23 =	vadd.f32 v42, v23;
	v46 =	vadd.s32 s7, v50;
	v34 =	vld.idx.msk [tilespmem:v34+s11+$0x0], $0xffff  }
0x197: {  	v27 =	vadd.s32 s7, v27;
	v53 =	vld.idx.msk [tilespmem:v37+s11+$0x0], $0xffff  }
0x198: {  	v18 =	vadd.f32 v49, v18;
	[tilespmem:$0x1F950] =	vst v23;
	v23 =	vld.idx.msk [tilespmem:v44+s11+$0x0], $0xffff  }
0x199: {  	v39 =	vadd.s32 s7, v55;
	v38 =	vld.idx.msk [tilespmem:v38+s11+$0x0], $0xffff  }
0x19a: {  	[tilespmem:$0x1F980] =	vst v18;
	v18 =	vld.idx.msk [tilespmem:v40+s11+$0x0], $0xffff;
	v40 =	vadd.s32 s7, v59  }
0x19b: {  	[tilespmem:$0x1F960] =	vst v22;
	v42 =	vadd.s32 s7, v57;
	v22 =	vld.idx.msk [tilespmem:v46+s11+$0x0], $0xffff  }
0x19c: {  	[tilespmem:$0x1F970] =	vst v19;
	v41 =	vadd.s32 s7, v58;
	v19 =	vld.idx.msk [tilespmem:v27+s11+$0x0], $0xffff  }
0x19d: {  	v7 =	vadd.s32 s7, v7;
	v27 =	vld [tilespmem:$0x1FDB0]  }
0x19e: {  	v6 =	vadd.s32 s7, v6;
	v39 =	vld.idx.msk [tilespmem:v39+s11+$0x0], $0xffff  }
0x19f: {  	[tilespmem:$0x1F9F0] =	vst v4;
	v4 =	vld.idx.msk [tilespmem:v40+s11+$0x0], $0xffff  }
0x1a0: {  	[tilespmem:$0x1F990] =	vst v13;
	v9 =	vadd.s32 s7, v9;
	v13 =	vld.idx.msk [tilespmem:v42+s11+$0x0], $0xffff  }
0x1a1: {  	[tilespmem:$0x1F9D0] =	vst v5;
	v5 =	vld.idx.msk [tilespmem:v41+s11+$0x0], $0xffff  }
0x1a2: {  	v7 =	vld.idx.msk [tilespmem:v7+s11+$0x0], $0xffff  }
0x1a3: {  	v21 =	vmul.f32 v21, v1;
	v42 =	vadd.s32 s7, v60;
	v6 =	vld.idx.msk [tilespmem:v6+s11+$0x0], $0xffff  }
0x1a4: {  	v2 =	vmul.f32 v2, v1;
	v1 =	vmul.f32 v25, v1;
	v25 =	vshll.u32 v4, $0x6;
	v4 =	vld [tilespmem:$0x1FEE0]  }
0x1a5: {  	[tilespmem:$0x1FA40] =	vst v11;
	v11 =	vadd.f32 v21, v35;
	v9 =	vld.idx.msk [tilespmem:v9+s11+$0x0], $0xffff  }
0x1a6: {  	v1 =	vadd.f32 v1, v36;
	v30 =	vadd.s32 s7, v30;
	v37 =	vld [tilespmem:$0x1FFE0]  }
0x1a7: {  	[tilespmem:$0x1FA50] =	vst v11;
	v11 =	vshll.u32 v28, $0x6;
	v8 =	vadd.s32 s7, v8;
	v56 =	vld [tilespmem:$0x1FB50]  }
0x1a8: {  	[tilespmem:$0x1FA60] =	vst v1;
	v1 =	vand.u32 $0x40, v33;
	v35 =	vand.u32 $0x40, v11;
	v63 =	vld.idx.msk [tilespmem:v42+s11+$0x0], $0xffff  }
0x1a9: {  	v36 =	vor.u32 v4, v1;
	v42 =	vor.u32 v4, v35;
	v4 =	vld [tilespmem:$0x1FF00]  }
0x1aa: {  	v44 =	vadd.s32 s7, v61;
	v21 =	vshll.u32 v22, $0x6;
	v22 =	vshll.u32 v39, $0x6;
	v39 =	vld [tilespmem:$0x1FEF0]  }
0x1ab: {  	v30 =	vld.idx.msk [tilespmem:v30+s11+$0x0], $0xffff;
	v27 =	vadd.s32 s7, v27  }
0x1ac: {  	v2 =	vadd.f32 v2, v29;
	v8 =	vld.idx.msk [tilespmem:v8+s11+$0x0], $0xffff;
	v12 =	vshll.u32 v34, $0x6;
	v14 =	vshll.u32 v54, $0x6  }
0x1ad: {  	[tilespmem:$0x1F930] =	vst v3;
	v3 =	vshll.u32 v53, $0x6;
	v16 =	vshll.u32 v23, $0x6;
	v54 =	vld [tilespmem:$0x1FF70];
	v40 =	vand.u32 $0x40, v14  }
0x1ae: {  	v20 =	vshll.u32 v38, $0x6;
	v38 =	vand.u32 $0x40, v3;
	v50 =	vor.u32 v4, v40;
	v4 =	vld [tilespmem:$0x1FF20]  }
0x1af: {  	[tilespmem:$0x1FA30] =	vst v10;
	v10 =	vld.idx.msk [tilespmem:v44+s11+$0x0], $0xffff;
	v23 =	vshll.u32 v13, $0x6;
	v29 =	vshll.u32 v6, $0x6;
	v47 =	vor.u32 v39, v38  }
0x1b0: {  	v62 =	vld.idx.msk [tilespmem:v27+s11+$0x0], $0xffff;
	v27 =	vshll.u32 v7, $0x6;
	v7 =	vand.u32 $0x40, v12;
	v49 =	vor.u32 s9, v47  }
0x1b1: {  	v6 =	vshll.u32 v9, $0x6;
	v34 =	vld [tilespmem:$0x1FFB0];
	v41 =	vand.u32 $0x40, v16;
	v45 =	vor.u32 v37, v7  }
0x1b2: {  	v46 =	vand.u32 $0x40, v20;
	v16 =	vand.u32 $0x40, v23;
	v39 =	vld [tilespmem:$0x1FFD0];
	v9 =	vor.u32 s9, v45  }
0x1b3: {  	v61 =	vor.u32 v54, v16;
	v7 =	vand.u32 $0x40, v21;
	v53 =	vor.u32 v4, v46;
	v4 =	vld [tilespmem:$0x1FF40]  }
0x1b4: {  	v31 =	vor.u32 s9, v61;
	v57 =	vor.u32 v48, v7;
	v48 =	vld [tilespmem:$0x1FB60]  }
0x1b5: {  	v16 =	vor.u32 s9, v57;
	v3 =	vld.idx.msk [tilespmem:v49+s14+$0x0], $0xffff  }
0x1b6: {  	v19 =	vshll.u32 v19, $0x6;
	v5 =	vshll.u32 v5, $0x6;
	v6 =	vand.u32 $0x40, v6;
	v49 =	vld [tilespmem:$0x1FB90]  }
0x1b7: {  	v24 =	vshll.u32 v30, $0x6;
	v26 =	vshll.u32 v10, $0x6;
	v10 =	vand.u32 $0x40, v19;
	v9 =	vld.idx.msk [tilespmem:v9+s14+$0x0], $0xffff  }
0x1b8: {  	[tilespmem:$0x1FA10] =	vst v2;
	v2 =	vshll.u32 v63, $0x6;
	v33 =	vand.u32 $0x40, v25;
	v58 =	vor.u32 v4, v10;
	v4 =	vld [tilespmem:$0x1FF50]  }
0x1b9: {  	v63 =	vor.u32 v56, v6;
	v11 =	vor.u32 v34, v33;
	v34 =	vld.idx.msk [tilespmem:v31+s14+$0x0], $0xffff;
	v44 =	vor.u32 s9, v42  }
0x1ba: {  	v52 =	vor.u32 v43, v41;
	v55 =	vand.u32 $0x40, v24;
	v23 =	vor.u32 s9, v63;
	v30 =	vld.idx.msk [tilespmem:v16+s14+$0x0], $0xffff  }
0x1bb: {  	v8 =	vshll.u32 v8, $0x6;
	v18 =	vshll.u32 v18, $0x6;
	v35 =	vld [tilespmem:$0x1FFC0];
	v21 =	vor.u32 s9, v36  }
0x1bc: {  	v12 =	vand.u32 $0x40, v22;
	v38 =	vand.u32 $0x40, v8;
	v40 =	vld [tilespmem:$0x1FFF0];
	v14 =	vor.u32 s9, v50  }
0x1bd: {  	s7 =	simm.s32 $0x1;
	v2 =	vand.u32 $0x40, v2;
	v37 =	vand.u32 $0x40, v26;
	v59 =	vor.u32 v4, v12;
	v4 =	vld [tilespmem:$0x1FF80]  }
0x1be: {  	[tilespmem:$0x1FB10] =	vst v45;
	v45 =	vor.u32 s7, v45;
	v19 =	vld.idx.msk [tilespmem:v44+s1+$0x0], $0xffff;
	v10 =	vand.u32 $0x40, v18;
	v18 =	vor.u32 s9, v53  }
0x1bf: {  	[tilespmem:$0x1F9B0] =	vst v0;
	v0 =	vshll.u32 v62, $0x6;
	v44 =	vld.idx.msk [tilespmem:v23+s14+$0x0], $0xffff;
	v23 =	vand.u32 $0x40, v29;
	v29 =	vor.u32 s9, v11  }
0x1c0: {  	v62 =	vand.u32 $0x40, v5;
	v0 =	vand.u32 $0x40, v0;
	v21 =	vld.idx.msk [tilespmem:v21+s31+$0x0], $0xffff;
	v12 =	vor.u32 s9, v52  }
0x1c1: {  	v17 =	vor.u32 v32, v62;
	v14 =	vld.idx.msk [tilespmem:v14+s14+$0x0], $0xffff;
	v60 =	vor.u32 v51, v10;
	v24 =	vor.u32 s9, v59  }
0x1c2: {  	v5 =	vor.u32 v35, v2;
	v25 =	vor.u32 s9, v60;
	v15 =	vor.u32 v4, v55;
	v4 =	vld [tilespmem:$0x1FF90]  }
0x1c3: {  	v31 =	vor.u32 s9, v5;
	v46 =	vand.u32 $0x40, v27;
	v22 =	vor.u32 s9, v58;
	v18 =	vld.idx.msk [tilespmem:v18+s14+$0x0], $0xffff  }
0x1c4: {  	v41 =	vor.u32 v40, v38;
	v27 =	vor.u32 s9, v17;
	v2 =	vor.u32 v48, v46;
	v29 =	vld.idx.msk [tilespmem:v29+s14+$0x0], $0xffff  }
0x1c5: {  	v19 =	vmul.f32 v19, v21;
	v54 =	vor.u32 s9, v41;
	v9 =	vmul.f32 v9, v21;
	v12 =	vld.idx.msk [tilespmem:v12+s14+$0x0], $0xffff  }
0x1c6: {  	v3 =	vmul.f32 v3, v21;
	v33 =	vmul.f32 v44, v21;
	v26 =	vor.u32 s9, v15;
	v24 =	vld.idx.msk [tilespmem:v24+s14+$0x0], $0xffff  }
0x1c7: {  	v34 =	vmul.f32 v34, v21;
	v14 =	vmul.f32 v14, v21;
	v25 =	vld.idx.msk [tilespmem:v25+s14+$0x0], $0xffff;
	v28 =	vor.u32 v4, v0  }
0x1c8: {  	v22 =	vld.idx.msk [tilespmem:v22+s14+$0x0], $0xffff;
	v56 =	vmul.f32 v18, v21;
	v4 =	vor.u32 v39, v37;
	v43 =	vor.u32 s9, v28  }
0x1c9: {  	v62 =	vld.idx.msk [tilespmem:v31+s14+$0x0], $0xffff;
	v0 =	vor.u32 v49, v23;
	v23 =	vimm.f32 $0.0e+00;
	v51 =	vor.u32 s9, v4  }
0x1ca: {  	v12 =	vmul.f32 v12, v21;
	v32 =	vadd.f32 v19, v23;
	v19 =	vld.idx.msk [tilespmem:v27+s14+$0x0], $0xffff;
	v27 =	vor.u32 s9, v2  }
0x1cb: {  	[tilespmem:$0x1FB20] =	vst v47;
	v26 =	vld.idx.msk [tilespmem:v26+s14+$0x0], $0xffff;
	v18 =	vor.u32 s9, v0;
	v48 =	vmul.f32 v24, v21;
	v31 =	vadd.f32 v3, v23  }
0x1cc: {  	[tilespmem:$0x1FA90] =	vst v17;
	v3 =	vmul.f32 v25, v21;
	v25 =	vld.idx.msk [tilespmem:v54+s14+$0x0], $0xffff;
	v24 =	vadd.f32 v14, v23;
	v14 =	vor.u32 s7, v42  }
0x1cd: {  	v33 =	vadd.f32 v33, v23;
	v35 =	vadd.f32 v9, v23;
	v9 =	vmul.f32 v22, v21;
	v55 =	vld.idx.msk [tilespmem:v43+s14+$0x0], $0xffff  }
0x1ce: {  	[tilespmem:$0x1FAA0] =	vst v11;
	v22 =	vadd.f32 v12, v23;
	v12 =	vor.u32 s7, v47;
	v47 =	vmul.f32 v62, v21;
	v37 =	vld.idx.msk [tilespmem:v51+s14+$0x0], $0xffff  }
0x1cf: {  	[tilespmem:$0x1FB00] =	vst v42;
	v46 =	vmovc v52;
	v62 =	vor.u32 s7, v52;
	v52 =	vimm.f32 $0.0e+00;
	v43 =	vmul.f32 v30, v21;
	v27 =	vld.idx.msk [tilespmem:v27+s14+$0x0], $0xffff  }
0x1d0: {  	[tilespmem:$0x1FAB0] =	vst v5;
	v38 =	vmul.f32 v26, v21;
	v30 =	vmul.f32 v19, v21;
	v49 =	vld.idx.msk [tilespmem:v18+s14+$0x0], $0xffff;
	v51 =	vor.u32 s7, v50  }
0x1d1: {  	[tilespmem:$0x1FB30] =	vst v50;
	v18 =	vmul.f32 v29, v21;
	v26 =	vld.idx.msk [tilespmem:v14+s1+$0x0], $0xffff;
	v44 =	vmul.f32 v25, v21;
	v14 =	vor.u32 s7, v53  }
0x1d2: {  	[tilespmem:$0x1FAD0] =	vst v41;
	v20 =	vmovc v53;
	v6 =	vmovc v58;
	v50 =	vadd.f32 v3, v23;
	v3 =	vor.u32 s7, v58;
	v58 =	vor.u32 s7, v60  }
0x1d3: {  	v10 =	vmovc v57;
	v29 =	vld.idx.msk [tilespmem:v45+s14+$0x0], $0xffff;
	v54 =	vadd.f32 v43, v23;
	v43 =	vor.u32 s7, v57;
	v40 =	vmul.f32 v55, v21  }
0x1d4: {  	v41 =	vld.idx.msk [tilespmem:v12+s14+$0x0], $0xffff;
	v57 =	vadd.f32 v48, v23;
	v19 =	vmul.f32 v37, v21;
	v45 =	vmul.f32 v27, v21  }
0x1d5: {  	[tilespmem:$0x1FAE0] =	vst v2;
	v53 =	vmul.f32 v49, v21;
	v21 =	vld.idx.msk [tilespmem:v51+s14+$0x0], $0xffff;
	v51 =	vadd.f32 v34, v23;
	v34 =	vor.u32 s7, v59  }
0x1d6: {  	[tilespmem:$0x1FA70] =	vst v15;
	v12 =	vimm.f32 $0.0e+00;
	v55 =	vadd.f32 v56, v23;
	v27 =	vadd.f32 v38, v23;
	v38 =	vld.idx.msk [tilespmem:v62+s14+$0x0], $0xffff  }
0x1d7: {  	[tilespmem:$0x1FA80] =	vst v28;
	v56 =	vadd.f32 v9, v23;
	v62 =	vmovc v60;
	v49 =	vld.idx.msk [tilespmem:v14+s14+$0x0], $0xffff;
	v60 =	vor.u32 s7, v61;
	v9 =	vor.u32 s7, v36  }
0x1d8: {  	v7 =	vmovc v61;
	v13 =	vmovc v59;
	[tilespmem:$0x1FAC0] =	vst v4;
	v59 =	vor.u32 s7, v63;
	v14 =	vimm.f32 $0.0e+00;
	v37 =	vimm.f32 $0.0e+00;
	v48 =	vld.idx.msk [tilespmem:v43+s14+$0x0], $0xffff  }
0x1d9: {  	s8 =	simm.s32 $0x2;
	v39 =	vmovc v63;
	[tilespmem:$0x1FAF0] =	vst v0;
	v42 =	vmovc v36;
	v61 =	vimm.f32 $0.0e+00;
	v25 =	vadd.f32 v40, v23;
	v40 =	vld.idx.msk [tilespmem:v3+s14+$0x0], $0xffff;
	v43 =	vimm.f32 $0.0e+00  }
.LBB2_9:
0x1da: {  	v3 =	vld.idx.msk [tilespmem:v34+s14+$0x0], $0xffff  }
0x1db: {  	v0 =	vld [tilespmem:$0x1FA70]  }
0x1dc: {  	v63 =	vld [tilespmem:$0x1FA80]  }
0x1dd: {  	v36 =	vld [tilespmem:$0x1FA90]  }
0x1de: {  	v9 =	vld.idx.msk [tilespmem:v9+s31+$0x0], $0xffff  }
0x1df: {  	v59 =	vld.idx.msk [tilespmem:v59+s14+$0x0], $0xffff  }
0x1e0: {  	v1 =	vld [tilespmem:$0x1FAC0]  }
0x1e1: {  	v4 =	vld [tilespmem:$0x1FAE0]  }
0x1e2: {  	v14 =	vadd.f32 v18, v14;
	v18 =	vld.idx.msk [tilespmem:v58+s14+$0x0], $0xffff  }
0x1e3: {  	v61 =	vadd.f32 v19, v61;
	v19 =	vld.idx.msk [tilespmem:v60+s14+$0x0], $0xffff  }
0x1e4: {  	v52 =	vadd.f32 v45, v52;
	v45 =	vld [tilespmem:$0x1FAA0]  }
0x1e5: {  	v58 =	vld [tilespmem:$0x1FB00]  }
0x1e6: {  	v60 =	vld [tilespmem:$0x1FAB0]  }
0x1e7: {  	v5 =	vor.u32 s8, v10;
	v11 =	vor.u32 s8, v6;
	v15 =	vld [tilespmem:$0x1FAF0]  }
0x1e8: {  	v23 =	vadd.f32 v30, v23;
	v37 =	vadd.f32 v47, v37;
	v30 =	vor.u32 s7, v63;
	v63 =	vld [tilespmem:$0x1FB10]  }
0x1e9: {  	v12 =	vadd.f32 v44, v12;
	v34 =	vor.u32 s7, v0;
	v47 =	vor.u32 s7, v36;
	v36 =	vld [tilespmem:$0x1FB20]  }
0x1ea: {  	v48 =	vmul.f32 v48, v9;
	v44 =	vor.u32 s7, v45;
	v45 =	vor.u32 s8, v58;
	v58 =	vld [tilespmem:$0x1FB30]  }
0x1eb: {  	v43 =	vadd.f32 v53, v43;
	v40 =	vmul.f32 v40, v9;
	v53 =	vor.u32 s7, v60;
	v60 =	vld [tilespmem:$0x1FAD0]  }
0x1ec: {  	v8 =	vor.u32 s7, v1;
	v54 =	vadd.f32 v48, v54;
	v48 =	vld.idx.msk [tilespmem:v5+s14+$0x0], $0xffff  }
0x1ed: {  	v4 =	vor.u32 s7, v4;
	v56 =	vadd.f32 v40, v56;
	v40 =	vld.idx.msk [tilespmem:v11+s14+$0x0], $0xffff  }
0x1ee: {  	v15 =	vor.u32 s7, v15;
	v26 =	vmul.f32 v26, v9;
	v29 =	vmul.f32 v29, v9;
	v2 =	vld.idx.msk [tilespmem:v34+s14+$0x0], $0xffff  }
0x1ef: {  	v1 =	vor.u32 s8, v20;
	v41 =	vmul.f32 v41, v9;
	v59 =	vmul.f32 v59, v9;
	v30 =	vld.idx.msk [tilespmem:v30+s14+$0x0], $0xffff  }
0x1f0: {  	v21 =	vmul.f32 v21, v9;
	v38 =	vmul.f32 v38, v9;
	v47 =	vld.idx.msk [tilespmem:v47+s14+$0x0], $0xffff  }
0x1f1: {  	v49 =	vmul.f32 v49, v9;
	v3 =	vmul.f32 v3, v9;
	v8 =	vld.idx.msk [tilespmem:v8+s14+$0x0], $0xffff  }
0x1f2: {  	v17 =	vmul.f32 v19, v9;
	v32 =	vadd.f32 v26, v32;
	v4 =	vld.idx.msk [tilespmem:v4+s14+$0x0], $0xffff;
	v28 =	vor.u32 s7, v60  }
0x1f3: {  	v33 =	vadd.f32 v59, v33;
	v35 =	vadd.f32 v29, v35;
	v63 =	vor.u32 s8, v63;
	v15 =	vld.idx.msk [tilespmem:v15+s14+$0x0], $0xffff  }
0x1f4: {  	v31 =	vadd.f32 v41, v31;
	v59 =	vmul.f32 v18, v9;
	v55 =	vadd.f32 v49, v55;
	v49 =	vld.idx.msk [tilespmem:v1+s14+$0x0], $0xffff  }
0x1f5: {  	v24 =	vadd.f32 v21, v24;
	v22 =	vadd.f32 v38, v22;
	v0 =	vor.u32 s8, v36;
	v44 =	vld.idx.msk [tilespmem:v44+s14+$0x0], $0xffff  }
0x1f6: {  	v57 =	vadd.f32 v3, v57;
	v51 =	vadd.f32 v17, v51;
	v36 =	vor.u32 s8, v46;
	v53 =	vld.idx.msk [tilespmem:v53+s14+$0x0], $0xffff  }
0x1f7: {  	p0 =	sne.s32 s8, $0x3F;
	v50 =	vadd.f32 v59, v50;
	v34 =	vor.u32 s8, v13;
	v16 =	vor.u32 s8, v58;
	v28 =	vld.idx.msk [tilespmem:v28+s14+$0x0], $0xffff  }
.Ltmp3:
0x1f8: {  	v58 =	vor.u32 s8, v62;
	v29 =	vld.idx.msk [tilespmem:v63+s14+$0x0], $0xffff;
	v2 =	vmul.f32 v2, v9;
	v63 =	vmul.f32 v30, v9;
	(pc) =	sbr.rel @p0 .LBB2_9-.Ltmp3, $4  }
0x1f9: {  	s7 =	smov.u32 s8;
	v60 =	vor.u32 s8, v7;
	v26 =	vld.idx.msk [tilespmem:v45+s1+$0x0], $0xffff;
	v30 =	vmul.f32 v47, v9;
	v19 =	vmul.f32 v8, v9  }
0x1fa: {  	v59 =	vor.u32 s7, v39;
	v41 =	vld.idx.msk [tilespmem:v0+s14+$0x0], $0xffff;
	v45 =	vmul.f32 v4, v9;
	v18 =	vmul.f32 v44, v9  }
0x1fb: {  	v38 =	vld.idx.msk [tilespmem:v36+s14+$0x0], $0xffff;
	v47 =	vmul.f32 v53, v9;
	v53 =	vmul.f32 v15, v9;
	v27 =	vadd.f32 v2, v27  }
0x1fc: {  	v21 =	vld.idx.msk [tilespmem:v16+s14+$0x0], $0xffff;
	v25 =	vadd.f32 v63, v25;
	v44 =	vmul.f32 v28, v9;
	v9 =	vor.u32 s8, v42;
	s8 =	sadd.s32 $0x1, s8  }
0x1fd: {  	v28 =	vld [tilespmem:$0x1F920];
	_ =	sdelay $0x4  }
0x1fe: {  	v0 =	vand.u32 $0x7FFFFFFF, v28  }
0x1ff: {  	v0 =	vsub.f32 $0.0e+00, v0;
	_ =	sdelay $0x1  }
0x200: {  	v0 =	vmul.f32 $1.442695020e+00, v0;
	_ =	sdelay $0x1  }
0x201: {  	(erf) = vpow2.f32 v0  }
0x202: {  	v0 =	vld [tilespmem:$0x1F940];
	_ =	sdelay $0x4  }
0x203: {  	v42 =	vsub.f32 $0.0e+00, v0;
	_ =	sdelay $0x1  }
0x204: {  	v0 =	vand.u32 $0x7FFFFFFF, v42  }
0x205: {  	v0 =	vsub.f32 $0.0e+00, v0;
	v4 =	vpop (erf)  }
0x206: {  	v1 =	vadd.f32 $2.000000000e+00, v4  }
0x207: {  	v0 =	vmul.f32 $1.442695020e+00, v0  }
0x208: {  	(erf) = vrcp.f32 v1  }
0x209: {  	(erf) = vpow2.f32 v0  }
0x20a: {  	v0 =	vld [tilespmem:$0x1F950];
	_ =	sdelay $0x4  }
0x20b: {  	v46 =	vsub.f32 $0.0e+00, v0;
	_ =	sdelay $0x1  }
0x20c: {  	v0 =	vand.u32 $0x7FFFFFFF, v46;
	v16 =	vpop (erf)  }
0x20d: {  	v0 =	vsub.f32 $0.0e+00, v0;
	v3 =	vpop (erf)  }
0x20e: {  	v1 =	vadd.f32 $2.000000000e+00, v3  }
0x20f: {  	v0 =	vmul.f32 $1.442695020e+00, v0  }
0x210: {  	(erf) = vrcp.f32 v1  }
0x211: {  	(erf) = vpow2.f32 v0  }
0x212: {  	v0 =	vld [tilespmem:$0x1F960];
	_ =	sdelay $0x4  }
0x213: {  	v62 =	vsub.f32 $0.0e+00, v0;
	_ =	sdelay $0x1  }
0x214: {  	v0 =	vand.u32 $0x7FFFFFFF, v62;
	v36 =	vpop (erf)  }
0x215: {  	v0 =	vsub.f32 $0.0e+00, v0;
	v6 =	vpop (erf)  }
0x216: {  	v1 =	vadd.f32 $2.000000000e+00, v6  }
0x217: {  	v0 =	vmul.f32 $1.442695020e+00, v0  }
0x218: {  	(erf) = vrcp.f32 v1  }
0x219: {  	(erf) = vpow2.f32 v0  }
0x21a: {  	v0 =	vld [tilespmem:$0x1F970];
	_ =	sdelay $0x4  }
0x21b: {  	v0 =	vsub.f32 $0.0e+00, v0;
	_ =	sdelay $0x1  }
0x21c: {  	[tilespmem:$0x1F680] =	vst v0;
	v0 =	vand.u32 $0x7FFFFFFF, v0;
	v1 =	vpop (erf)  }
0x21d: {  	v0 =	vsub.f32 $0.0e+00, v0;
	v7 =	vpop (erf)  }
0x21e: {  	[tilespmem:$0x1F610] =	vst v1;
	v1 =	vadd.f32 $2.000000000e+00, v7  }
0x21f: {  	v0 =	vmul.f32 $1.442695020e+00, v0  }
0x220: {  	(erf) = vrcp.f32 v1  }
0x221: {  	(erf) = vpow2.f32 v0  }
0x222: {  	v0 =	vld [tilespmem:$0x1F980];
	_ =	sdelay $0x4  }
0x223: {  	v0 =	vsub.f32 $0.0e+00, v0;
	_ =	sdelay $0x1  }
0x224: {  	[tilespmem:$0x1F6A0] =	vst v0;
	v0 =	vand.u32 $0x7FFFFFFF, v0;
	v1 =	vpop (erf)  }
0x225: {  	v0 =	vsub.f32 $0.0e+00, v0;
	v10 =	vpop (erf)  }
0x226: {  	[tilespmem:$0x1F620] =	vst v1;
	v1 =	vadd.f32 $2.000000000e+00, v10  }
0x227: {  	v0 =	vmul.f32 $1.442695020e+00, v0  }
0x228: {  	(erf) = vrcp.f32 v1  }
0x229: {  	(erf) = vpow2.f32 v0  }
0x22a: {  	v0 =	vld [tilespmem:$0x1F990];
	_ =	sdelay $0x4  }
0x22b: {  	v0 =	vsub.f32 $0.0e+00, v0;
	_ =	sdelay $0x1  }
0x22c: {  	[tilespmem:$0x1F6B0] =	vst v0;
	v0 =	vand.u32 $0x7FFFFFFF, v0;
	v1 =	vpop (erf)  }
0x22d: {  	v0 =	vsub.f32 $0.0e+00, v0;
	v11 =	vpop (erf)  }
0x22e: {  	[tilespmem:$0x1F630] =	vst v1;
	v1 =	vadd.f32 $2.000000000e+00, v11  }
0x22f: {  	v0 =	vmul.f32 $1.442695020e+00, v0  }
0x230: {  	(erf) = vrcp.f32 v1  }
0x231: {  	(erf) = vpow2.f32 v0  }
0x232: {  	v0 =	vld [tilespmem:$0x1F9A0];
	_ =	sdelay $0x4  }
0x233: {  	v0 =	vsub.f32 $0.0e+00, v0;
	_ =	sdelay $0x1  }
0x234: {  	[tilespmem:$0x1F6E0] =	vst v0;
	v0 =	vand.u32 $0x7FFFFFFF, v0;
	v1 =	vpop (erf)  }
0x235: {  	v0 =	vsub.f32 $0.0e+00, v0;
	v15 =	vpop (erf)  }
0x236: {  	[tilespmem:$0x1F640] =	vst v1;
	v1 =	vadd.f32 $2.000000000e+00, v15  }
0x237: {  	v0 =	vmul.f32 $1.442695020e+00, v0  }
0x238: {  	(erf) = vrcp.f32 v1  }
0x239: {  	(erf) = vpow2.f32 v0  }
0x23a: {  	v0 =	vld [tilespmem:$0x1F9B0];
	_ =	sdelay $0x4  }
0x23b: {  	v0 =	vsub.f32 $0.0e+00, v0;
	_ =	sdelay $0x1  }
0x23c: {  	[tilespmem:$0x1F730] =	vst v0;
	v0 =	vand.u32 $0x7FFFFFFF, v0;
	v1 =	vpop (erf)  }
0x23d: {  	v0 =	vsub.f32 $0.0e+00, v0;
	v17 =	vpop (erf)  }
0x23e: {  	[tilespmem:$0x1F650] =	vst v1;
	v1 =	vadd.f32 $2.000000000e+00, v17  }
0x23f: {  	v0 =	vmul.f32 $1.442695020e+00, v0  }
0x240: {  	(erf) = vrcp.f32 v1  }
0x241: {  	(erf) = vpow2.f32 v0  }
0x242: {  	v0 =	vld [tilespmem:$0x1F9C0];
	_ =	sdelay $0x4  }
0x243: {  	v0 =	vsub.f32 $0.0e+00, v0;
	_ =	sdelay $0x1  }
0x244: {  	[tilespmem:$0x1F740] =	vst v0;
	v0 =	vand.u32 $0x7FFFFFFF, v0;
	v1 =	vpop (erf)  }
0x245: {  	v0 =	vsub.f32 $0.0e+00, v0;
	v20 =	vpop (erf)  }
0x246: {  	[tilespmem:$0x1F660] =	vst v1;
	v1 =	vadd.f32 $2.000000000e+00, v20  }
0x247: {  	v0 =	vmul.f32 $1.442695020e+00, v0  }
0x248: {  	(erf) = vrcp.f32 v1  }
0x249: {  	(erf) = vpow2.f32 v0  }
0x24a: {  	v0 =	vld [tilespmem:$0x1F9D0];
	_ =	sdelay $0x4  }
0x24b: {  	v0 =	vsub.f32 $0.0e+00, v0;
	_ =	sdelay $0x1  }
0x24c: {  	[tilespmem:$0x1F770] =	vst v0;
	v0 =	vand.u32 $0x7FFFFFFF, v0;
	v1 =	vpop (erf)  }
0x24d: {  	v0 =	vsub.f32 $0.0e+00, v0;
	v39 =	vpop (erf)  }
0x24e: {  	[tilespmem:$0x1F670] =	vst v1;
	v1 =	vadd.f32 $2.000000000e+00, v39  }
0x24f: {  	v0 =	vmul.f32 $1.442695020e+00, v0  }
0x250: {  	(erf) = vrcp.f32 v1  }
0x251: {  	(erf) = vpow2.f32 v0  }
0x252: {  	v0 =	vld [tilespmem:$0x1F9E0];
	_ =	sdelay $0x4  }
0x253: {  	v0 =	vsub.f32 $0.0e+00, v0;
	_ =	sdelay $0x1  }
0x254: {  	[tilespmem:$0x1F7A0] =	vst v0;
	v0 =	vand.u32 $0x7FFFFFFF, v0;
	v1 =	vpop (erf)  }
0x255: {  	v0 =	vsub.f32 $0.0e+00, v0;
	[tilespmem:$0x1F690] =	vst v1;
	v1 =	vpop (erf)  }
0x256: {  	[tilespmem:$0x1F6C0] =	vst v1;
	v1 =	vadd.f32 $2.000000000e+00, v1  }
0x257: {  	v0 =	vmul.f32 $1.442695020e+00, v0  }
0x258: {  	(erf) = vrcp.f32 v1  }
0x259: {  	(erf) = vpow2.f32 v0  }
0x25a: {  	v0 =	vld [tilespmem:$0x1F9F0];
	_ =	sdelay $0x4  }
0x25b: {  	v0 =	vsub.f32 $0.0e+00, v0;
	_ =	sdelay $0x1  }
0x25c: {  	[tilespmem:$0x1F7B0] =	vst v0;
	v0 =	vand.u32 $0x7FFFFFFF, v0;
	v1 =	vpop (erf)  }
0x25d: {  	v0 =	vsub.f32 $0.0e+00, v0;
	[tilespmem:$0x1F6D0] =	vst v1;
	v1 =	vpop (erf)  }
0x25e: {  	[tilespmem:$0x1F6F0] =	vst v1;
	v1 =	vadd.f32 $2.000000000e+00, v1  }
0x25f: {  	v0 =	vmul.f32 $1.442695020e+00, v0  }
0x260: {  	(erf) = vrcp.f32 v1  }
0x261: {  	(erf) = vpow2.f32 v0  }
0x262: {  	v0 =	vld [tilespmem:$0x1FA00];
	_ =	sdelay $0x4  }
0x263: {  	v0 =	vsub.f32 $0.0e+00, v0;
	_ =	sdelay $0x1  }
0x264: {  	[tilespmem:$0x1F800] =	vst v0;
	v0 =	vand.u32 $0x7FFFFFFF, v0;
	v1 =	vpop (erf)  }
0x265: {  	v0 =	vsub.f32 $0.0e+00, v0;
	[tilespmem:$0x1F700] =	vst v1;
	v1 =	vpop (erf)  }
0x266: {  	[tilespmem:$0x1F710] =	vst v1;
	v1 =	vadd.f32 $2.000000000e+00, v1  }
0x267: {  	v0 =	vmul.f32 $1.442695020e+00, v0  }
0x268: {  	(erf) = vrcp.f32 v1  }
0x269: {  	(erf) = vpow2.f32 v0  }
0x26a: {  	v0 =	vld [tilespmem:$0x1FA10];
	_ =	sdelay $0x4  }
0x26b: {  	v0 =	vsub.f32 $0.0e+00, v0;
	_ =	sdelay $0x1  }
0x26c: {  	[tilespmem:$0x1F830] =	vst v0;
	v0 =	vand.u32 $0x7FFFFFFF, v0;
	v1 =	vpop (erf)  }
0x26d: {  	v0 =	vsub.f32 $0.0e+00, v0;
	[tilespmem:$0x1F720] =	vst v1;
	v1 =	vpop (erf)  }
0x26e: {  	[tilespmem:$0x1F750] =	vst v1;
	v1 =	vadd.f32 $2.000000000e+00, v1  }
0x26f: {  	v0 =	vmul.f32 $1.442695020e+00, v0  }
0x270: {  	(erf) = vrcp.f32 v1  }
0x271: {  	(erf) = vpow2.f32 v0  }
0x272: {  	v0 =	vld [tilespmem:$0x1FA20];
	_ =	sdelay $0x4  }
0x273: {  	v0 =	vsub.f32 $0.0e+00, v0;
	_ =	sdelay $0x1  }
0x274: {  	[tilespmem:$0x1F840] =	vst v0;
	v0 =	vand.u32 $0x7FFFFFFF, v0;
	v1 =	vpop (erf)  }
0x275: {  	v0 =	vsub.f32 $0.0e+00, v0;
	[tilespmem:$0x1F760] =	vst v1;
	v1 =	vpop (erf)  }
0x276: {  	[tilespmem:$0x1F780] =	vst v1;
	v1 =	vadd.f32 $2.000000000e+00, v1  }
0x277: {  	v0 =	vmul.f32 $1.442695020e+00, v0  }
0x278: {  	(erf) = vrcp.f32 v1  }
0x279: {  	(erf) = vpow2.f32 v0  }
0x27a: {  	v0 =	vld [tilespmem:$0x1FA30];
	_ =	sdelay $0x4  }
0x27b: {  	v0 =	vsub.f32 $0.0e+00, v0;
	_ =	sdelay $0x1  }
0x27c: {  	[tilespmem:$0x1F860] =	vst v0;
	v0 =	vand.u32 $0x7FFFFFFF, v0;
	v1 =	vpop (erf)  }
0x27d: {  	v0 =	vsub.f32 $0.0e+00, v0;
	[tilespmem:$0x1F790] =	vst v1;
	v1 =	vpop (erf)  }
0x27e: {  	[tilespmem:$0x1F7C0] =	vst v1;
	v1 =	vadd.f32 $2.000000000e+00, v1  }
0x27f: {  	v0 =	vmul.f32 $1.442695020e+00, v0  }
0x280: {  	(erf) = vrcp.f32 v1  }
0x281: {  	(erf) = vpow2.f32 v0  }
0x282: {  	v0 =	vld [tilespmem:$0x1FA40];
	_ =	sdelay $0x4  }
0x283: {  	v0 =	vsub.f32 $0.0e+00, v0;
	_ =	sdelay $0x1  }
0x284: {  	[tilespmem:$0x1F8A0] =	vst v0;
	v0 =	vand.u32 $0x7FFFFFFF, v0;
	v1 =	vpop (erf)  }
0x285: {  	v0 =	vsub.f32 $0.0e+00, v0;
	[tilespmem:$0x1F7D0] =	vst v1;
	v1 =	vpop (erf)  }
0x286: {  	[tilespmem:$0x1F7E0] =	vst v1;
	v1 =	vadd.f32 $2.000000000e+00, v1  }
0x287: {  	v0 =	vmul.f32 $1.442695020e+00, v0  }
0x288: {  	(erf) = vrcp.f32 v1  }
0x289: {  	(erf) = vpow2.f32 v0  }
0x28a: {  	v0 =	vld [tilespmem:$0x1FA50];
	_ =	sdelay $0x4  }
0x28b: {  	v0 =	vsub.f32 $0.0e+00, v0;
	_ =	sdelay $0x1  }
0x28c: {  	[tilespmem:$0x1F8D0] =	vst v0;
	v0 =	vand.u32 $0x7FFFFFFF, v0;
	v1 =	vpop (erf)  }
0x28d: {  	v0 =	vsub.f32 $0.0e+00, v0;
	[tilespmem:$0x1F7F0] =	vst v1;
	v1 =	vpop (erf)  }
0x28e: {  	[tilespmem:$0x1F810] =	vst v1;
	v1 =	vadd.f32 $2.000000000e+00, v1  }
0x28f: {  	v0 =	vmul.f32 $1.442695020e+00, v0  }
0x290: {  	(erf) = vrcp.f32 v1  }
0x291: {  	(erf) = vpow2.f32 v0  }
0x292: {  	v0 =	vld [tilespmem:$0x1FA60];
	_ =	sdelay $0x4  }
0x293: {  	v0 =	vsub.f32 $0.0e+00, v0;
	_ =	sdelay $0x1  }
0x294: {  	[tilespmem:$0x1F8E0] =	vst v0;
	v0 =	vand.u32 $0x7FFFFFFF, v0;
	v1 =	vpop (erf)  }
0x295: {  	v0 =	vsub.f32 $0.0e+00, v0;
	[tilespmem:$0x1F820] =	vst v1;
	v1 =	vpop (erf)  }
0x296: {  	[tilespmem:$0x1F880] =	vst v1;
	v1 =	vadd.f32 $2.000000000e+00, v1  }
0x297: {  	v0 =	vmul.f32 $1.442695020e+00, v0  }
0x298: {  	(erf) = vrcp.f32 v1  }
0x299: {  	(erf) = vpow2.f32 v0  }
0x29a: {  	v0 =	vld [tilespmem:$0x1F930];
	_ =	sdelay $0x4  }
0x29b: {  	v0 =	vsub.f32 $0.0e+00, v0;
	_ =	sdelay $0x1  }
0x29c: {  	[tilespmem:$0x1F910] =	vst v0;
	v0 =	vand.u32 $0x7FFFFFFF, v0;
	v1 =	vpop (erf)  }
0x29d: {  	v0 =	vsub.f32 $0.0e+00, v0;
	[tilespmem:$0x1F890] =	vst v1;
	v1 =	vpop (erf)  }
0x29e: {  	[tilespmem:$0x1F8B0] =	vst v1;
	v1 =	vadd.f32 $2.000000000e+00, v1  }
0x29f: {  	v0 =	vmul.f32 $1.442695020e+00, v0  }
0x2a0: {  	v13 =	vld.idx.msk [tilespmem:v9+s31+$0x0], $0xffff;
	(erf) = vrcp.f32 v1  }
0x2a1: {  	(erf) = vpow2.f32 v0;
	_ =	sdelay $0x3  }
0x2a2: {  	v0 =	vmul.f32 v26, v13;
	_ =	sdelay $0x2  }
0x2a3: {  	v63 =	vadd.f32 v0, v32  }
0x2a4: {  	v0 =	vpop (erf)  }
0x2a5: {  	[tilespmem:$0x1F8C0] =	vst v0;
	v0 =	vand.u32 $0x7FFFFFFF, v63;
	v1 =	vpop (erf)  }
0x2a6: {  	v0 =	vsub.f32 $0.0e+00, v0;
	[tilespmem:$0x1F8F0] =	vst v1;
	v1 =	vadd.f32 $2.000000000e+00, v1;
	_ =	sdelay $0x1  }
0x2a7: {  	v0 =	vmul.f32 $1.442695020e+00, v0;
	(erf) = vrcp.f32 v1;
	_ =	sdelay $0x1  }
0x2a8: {  	(erf) = vpow2.f32 v0  }
0x2a9: {  	v0 =	vmul.f32 v29, v13;
	_ =	sdelay $0x1  }
0x2aa: {  	v0 =	vadd.f32 v0, v35;
	_ =	sdelay $0x2  }
0x2ab: {  	v32 =	vsub.f32 $0.0e+00, v0  }
0x2ac: {  	v0 =	vpop (erf)  }
0x2ad: {  	[tilespmem:$0x1F900] =	vst v0;
	v0 =	vand.u32 $0x7FFFFFFF, v32  }
0x2ae: {  	v0 =	vsub.f32 $0.0e+00, v0;
	v29 =	vpop (erf)  }
0x2af: {  	v1 =	vadd.f32 $2.000000000e+00, v29  }
0x2b0: {  	v0 =	vmul.f32 $1.442695020e+00, v0  }
0x2b1: {  	(erf) = vrcp.f32 v1  }
0x2b2: {  	(erf) = vpow2.f32 v0;
	_ =	sdelay $0x1  }
0x2b3: {  	v0 =	vmul.f32 v41, v13;
	_ =	sdelay $0x1  }
0x2b4: {  	v0 =	vadd.f32 v0, v31;
	_ =	sdelay $0x2  }
0x2b5: {  	v35 =	vsub.f32 $0.0e+00, v0  }
0x2b6: {  	v0 =	vpop (erf)  }
0x2b7: {  	[tilespmem:$0x1F850] =	vst v0;
	v0 =	vand.u32 $0x7FFFFFFF, v35;
	v31 =	vpop (erf)  }
0x2b8: {  	v0 =	vsub.f32 $0.0e+00, v0;
	v1 =	vadd.f32 $2.000000000e+00, v31;
	_ =	sdelay $0x1  }
0x2b9: {  	v0 =	vmul.f32 $1.442695020e+00, v0;
	(erf) = vrcp.f32 v1;
	_ =	sdelay $0x1  }
0x2ba: {  	(erf) = vpow2.f32 v0  }
0x2bb: {  	v0 =	vmul.f32 v21, v13;
	_ =	sdelay $0x1  }
0x2bc: {  	v0 =	vadd.f32 v0, v24;
	_ =	sdelay $0x2  }
0x2bd: {  	v24 =	vsub.f32 $0.0e+00, v0  }
0x2be: {  	v0 =	vpop (erf)  }
0x2bf: {  	[tilespmem:$0x1F870] =	vst v0;
	v0 =	vand.u32 $0x7FFFFFFF, v24  }
0x2c0: {  	v0 =	vsub.f32 $0.0e+00, v0;
	v21 =	vpop (erf)  }
0x2c1: {  	v1 =	vadd.f32 $2.000000000e+00, v21  }
0x2c2: {  	v26 =	vmul.f32 v36, v3;
	v3 =	vld [tilespmem:$0x1FA70];
	v0 =	vmul.f32 $1.442695020e+00, v0  }
0x2c3: {  	(erf) = vrcp.f32 v1  }
0x2c4: {  	(erf) = vpow2.f32 v0  }
0x2c5: {  	v8 =	vld.idx.msk [tilespmem:v34+s14+$0x0], $0xffff  }
0x2c6: {  	v1 =	vld.idx.msk [tilespmem:v59+s14+$0x0], $0xffff;
	v0 =	vmul.f32 v38, v13  }
0x2c7: {  	v41 =	vor.u32 s7, v3  }
0x2c8: {  	v43 =	vadd.f32 v53, v43;
	v53 =	vld.idx.msk [tilespmem:v58+s14+$0x0], $0xffff;
	v38 =	vmul.f32 v48, v13;
	v0 =	vadd.f32 v0, v22  }
0x2c9: {  	v2 =	vadd.f32 v18, v14;
	v60 =	vld.idx.msk [tilespmem:v60+s14+$0x0], $0xffff;
	v49 =	vmul.f32 v49, v13  }
0x2ca: {  	v3 =	vmul.f32 v8, v13;
	v8 =	vadd.f32 v38, v54;
	v22 =	vsub.f32 $0.0e+00, v0  }
0x2cb: {  	v0 =	vadd.f32 v30, v23;
	v30 =	vadd.f32 v47, v37;
	v1 =	vmul.f32 v1, v13  }
0x2cc: {  	v54 =	vld.idx.msk [tilespmem:v41+s14+$0x0], $0xffff;
	v37 =	vadd.f32 v19, v61;
	v61 =	vadd.f32 v44, v12;
	v5 =	vand.u32 $0x7FFFFFFF, v22;
	v14 =	vpop (erf)  }
0x2cd: {  	v44 =	vld [tilespmem:$0x1FA80];
	v59 =	vadd.f32 v1, v33;
	v1 =	vmul.f32 v16, v4;
	v5 =	vsub.f32 $0.0e+00, v5;
	v23 =	vpop (erf)  }
0x2ce: {  	v9 =	vmul.f32 v60, v13;
	v4 =	vmul.f32 v53, v13;
	v47 =	vadd.f32 $2.000000000e+00, v23  }
0x2cf: {  	v53 =	vld [tilespmem:$0x1F610];
	v12 =	vmul.f32 v1, v1;
	v5 =	vmul.f32 $1.442695020e+00, v5  }
0x2d0: {  	v52 =	vadd.f32 v45, v52;
	v36 =	vmul.f32 v26, v26;
	(erf) = vrcp.f32 v47;
	v47 =	vld [tilespmem:$0x1FA90]  }
0x2d1: {  	v60 =	vld [tilespmem:$0x1FAA0];
	v58 =	vadd.f32 v49, v55;
	v48 =	vmul.f32 $1.111111120e-01, v12;
	(erf) = vpow2.f32 v5  }
0x2d2: {  	v19 =	vadd.f32 v4, v50;
	v4 =	vmul.f32 v54, v13;
	v54 =	vld [tilespmem:$0x1F620];
	v45 =	vor.u32 s7, v44  }
0x2d3: {  	v40 =	vmul.f32 v40, v13;
	v58 =	vsub.f32 $0.0e+00, v58;
	v55 =	vadd.f32 $1.428571490e-01, v48  }
0x2d4: {  	v49 =	vmul.f32 $1.111111120e-01, v36;
	v3 =	vadd.f32 v3, v57;
	v6 =	vmul.f32 v53, v6  }
0x2d5: {  	v16 =	vadd.f32 v40, v56;
	v18 =	vmul.f32 v55, v12;
	v34 =	vor.u32 s7, v47  }
0x2d6: {  	v44 =	vor.u32 s7, v60;
	v5 =	vadd.f32 $1.428571490e-01, v49;
	v41 =	vmul.f32 v6, v6  }
0x2d7: {  	v56 =	vand.u32 $0x7FFFFFFF, v58;
	v7 =	vmul.f32 v54, v7;
	v57 =	vld.idx.msk [tilespmem:v45+s14+$0x0], $0xffff;
	v18 =	vadd.f32 $2.000000030e-01, v18  }
0x2d8: {  	v38 =	vsub.f32 $0.0e+00, v56;
	v5 =	vmul.f32 v5, v36;
	v49 =	vmul.f32 $1.111111120e-01, v41  }
0x2d9: {  	v9 =	vadd.f32 v9, v51;
	v40 =	vmul.f32 v7, v7;
	v18 =	vmul.f32 v18, v12;
	v50 =	vpop (erf)  }
0x2da: {  	v38 =	vmul.f32 $1.442695020e+00, v38;
	v5 =	vadd.f32 $2.000000030e-01, v5;
	v51 =	vadd.f32 $1.428571490e-01, v49;
	v33 =	vpop (erf);
	v34 =	vld.idx.msk [tilespmem:v34+s14+$0x0], $0xffff  }
0x2db: {  	v56 =	vld.idx.msk [tilespmem:v44+s14+$0x0], $0xffff;
	v49 =	vmul.f32 $1.111111120e-01, v40;
	v55 =	vadd.f32 $3.333333430e-01, v18;
	v48 =	vadd.f32 $2.000000000e+00, v33  }
0x2dc: {  	v26 =	vadd.f32 v26, v26;
	v53 =	vmul.f32 v57, v13;
	v5 =	vmul.f32 v5, v36  }
0x2dd: {  	v1 =	vadd.f32 v1, v1;
	v12 =	vmul.f32 v55, v12;
	(erf) = vrcp.f32 v48  }
0x2de: {  	v18 =	vadd.f32 v53, v25;
	(erf) = vpow2.f32 v38;
	v38 =	vmul.f32 v51, v41  }
0x2df: {  	v54 =	vld [tilespmem:$0x1F630];
	v5 =	vadd.f32 $3.333333430e-01, v5;
	v51 =	vadd.f32 $1.428571490e-01, v49;
	v57 =	vmul.f32 v34, v13  }
0x2e0: {  	v25 =	vmul.f32 v56, v13;
	v60 =	vadd.f32 $1.000000000e+00, v12;
	v38 =	vadd.f32 $2.000000030e-01, v38  }
0x2e1: {  	v53 =	vmul.f32 v51, v40;
	v34 =	vadd.f32 v57, v0;
	v0 =	vmul.f32 v5, v36  }
0x2e2: {  	v4 =	vadd.f32 v4, v27;
	v1 =	vmul.f32 v60, v1;
	v48 =	vmul.f32 v38, v41  }
0x2e3: {  	v60 =	vmin.f32 v42, $0.0e+00;
	v5 =	vadd.f32 $2.000000030e-01, v53;
	v0 =	vadd.f32 $1.000000000e+00, v0  }
0x2e4: {  	v36 =	vsub.f32 $0.0e+00, v8;
	v8 =	vmul.f32 v54, v10;
	v38 =	vadd.f32 $3.333333430e-01, v48  }
0x2e5: {  	v42 =	vld [tilespmem:$0x1F640];
	v57 =	vmin.f32 v28, $0.0e+00;
	v5 =	vmul.f32 v5, v40;
	v0 =	vmul.f32 v0, v26  }
0x2e6: {  	v12 =	vadd.f32 v25, v2;
	v1 =	vsub.f32 v57, v1;
	v2 =	vmul.f32 v38, v41  }
0x2e7: {  	v10 =	vmul.f32 v8, v8;
	v5 =	vadd.f32 $3.333333430e-01, v5;
	v0 =	vsub.f32 v60, v0  }
0x2e8: {  	v6 =	vadd.f32 v6, v6;
	v2 =	vadd.f32 $1.000000000e+00, v2  }
0x2e9: {  	v28 =	vmul.f32 $1.111111120e-01, v10;
	v0 =	vadd.f32 v0, v1;
	v1 =	vmul.f32 v5, v40  }
0x2ea: {  	v7 =	vadd.f32 v7, v7;
	v2 =	vmul.f32 v2, v6;
	v6 =	vmul.f32 v42, v11  }
0x2eb: {  	v56 =	vand.u32 $0x7FFFFFFF, v36;
	v44 =	vadd.f32 $1.428571490e-01, v28;
	v1 =	vadd.f32 $1.000000000e+00, v1  }
0x2ec: {  	v45 =	vmin.f32 v46, $0.0e+00;
	v26 =	vsub.f32 $0.0e+00, v56;
	v27 =	vpop (erf);
	v47 =	vmul.f32 v6, v6  }
0x2ed: {  	v25 =	vpop (erf);
	v46 =	vmul.f32 v44, v10;
	v2 =	vsub.f32 v45, v2;
	v7 =	vmul.f32 v1, v7;
	v1 =	vld [tilespmem:$0x1F650]  }
0x2ee: {  	v55 =	vadd.f32 $2.000000000e+00, v25;
	v49 =	vmul.f32 $1.111111120e-01, v47  }
0x2ef: {  	v26 =	vmul.f32 $1.442695020e+00, v26;
	v0 =	vadd.f32 v2, v0;
	v2 =	vadd.f32 $2.000000030e-01, v46  }
0x2f0: {  	(erf) = vrcp.f32 v55;
	v55 =	vld [tilespmem:$0x1F660];
	v5 =	vadd.f32 $1.428571490e-01, v49  }
0x2f1: {  	(erf) = vpow2.f32 v26;
	v2 =	vmul.f32 v2, v10  }
0x2f2: {  	v48 =	vld [tilespmem:$0x1F680];
	v15 =	vmul.f32 v1, v15;
	v5 =	vmul.f32 v5, v47  }
0x2f3: {  	v51 =	vmin.f32 v62, $0.0e+00;
	v2 =	vadd.f32 $3.333333430e-01, v2  }
0x2f4: {  	v1 =	vsub.f32 $0.0e+00, v16;
	v16 =	vmul.f32 v15, v15;
	v5 =	vadd.f32 $2.000000030e-01, v5  }
0x2f5: {  	v8 =	vadd.f32 v8, v8;
	v17 =	vmul.f32 v55, v17;
	v2 =	vmul.f32 v2, v10  }
0x2f6: {  	v6 =	vadd.f32 v6, v6;
	v56 =	vmul.f32 $1.111111120e-01, v16;
	v5 =	vmul.f32 v5, v47  }
0x2f7: {  	v11 =	vmin.f32 v48, $0.0e+00;
	v7 =	vsub.f32 v51, v7;
	v2 =	vadd.f32 $1.000000000e+00, v2  }
0x2f8: {  	v28 =	vmul.f32 v17, v17;
	v62 =	vadd.f32 $1.428571490e-01, v56;
	v5 =	vadd.f32 $3.333333430e-01, v5  }
0x2f9: {  	v0 =	vadd.f32 v7, v0;
	v54 =	vpop (erf);
	v53 =	vand.u32 $0x7FFFFFFF, v1;
	v2 =	vmul.f32 v2, v8  }
0x2fa: {  	v51 =	vpop (erf);
	v26 =	vsub.f32 $0.0e+00, v53;
	v42 =	vmul.f32 v62, v16;
	v5 =	vmul.f32 v5, v47;
	v47 =	vld [tilespmem:$0x1F670]  }
0x2fb: {  	v57 =	vadd.f32 $2.000000000e+00, v51;
	v2 =	vsub.f32 v11, v2  }
0x2fc: {  	v44 =	vmul.f32 $1.111111120e-01, v28;
	v45 =	vadd.f32 $2.000000030e-01, v42;
	v5 =	vadd.f32 $1.000000000e+00, v5  }
0x2fd: {  	v60 =	vmul.f32 $1.442695020e+00, v26;
	(erf) = vrcp.f32 v57;
	v0 =	vadd.f32 v2, v0  }
0x2fe: {  	v7 =	vmul.f32 v45, v16;
	v2 =	vmul.f32 v5, v6;
	v5 =	vsub.f32 $0.0e+00, v3;
	v3 =	vld [tilespmem:$0x1F690]  }
0x2ff: {  	(erf) = vpow2.f32 v60;
	v10 =	vmul.f32 v47, v20  }
0x300: {  	v46 =	vadd.f32 $1.428571490e-01, v44;
	v7 =	vadd.f32 $3.333333430e-01, v7  }
0x301: {  	v49 =	vmul.f32 v10, v10  }
0x302: {  	v8 =	vmul.f32 v46, v28;
	v7 =	vmul.f32 v7, v16  }
0x303: {  	v53 =	vmul.f32 $1.111111120e-01, v49;
	v16 =	vmul.f32 v3, v39;
	v3 =	vld [tilespmem:$0x1F6A0]  }
0x304: {  	v46 =	vld [tilespmem:$0x1F6C0];
	v8 =	vadd.f32 $2.000000030e-01, v8  }
0x305: {  	v17 =	vadd.f32 v17, v17;
	v47 =	vld [tilespmem:$0x1F6D0];
	v6 =	vadd.f32 $1.428571490e-01, v53  }
0x306: {  	v8 =	vmul.f32 v8, v28;
	v57 =	vand.u32 $0x7FFFFFFF, v5;
	v41 =	vmul.f32 v16, v16  }
0x307: {  	v15 =	vadd.f32 v15, v15;
	v26 =	vpop (erf);
	v40 =	vsub.f32 $0.0e+00, v57;
	v6 =	vmul.f32 v6, v49  }
0x308: {  	v8 =	vadd.f32 $3.333333430e-01, v8;
	v45 =	vld [tilespmem:$0x1F6B0];
	v62 =	vmul.f32 $1.111111120e-01, v41;
	v55 =	vmin.f32 v3, $0.0e+00;
	v3 =	vpop (erf)  }
0x309: {  	v60 =	vmul.f32 $1.442695020e+00, v40;
	v40 =	vld [tilespmem:$0x1FAB0];
	v56 =	vadd.f32 $2.000000000e+00, v3;
	v6 =	vadd.f32 $2.000000030e-01, v6  }
0x30a: {  	v8 =	vmul.f32 v8, v28;
	v38 =	vmul.f32 v47, v46;
	v44 =	vadd.f32 $1.428571490e-01, v62  }
0x30b: {  	v7 =	vadd.f32 $1.000000000e+00, v7;
	(erf) = vrcp.f32 v56;
	v6 =	vmul.f32 v6, v49  }
0x30c: {  	v8 =	vadd.f32 $1.000000000e+00, v8;
	v46 =	vld [tilespmem:$0x1F700];
	v20 =	vmul.f32 v44, v41;
	(erf) = vpow2.f32 v60  }
0x30d: {  	v7 =	vmul.f32 v7, v15;
	v15 =	vmin.f32 v45, $0.0e+00;
	v2 =	vsub.f32 v55, v2;
	v55 =	vld [tilespmem:$0x1F6E0]  }
0x30e: {  	v45 =	vld [tilespmem:$0x1F6F0];
	v42 =	vor.u32 s7, v40;
	v6 =	vadd.f32 $3.333333430e-01, v6;
	v53 =	vadd.f32 $2.000000030e-01, v20  }
0x30f: {  	v48 =	vmul.f32 v8, v17;
	v17 =	vmul.f32 v38, v38  }
0x310: {  	v10 =	vadd.f32 v10, v10;
	v6 =	vmul.f32 v6, v49;
	v11 =	vmul.f32 v53, v41  }
0x311: {  	v57 =	vmul.f32 $1.111111120e-01, v17;
	v0 =	vadd.f32 v2, v0;
	v2 =	vsub.f32 v15, v7  }
0x312: {  	v15 =	vmin.f32 v55, $0.0e+00;
	v56 =	vadd.f32 $1.000000000e+00, v6;
	v6 =	vsub.f32 $0.0e+00, v19  }
0x313: {  	v40 =	vmul.f32 v46, v45;
	v0 =	vadd.f32 v2, v0;
	v49 =	vld.idx.msk [tilespmem:v42+s14+$0x0], $0xffff;
	v2 =	vsub.f32 v15, v48  }
0x314: {  	v62 =	vadd.f32 $1.428571490e-01, v57;
	v60 =	vadd.f32 $3.333333430e-01, v11;
	v19 =	vand.u32 $0x7FFFFFFF, v6;
	v11 =	vpop (erf)  }
0x315: {  	v57 =	vld [tilespmem:$0x1F730];
	v0 =	vadd.f32 v2, v0;
	v2 =	vmul.f32 v40, v40;
	v19 =	vsub.f32 $0.0e+00, v19;
	v7 =	vpop (erf)  }
0x316: {  	v42 =	vld [tilespmem:$0x1F740];
	v10 =	vmul.f32 v56, v10;
	v44 =	vmul.f32 v60, v41;
	v47 =	vadd.f32 $2.000000000e+00, v7  }
0x317: {  	v53 =	vld [tilespmem:$0x1F720];
	v56 =	vmul.f32 $1.111111120e-01, v2;
	v19 =	vmul.f32 $1.442695020e+00, v19  }
0x318: {  	v8 =	vmul.f32 v49, v13;
	v49 =	vld [tilespmem:$0x1F710];
	(erf) = vrcp.f32 v47  }
0x319: {  	v16 =	vadd.f32 v16, v16;
	v55 =	vadd.f32 $1.000000000e+00, v44;
	(erf) = vpow2.f32 v19  }
0x31a: {  	v48 =	vmul.f32 v62, v17;
	v60 =	vmin.f32 v57, $0.0e+00;
	v62 =	vadd.f32 $1.428571490e-01, v56  }
0x31b: {  	v10 =	vsub.f32 v60, v10;
	v44 =	vmin.f32 v42, $0.0e+00;
	v16 =	vmul.f32 v55, v16  }
0x31c: {  	v15 =	vadd.f32 v8, v30;
	v8 =	vadd.f32 $2.000000030e-01, v48;
	v48 =	vld [tilespmem:$0x1F750];
	v46 =	vmul.f32 v62, v2  }
0x31d: {  	v0 =	vadd.f32 v10, v0;
	v20 =	vmul.f32 v53, v49;
	v30 =	vsub.f32 v44, v16;
	v49 =	vld [tilespmem:$0x1F760]  }
0x31e: {  	v8 =	vmul.f32 v8, v17;
	v16 =	vsub.f32 $0.0e+00, v9;
	v10 =	vadd.f32 $2.000000030e-01, v46  }
0x31f: {  	v41 =	vmul.f32 v20, v20  }
0x320: {  	v8 =	vadd.f32 $3.333333430e-01, v8;
	v55 =	vand.u32 $0x7FFFFFFF, v16;
	v56 =	vmul.f32 v10, v2  }
0x321: {  	v53 =	vadd.f32 v38, v38;
	v38 =	vsub.f32 $0.0e+00, v55;
	v45 =	vmul.f32 $1.111111120e-01, v41;
	v9 =	vpop (erf)  }
0x322: {  	v46 =	vld [tilespmem:$0x1F780];
	v8 =	vmul.f32 v8, v17;
	v42 =	vadd.f32 $3.333333430e-01, v56;
	v39 =	vmul.f32 v49, v48;
	v10 =	vpop (erf)  }
0x323: {  	v38 =	vmul.f32 $1.442695020e+00, v38;
	v48 =	vld [tilespmem:$0x1F7A0];
	v47 =	vadd.f32 $1.428571490e-01, v45;
	v57 =	vadd.f32 $2.000000000e+00, v10  }
0x324: {  	v2 =	vmul.f32 v42, v2;
	v42 =	vld [tilespmem:$0x1F770];
	v44 =	vmul.f32 v39, v39  }
0x325: {  	v40 =	vadd.f32 v40, v40;
	v17 =	vmul.f32 v47, v41;
	v47 =	vld [tilespmem:$0x1F790];
	(erf) = vrcp.f32 v57  }
0x326: {  	v8 =	vadd.f32 $1.000000000e+00, v8;
	v60 =	vmul.f32 $1.111111120e-01, v44;
	(erf) = vpow2.f32 v38;
	v38 =	vld [tilespmem:$0x1FAC0]  }
0x327: {  	v2 =	vadd.f32 $1.000000000e+00, v2;
	v17 =	vadd.f32 $2.000000030e-01, v17  }
0x328: {  	v0 =	vadd.f32 v30, v0;
	v8 =	vmul.f32 v8, v53;
	v62 =	vadd.f32 $1.428571490e-01, v60  }
0x329: {  	v2 =	vmul.f32 v2, v40;
	v45 =	vmin.f32 v42, $0.0e+00;
	v17 =	vmul.f32 v17, v41  }
0x32a: {  	v49 =	vmin.f32 v48, $0.0e+00;
	v8 =	vsub.f32 v45, v8;
	v19 =	vmul.f32 v62, v44  }
0x32b: {  	v17 =	vadd.f32 $3.333333430e-01, v17;
	v30 =	vor.u32 s7, v38;
	v38 =	vmul.f32 v47, v46  }
0x32c: {  	v2 =	vsub.f32 v49, v2;
	v0 =	vadd.f32 v8, v0  }
0x32d: {  	v19 =	vadd.f32 $2.000000030e-01, v19;
	v17 =	vmul.f32 v17, v41;
	v41 =	vmul.f32 v38, v38  }
0x32e: {  	v20 =	vadd.f32 v20, v20;
	v0 =	vadd.f32 v2, v0;
	v2 =	vld [tilespmem:$0x1F7B0]  }
0x32f: {  	v19 =	vmul.f32 v19, v44;
	v17 =	vadd.f32 $1.000000000e+00, v17;
	v53 =	vmul.f32 $1.111111120e-01, v41  }
0x330: {  	v60 =	vld [tilespmem:$0x1F7D0];
	v8 =	vsub.f32 $0.0e+00, v4  }
0x331: {  	v57 =	vld [tilespmem:$0x1F7C0];
	v55 =	vadd.f32 $3.333333430e-01, v19;
	v17 =	vmul.f32 v17, v20;
	v4 =	vadd.f32 $1.428571490e-01, v53  }
0x332: {  	v39 =	vadd.f32 v39, v39;
	v56 =	vand.u32 $0x7FFFFFFF, v8  }
0x333: {  	v49 =	vld [tilespmem:$0x1F800];
	v2 =	vmin.f32 v2, $0.0e+00;
	v20 =	vmul.f32 v55, v44;
	v4 =	vmul.f32 v4, v41  }
0x334: {  	v62 =	vsub.f32 $0.0e+00, v56;
	v19 =	vpop (erf);
	v2 =	vsub.f32 v2, v17  }
0x335: {  	v30 =	vld.idx.msk [tilespmem:v30+s14+$0x0], $0xffff;
	v20 =	vadd.f32 $1.000000000e+00, v20;
	v17 =	vpop (erf);
	v4 =	vadd.f32 $2.000000030e-01, v4  }
0x336: {  	v40 =	vmul.f32 v60, v57;
	v42 =	vmul.f32 $1.442695020e+00, v62;
	v28 =	vadd.f32 $2.000000000e+00, v17  }
0x337: {  	v2 =	vadd.f32 v2, v0;
	v0 =	vmul.f32 v20, v39;
	v4 =	vmul.f32 v4, v41  }
0x338: {  	v48 =	vld [tilespmem:$0x1F7F0];
	v45 =	vmul.f32 v40, v40;
	v20 =	vmin.f32 v49, $0.0e+00;
	(erf) = vrcp.f32 v28  }
0x339: {  	v56 =	vld [tilespmem:$0x1F820];
	(erf) = vpow2.f32 v42;
	v42 =	vsub.f32 v20, v0;
	v0 =	vadd.f32 $3.333333430e-01, v4  }
0x33a: {  	v47 =	vld [tilespmem:$0x1F7E0];
	v46 =	vmul.f32 $1.111111120e-01, v45;
	v30 =	vmul.f32 v30, v13  }
0x33b: {  	v41 =	vmul.f32 v0, v41;
	v0 =	vld [tilespmem:$0x1F810]  }
0x33c: {  	v37 =	vadd.f32 v30, v37;
	v30 =	vadd.f32 $1.428571490e-01, v46;
	_ =	sdelay $0x1  }
0x33d: {  	v55 =	vmul.f32 v30, v45  }
0x33e: {  	v53 =	vld [tilespmem:$0x1FAD0];
	v39 =	vmul.f32 v48, v47  }
0x33f: {  	v20 =	vadd.f32 $2.000000030e-01, v55;
	v44 =	vmul.f32 v56, v0;
	v0 =	vld [tilespmem:$0x1FAE0]  }
0x340: {  	v30 =	vmul.f32 v39, v39;
	_ =	sdelay $0x1  }
0x341: {  	v60 =	vld [tilespmem:$0x1FAF0];
	v57 =	vmul.f32 $1.111111120e-01, v30  }
0x342: {  	v4 =	vor.u32 s7, v53;
	v62 =	vmul.f32 v20, v45;
	v20 =	vpop (erf)  }
0x343: {  	v28 =	vadd.f32 $1.428571490e-01, v57;
	v46 =	vor.u32 s7, v0;
	v0 =	vsub.f32 $0.0e+00, v18;
	v18 =	vpop (erf)  }
0x344: {  	v49 =	vadd.f32 $3.333333430e-01, v62;
	v62 =	vadd.f32 $2.000000000e+00, v18  }
0x345: {  	v38 =	vadd.f32 v38, v38;
	v48 =	vmul.f32 v44, v44  }
0x346: {  	v47 =	vor.u32 s7, v60;
	v53 =	vmul.f32 v28, v30;
	(erf) = vrcp.f32 v62;
	v62 =	vld [tilespmem:$0x1F830]  }
0x347: {  	v41 =	vadd.f32 $1.000000000e+00, v41;
	v60 =	vmul.f32 $1.111111120e-01, v48;
	v57 =	vand.u32 $0x7FFFFFFF, v0  }
0x348: {  	v4 =	vld.idx.msk [tilespmem:v4+s14+$0x0], $0xffff;
	v55 =	vsub.f32 $0.0e+00, v57;
	v57 =	vadd.f32 $2.000000030e-01, v53  }
0x349: {  	v28 =	vadd.f32 $1.428571490e-01, v60  }
0x34a: {  	v2 =	vadd.f32 v42, v2;
	v38 =	vmul.f32 v41, v38;
	v60 =	vmul.f32 v57, v30  }
0x34b: {  	v56 =	vld [tilespmem:$0x1F840];
	v45 =	vmul.f32 v49, v45;
	v41 =	vmul.f32 v28, v48;
	v28 =	vmin.f32 v62, $0.0e+00  }
0x34c: {  	v55 =	vmul.f32 $1.442695020e+00, v55;
	v42 =	vld.idx.msk [tilespmem:v46+s14+$0x0], $0xffff;
	v46 =	vadd.f32 $3.333333430e-01, v60;
	v49 =	vsub.f32 v28, v38  }
0x34d: {  	v4 =	vmul.f32 v4, v13;
	v41 =	vadd.f32 $2.000000030e-01, v41  }
0x34e: {  	(erf) = vpow2.f32 v55;
	v55 =	vadd.f32 v49, v2;
	v2 =	vmul.f32 v46, v30  }
0x34f: {  	v40 =	vadd.f32 v40, v40;
	v47 =	vld.idx.msk [tilespmem:v47+s14+$0x0], $0xffff;
	v45 =	vadd.f32 $1.000000000e+00, v45;
	v53 =	vmul.f32 v41, v48  }
0x350: {  	v38 =	vadd.f32 v4, v61;
	v61 =	vadd.f32 $1.000000000e+00, v2;
	v2 =	vld [tilespmem:$0x1F850]  }
0x351: {  	v57 =	vmin.f32 v56, $0.0e+00;
	v56 =	vld [tilespmem:$0x1F870];
	v60 =	vadd.f32 $3.333333430e-01, v53  }
0x352: {  	v45 =	vmul.f32 v45, v40  }
0x353: {  	v53 =	vld [tilespmem:$0x1F860];
	v30 =	vmul.f32 v60, v48  }
0x354: {  	v33 =	vmul.f32 v27, v33;
	v39 =	vadd.f32 v39, v39;
	v4 =	vsub.f32 v57, v45  }
0x355: {  	v42 =	vmul.f32 v42, v13;
	v45 =	vmul.f32 v2, v29;
	v2 =	vsub.f32 $0.0e+00, v34  }
0x356: {  	v62 =	vadd.f32 v44, v44;
	v13 =	vmul.f32 v47, v13;
	v47 =	vmul.f32 v56, v31  }
0x357: {  	v4 =	vadd.f32 v4, v55;
	v48 =	vadd.f32 $1.000000000e+00, v30;
	v30 =	vpop (erf);
	v49 =	vand.u32 $0x7FFFFFFF, v2  }
0x358: {  	v55 =	vmin.f32 v53, $0.0e+00;
	v53 =	vld [tilespmem:$0x1F890];
	v34 =	vmul.f32 v61, v39;
	v29 =	vpop (erf);
	v57 =	vsub.f32 $0.0e+00, v49  }
0x359: {  	v39 =	vmul.f32 v48, v62;
	v61 =	vadd.f32 $2.000000000e+00, v29;
	v41 =	vmul.f32 v45, v45;
	v49 =	vld [tilespmem:$0x1F880]  }
0x35a: {  	v35 =	vmin.f32 v35, $0.0e+00;
	v48 =	vmul.f32 v47, v47;
	v62 =	vmul.f32 $1.442695020e+00, v57;
	v57 =	vld [tilespmem:$0x1F8A0]  }
0x35b: {  	v24 =	vmin.f32 v24, $0.0e+00;
	(erf) = vrcp.f32 v61;
	v60 =	vmul.f32 $1.111111120e-01, v41  }
0x35c: {  	v34 =	vsub.f32 v55, v34;
	v55 =	vmul.f32 $1.111111120e-01, v48;
	(erf) = vpow2.f32 v62  }
0x35d: {  	v25 =	vmul.f32 v54, v25;
	v31 =	vadd.f32 v42, v52;
	v40 =	vadd.f32 $1.428571490e-01, v60  }
0x35e: {  	v46 =	vmul.f32 v14, v21;
	v4 =	vadd.f32 v34, v4;
	v42 =	vadd.f32 $1.428571490e-01, v55  }
0x35f: {  	v49 =	vmul.f32 v53, v49;
	v56 =	vmul.f32 v40, v41;
	v60 =	vmin.f32 v57, $0.0e+00  }
0x360: {  	v52 =	vmul.f32 v42, v48;
	v42 =	vmul.f32 v46, v46;
	v61 =	vsub.f32 v60, v39  }
0x361: {  	v14 =	vadd.f32 v13, v43;
	v44 =	vmul.f32 v49, v49;
	v28 =	vadd.f32 $2.000000030e-01, v56  }
0x362: {  	v56 =	vmul.f32 $1.111111120e-01, v42;
	v34 =	vadd.f32 v61, v4;
	v4 =	vsub.f32 $0.0e+00, v12  }
0x363: {  	v13 =	vadd.f32 $2.000000030e-01, v52;
	v52 =	vmul.f32 v25, v25;
	v62 =	vmul.f32 $1.111111120e-01, v44  }
0x364: {  	v39 =	vmul.f32 v50, v23;
	v40 =	vadd.f32 $1.428571490e-01, v56;
	v23 =	vpop (erf);
	v61 =	vand.u32 $0x7FFFFFFF, v4  }
0x365: {  	v13 =	vmul.f32 v13, v48;
	v53 =	vadd.f32 $1.428571490e-01, v62;
	v21 =	vpop (erf);
	v43 =	vsub.f32 $0.0e+00, v61  }
0x366: {  	v54 =	vmul.f32 $1.111111120e-01, v52;
	v40 =	vmul.f32 v40, v42;
	v62 =	vadd.f32 $2.000000000e+00, v21  }
0x367: {  	v22 =	vmin.f32 v22, $0.0e+00;
	v57 =	vmul.f32 v53, v44;
	v43 =	vmul.f32 $1.442695020e+00, v43  }
0x368: {  	v47 =	vadd.f32 v47, v47;
	v50 =	vmul.f32 v39, v39;
	(erf) = vrcp.f32 v62  }
0x369: {  	v40 =	vadd.f32 $2.000000030e-01, v40;
	v12 =	vadd.f32 $2.000000030e-01, v57;
	(erf) = vpow2.f32 v43  }
0x36a: {  	v55 =	vmul.f32 v28, v41;
	v13 =	vadd.f32 $3.333333430e-01, v13;
	v28 =	vmul.f32 $1.111111120e-01, v50  }
0x36b: {  	v45 =	vadd.f32 v45, v45;
	v40 =	vmul.f32 v40, v42;
	v12 =	vmul.f32 v12, v44  }
0x36c: {  	v60 =	vadd.f32 $3.333333430e-01, v55;
	v13 =	vmul.f32 v13, v48;
	v55 =	vadd.f32 $1.428571490e-01, v28  }
0x36d: {  	v56 =	vmin.f32 v63, $0.0e+00;
	v40 =	vadd.f32 $3.333333430e-01, v40;
	v12 =	vadd.f32 $3.333333430e-01, v12  }
0x36e: {  	v41 =	vmul.f32 v60, v41;
	v13 =	vadd.f32 $1.000000000e+00, v13;
	v43 =	vmul.f32 v55, v50  }
0x36f: {  	v40 =	vmul.f32 v40, v42;
	v44 =	vmul.f32 v12, v44;
	v12 =	vsub.f32 $0.0e+00, v15  }
0x370: {  	v60 =	vmin.f32 v32, $0.0e+00;
	v61 =	vadd.f32 v46, v46;
	v43 =	vadd.f32 $2.000000030e-01, v43  }
0x371: {  	v41 =	vadd.f32 $1.000000000e+00, v41;
	v40 =	vadd.f32 $1.000000000e+00, v40;
	v62 =	vand.u32 $0x7FFFFFFF, v12;
	v27 =	vpop (erf)  }
0x372: {  	v57 =	vmul.f32 v43, v50;
	v43 =	vmul.f32 v33, v33;
	v63 =	vsub.f32 $0.0e+00, v62;
	v15 =	vpop (erf)  }
0x373: {  	v13 =	vmul.f32 v13, v47;
	v32 =	vmul.f32 v40, v61;
	v48 =	vadd.f32 $2.000000000e+00, v15  }
0x374: {  	v1 =	vmin.f32 v1, $0.0e+00;
	v28 =	vmul.f32 $1.111111120e-01, v43;
	v40 =	vmul.f32 $1.442695020e+00, v63  }
0x375: {  	v25 =	vadd.f32 v25, v25;
	v41 =	vmul.f32 v41, v45;
	(erf) = vrcp.f32 v48  }
0x376: {  	v13 =	vsub.f32 v60, v13;
	v45 =	vadd.f32 $1.428571490e-01, v28;
	(erf) = vpow2.f32 v40  }
0x377: {  	v26 =	vmul.f32 v26, v51;
	v41 =	vsub.f32 v56, v41;
	v42 =	vadd.f32 $3.333333430e-01, v57  }
0x378: {  	v39 =	vadd.f32 v39, v39;
	v56 =	vadd.f32 $1.428571490e-01, v54;
	v53 =	vmul.f32 v45, v43  }
0x379: {  	v13 =	vadd.f32 v13, v41;
	v57 =	vmul.f32 v26, v26;
	v42 =	vmul.f32 v42, v50  }
0x37a: {  	v5 =	vmin.f32 v5, $0.0e+00;
	v32 =	vsub.f32 v35, v32;
	v35 =	vadd.f32 $2.000000030e-01, v53  }
0x37b: {  	v61 =	vmul.f32 v56, v52;
	v62 =	vmul.f32 $1.111111120e-01, v57;
	v42 =	vadd.f32 $1.000000000e+00, v42  }
0x37c: {  	v32 =	vadd.f32 v32, v13;
	v13 =	vsub.f32 $0.0e+00, v37;
	v35 =	vmul.f32 v35, v43  }
0x37d: {  	v45 =	vmul.f32 v11, v3;
	v37 =	vadd.f32 $1.428571490e-01, v62;
	v55 =	vmul.f32 v42, v39  }
0x37e: {  	v39 =	vadd.f32 $2.000000030e-01, v61;
	v3 =	vand.u32 $0x7FFFFFFF, v13;
	v35 =	vadd.f32 $3.333333430e-01, v35;
	v11 =	vpop (erf)  }
0x37f: {  	v37 =	vmul.f32 v37, v57;
	v3 =	vsub.f32 $0.0e+00, v3;
	v60 =	vsub.f32 v24, v55;
	v24 =	vpop (erf)  }
0x380: {  	v35 =	vmul.f32 v35, v43;
	v43 =	vmul.f32 v45, v45;
	v63 =	vadd.f32 $2.000000000e+00, v24  }
0x381: {  	v33 =	vadd.f32 v33, v33;
	v39 =	vmul.f32 v39, v52;
	v3 =	vmul.f32 $1.442695020e+00, v3  }
0x382: {  	v44 =	vadd.f32 $1.000000000e+00, v44;
	v28 =	vmul.f32 $1.111111120e-01, v43;
	(erf) = vrcp.f32 v63  }
0x383: {  	v26 =	vadd.f32 v26, v26;
	(erf) = vpow2.f32 v3;
	v3 =	vadd.f32 $2.000000030e-01, v37  }
0x384: {  	v51 =	vmin.f32 v58, $0.0e+00;
	v39 =	vadd.f32 $3.333333430e-01, v39;
	v47 =	vadd.f32 $1.428571490e-01, v28  }
0x385: {  	v50 =	vadd.f32 v49, v49;
	v37 =	vmul.f32 v9, v7;
	v3 =	vmul.f32 v3, v57  }
0x386: {  	v40 =	vmul.f32 v39, v52;
	v35 =	vadd.f32 $1.000000000e+00, v35;
	v49 =	vmul.f32 v47, v43  }
0x387: {  	v41 =	vmul.f32 v44, v50;
	v54 =	vmul.f32 v37, v37;
	v3 =	vadd.f32 $3.333333430e-01, v3  }
0x388: {  	v48 =	vadd.f32 $1.000000000e+00, v40;
	v33 =	vmul.f32 v35, v33;
	v52 =	vadd.f32 $2.000000030e-01, v49  }
0x389: {  	v56 =	vmul.f32 $1.111111120e-01, v54;
	v53 =	vmul.f32 v3, v57;
	v3 =	vsub.f32 $0.0e+00, v38  }
0x38a: {  	v32 =	vadd.f32 v60, v32;
	v50 =	vmul.f32 v48, v25;
	v55 =	vmul.f32 v52, v43  }
0x38b: {  	v61 =	vadd.f32 $1.428571490e-01, v56;
	v25 =	vadd.f32 $1.000000000e+00, v53;
	v35 =	vpop (erf);
	v38 =	vand.u32 $0x7FFFFFFF, v3  }
0x38c: {  	v6 =	vmin.f32 v6, $0.0e+00;
	v60 =	vadd.f32 $3.333333430e-01, v55;
	v9 =	vpop (erf);
	v38 =	vsub.f32 $0.0e+00, v38  }
0x38d: {  	v25 =	vmul.f32 v25, v26;
	v62 =	vadd.f32 $2.000000000e+00, v9;
	v26 =	vmul.f32 v61, v54  }
0x38e: {  	v16 =	vmin.f32 v16, $0.0e+00;
	v19 =	vmul.f32 v19, v10;
	v38 =	vmul.f32 $1.442695020e+00, v38  }
0x38f: {  	v39 =	vmul.f32 v60, v43;
	(erf) = vrcp.f32 v62;
	v43 =	vadd.f32 $2.000000030e-01, v26  }
0x390: {  	v8 =	vmin.f32 v8, $0.0e+00;
	v17 =	vmul.f32 v20, v17;
	(erf) = vpow2.f32 v38  }
0x391: {  	v0 =	vmin.f32 v0, $0.0e+00;
	v18 =	vmul.f32 v30, v18;
	v10 =	vmul.f32 v43, v54  }
0x392: {  	v2 =	vmin.f32 v2, $0.0e+00;
	v46 =	vadd.f32 v45, v45;
	v47 =	vadd.f32 $1.000000000e+00, v39  }
0x393: {  	v23 =	vmul.f32 v23, v29;
	v4 =	vmin.f32 v4, $0.0e+00;
	v10 =	vadd.f32 $3.333333430e-01, v10  }
0x394: {  	v58 =	vld [tilespmem:$0x1F8C0];
	v12 =	vmin.f32 v12, $0.0e+00;
	v44 =	vmul.f32 v19, v19;
	v20 =	vmul.f32 v47, v46  }
0x395: {  	v19 =	vadd.f32 v19, v19;
	v22 =	vsub.f32 v22, v33;
	v57 =	vld [tilespmem:$0x1F8B0];
	v10 =	vmul.f32 v10, v54  }
0x396: {  	v21 =	vmul.f32 v27, v21;
	v20 =	vsub.f32 v1, v20;
	v1 =	vsub.f32 $0.0e+00, v31  }
0x397: {  	v42 =	vmin.f32 v36, $0.0e+00;
	v13 =	vmin.f32 v13, $0.0e+00;
	v48 =	vmul.f32 $1.111111120e-01, v44  }
0x398: {  	v63 =	vld [tilespmem:$0x1F8D0];
	v32 =	vadd.f32 v22, v32;
	v7 =	vsub.f32 v51, v50;
	v56 =	vand.u32 $0x7FFFFFFF, v1;
	v30 =	vpop (erf)  }
0x399: {  	v11 =	vmul.f32 v11, v15;
	v36 =	vsub.f32 $0.0e+00, v56;
	v55 =	vadd.f32 $1.000000000e+00, v10;
	v10 =	vpop (erf)  }
0x39a: {  	v49 =	vmul.f32 v17, v17;
	v22 =	vmul.f32 v58, v57;
	v58 =	vadd.f32 $2.000000000e+00, v10  }
0x39b: {  	v50 =	vadd.f32 $1.428571490e-01, v48;
	v32 =	vadd.f32 v7, v32;
	v36 =	vmul.f32 $1.442695020e+00, v36  }
0x39c: {  	v51 =	vmul.f32 $1.111111120e-01, v49;
	v52 =	vadd.f32 v37, v37;
	(erf) = vrcp.f32 v58  }
0x39d: {  	v40 =	vmin.f32 v63, $0.0e+00;
	v25 =	vsub.f32 v42, v25;
	(erf) = vpow2.f32 v36  }
0x39e: {  	v40 =	vsub.f32 v40, v41;
	v53 =	vmul.f32 v50, v44;
	v54 =	vadd.f32 $1.428571490e-01, v51  }
0x39f: {  	v17 =	vadd.f32 v17, v17;
	v25 =	vadd.f32 v25, v32;
	v28 =	vmul.f32 v55, v52  }
0x3a0: {  	v7 =	vadd.f32 v40, v34;
	v31 =	vadd.f32 $2.000000030e-01, v53;
	v32 =	vmul.f32 v54, v49  }
0x3a1: {  	v57 =	vmul.f32 v18, v18;
	v20 =	vadd.f32 v20, v25;
	v5 =	vsub.f32 v5, v28  }
0x3a2: {  	v50 =	vadd.f32 v23, v23;
	v31 =	vmul.f32 v31, v44;
	v32 =	vadd.f32 $2.000000030e-01, v32  }
0x3a3: {  	v60 =	vmul.f32 $1.111111120e-01, v57;
	v20 =	vadd.f32 v5, v20;
	v5 =	vsub.f32 $0.0e+00, v14  }
0x3a4: {  	v18 =	vadd.f32 v18, v18;
	v31 =	vadd.f32 $3.333333430e-01, v31;
	v32 =	vmul.f32 v32, v49  }
0x3a5: {  	v33 =	vmul.f32 v22, v22;
	v25 =	vadd.f32 $1.428571490e-01, v60;
	v42 =	vand.u32 $0x7FFFFFFF, v5;
	v41 =	vpop (erf)  }
0x3a6: {  	v26 =	vmul.f32 v31, v44;
	v62 =	vadd.f32 $3.333333430e-01, v32;
	v31 =	vsub.f32 $0.0e+00, v42;
	v27 =	vpop (erf)  }
0x3a7: {  	v22 =	vadd.f32 v22, v22;
	v25 =	vmul.f32 v25, v57;
	v43 =	vadd.f32 $2.000000000e+00, v27  }
0x3a8: {  	v26 =	vadd.f32 $1.000000000e+00, v26;
	v32 =	vmul.f32 v62, v49;
	v31 =	vmul.f32 $1.442695020e+00, v31  }
0x3a9: {  	v61 =	vmul.f32 $1.111111120e-01, v33;
	v25 =	vadd.f32 $2.000000030e-01, v25;
	(erf) = vrcp.f32 v43  }
0x3aa: {  	v19 =	vmul.f32 v26, v19;
	v37 =	vadd.f32 $1.000000000e+00, v32;
	(erf) = vpow2.f32 v31  }
0x3ab: {  	v63 =	vadd.f32 $1.428571490e-01, v61;
	v44 =	vmul.f32 v21, v21;
	v25 =	vmul.f32 v25, v57  }
0x3ac: {  	v21 =	vadd.f32 v21, v21;
	v6 =	vsub.f32 v6, v19;
	v17 =	vmul.f32 v37, v17  }
0x3ad: {  	v29 =	vmul.f32 v63, v33;
	v25 =	vadd.f32 $3.333333430e-01, v25;
	v36 =	vmul.f32 v23, v23  }
0x3ae: {  	v51 =	vmul.f32 v35, v24;
	v6 =	vadd.f32 v6, v20;
	v16 =	vsub.f32 v16, v17  }
0x3af: {  	v39 =	vadd.f32 $2.000000030e-01, v29;
	v25 =	vmul.f32 v25, v57;
	v38 =	vmul.f32 $1.111111120e-01, v36  }
0x3b0: {  	v45 =	vmul.f32 $1.111111120e-01, v44;
	v16 =	vadd.f32 v16, v6;
	v6 =	vsub.f32 $0.0e+00, v59  }
0x3b1: {  	v52 =	vmul.f32 v11, v11;
	v25 =	vadd.f32 $1.000000000e+00, v25;
	v40 =	vadd.f32 $1.428571490e-01, v38  }
0x3b2: {  	v55 =	vmul.f32 v51, v51;
	v20 =	vadd.f32 $1.428571490e-01, v45;
	v54 =	vand.u32 $0x7FFFFFFF, v6;
	v53 =	vpop (erf)  }
0x3b3: {  	v46 =	vmul.f32 v25, v18;
	v26 =	vmul.f32 v40, v36;
	v25 =	vsub.f32 $0.0e+00, v54;
	v56 =	vpop (erf)  }
0x3b4: {  	v14 =	vmul.f32 v39, v33;
	v57 =	vmul.f32 $1.111111120e-01, v52;
	v58 =	vadd.f32 $2.000000000e+00, v56  }
0x3b5: {  	v20 =	vmul.f32 v20, v44;
	v26 =	vadd.f32 $2.000000030e-01, v26;
	v25 =	vmul.f32 $1.442695020e+00, v25  }
0x3b6: {  	v14 =	vadd.f32 $3.333333430e-01, v14;
	v62 =	vmul.f32 v30, v9;
	(erf) = vrcp.f32 v58  }
0x3b7: {  	v49 =	vadd.f32 $2.000000030e-01, v20;
	v26 =	vmul.f32 v26, v36;
	(erf) = vpow2.f32 v25  }
0x3b8: {  	v11 =	vadd.f32 v11, v11;
	v28 =	vld [tilespmem:$0x1F8F0];
	v60 =	vadd.f32 $1.428571490e-01, v57;
	v14 =	vmul.f32 v14, v33  }
0x3b9: {  	v30 =	vld [tilespmem:$0x1F900];
	v33 =	vmul.f32 v62, v62;
	v18 =	vmul.f32 v49, v44;
	v47 =	vadd.f32 $3.333333430e-01, v26  }
0x3ba: {  	v38 =	vadd.f32 v51, v51;
	v8 =	vsub.f32 v8, v46;
	v59 =	vmul.f32 $1.111111120e-01, v55  }
0x3bb: {  	v14 =	vadd.f32 $1.000000000e+00, v14;
	v18 =	vadd.f32 $3.333333430e-01, v18;
	v48 =	vmul.f32 v47, v36  }
0x3bc: {  	v19 =	vmul.f32 v60, v52;
	v8 =	vadd.f32 v8, v16;
	v16 =	vadd.f32 $1.428571490e-01, v59  }
0x3bd: {  	v35 =	vmul.f32 $1.111111120e-01, v33;
	v18 =	vmul.f32 v18, v44;
	v17 =	vadd.f32 $1.000000000e+00, v48  }
0x3be: {  	v61 =	vadd.f32 $2.000000030e-01, v19;
	v19 =	vmul.f32 v30, v28;
	v16 =	vmul.f32 v16, v55  }
0x3bf: {  	v14 =	vmul.f32 v14, v22;
	v18 =	vadd.f32 $1.000000000e+00, v18;
	v15 =	vmul.f32 v17, v50;
	v31 =	vpop (erf)  }
0x3c0: {  	v63 =	vmul.f32 v61, v52;
	v10 =	vmul.f32 v41, v10;
	v16 =	vadd.f32 $2.000000030e-01, v16;
	v34 =	vpop (erf)  }
0x3c1: {  	v18 =	vmul.f32 v18, v21;
	v0 =	vsub.f32 v0, v15;
	v25 =	vld [tilespmem:$0x1F8E0];
	v36 =	vadd.f32 $2.000000000e+00, v34  }
0x3c2: {  	v9 =	vadd.f32 $3.333333430e-01, v63;
	v39 =	vmul.f32 v10, v10;
	v16 =	vmul.f32 v16, v55  }
0x3c3: {  	v2 =	vsub.f32 v2, v18;
	v0 =	vadd.f32 v0, v8;
	(erf) = vrcp.f32 v36  }
0x3c4: {  	v42 =	vmul.f32 $1.111111120e-01, v39;
	v21 =	vmul.f32 v19, v19;
	v17 =	vadd.f32 $1.428571490e-01, v35  }
0x3c5: {  	v32 =	vadd.f32 $3.333333430e-01, v16;
	v0 =	vadd.f32 v2, v0;
	v2 =	vmul.f32 v9, v52  }
0x3c6: {  	v17 =	vmul.f32 v17, v33;
	v43 =	vmul.f32 v53, v27;
	v15 =	vmin.f32 v25, $0.0e+00  }
0x3c7: {  	v2 =	vadd.f32 $1.000000000e+00, v2;
	v14 =	vsub.f32 v15, v14;
	v15 =	vmul.f32 v32, v55  }
0x3c8: {  	v37 =	vmul.f32 $1.111111120e-01, v21;
	v41 =	vadd.f32 $2.000000030e-01, v17;
	v17 =	vadd.f32 $1.428571490e-01, v42  }
0x3c9: {  	v44 =	vmul.f32 v43, v43;
	v2 =	vmul.f32 v2, v11;
	v15 =	vadd.f32 $1.000000000e+00, v15  }
0x3ca: {  	v10 =	vadd.f32 v10, v10;
	v17 =	vmul.f32 v17, v39;
	v18 =	vmul.f32 v31, v56  }
0x3cb: {  	v45 =	vmul.f32 $1.111111120e-01, v44;
	v2 =	vsub.f32 v4, v2;
	v11 =	vmul.f32 v15, v38  }
0x3cc: {  	v40 =	vadd.f32 $1.428571490e-01, v37;
	v15 =	vmul.f32 v41, v33;
	v46 =	vmul.f32 v18, v18;
	v47 =	vpop (erf)  }
0x3cd: {  	v0 =	vadd.f32 v2, v0;
	v11 =	vsub.f32 v12, v11;
	v9 =	vmul.f32 v47, v34  }
0x3ce: {  	v48 =	vadd.f32 $2.000000030e-01, v17;
	v15 =	vadd.f32 $3.333333430e-01, v15;
	v49 =	vmul.f32 $1.111111120e-01, v46  }
0x3cf: {  	v0 =	vadd.f32 v11, v0;
	v11 =	vadd.f32 $1.428571490e-01, v45;
	v23 =	vmul.f32 v9, v9  }
0x3d0: {  	v8 =	vadd.f32 v62, v62;
	v16 =	vmul.f32 v48, v39;
	v15 =	vmul.f32 v15, v33  }
0x3d1: {  	v17 =	vadd.f32 $1.428571490e-01, v49;
	v11 =	vmul.f32 v11, v44;
	v51 =	vmul.f32 $1.111111120e-01, v23  }
0x3d2: {  	v50 =	vadd.f32 $3.333333430e-01, v16;
	v2 =	vmul.f32 v40, v21;
	v15 =	vadd.f32 $1.000000000e+00, v15  }
0x3d3: {  	v17 =	vmul.f32 v17, v46;
	v11 =	vadd.f32 $2.000000030e-01, v11;
	v53 =	vadd.f32 $1.428571490e-01, v51  }
0x3d4: {  	v52 =	vmul.f32 v50, v39;
	v2 =	vadd.f32 $2.000000030e-01, v2;
	v8 =	vmul.f32 v15, v8  }
0x3d5: {  	v54 =	vadd.f32 $2.000000030e-01, v17;
	v11 =	vmul.f32 v11, v44;
	v15 =	vmul.f32 v53, v23  }
0x3d6: {  	v8 =	vsub.f32 v13, v8;
	v13 =	vadd.f32 $1.000000000e+00, v52  }
0x3d7: {  	v16 =	vmul.f32 v54, v46;
	v11 =	vadd.f32 $3.333333430e-01, v11;
	v56 =	vadd.f32 $2.000000030e-01, v15  }
0x3d8: {  	v4 =	vadd.f32 v43, v43;
	v2 =	vmul.f32 v2, v21;
	v55 =	vmul.f32 v13, v10  }
0x3d9: {  	v57 =	vadd.f32 $3.333333430e-01, v16;
	v11 =	vmul.f32 v11, v44;
	v10 =	vmul.f32 v56, v23  }
0x3da: {  	v3 =	vmin.f32 v3, $0.0e+00;
	v59 =	vadd.f32 v18, v18;
	v2 =	vadd.f32 $3.333333430e-01, v2  }
0x3db: {  	s6 =	sadd.s32 $0x3, s6;
	v12 =	vmul.f32 v57, v46;
	v11 =	vadd.f32 $1.000000000e+00, v11;
	v10 =	vadd.f32 $3.333333430e-01, v10  }
0x3dc: {  	s9 =	sshll.u32 s6, $0x4;
	v1 =	vmin.f32 v1, $0.0e+00;
	v0 =	vadd.f32 v8, v0;
	v3 =	vsub.f32 v3, v55  }
0x3dd: {  	s6 =	smul.u32 $0x500, s6;
	s8 =	sor.u32 $0x2C00, s9;
	v12 =	vadd.f32 $1.000000000e+00, v12;
	v4 =	vmul.f32 v11, v4;
	v60 =	vmul.f32 v10, v23  }
0x3de: {  	[tilespmem:s31], [sflag:$0x2] =	stream.indirect.gather [hbm4b:s3+s18], $0x80, s8, s18, $0xb8;
	v61 =	vld [tilespmem:$0x1F910];
	v2 =	vmul.f32 v2, v21;
	v9 =	vadd.f32 v9, v9;
	v0 =	vadd.f32 v3, v0  }
0x3df: {  	s6 =	sshrl.u32 s6, $0x2;
	s7 =	sadd.s32 $0x2E00, s9;
	v3 =	vmul.f32 v12, v59;
	v1 =	vsub.f32 v1, v4;
	v8 =	vadd.f32 $1.000000000e+00, v60  }
0x3e0: {  	[tilespmem:s1], [sflag:$0x2] =	stream.indirect.gather [hbm4b:s4+s18], $0x80, s7, s18, $0xb8;
	v62 =	vmin.f32 v5, $0.0e+00;
	v58 =	vadd.f32 v19, v19;
	v2 =	vadd.f32 $1.000000000e+00, v2;
	[tilespmem:$0x1B880] =	vst v63  }
0x3e1: {  	s8 =	sadd.s32 $0x3000, s6;
	v0 =	vadd.f32 v1, v0;
	v1 =	vsub.f32 v62, v3;
	v3 =	vmul.f32 v8, v9  }
0x3e2: {  	[tilespmem:s14], [sflag:$0x2] =	stream.indirect.gather [hbm4b:s4+s19], $0x80, s8, s19, $0xb8;
	v63 =	vmin.f32 v6, $0.0e+00;
	v2 =	vmul.f32 v2, v58;
	[tilespmem:$0x1B880] =	vst v63  }
0x3e3: {  	s5 =	sadd.s32 $0x1, s5;
	s9 =	sadd.s32 $0x3040, s6;
	v4 =	vmin.f32 v61, $0.0e+00;
	v0 =	vadd.f32 v1, v0;
	v1 =	vsub.f32 v63, v3;
	v3 =	vld [tilespmem:$0x1FB40]  }
0x3e4: {  	[tilespmem:s21], [sflag:$0x2] =	stream.indirect.gather [hbm4b:s4+s19], $0x80, s9, s19, $0xb8;
	v7 =	vadd.f32 v14, v7;
	v2 =	vsub.f32 v4, v2;
	[tilespmem:$0x1B880] =	vst v63  }
0x3e5: {  	p0 =	sne.s32 s5, $0x10;
	s8 =	sadd.s32 $0x3080, s6  }
0x3e6: {  	[tilespmem:s25], [sflag:$0x2] =	stream.indirect.gather [hbm4b:s4+s19], $0x80, s8, s19, $0xb8;
	v2 =	vadd.f32 v2, v7;
	[tilespmem:$0x1B880] =	vst v63  }
.Ltmp4:
0x3e7: {  	_ = 	snop;
	(pc) =	sbr.rel @p0 .LBB2_6-.Ltmp4, $4  }
0x3e8: {  	s9 =	sadd.s32 $0x30C0, s6;
	v0 =	vadd.f32 v1, v0;
	v2 =	vadd.f32 v2, v3  }
0x3e9: {  	[tilespmem:s30], [sflag:$0x2] =	stream.indirect.gather [hbm4b:s4+s19], $0x80, s9, s19, $0xb8;
	[tilespmem:$0x1B880] =	vst v63  }
0x3ea: {  	s6 =	sadd.s32 $0x3100, s6;
	v0 =	vadd.f32 v0, v2  }
0x3eb: {  	[tilespmem:s12], [sflag:$0x2] =	stream.indirect.gather [hbm4b:s4+s19], $0x80, s6, s19, $0xb8;
	[tilespmem:$0x1B880] =	vst v63  }
0x3ec: {  	_ =	swait.ge [sflag:s16], $0x800  }
0x3ed: {  	[sflag:s16] =	ssyncset.done $0x0  }
0x3ee: {  	[sflag:s16] =	ssyncadd.s32 $0xFFFFF800  }
0x3ef: {  	_ =	swait.ge [sflag:s16], $0x800  }
0x3f0: {  	[sflag:s16] =	ssyncset.done $0x0  }
0x3f1: {  	[sflag:s16] =	ssyncadd.s32 $0xFFFFF800  }
0x3f2: {  	_ =	swait.ge [sflag:s16], $0xA000  }
0x3f3: {  	[sflag:s16] =	ssyncset.done $0x0  }
0x3f4: {  	[sflag:s16] =	ssyncadd.s32 $0xFFFF6000  }
0x3f5: {  	_ =	swait.ge [sflag:s23], $0x800  }
0x3f6: {  	[sflag:s23] =	ssyncset.done $0x0  }
0x3f7: {  	[sflag:s23] =	ssyncadd.s32 $0xFFFFF800  }
0x3f8: {  	_ =	swait.ge [sflag:s23], $0x800  }
0x3f9: {  	[sflag:s23] =	ssyncset.done $0x0  }
0x3fa: {  	[sflag:s23] =	ssyncadd.s32 $0xFFFFF800  }
0x3fb: {  	_ =	swait.ge [sflag:s23], $0xA000  }
0x3fc: {  	[sflag:s23] =	ssyncset.done $0x0  }
0x3fd: {  	[sflag:s23] =	ssyncadd.s32 $0xFFFF6000  }
0x3fe: {  	s6 =	simm.s32 $0x1B800;
	s5 =	rddreg [dreg:$0x7];
	[tilespmem:$0x1B800] =	vst v0  }
0x3ff: {  	[hbm4b:s5+s2] =	stream.linear.scatter [tilespmem:s6], [sflag:$0x3], $0x10, $0x38;
	[tilespmem:$0x1B880] =	vst v63  }
0x400: {  	_ =	swait.ge [sflag:s17], $0x10  }
0x401: {  	s0 =	sadd.s32 $0x1, s0;
	s9 =	rddreg [dreg:$0x8]  }
0x402: {  	p0 =	sne.s32 s0, s9  }
.Ltmp5:
0x403: {  	_ = 	snop;
	(pc) =	sbr.rel @p0 .LBB2_1-.Ltmp5, $3  }
0x404: {  	_ =	sdelay $0x1  }
0x405: {  	[sflag:s17] =	ssyncset.done $0x0  }
0x406: {  	[sflag:s17] =	ssyncadd.s32 $0xFFFFFFF0  }
0x407: {  	_ =	sfence.sel $0x180000  }
0x408: {  	[bflag:$0x0] =	sbarrier.arrive $0xFFFF  }
0x409: {  	_ =	strace $0x90000047  }
0x40a: {  	s0 =	stileid.u32;
	[bflag:$0x2] =	sbarrier.arrive $0xFFFF  }
0x40b: {  	p0 =	sne.s32 s0, $0x0;
	s0 =	rddreg [dreg:$0x3]  }
0x40c: {  	s0 =	sadd.s32 @!p0 $0x100000, s0  }
0x40d: {  	[sflag:s0] =	ssyncadd.tile.s32 @!p0 $0x1;
	_ =	shalt  }
.Lfunc_end2:
_tile_overlayer_lowered:
.L_overlay_start_2:
0x40e: {  	(tag) =	ssettag $0x2  }
0x40f: {  	s0 =	rddreg [dreg:$0x0];
	s2 =	stileid.u32  }
0x410: {  	s1 =	rddreg [dreg:$0x1];
	p0 =	sne.s32 s2, $0x0  }
0x411: {  	s3 =	rddreg [dreg:$0x2];
	[bflag:$0x3] =	sbarrier.arrive $0xFFFF;
	s2 =	simm.s32 @!p0 $0x1C03  }
0x412: {  	[timem:s3], [sflag:s2] =	dma.local @!p0 [hbm:s0], s1  }
0x413: {  	s0 =	simm.s32 @!p0 $0x3  }
0x414: {  	_ =	swait.ge @!p0 [sflag:s0], s1  }
0x415: {  	s1 =	ssub.s32 @!p0 $0x0, s1;
	[sflag:s0] =	ssyncset.done @!p0 $0x0  }
0x416: {  	[sflag:s0] =	ssyncadd.s32 @!p0 s1  }
0x417: {  	[bflag:$0x3] =	sbarrier.arrive $0xFFFF  }
0x418: {  	_ =	shalt  }

</sc_bundles>
